<compile_context>
chip_gen: v7x
topology: tpu7x:2x2x1
jax: 0.10.2.dev20260603
libtpu: 0.0.44.dev20260713+nightly
codegen_flags: <defaults>
</compile_context>

<pallas_src>
import functools

import jax
import jax.numpy as jnp
from jax import lax
from jax.experimental import pallas as pl
from jax.experimental.pallas import tpu as pltpu
from jax.experimental.pallas import tpu_sc as plsc

D_MODEL = 2048
B_TOTAL = 8192
NUM_CORES = 2
NUM_SUBCORES = 16
NW = NUM_CORES * NUM_SUBCORES
B_PER_W = B_TOTAL // NW
CHUNK = 8
NCHUNK = B_PER_W // CHUNK
NBUF = 6
AHEAD = NBUF - 1

_mesh = plsc.VectorSubcoreMesh(core_axis_name="c", subcore_axis_name="s")


@functools.partial(
    pl.kernel,
    mesh=_mesh,
    out_type=jax.ShapeDtypeStruct((B_TOTAL, D_MODEL), jnp.float32),
    scratch_types=[
        pltpu.VMEM((NCHUNK, CHUNK), jnp.int32),
        pltpu.VMEM((NBUF, CHUNK, D_MODEL), jnp.float32),
        pltpu.SemaphoreType.DMA((NBUF,)),
        pltpu.SemaphoreType.DMA((NBUF,)),
    ],
)
def _embed_sc(ids_hbm, table_hbm, out_hbm, idx_v, bufs, gsem, wsem):
    wid = lax.axis_index("s") * NUM_CORES + lax.axis_index("c")
    base = wid * B_PER_W
    pltpu.sync_copy(ids_hbm.at[pl.ds(wid * NCHUNK, NCHUNK)], idx_v)

    def start_gather(c):
        return pltpu.async_copy(
            table_hbm.at[idx_v.at[c]],
            bufs.at[c % NBUF],
            gsem.at[c % NBUF],
        )

    def start_write(c):
        return pltpu.async_copy(
            bufs.at[c % NBUF],
            out_hbm.at[pl.ds(base + c * CHUNK, CHUNK)],
            wsem.at[c % NBUF],
        )

    gathers = [start_gather(c) for c in range(AHEAD)]
    writes = [None] * NCHUNK
    last_waited_write = -1
    for c in range(NCHUNK):
        gathers[c].wait()
        writes[c] = start_write(c)
        nxt = c + AHEAD
        if nxt < NCHUNK:
            if nxt - NBUF >= 0:
                writes[nxt - NBUF].wait()
                last_waited_write = nxt - NBUF
            gathers.append(start_gather(nxt))
    for c in range(last_waited_write + 1, NCHUNK):
        writes[c].wait()


def kernel(input_ids, wte):
    ids = input_ids.reshape(B_TOTAL // CHUNK, CHUNK)
    out = _embed_sc(ids, wte)
    return out.reshape(input_ids.shape + (wte.shape[1],))

# --- scband reference (transcript-rebuilt; emitter-appended) ---
"""Pipeline reference for scband-gptembeddings-42520176230554 (READ-ONLY COPY).

The authoritative reference and input builder live on the scoring server;
editing this copy changes nothing except your own understanding.
"""

import jax, jax.numpy as jnp
import numpy as np

VOCAB = 50257
D_MODEL = 2048
BATCH = 4
SEQ = 2048

def setup_inputs(seed: int = 0) -> dict:
    key = jax.random.key(seed)
    k_ids, k_wte = jax.random.split(key)
    input_ids = jax.random.randint(k_ids, (BATCH, SEQ), 0, VOCAB, dtype=jnp.int32)
    # learned embedding table per init_kwargs (vocab_size, hidden_size)
    wte = jax.random.normal(k_wte, (VOCAB, D_MODEL), dtype=jnp.float32) * 0.02
    return {"input_ids": input_ids, "wte": wte}

def reference(input_ids, wte):
    # GPTEmbeddings.forward: view(-1, last_dim), embedding gather, dropout (identity in eval)
    input_shape = input_ids.shape
    ids = input_ids.reshape(-1, input_shape[-1])
    hidden_states = jnp.take(wte, ids, axis=0)  # [B, S, D]
    # nn.Dropout in eval mode is identity
    return hidden_states

if __name__ == "__main__":
    import jax
    _d = setup_inputs()
    print(jax.jit(kernel)(*tuple(_d.values())))

</pallas_src>

<mosaic_0001>
#map = affine_map<(d0, d1) -> (0, 0)>
module attributes {stable_mosaic.version = 14 : i64} {
  func.func @_embed_sc(%arg0: i32, %arg1: i32, %arg2: memref<1024x8xi32, #tpu.memory_space<hbm>>, %arg3: memref<50257x2048xf32, #tpu.memory_space<hbm>>, %arg4: memref<8192x2048xf32, #tpu.memory_space<hbm>>, %arg5: memref<32x8xi32, #tpu.memory_space<vmem>>, %arg6: memref<6x8x2048xf32, #tpu.memory_space<vmem>>, %arg7: memref<6x!tpu.dma_semaphore, #tpu.memory_space<semaphore_mem>>, %arg8: memref<6x!tpu.dma_semaphore, #tpu.memory_space<semaphore_mem>>) attributes {dimension_semantics = [#tpu.dimension_semantics<core_parallel>, #tpu.dimension_semantics<subcore_parallel>], iteration_bounds = array<i64: 2, 16>, scalar_prefetch = 0 : i64, scratch_operands = 4 : i64, tpu.core_type = #tpu.core_type<sc_vector_subcore>, window_params = [{transform_indices = #map}, {transform_indices = #map}, {transform_indices = #map}]} {
    %mul3A = arith.constant 2 : i32
    %mul3A_0 = arith.muli %arg1, %mul3A : i32
    %add3A = arith.addi %mul3A_0, %arg0 : i32
    %mul3A_1 = arith.constant 256 : i32
    %mul3A_2 = arith.muli %add3A, %mul3A_1 : i32
    %mul3A_3 = arith.constant 32 : i32
    %mul3A_4 = arith.muli %add3A, %mul3A_3 : i32
    "tpu.region"() ({
      %run_scoped3A = tpu.sem_alloc : memref<!tpu.dma_semaphore, #tpu.memory_space<semaphore_mem>>
      %dma_start3A_2051 = arith.constant 0 : i32
      %dma_start3A_2052 = tpu.memref_slice %arg2[%mul3A_4, %dma_start3A_2051] : memref<1024x8xi32, #tpu.memory_space<hbm>> -> memref<32x8xi32, #tpu.memory_space<hbm>>
      %dma_start3A_2053 = arith.constant 0 : i32
      %dma_start3A_2054 = tpu.memref_slice %arg2[%mul3A_4, %dma_start3A_2053] : memref<1024x8xi32, #tpu.memory_space<hbm>> -> memref<32x8xi32, #tpu.memory_space<hbm>>
      tpu.enqueue_dma source(%dma_start3A_2054 : memref<32x8xi32, #tpu.memory_space<hbm>>) target(%arg5 : memref<32x8xi32, #tpu.memory_space<vmem>>) target_semaphore(%run_scoped3A : memref<!tpu.dma_semaphore, #tpu.memory_space<semaphore_mem>>)
      %dma_wait3A_2055 = arith.constant 0 : i32
      %dma_wait3A_2056 = tpu.memref_slice %arg2[%mul3A_4, %dma_wait3A_2055] : memref<1024x8xi32, #tpu.memory_space<hbm>> -> memref<32x8xi32, #tpu.memory_space<hbm>>
      %dma_wait3A_2057 = arith.constant 0 : i32
      %dma_wait3A_2058 = tpu.memref_slice %arg2[%mul3A_4, %dma_wait3A_2057] : memref<1024x8xi32, #tpu.memory_space<hbm>> -> memref<32x8xi32, #tpu.memory_space<hbm>>
      tpu.wait_dma2 semaphore(%run_scoped3A : memref<!tpu.dma_semaphore, #tpu.memory_space<semaphore_mem>>) src(%dma_wait3A_2058 : memref<32x8xi32, #tpu.memory_space<hbm>>) dst(%arg5 : memref<32x8xi32, #tpu.memory_space<vmem>>)
      tpu.yield
    }) : () -> ()
    %dma_start3A = arith.constant 0 : i32
    %dma_start3A_5 = arith.constant 0 : i32
    %dma_start3A_6 = arith.constant 0 : i32
    %dma_start3A_7 = arith.constant 0 : i32
    %dma_start3A_8 = arith.constant 0 : i32
    %dma_start3A_9 = tpu.memref_slice %arg6[%dma_start3A_5, %dma_start3A_7, %dma_start3A_8] : memref<6x8x2048xf32, #tpu.memory_space<vmem>> -> memref<1x8x2048xf32, #tpu.memory_space<vmem>>
    %dma_start3A_10 = tpu.memref_squeeze %dma_start3A_9 : memref<1x8x2048xf32, #tpu.memory_space<vmem>> -> memref<8x2048xf32, #tpu.memory_space<vmem>>
    %dma_start3A_11 = arith.constant 0 : i32
    %dma_start3A_12 = tpu.memref_slice %arg5[%dma_start3A, %dma_start3A_11] : memref<32x8xi32, #tpu.memory_space<vmem>> -> memref<1x8xi32, #tpu.memory_space<vmem>>
    %dma_start3A_13 = tpu.memref_squeeze %dma_start3A_12 : memref<1x8xi32, #tpu.memory_space<vmem>> -> memref<8xi32, #tpu.memory_space<vmem>>
    %dma_start3A_14 = arith.constant 0 : i32
    %dma_start3A_15 = arith.constant 0 : i32
    %dma_start3A_16 = tpu.memref_slice %arg3[%dma_start3A_14, %dma_start3A_15] : memref<50257x2048xf32, #tpu.memory_space<hbm>> -> memref<50257x2048xf32, #tpu.memory_space<hbm>>
    %dma_start3A_17 = tpu.memref_slice %arg7[%dma_start3A_6] : memref<6x!tpu.dma_semaphore, #tpu.memory_space<semaphore_mem>> -> memref<1x!tpu.dma_semaphore, #tpu.memory_space<semaphore_mem>>
    %dma_start3A_18 = tpu.memref_squeeze %dma_start3A_17 : memref<1x!tpu.dma_semaphore, #tpu.memory_space<semaphore_mem>> -> memref<!tpu.dma_semaphore, #tpu.memory_space<semaphore_mem>>
    tpu.enqueue_indirect_dma source(%dma_start3A_16 : memref<50257x2048xf32, #tpu.memory_space<hbm>>) target(%dma_start3A_10 : memref<8x2048xf32, #tpu.memory_space<vmem>>) offsets(%dma_start3A_13 : memref<8xi32, #tpu.memory_space<vmem>>) semaphore(%dma_start3A_18 : memref<!tpu.dma_semaphore, #tpu.memory_space<semaphore_mem>>)
    %dma_start3A_19 = arith.constant 1 : i32
    %dma_start3A_20 = arith.constant 1 : i32
    %dma_start3A_21 = arith.constant 1 : i32
    %dma_start3A_22 = arith.constant 0 : i32
    %dma_start3A_23 = arith.constant 0 : i32
    %dma_start3A_24 = tpu.memref_slice %arg6[%dma_start3A_20, %dma_start3A_22, %dma_start3A_23] : memref<6x8x2048xf32, #tpu.memory_space<vmem>> -> memref<1x8x2048xf32, #tpu.memory_space<vmem>>
    %dma_start3A_25 = tpu.memref_squeeze %dma_start3A_24 : memref<1x8x2048xf32, #tpu.memory_space<vmem>> -> memref<8x2048xf32, #tpu.memory_space<vmem>>
    %dma_start3A_26 = arith.constant 0 : i32
    %dma_start3A_27 = tpu.memref_slice %arg5[%dma_start3A_19, %dma_start3A_26] : memref<32x8xi32, #tpu.memory_space<vmem>> -> memref<1x8xi32, #tpu.memory_space<vmem>>
    %dma_start3A_28 = tpu.memref_squeeze %dma_start3A_27 : memref<1x8xi32, #tpu.memory_space<vmem>> -> memref<8xi32, #tpu.memory_space<vmem>>
    %dma_start3A_29 = arith.constant 0 : i32
    %dma_start3A_30 = arith.constant 0 : i32
    %dma_start3A_31 = tpu.memref_slice %arg3[%dma_start3A_29, %dma_start3A_30] : memref<50257x2048xf32, #tpu.memory_space<hbm>> -> memref<50257x2048xf32, #tpu.memory_space<hbm>>
    %dma_start3A_32 = tpu.memref_slice %arg7[%dma_start3A_21] : memref<6x!tpu.dma_semaphore, #tpu.memory_space<semaphore_mem>> -> memref<1x!tpu.dma_semaphore, #tpu.memory_space<semaphore_mem>>
    %dma_start3A_33 = tpu.memref_squeeze %dma_start3A_32 : memref<1x!tpu.dma_semaphore, #tpu.memory_space<semaphore_mem>> -> memref<!tpu.dma_semaphore, #tpu.memory_space<semaphore_mem>>
    tpu.enqueue_indirect_dma source(%dma_start3A_31 : memref<50257x2048xf32, #tpu.memory_space<hbm>>) target(%dma_start3A_25 : memref<8x2048xf32, #tpu.memory_space<vmem>>) offsets(%dma_start3A_28 : memref<8xi32, #tpu.memory_space<vmem>>) semaphore(%dma_start3A_33 : memref<!tpu.dma_semaphore, #tpu.memory_space<semaphore_mem>>)
    %dma_start3A_34 = arith.constant 2 : i32
    %dma_start3A_35 = arith.constant 2 : i32
    %dma_start3A_36 = arith.constant 2 : i32
    %dma_start3A_37 = arith.constant 0 : i32
    %dma_start3A_38 = arith.constant 0 : i32
    %dma_start3A_39 = tpu.memref_slice %arg6[%dma_start3A_35, %dma_start3A_37, %dma_start3A_38] : memref<6x8x2048xf32, #tpu.memory_space<vmem>> -> memref<1x8x2048xf32, #tpu.memory_space<vmem>>
    %dma_start3A_40 = tpu.memref_squeeze %dma_start3A_39 : memref<1x8x2048xf32, #tpu.memory_space<vmem>> -> memref<8x2048xf32, #tpu.memory_space<vmem>>
    %dma_start3A_41 = arith.constant 0 : i32
    %dma_start3A_42 = tpu.memref_slice %arg5[%dma_start3A_34, %dma_start3A_41] : memref<32x8xi32, #tpu.memory_space<vmem>> -> memref<1x8xi32, #tpu.memory_space<vmem>>
    %dma_start3A_43 = tpu.memref_squeeze %dma_start3A_42 : memref<1x8xi32, #tpu.memory_space<vmem>> -> memref<8xi32, #tpu.memory_space<vmem>>
    %dma_start3A_44 = arith.constant 0 : i32
    %dma_start3A_45 = arith.constant 0 : i32
    %dma_start3A_46 = tpu.memref_slice %arg3[%dma_start3A_44, %dma_start3A_45] : memref<50257x2048xf32, #tpu.memory_space<hbm>> -> memref<50257x2048xf32, #tpu.memory_space<hbm>>
    %dma_start3A_47 = tpu.memref_slice %arg7[%dma_start3A_36] : memref<6x!tpu.dma_semaphore, #tpu.memory_space<semaphore_mem>> -> memref<1x!tpu.dma_semaphore, #tpu.memory_space<semaphore_mem>>
    %dma_start3A_48 = tpu.memref_squeeze %dma_start3A_47 : memref<1x!tpu.dma_semaphore, #tpu.memory_space<semaphore_mem>> -> memref<!tpu.dma_semaphore, #tpu.memory_space<semaphore_mem>>
    tpu.enqueue_indirect_dma source(%dma_start3A_46 : memref<50257x2048xf32, #tpu.memory_space<hbm>>) target(%dma_start3A_40 : memref<8x2048xf32, #tpu.memory_space<vmem>>) offsets(%dma_start3A_43 : memref<8xi32, #tpu.memory_space<vmem>>) semaphore(%dma_start3A_48 : memref<!tpu.dma_semaphore, #tpu.memory_space<semaphore_mem>>)
    %dma_start3A_49 = arith.constant 3 : i32
    %dma_start3A_50 = arith.constant 3 : i32
    %dma_start3A_51 = arith.constant 3 : i32
    %dma_start3A_52 = arith.constant 0 : i32
    %dma_start3A_53 = arith.constant 0 : i32
    %dma_start3A_54 = tpu.memref_slice %arg6[%dma_start3A_50, %dma_start3A_52, %dma_start3A_53] : memref<6x8x2048xf32, #tpu.memory_space<vmem>> -> memref<1x8x2048xf32, #tpu.memory_space<vmem>>
    %dma_start3A_55 = tpu.memref_squeeze %dma_start3A_54 : memref<1x8x2048xf32, #tpu.memory_space<vmem>> -> memref<8x2048xf32, #tpu.memory_space<vmem>>
    %dma_start3A_56 = arith.constant 0 : i32
    %dma_start3A_57 = tpu.memref_slice %arg5[%dma_start3A_49, %dma_start3A_56] : memref<32x8xi32, #tpu.memory_space<vmem>> -> memref<1x8xi32, #tpu.memory_space<vmem>>
    %dma_start3A_58 = tpu.memref_squeeze %dma_start3A_57 : memref<1x8xi32, #tpu.memory_space<vmem>> -> memref<8xi32, #tpu.memory_space<vmem>>
    %dma_start3A_59 = arith.constant 0 : i32
    %dma_start3A_60 = arith.constant 0 : i32
    %dma_start3A_61 = tpu.memref_slice %arg3[%dma_start3A_59, %dma_start3A_60] : memref<50257x2048xf32, #tpu.memory_space<hbm>> -> memref<50257x2048xf32, #tpu.memory_space<hbm>>
    %dma_start3A_62 = tpu.memref_slice %arg7[%dma_start3A_51] : memref<6x!tpu.dma_semaphore, #tpu.memory_space<semaphore_mem>> -> memref<1x!tpu.dma_semaphore, #tpu.memory_space<semaphore_mem>>
    %dma_start3A_63 = tpu.memref_squeeze %dma_start3A_62 : memref<1x!tpu.dma_semaphore, #tpu.memory_space<semaphore_mem>> -> memref<!tpu.dma_semaphore, #tpu.memory_space<semaphore_mem>>
    tpu.enqueue_indirect_dma source(%dma_start3A_61 : memref<50257x2048xf32, #tpu.memory_space<hbm>>) target(%dma_start3A_55 : memref<8x2048xf32, #tpu.memory_space<vmem>>) offsets(%dma_start3A_58 : memref<8xi32, #tpu.memory_space<vmem>>) semaphore(%dma_start3A_63 : memref<!tpu.dma_semaphore, #tpu.memory_space<semaphore_mem>>)
    %dma_start3A_64 = arith.constant 4 : i32
    %dma_start3A_65 = arith.constant 4 : i32
    %dma_start3A_66 = arith.constant 4 : i32
    %dma_start3A_67 = arith.constant 0 : i32
    %dma_start3A_68 = arith.constant 0 : i32
    %dma_start3A_69 = tpu.memref_slice %arg6[%dma_start3A_65, %dma_start3A_67, %dma_start3A_68] : memref<6x8x2048xf32, #tpu.memory_space<vmem>> -> memref<1x8x2048xf32, #tpu.memory_space<vmem>>
    %dma_start3A_70 = tpu.memref_squeeze %dma_start3A_69 : memref<1x8x2048xf32, #tpu.memory_space<vmem>> -> memref<8x2048xf32, #tpu.memory_space<vmem>>
    %dma_start3A_71 = arith.constant 0 : i32
    %dma_start3A_72 = tpu.memref_slice %arg5[%dma_start3A_64, %dma_start3A_71] : memref<32x8xi32, #tpu.memory_space<vmem>> -> memref<1x8xi32, #tpu.memory_space<vmem>>
    %dma_start3A_73 = tpu.memref_squeeze %dma_start3A_72 : memref<1x8xi32, #tpu.memory_space<vmem>> -> memref<8xi32, #tpu.memory_space<vmem>>
    %dma_start3A_74 = arith.constant 0 : i32
    %dma_start3A_75 = arith.constant 0 : i32
    %dma_start3A_76 = tpu.memref_slice %arg3[%dma_start3A_74, %dma_start3A_75] : memref<50257x2048xf32, #tpu.memory_space<hbm>> -> memref<50257x2048xf32, #tpu.memory_space<hbm>>
    %dma_start3A_77 = tpu.memref_slice %arg7[%dma_start3A_66] : memref<6x!tpu.dma_semaphore, #tpu.memory_space<semaphore_mem>> -> memref<1x!tpu.dma_semaphore, #tpu.memory_space<semaphore_mem>>
    %dma_start3A_78 = tpu.memref_squeeze %dma_start3A_77 : memref<1x!tpu.dma_semaphore, #tpu.memory_space<semaphore_mem>> -> memref<!tpu.dma_semaphore, #tpu.memory_space<semaphore_mem>>
    tpu.enqueue_indirect_dma source(%dma_start3A_76 : memref<50257x2048xf32, #tpu.memory_space<hbm>>) target(%dma_start3A_70 : memref<8x2048xf32, #tpu.memory_space<vmem>>) offsets(%dma_start3A_73 : memref<8xi32, #tpu.memory_space<vmem>>) semaphore(%dma_start3A_78 : memref<!tpu.dma_semaphore, #tpu.memory_space<semaphore_mem>>)
    %dma_wait3A = arith.constant 0 : i32
    %dma_wait3A_79 = arith.constant 0 : i32
    %dma_wait3A_80 = arith.constant 0 : i32
    %dma_wait3A_81 = arith.constant 0 : i32
    %dma_wait3A_82 = arith.constant 0 : i32
    %dma_wait3A_83 = tpu.memref_slice %arg6[%dma_wait3A_79, %dma_wait3A_81, %dma_wait3A_82] : memref<6x8x2048xf32, #tpu.memory_space<vmem>> -> memref<1x8x2048xf32, #tpu.memory_space<vmem>>
    %dma_wait3A_84 = tpu.memref_squeeze %dma_wait3A_83 : memref<1x8x2048xf32, #tpu.memory_space<vmem>> -> memref<8x2048xf32, #tpu.memory_space<vmem>>
    %dma_wait3A_85 = arith.constant 0 : i32
    %dma_wait3A_86 = tpu.memref_slice %arg5[%dma_wait3A, %dma_wait3A_85] : memref<32x8xi32, #tpu.memory_space<vmem>> -> memref<1x8xi32, #tpu.memory_space<vmem>>
    %dma_wait3A_87 = tpu.memref_squeeze %dma_wait3A_86 : memref<1x8xi32, #tpu.memory_space<vmem>> -> memref<8xi32, #tpu.memory_space<vmem>>
    %dma_wait3A_88 = arith.constant 0 : i32
    %dma_wait3A_89 = arith.constant 0 : i32
    %dma_wait3A_90 = tpu.memref_slice %arg3[%dma_wait3A_88, %dma_wait3A_89] : memref<50257x2048xf32, #tpu.memory_space<hbm>> -> memref<50257x2048xf32, #tpu.memory_space<hbm>>
    %dma_wait3A_91 = tpu.memref_slice %arg7[%dma_wait3A_80] : memref<6x!tpu.dma_semaphore, #tpu.memory_space<semaphore_mem>> -> memref<1x!tpu.dma_semaphore, #tpu.memory_space<semaphore_mem>>
    %dma_wait3A_92 = tpu.memref_squeeze %dma_wait3A_91 : memref<1x!tpu.dma_semaphore, #tpu.memory_space<semaphore_mem>> -> memref<!tpu.dma_semaphore, #tpu.memory_space<semaphore_mem>>
    tpu.wait_indirect_dma semaphore(%dma_wait3A_92 : memref<!tpu.dma_semaphore, #tpu.memory_space<semaphore_mem>>) src(%dma_wait3A_90 : memref<50257x2048xf32, #tpu.memory_space<hbm>>) dst(%dma_wait3A_84 : memref<8x2048xf32, #tpu.memory_space<vmem>>)
    %add3A_93 = arith.constant 0 : i32
    %add3A_94 = arith.addi %mul3A_2, %add3A_93 : i32
    %dma_start3A_95 = arith.constant 0 : i32
    %dma_start3A_96 = arith.constant 0 : i32
    %dma_start3A_97 = arith.constant 0 : i32
    %dma_start3A_98 = arith.constant 0 : i32
    %dma_start3A_99 = tpu.memref_slice %arg6[%dma_start3A_95, %dma_start3A_97, %dma_start3A_98] : memref<6x8x2048xf32, #tpu.memory_space<vmem>> -> memref<1x8x2048xf32, #tpu.memory_space<vmem>>
    %dma_start3A_100 = tpu.memref_squeeze %dma_start3A_99 : memref<1x8x2048xf32, #tpu.memory_space<vmem>> -> memref<8x2048xf32, #tpu.memory_space<vmem>>
    %dma_start3A_101 = arith.constant 0 : i32
    %dma_start3A_102 = tpu.memref_slice %arg4[%add3A_94, %dma_start3A_101] : memref<8192x2048xf32, #tpu.memory_space<hbm>> -> memref<8x2048xf32, #tpu.memory_space<hbm>>
    %dma_start3A_103 = tpu.memref_slice %arg8[%dma_start3A_96] : memref<6x!tpu.dma_semaphore, #tpu.memory_space<semaphore_mem>> -> memref<1x!tpu.dma_semaphore, #tpu.memory_space<semaphore_mem>>
    %dma_start3A_104 = tpu.memref_squeeze %dma_start3A_103 : memref<1x!tpu.dma_semaphore, #tpu.memory_space<semaphore_mem>> -> memref<!tpu.dma_semaphore, #tpu.memory_space<semaphore_mem>>
    %dma_start3A_105 = arith.constant 0 : i32
    %dma_start3A_106 = tpu.memref_slice %arg4[%add3A_94, %dma_start3A_105] : memref<8192x2048xf32, #tpu.memory_space<hbm>> -> memref<8x2048xf32, #tpu.memory_space<hbm>>
    %dma_start3A_107 = arith.constant 0 : i32
    %dma_start3A_108 = arith.constant 0 : i32
    %dma_start3A_109 = tpu.memref_slice %arg6[%dma_start3A_95, %dma_start3A_107, %dma_start3A_108] : memref<6x8x2048xf32, #tpu.memory_space<vmem>> -> memref<1x8x2048xf32, #tpu.memory_space<vmem>>
    %dma_start3A_110 = tpu.memref_squeeze %dma_start3A_109 : memref<1x8x2048xf32, #tpu.memory_space<vmem>> -> memref<8x2048xf32, #tpu.memory_space<vmem>>
    tpu.enqueue_dma source(%dma_start3A_110 : memref<8x2048xf32, #tpu.memory_space<vmem>>) target(%dma_start3A_106 : memref<8x2048xf32, #tpu.memory_space<hbm>>) target_semaphore(%dma_start3A_104 : memref<!tpu.dma_semaphore, #tpu.memory_space<semaphore_mem>>)
    %dma_start3A_111 = arith.constant 5 : i32
    %dma_start3A_112 = arith.constant 5 : i32
    %dma_start3A_113 = arith.constant 5 : i32
    %dma_start3A_114 = arith.constant 0 : i32
    %dma_start3A_115 = arith.constant 0 : i32
    %dma_start3A_116 = tpu.memref_slice %arg6[%dma_start3A_112, %dma_start3A_114, %dma_start3A_115] : memref<6x8x2048xf32, #tpu.memory_space<vmem>> -> memref<1x8x2048xf32, #tpu.memory_space<vmem>>
    %dma_start3A_117 = tpu.memref_squeeze %dma_start3A_116 : memref<1x8x2048xf32, #tpu.memory_space<vmem>> -> memref<8x2048xf32, #tpu.memory_space<vmem>>
    %dma_start3A_118 = arith.constant 0 : i32
    %dma_start3A_119 = tpu.memref_slice %arg5[%dma_start3A_111, %dma_start3A_118] : memref<32x8xi32, #tpu.memory_space<vmem>> -> memref<1x8xi32, #tpu.memory_space<vmem>>
    %dma_start3A_120 = tpu.memref_squeeze %dma_start3A_119 : memref<1x8xi32, #tpu.memory_space<vmem>> -> memref<8xi32, #tpu.memory_space<vmem>>
    %dma_start3A_121 = arith.constant 0 : i32
    %dma_start3A_122 = arith.constant 0 : i32
    %dma_start3A_123 = tpu.memref_slice %arg3[%dma_start3A_121, %dma_start3A_122] : memref<50257x2048xf32, #tpu.memory_space<hbm>> -> memref<50257x2048xf32, #tpu.memory_space<hbm>>
    %dma_start3A_124 = tpu.memref_slice %arg7[%dma_start3A_113] : memref<6x!tpu.dma_semaphore, #tpu.memory_space<semaphore_mem>> -> memref<1x!tpu.dma_semaphore, #tpu.memory_space<semaphore_mem>>
    %dma_start3A_125 = tpu.memref_squeeze %dma_start3A_124 : memref<1x!tpu.dma_semaphore, #tpu.memory_space<semaphore_mem>> -> memref<!tpu.dma_semaphore, #tpu.memory_space<semaphore_mem>>
    tpu.enqueue_indirect_dma source(%dma_start3A_123 : memref<50257x2048xf32, #tpu.memory_space<hbm>>) target(%dma_start3A_117 : memref<8x2048xf32, #tpu.memory_space<vmem>>) offsets(%dma_start3A_120 : memref<8xi32, #tpu.memory_space<vmem>>) semaphore(%dma_start3A_125 : memref<!tpu.dma_semaphore, #tpu.memory_space<semaphore_mem>>)
    %dma_wait3A_126 = arith.constant 1 : i32
    %dma_wait3A_127 = arith.constant 1 : i32
    %dma_wait3A_128 = arith.constant 1 : i32
    %dma_wait3A_129 = arith.constant 0 : i32
    %dma_wait3A_130 = arith.constant 0 : i32
    %dma_wait3A_131 = tpu.memref_slice %arg6[%dma_wait3A_127, %dma_wait3A_129, %dma_wait3A_130] : memref<6x8x2048xf32, #tpu.memory_space<vmem>> -> memref<1x8x2048xf32, #tpu.memory_space<vmem>>
    %dma_wait3A_132 = tpu.memref_squeeze %dma_wait3A_131 : memref<1x8x2048xf32, #tpu.memory_space<vmem>> -> memref<8x2048xf32, #tpu.memory_space<vmem>>
    %dma_wait3A_133 = arith.constant 0 : i32
    %dma_wait3A_134 = tpu.memref_slice %arg5[%dma_wait3A_126, %dma_wait3A_133] : memref<32x8xi32, #tpu.memory_space<vmem>> -> memref<1x8xi32, #tpu.memory_space<vmem>>
    %dma_wait3A_135 = tpu.memref_squeeze %dma_wait3A_134 : memref<1x8xi32, #tpu.memory_space<vmem>> -> memref<8xi32, #tpu.memory_space<vmem>>
    %dma_wait3A_136 = arith.constant 0 : i32
    %dma_wait3A_137 = arith.constant 0 : i32
    %dma_wait3A_138 = tpu.memref_slice %arg3[%dma_wait3A_136, %dma_wait3A_137] : memref<50257x2048xf32, #tpu.memory_space<hbm>> -> memref<50257x2048xf32, #tpu.memory_space<hbm>>
    %dma_wait3A_139 = tpu.memref_slice %arg7[%dma_wait3A_128] : memref<6x!tpu.dma_semaphore, #tpu.memory_space<semaphore_mem>> -> memref<1x!tpu.dma_semaphore, #tpu.memory_space<semaphore_mem>>
    %dma_wait3A_140 = tpu.memref_squeeze %dma_wait3A_139 : memref<1x!tpu.dma_semaphore, #tpu.memory_space<semaphore_mem>> -> memref<!tpu.dma_semaphore, #tpu.memory_space<semaphore_mem>>
    tpu.wait_indirect_dma semaphore(%dma_wait3A_140 : memref<!tpu.dma_semaphore, #tpu.memory_space<semaphore_mem>>) src(%dma_wait3A_138 : memref<50257x2048xf32, #tpu.memory_space<hbm>>) dst(%dma_wait3A_132 : memref<8x2048xf32, #tpu.memory_space<vmem>>)
    %add3A_141 = arith.constant 8 : i32
    %add3A_142 = arith.addi %mul3A_2, %add3A_141 : i32
    %dma_start3A_143 = arith.constant 1 : i32
    %dma_start3A_144 = arith.constant 1 : i32
    %dma_start3A_145 = arith.constant 0 : i32
    %dma_start3A_146 = arith.constant 0 : i32
    %dma_start3A_147 = tpu.memref_slice %arg6[%dma_start3A_143, %dma_start3A_145, %dma_start3A_146] : memref<6x8x2048xf32, #tpu.memory_space<vmem>> -> memref<1x8x2048xf32, #tpu.memory_space<vmem>>
    %dma_start3A_148 = tpu.memref_squeeze %dma_start3A_147 : memref<1x8x2048xf32, #tpu.memory_space<vmem>> -> memref<8x2048xf32, #tpu.memory_space<vmem>>
    %dma_start3A_149 = arith.constant 0 : i32
    %dma_start3A_150 = tpu.memref_slice %arg4[%add3A_142, %dma_start3A_149] : memref<8192x2048xf32, #tpu.memory_space<hbm>> -> memref<8x2048xf32, #tpu.memory_space<hbm>>
    %dma_start3A_151 = tpu.memref_slice %arg8[%dma_start3A_144] : memref<6x!tpu.dma_semaphore, #tpu.memory_space<semaphore_mem>> -> memref<1x!tpu.dma_semaphore, #tpu.memory_space<semaphore_mem>>
    %dma_start3A_152 = tpu.memref_squeeze %dma_start3A_151 : memref<1x!tpu.dma_semaphore, #tpu.memory_space<semaphore_mem>> -> memref<!tpu.dma_semaphore, #tpu.memory_space<semaphore_mem>>
    %dma_start3A_153 = arith.constant 0 : i32
    %dma_start3A_154 = tpu.memref_slice %arg4[%add3A_142, %dma_start3A_153] : memref<8192x2048xf32, #tpu.memory_space<hbm>> -> memref<8x2048xf32, #tpu.memory_space<hbm>>
    %dma_start3A_155 = arith.constant 0 : i32
    %dma_start3A_156 = arith.constant 0 : i32
    %dma_start3A_157 = tpu.memref_slice %arg6[%dma_start3A_143, %dma_start3A_155, %dma_start3A_156] : memref<6x8x2048xf32, #tpu.memory_space<vmem>> -> memref<1x8x2048xf32, #tpu.memory_space<vmem>>
    %dma_start3A_158 = tpu.memref_squeeze %dma_start3A_157 : memref<1x8x2048xf32, #tpu.memory_space<vmem>> -> memref<8x2048xf32, #tpu.memory_space<vmem>>
    tpu.enqueue_dma source(%dma_start3A_158 : memref<8x2048xf32, #tpu.memory_space<vmem>>) target(%dma_start3A_154 : memref<8x2048xf32, #tpu.memory_space<hbm>>) target_semaphore(%dma_start3A_152 : memref<!tpu.dma_semaphore, #tpu.memory_space<semaphore_mem>>)
    %dma_wait3A_159 = arith.constant 0 : i32
    %dma_wait3A_160 = arith.constant 0 : i32
    %dma_wait3A_161 = arith.constant 0 : i32
    %dma_wait3A_162 = arith.constant 0 : i32
    %dma_wait3A_163 = tpu.memref_slice %arg6[%dma_wait3A_159, %dma_wait3A_161, %dma_wait3A_162] : memref<6x8x2048xf32, #tpu.memory_space<vmem>> -> memref<1x8x2048xf32, #tpu.memory_space<vmem>>
    %dma_wait3A_164 = tpu.memref_squeeze %dma_wait3A_163 : memref<1x8x2048xf32, #tpu.memory_space<vmem>> -> memref<8x2048xf32, #tpu.memory_space<vmem>>
    %dma_wait3A_165 = arith.constant 0 : i32
    %dma_wait3A_166 = tpu.memref_slice %arg4[%add3A_94, %dma_wait3A_165] : memref<8192x2048xf32, #tpu.memory_space<hbm>> -> memref<8x2048xf32, #tpu.memory_space<hbm>>
    %dma_wait3A_167 = tpu.memref_slice %arg8[%dma_wait3A_160] : memref<6x!tpu.dma_semaphore, #tpu.memory_space<semaphore_mem>> -> memref<1x!tpu.dma_semaphore, #tpu.memory_space<semaphore_mem>>
    %dma_wait3A_168 = tpu.memref_squeeze %dma_wait3A_167 : memref<1x!tpu.dma_semaphore, #tpu.memory_space<semaphore_mem>> -> memref<!tpu.dma_semaphore, #tpu.memory_space<semaphore_mem>>
    %dma_wait3A_169 = arith.constant 0 : i32
    %dma_wait3A_170 = tpu.memref_slice %arg4[%add3A_94, %dma_wait3A_169] : memref<8192x2048xf32, #tpu.memory_space<hbm>> -> memref<8x2048xf32, #tpu.memory_space<hbm>>
    %dma_wait3A_171 = arith.constant 0 : i32
    %dma_wait3A_172 = arith.constant 0 : i32
    %dma_wait3A_173 = tpu.memref_slice %arg6[%dma_wait3A_159, %dma_wait3A_171, %dma_wait3A_172] : memref<6x8x2048xf32, #tpu.memory_space<vmem>> -> memref<1x8x2048xf32, #tpu.memory_space<vmem>>
    %dma_wait3A_174 = tpu.memref_squeeze %dma_wait3A_173 : memref<1x8x2048xf32, #tpu.memory_space<vmem>> -> memref<8x2048xf32, #tpu.memory_space<vmem>>
    tpu.wait_dma2 semaphore(%dma_wait3A_168 : memref<!tpu.dma_semaphore, #tpu.memory_space<semaphore_mem>>) src(%dma_wait3A_174 : memref<8x2048xf32, #tpu.memory_space<vmem>>) dst(%dma_wait3A_170 : memref<8x2048xf32, #tpu.memory_space<hbm>>)
    %dma_start3A_175 = arith.constant 6 : i32
    %dma_start3A_176 = arith.constant 0 : i32
    %dma_start3A_177 = arith.constant 0 : i32
    %dma_start3A_178 = arith.constant 0 : i32
    %dma_start3A_179 = arith.constant 0 : i32
    %dma_start3A_180 = tpu.memref_slice %arg6[%dma_start3A_176, %dma_start3A_178, %dma_start3A_179] : memref<6x8x2048xf32, #tpu.memory_space<vmem>> -> memref<1x8x2048xf32, #tpu.memory_space<vmem>>
    %dma_start3A_181 = tpu.memref_squeeze %dma_start3A_180 : memref<1x8x2048xf32, #tpu.memory_space<vmem>> -> memref<8x2048xf32, #tpu.memory_space<vmem>>
    %dma_start3A_182 = arith.constant 0 : i32
    %dma_start3A_183 = tpu.memref_slice %arg5[%dma_start3A_175, %dma_start3A_182] : memref<32x8xi32, #tpu.memory_space<vmem>> -> memref<1x8xi32, #tpu.memory_space<vmem>>
    %dma_start3A_184 = tpu.memref_squeeze %dma_start3A_183 : memref<1x8xi32, #tpu.memory_space<vmem>> -> memref<8xi32, #tpu.memory_space<vmem>>
    %dma_start3A_185 = arith.constant 0 : i32
    %dma_start3A_186 = arith.constant 0 : i32
    %dma_start3A_187 = tpu.memref_slice %arg3[%dma_start3A_185, %dma_start3A_186] : memref<50257x2048xf32, #tpu.memory_space<hbm>> -> memref<50257x2048xf32, #tpu.memory_space<hbm>>
    %dma_start3A_188 = tpu.memref_slice %arg7[%dma_start3A_177] : memref<6x!tpu.dma_semaphore, #tpu.memory_space<semaphore_mem>> -> memref<1x!tpu.dma_semaphore, #tpu.memory_space<semaphore_mem>>
    %dma_start3A_189 = tpu.memref_squeeze %dma_start3A_188 : memref<1x!tpu.dma_semaphore, #tpu.memory_space<semaphore_mem>> -> memref<!tpu.dma_semaphore, #tpu.memory_space<semaphore_mem>>
    tpu.enqueue_indirect_dma source(%dma_start3A_187 : memref<50257x2048xf32, #tpu.memory_space<hbm>>) target(%dma_start3A_181 : memref<8x2048xf32, #tpu.memory_space<vmem>>) offsets(%dma_start3A_184 : memref<8xi32, #tpu.memory_space<vmem>>) semaphore(%dma_start3A_189 : memref<!tpu.dma_semaphore, #tpu.memory_space<semaphore_mem>>)
    %dma_wait3A_190 = arith.constant 2 : i32
    %dma_wait3A_191 = arith.constant 2 : i32
    %dma_wait3A_192 = arith.constant 2 : i32
    %dma_wait3A_193 = arith.constant 0 : i32
    %dma_wait3A_194 = arith.constant 0 : i32
    %dma_wait3A_195 = tpu.memref_slice %arg6[%dma_wait3A_191, %dma_wait3A_193, %dma_wait3A_194] : memref<6x8x2048xf32, #tpu.memory_space<vmem>> -> memref<1x8x2048xf32, #tpu.memory_space<vmem>>
    %dma_wait3A_196 = tpu.memref_squeeze %dma_wait3A_195 : memref<1x8x2048xf32, #tpu.memory_space<vmem>> -> memref<8x2048xf32, #tpu.memory_space<vmem>>
    %dma_wait3A_197 = arith.constant 0 : i32
    %dma_wait3A_198 = tpu.memref_slice %arg5[%dma_wait3A_190, %dma_wait3A_197] : memref<32x8xi32, #tpu.memory_space<vmem>> -> memref<1x8xi32, #tpu.memory_space<vmem>>
    %dma_wait3A_199 = tpu.memref_squeeze %dma_wait3A_198 : memref<1x8xi32, #tpu.memory_space<vmem>> -> memref<8xi32, #tpu.memory_space<vmem>>
    %dma_wait3A_200 = arith.constant 0 : i32
    %dma_wait3A_201 = arith.constant 0 : i32
    %dma_wait3A_202 = tpu.memref_slice %arg3[%dma_wait3A_200, %dma_wait3A_201] : memref<50257x2048xf32, #tpu.memory_space<hbm>> -> memref<50257x2048xf32, #tpu.memory_space<hbm>>
    %dma_wait3A_203 = tpu.memref_slice %arg7[%dma_wait3A_192] : memref<6x!tpu.dma_semaphore, #tpu.memory_space<semaphore_mem>> -> memref<1x!tpu.dma_semaphore, #tpu.memory_space<semaphore_mem>>
    %dma_wait3A_204 = tpu.memref_squeeze %dma_wait3A_203 : memref<1x!tpu.dma_semaphore, #tpu.memory_space<semaphore_mem>> -> memref<!tpu.dma_semaphore, #tpu.memory_space<semaphore_mem>>
    tpu.wait_indirect_dma semaphore(%dma_wait3A_204 : memref<!tpu.dma_semaphore, #tpu.memory_space<semaphore_mem>>) src(%dma_wait3A_202 : memref<50257x2048xf32, #tpu.memory_space<hbm>>) dst(%dma_wait3A_196 : memref<8x2048xf32, #tpu.memory_space<vmem>>)
    %add3A_205 = arith.constant 16 : i32
    %add3A_206 = arith.addi %mul3A_2, %add3A_205 : i32
    %dma_start3A_207 = arith.constant 2 : i32
    %dma_start3A_208 = arith.constant 2 : i32
    %dma_start3A_209 = arith.constant 0 : i32
    %dma_start3A_210 = arith.constant 0 : i32
    %dma_start3A_211 = tpu.memref_slice %arg6[%dma_start3A_207, %dma_start3A_209, %dma_start3A_210] : memref<6x8x2048xf32, #tpu.memory_space<vmem>> -> memref<1x8x2048xf32, #tpu.memory_space<vmem>>
    %dma_start3A_212 = tpu.memref_squeeze %dma_start3A_211 : memref<1x8x2048xf32, #tpu.memory_space<vmem>> -> memref<8x2048xf32, #tpu.memory_space<vmem>>
    %dma_start3A_213 = arith.constant 0 : i32
    %dma_start3A_214 = tpu.memref_slice %arg4[%add3A_206, %dma_start3A_213] : memref<8192x2048xf32, #tpu.memory_space<hbm>> -> memref<8x2048xf32, #tpu.memory_space<hbm>>
    %dma_start3A_215 = tpu.memref_slice %arg8[%dma_start3A_208] : memref<6x!tpu.dma_semaphore, #tpu.memory_space<semaphore_mem>> -> memref<1x!tpu.dma_semaphore, #tpu.memory_space<semaphore_mem>>
    %dma_start3A_216 = tpu.memref_squeeze %dma_start3A_215 : memref<1x!tpu.dma_semaphore, #tpu.memory_space<semaphore_mem>> -> memref<!tpu.dma_semaphore, #tpu.memory_space<semaphore_mem>>
    %dma_start3A_217 = arith.constant 0 : i32
    %dma_start3A_218 = tpu.memref_slice %arg4[%add3A_206, %dma_start3A_217] : memref<8192x2048xf32, #tpu.memory_space<hbm>> -> memref<8x2048xf32, #tpu.memory_space<hbm>>
    %dma_start3A_219 = arith.constant 0 : i32
    %dma_start3A_220 = arith.constant 0 : i32
    %dma_start3A_221 = tpu.memref_slice %arg6[%dma_start3A_207, %dma_start3A_219, %dma_start3A_220] : memref<6x8x2048xf32, #tpu.memory_space<vmem>> -> memref<1x8x2048xf32, #tpu.memory_space<vmem>>
    %dma_start3A_222 = tpu.memref_squeeze %dma_start3A_221 : memref<1x8x2048xf32, #tpu.memory_space<vmem>> -> memref<8x2048xf32, #tpu.memory_space<vmem>>
    tpu.enqueue_dma source(%dma_start3A_222 : memref<8x2048xf32, #tpu.memory_space<vmem>>) target(%dma_start3A_218 : memref<8x2048xf32, #tpu.memory_space<hbm>>) target_semaphore(%dma_start3A_216 : memref<!tpu.dma_semaphore, #tpu.memory_space<semaphore_mem>>)
    %dma_wait3A_223 = arith.constant 1 : i32
    %dma_wait3A_224 = arith.constant 1 : i32
    %dma_wait3A_225 = arith.constant 0 : i32
    %dma_wait3A_226 = arith.constant 0 : i32
    %dma_wait3A_227 = tpu.memref_slice %arg6[%dma_wait3A_223, %dma_wait3A_225, %dma_wait3A_226] : memref<6x8x2048xf32, #tpu.memory_space<vmem>> -> memref<1x8x2048xf32, #tpu.memory_space<vmem>>
    %dma_wait3A_228 = tpu.memref_squeeze %dma_wait3A_227 : memref<1x8x2048xf32, #tpu.memory_space<vmem>> -> memref<8x2048xf32, #tpu.memory_space<vmem>>
    %dma_wait3A_229 = arith.constant 0 : i32
    %dma_wait3A_230 = tpu.memref_slice %arg4[%add3A_142, %dma_wait3A_229] : memref<8192x2048xf32, #tpu.memory_space<hbm>> -> memref<8x2048xf32, #tpu.memory_space<hbm>>
    %dma_wait3A_231 = tpu.memref_slice %arg8[%dma_wait3A_224] : memref<6x!tpu.dma_semaphore, #tpu.memory_space<semaphore_mem>> -> memref<1x!tpu.dma_semaphore, #tpu.memory_space<semaphore_mem>>
    %dma_wait3A_232 = tpu.memref_squeeze %dma_wait3A_231 : memref<1x!tpu.dma_semaphore, #tpu.memory_space<semaphore_mem>> -> memref<!tpu.dma_semaphore, #tpu.memory_space<semaphore_mem>>
    %dma_wait3A_233 = arith.constant 0 : i32
    %dma_wait3A_234 = tpu.memref_slice %arg4[%add3A_142, %dma_wait3A_233] : memref<8192x2048xf32, #tpu.memory_space<hbm>> -> memref<8x2048xf32, #tpu.memory_space<hbm>>
    %dma_wait3A_235 = arith.constant 0 : i32
    %dma_wait3A_236 = arith.constant 0 : i32
    %dma_wait3A_237 = tpu.memref_slice %arg6[%dma_wait3A_223, %dma_wait3A_235, %dma_wait3A_236] : memref<6x8x2048xf32, #tpu.memory_space<vmem>> -> memref<1x8x2048xf32, #tpu.memory_space<vmem>>
    %dma_wait3A_238 = tpu.memref_squeeze %dma_wait3A_237 : memref<1x8x2048xf32, #tpu.memory_space<vmem>> -> memref<8x2048xf32, #tpu.memory_space<vmem>>
    tpu.wait_dma2 semaphore(%dma_wait3A_232 : memref<!tpu.dma_semaphore, #tpu.memory_space<semaphore_mem>>) src(%dma_wait3A_238 : memref<8x2048xf32, #tpu.memory_space<vmem>>) dst(%dma_wait3A_234 : memref<8x2048xf32, #tpu.memory_space<hbm>>)
    %dma_start3A_239 = arith.constant 7 : i32
    %dma_start3A_240 = arith.constant 1 : i32
    %dma_start3A_241 = arith.constant 1 : i32
    %dma_start3A_242 = arith.constant 0 : i32
    %dma_start3A_243 = arith.constant 0 : i32
    %dma_start3A_244 = tpu.memref_slice %arg6[%dma_start3A_240, %dma_start3A_242, %dma_start3A_243] : memref<6x8x2048xf32, #tpu.memory_space<vmem>> -> memref<1x8x2048xf32, #tpu.memory_space<vmem>>
    %dma_start3A_245 = tpu.memref_squeeze %dma_start3A_244 : memref<1x8x2048xf32, #tpu.memory_space<vmem>> -> memref<8x2048xf32, #tpu.memory_space<vmem>>
    %dma_start3A_246 = arith.constant 0 : i32
    %dma_start3A_247 = tpu.memref_slice %arg5[%dma_start3A_239, %dma_start3A_246] : memref<32x8xi32, #tpu.memory_space<vmem>> -> memref<1x8xi32, #tpu.memory_space<vmem>>
    %dma_start3A_248 = tpu.memref_squeeze %dma_start3A_247 : memref<1x8xi32, #tpu.memory_space<vmem>> -> memref<8xi32, #tpu.memory_space<vmem>>
    %dma_start3A_249 = arith.constant 0 : i32
    %dma_start3A_250 = arith.constant 0 : i32
    %dma_start3A_251 = tpu.memref_slice %arg3[%dma_start3A_249, %dma_start3A_250] : memref<50257x2048xf32, #tpu.memory_space<hbm>> -> memref<50257x2048xf32, #tpu.memory_space<hbm>>
    %dma_start3A_252 = tpu.memref_slice %arg7[%dma_start3A_241] : memref<6x!tpu.dma_semaphore, #tpu.memory_space<semaphore_mem>> -> memref<1x!tpu.dma_semaphore, #tpu.memory_space<semaphore_mem>>
    %dma_start3A_253 = tpu.memref_squeeze %dma_start3A_252 : memref<1x!tpu.dma_semaphore, #tpu.memory_space<semaphore_mem>> -> memref<!tpu.dma_semaphore, #tpu.memory_space<semaphore_mem>>
    tpu.enqueue_indirect_dma source(%dma_start3A_251 : memref<50257x2048xf32, #tpu.memory_space<hbm>>) target(%dma_start3A_245 : memref<8x2048xf32, #tpu.memory_space<vmem>>) offsets(%dma_start3A_248 : memref<8xi32, #tpu.memory_space<vmem>>) semaphore(%dma_start3A_253 : memref<!tpu.dma_semaphore, #tpu.memory_space<semaphore_mem>>)
    %dma_wait3A_254 = arith.constant 3 : i32
    %dma_wait3A_255 = arith.constant 3 : i32
    %dma_wait3A_256 = arith.constant 3 : i32
    %dma_wait3A_257 = arith.constant 0 : i32
    %dma_wait3A_258 = arith.constant 0 : i32
    %dma_wait3A_259 = tpu.memref_slice %arg6[%dma_wait3A_255, %dma_wait3A_257, %dma_wait3A_258] : memref<6x8x2048xf32, #tpu.memory_space<vmem>> -> memref<1x8x2048xf32, #tpu.memory_space<vmem>>
    %dma_wait3A_260 = tpu.memref_squeeze %dma_wait3A_259 : memref<1x8x2048xf32, #tpu.memory_space<vmem>> -> memref<8x2048xf32, #tpu.memory_space<vmem>>
    %dma_wait3A_261 = arith.constant 0 : i32
    %dma_wait3A_262 = tpu.memref_slice %arg5[%dma_wait3A_254, %dma_wait3A_261] : memref<32x8xi32, #tpu.memory_space<vmem>> -> memref<1x8xi32, #tpu.memory_space<vmem>>
    %dma_wait3A_263 = tpu.memref_squeeze %dma_wait3A_262 : memref<1x8xi32, #tpu.memory_space<vmem>> -> memref<8xi32, #tpu.memory_space<vmem>>
    %dma_wait3A_264 = arith.constant 0 : i32
    %dma_wait3A_265 = arith.constant 0 : i32
    %dma_wait3A_266 = tpu.memref_slice %arg3[%dma_wait3A_264, %dma_wait3A_265] : memref<50257x2048xf32, #tpu.memory_space<hbm>> -> memref<50257x2048xf32, #tpu.memory_space<hbm>>
    %dma_wait3A_267 = tpu.memref_slice %arg7[%dma_wait3A_256] : memref<6x!tpu.dma_semaphore, #tpu.memory_space<semaphore_mem>> -> memref<1x!tpu.dma_semaphore, #tpu.memory_space<semaphore_mem>>
    %dma_wait3A_268 = tpu.memref_squeeze %dma_wait3A_267 : memref<1x!tpu.dma_semaphore, #tpu.memory_space<semaphore_mem>> -> memref<!tpu.dma_semaphore, #tpu.memory_space<semaphore_mem>>
    tpu.wait_indirect_dma semaphore(%dma_wait3A_268 : memref<!tpu.dma_semaphore, #tpu.memory_space<semaphore_mem>>) src(%dma_wait3A_266 : memref<50257x2048xf32, #tpu.memory_space<hbm>>) dst(%dma_wait3A_260 : memref<8x2048xf32, #tpu.memory_space<vmem>>)
    %add3A_269 = arith.constant 24 : i32
    %add3A_270 = arith.addi %mul3A_2, %add3A_269 : i32
    %dma_start3A_271 = arith.constant 3 : i32
    %dma_start3A_272 = arith.constant 3 : i32
    %dma_start3A_273 = arith.constant 0 : i32
    %dma_start3A_274 = arith.constant 0 : i32
    %dma_start3A_275 = tpu.memref_slice %arg6[%dma_start3A_271, %dma_start3A_273, %dma_start3A_274] : memref<6x8x2048xf32, #tpu.memory_space<vmem>> -> memref<1x8x2048xf32, #tpu.memory_space<vmem>>
    %dma_start3A_276 = tpu.memref_squeeze %dma_start3A_275 : memref<1x8x2048xf32, #tpu.memory_space<vmem>> -> memref<8x2048xf32, #tpu.memory_space<vmem>>
    %dma_start3A_277 = arith.constant 0 : i32
    %dma_start3A_278 = tpu.memref_slice %arg4[%add3A_270, %dma_start3A_277] : memref<8192x2048xf32, #tpu.memory_space<hbm>> -> memref<8x2048xf32, #tpu.memory_space<hbm>>
    %dma_start3A_279 = tpu.memref_slice %arg8[%dma_start3A_272] : memref<6x!tpu.dma_semaphore, #tpu.memory_space<semaphore_mem>> -> memref<1x!tpu.dma_semaphore, #tpu.memory_space<semaphore_mem>>
    %dma_start3A_280 = tpu.memref_squeeze %dma_start3A_279 : memref<1x!tpu.dma_semaphore, #tpu.memory_space<semaphore_mem>> -> memref<!tpu.dma_semaphore, #tpu.memory_space<semaphore_mem>>
    %dma_start3A_281 = arith.constant 0 : i32
    %dma_start3A_282 = tpu.memref_slice %arg4[%add3A_270, %dma_start3A_281] : memref<8192x2048xf32, #tpu.memory_space<hbm>> -> memref<8x2048xf32, #tpu.memory_space<hbm>>
    %dma_start3A_283 = arith.constant 0 : i32
    %dma_start3A_284 = arith.constant 0 : i32
    %dma_start3A_285 = tpu.memref_slice %arg6[%dma_start3A_271, %dma_start3A_283, %dma_start3A_284] : memref<6x8x2048xf32, #tpu.memory_space<vmem>> -> memref<1x8x2048xf32, #tpu.memory_space<vmem>>
    %dma_start3A_286 = tpu.memref_squeeze %dma_start3A_285 : memref<1x8x2048xf32, #tpu.memory_space<vmem>> -> memref<8x2048xf32, #tpu.memory_space<vmem>>
    tpu.enqueue_dma source(%dma_start3A_286 : memref<8x2048xf32, #tpu.memory_space<vmem>>) target(%dma_start3A_282 : memref<8x2048xf32, #tpu.memory_space<hbm>>) target_semaphore(%dma_start3A_280 : memref<!tpu.dma_semaphore, #tpu.memory_space<semaphore_mem>>)
    %dma_wait3A_287 = arith.constant 2 : i32
    %dma_wait3A_288 = arith.constant 2 : i32
    %dma_wait3A_289 = arith.constant 0 : i32
    %dma_wait3A_290 = arith.constant 0 : i32
    %dma_wait3A_291 = tpu.memref_slice %arg6[%dma_wait3A_287, %dma_wait3A_289, %dma_wait3A_290] : memref<6x8x2048xf32, #tpu.memory_space<vmem>> -> memref<1x8x2048xf32, #tpu.memory_space<vmem>>
    %dma_wait3A_292 = tpu.memref_squeeze %dma_wait3A_291 : memref<1x8x2048xf32, #tpu.memory_space<vmem>> -> memref<8x2048xf32, #tpu.memory_space<vmem>>
    %dma_wait3A_293 = arith.constant 0 : i32
    %dma_wait3A_294 = tpu.memref_slice %arg4[%add3A_206, %dma_wait3A_293] : memref<8192x2048xf32, #tpu.memory_space<hbm>> -> memref<8x2048xf32, #tpu.memory_space<hbm>>
    %dma_wait3A_295 = tpu.memref_slice %arg8[%dma_wait3A_288] : memref<6x!tpu.dma_semaphore, #tpu.memory_space<semaphore_mem>> -> memref<1x!tpu.dma_semaphore, #tpu.memory_space<semaphore_mem>>
    %dma_wait3A_296 = tpu.memref_squeeze %dma_wait3A_295 : memref<1x!tpu.dma_semaphore, #tpu.memory_space<semaphore_mem>> -> memref<!tpu.dma_semaphore, #tpu.memory_space<semaphore_mem>>
    %dma_wait3A_297 = arith.constant 0 : i32
    %dma_wait3A_298 = tpu.memref_slice %arg4[%add3A_206, %dma_wait3A_297] : memref<8192x2048xf32, #tpu.memory_space<hbm>> -> memref<8x2048xf32, #tpu.memory_space<hbm>>
    %dma_wait3A_299 = arith.constant 0 : i32
    %dma_wait3A_300 = arith.constant 0 : i32
    %dma_wait3A_301 = tpu.memref_slice %arg6[%dma_wait3A_287, %dma_wait3A_299, %dma_wait3A_300] : memref<6x8x2048xf32, #tpu.memory_space<vmem>> -> memref<1x8x2048xf32, #tpu.memory_space<vmem>>
    %dma_wait3A_302 = tpu.memref_squeeze %dma_wait3A_301 : memref<1x8x2048xf32, #tpu.memory_space<vmem>> -> memref<8x2048xf32, #tpu.memory_space<vmem>>
    tpu.wait_dma2 semaphore(%dma_wait3A_296 : memref<!tpu.dma_semaphore, #tpu.memory_space<semaphore_mem>>) src(%dma_wait3A_302 : memref<8x2048xf32, #tpu.memory_space<vmem>>) dst(%dma_wait3A_298 : memref<8x2048xf32, #tpu.memory_space<hbm>>)
    %dma_start3A_303 = arith.constant 8 : i32
    %dma_start3A_304 = arith.constant 2 : i32
    %dma_start3A_305 = arith.constant 2 : i32
    %dma_start3A_306 = arith.constant 0 : i32
    %dma_start3A_307 = arith.constant 0 : i32
    %dma_start3A_308 = tpu.memref_slice %arg6[%dma_start3A_304, %dma_start3A_306, %dma_start3A_307] : memref<6x8x2048xf32, #tpu.memory_space<vmem>> -> memref<1x8x2048xf32, #tpu.memory_space<vmem>>
    %dma_start3A_309 = tpu.memref_squeeze %dma_start3A_308 : memref<1x8x2048xf32, #tpu.memory_space<vmem>> -> memref<8x2048xf32, #tpu.memory_space<vmem>>
    %dma_start3A_310 = arith.constant 0 : i32
    %dma_start3A_311 = tpu.memref_slice %arg5[%dma_start3A_303, %dma_start3A_310] : memref<32x8xi32, #tpu.memory_space<vmem>> -> memref<1x8xi32, #tpu.memory_space<vmem>>
    %dma_start3A_312 = tpu.memref_squeeze %dma_start3A_311 : memref<1x8xi32, #tpu.memory_space<vmem>> -> memref<8xi32, #tpu.memory_space<vmem>>
    %dma_start3A_313 = arith.constant 0 : i32
    %dma_start3A_314 = arith.constant 0 : i32
    %dma_start3A_315 = tpu.memref_slice %arg3[%dma_start3A_313, %dma_start3A_314] : memref<50257x2048xf32, #tpu.memory_space<hbm>> -> memref<50257x2048xf32, #tpu.memory_space<hbm>>
    %dma_start3A_316 = tpu.memref_slice %arg7[%dma_start3A_305] : memref<6x!tpu.dma_semaphore, #tpu.memory_space<semaphore_mem>> -> memref<1x!tpu.dma_semaphore, #tpu.memory_space<semaphore_mem>>
    %dma_start3A_317 = tpu.memref_squeeze %dma_start3A_316 : memref<1x!tpu.dma_semaphore, #tpu.memory_space<semaphore_mem>> -> memref<!tpu.dma_semaphore, #tpu.memory_space<semaphore_mem>>
    tpu.enqueue_indirect_dma source(%dma_start3A_315 : memref<50257x2048xf32, #tpu.memory_space<hbm>>) target(%dma_start3A_309 : memref<8x2048xf32, #tpu.memory_space<vmem>>) offsets(%dma_start3A_312 : memref<8xi32, #tpu.memory_space<vmem>>) semaphore(%dma_start3A_317 : memref<!tpu.dma_semaphore, #tpu.memory_space<semaphore_mem>>)
    %dma_wait3A_318 = arith.constant 4 : i32
    %dma_wait3A_319 = arith.constant 4 : i32
    %dma_wait3A_320 = arith.constant 4 : i32
    %dma_wait3A_321 = arith.constant 0 : i32
    %dma_wait3A_322 = arith.constant 0 : i32
    %dma_wait3A_323 = tpu.memref_slice %arg6[%dma_wait3A_319, %dma_wait3A_321, %dma_wait3A_322] : memref<6x8x2048xf32, #tpu.memory_space<vmem>> -> memref<1x8x2048xf32, #tpu.memory_space<vmem>>
    %dma_wait3A_324 = tpu.memref_squeeze %dma_wait3A_323 : memref<1x8x2048xf32, #tpu.memory_space<vmem>> -> memref<8x2048xf32, #tpu.memory_space<vmem>>
    %dma_wait3A_325 = arith.constant 0 : i32
    %dma_wait3A_326 = tpu.memref_slice %arg5[%dma_wait3A_318, %dma_wait3A_325] : memref<32x8xi32, #tpu.memory_space<vmem>> -> memref<1x8xi32, #tpu.memory_space<vmem>>
    %dma_wait3A_327 = tpu.memref_squeeze %dma_wait3A_326 : memref<1x8xi32, #tpu.memory_space<vmem>> -> memref<8xi32, #tpu.memory_space<vmem>>
    %dma_wait3A_328 = arith.constant 0 : i32
    %dma_wait3A_329 = arith.constant 0 : i32
    %dma_wait3A_330 = tpu.memref_slice %arg3[%dma_wait3A_328, %dma_wait3A_329] : memref<50257x2048xf32, #tpu.memory_space<hbm>> -> memref<50257x2048xf32, #tpu.memory_space<hbm>>
    %dma_wait3A_331 = tpu.memref_slice %arg7[%dma_wait3A_320] : memref<6x!tpu.dma_semaphore, #tpu.memory_space<semaphore_mem>> -> memref<1x!tpu.dma_semaphore, #tpu.memory_space<semaphore_mem>>
    %dma_wait3A_332 = tpu.memref_squeeze %dma_wait3A_331 : memref<1x!tpu.dma_semaphore, #tpu.memory_space<semaphore_mem>> -> memref<!tpu.dma_semaphore, #tpu.memory_space<semaphore_mem>>
    tpu.wait_indirect_dma semaphore(%dma_wait3A_332 : memref<!tpu.dma_semaphore, #tpu.memory_space<semaphore_mem>>) src(%dma_wait3A_330 : memref<50257x2048xf32, #tpu.memory_space<hbm>>) dst(%dma_wait3A_324 : memref<8x2048xf32, #tpu.memory_space<vmem>>)
    %add3A_333 = arith.constant 32 : i32
    %add3A_334 = arith.addi %mul3A_2, %add3A_333 : i32
    %dma_start3A_335 = arith.constant 4 : i32
    %dma_start3A_336 = arith.constant 4 : i32
    %dma_start3A_337 = arith.constant 0 : i32
    %dma_start3A_338 = arith.constant 0 : i32
    %dma_start3A_339 = tpu.memref_slice %arg6[%dma_start3A_335, %dma_start3A_337, %dma_start3A_338] : memref<6x8x2048xf32, #tpu.memory_space<vmem>> -> memref<1x8x2048xf32, #tpu.memory_space<vmem>>
    %dma_start3A_340 = tpu.memref_squeeze %dma_start3A_339 : memref<1x8x2048xf32, #tpu.memory_space<vmem>> -> memref<8x2048xf32, #tpu.memory_space<vmem>>
    %dma_start3A_341 = arith.constant 0 : i32
    %dma_start3A_342 = tpu.memref_slice %arg4[%add3A_334, %dma_start3A_341] : memref<8192x2048xf32, #tpu.memory_space<hbm>> -> memref<8x2048xf32, #tpu.memory_space<hbm>>
    %dma_start3A_343 = tpu.memref_slice %arg8[%dma_start3A_336] : memref<6x!tpu.dma_semaphore, #tpu.memory_space<semaphore_mem>> -> memref<1x!tpu.dma_semaphore, #tpu.memory_space<semaphore_mem>>
    %dma_start3A_344 = tpu.memref_squeeze %dma_start3A_343 : memref<1x!tpu.dma_semaphore, #tpu.memory_space<semaphore_mem>> -> memref<!tpu.dma_semaphore, #tpu.memory_space<semaphore_mem>>
    %dma_start3A_345 = arith.constant 0 : i32
    %dma_start3A_346 = tpu.memref_slice %arg4[%add3A_334, %dma_start3A_345] : memref<8192x2048xf32, #tpu.memory_space<hbm>> -> memref<8x2048xf32, #tpu.memory_space<hbm>>
    %dma_start3A_347 = arith.constant 0 : i32
    %dma_start3A_348 = arith.constant 0 : i32
    %dma_start3A_349 = tpu.memref_slice %arg6[%dma_start3A_335, %dma_start3A_347, %dma_start3A_348] : memref<6x8x2048xf32, #tpu.memory_space<vmem>> -> memref<1x8x2048xf32, #tpu.memory_space<vmem>>
    %dma_start3A_350 = tpu.memref_squeeze %dma_start3A_349 : memref<1x8x2048xf32, #tpu.memory_space<vmem>> -> memref<8x2048xf32, #tpu.memory_space<vmem>>
    tpu.enqueue_dma source(%dma_start3A_350 : memref<8x2048xf32, #tpu.memory_space<vmem>>) target(%dma_start3A_346 : memref<8x2048xf32, #tpu.memory_space<hbm>>) target_semaphore(%dma_start3A_344 : memref<!tpu.dma_semaphore, #tpu.memory_space<semaphore_mem>>)
    %dma_wait3A_351 = arith.constant 3 : i32
    %dma_wait3A_352 = arith.constant 3 : i32
    %dma_wait3A_353 = arith.constant 0 : i32
    %dma_wait3A_354 = arith.constant 0 : i32
    %dma_wait3A_355 = tpu.memref_slice %arg6[%dma_wait3A_351, %dma_wait3A_353, %dma_wait3A_354] : memref<6x8x2048xf32, #tpu.memory_space<vmem>> -> memref<1x8x2048xf32, #tpu.memory_space<vmem>>
    %dma_wait3A_356 = tpu.memref_squeeze %dma_wait3A_355 : memref<1x8x2048xf32, #tpu.memory_space<vmem>> -> memref<8x2048xf32, #tpu.memory_space<vmem>>
    %dma_wait3A_357 = arith.constant 0 : i32
    %dma_wait3A_358 = tpu.memref_slice %arg4[%add3A_270, %dma_wait3A_357] : memref<8192x2048xf32, #tpu.memory_space<hbm>> -> memref<8x2048xf32, #tpu.memory_space<hbm>>
    %dma_wait3A_359 = tpu.memref_slice %arg8[%dma_wait3A_352] : memref<6x!tpu.dma_semaphore, #tpu.memory_space<semaphore_mem>> -> memref<1x!tpu.dma_semaphore, #tpu.memory_space<semaphore_mem>>
    %dma_wait3A_360 = tpu.memref_squeeze %dma_wait3A_359 : memref<1x!tpu.dma_semaphore, #tpu.memory_space<semaphore_mem>> -> memref<!tpu.dma_semaphore, #tpu.memory_space<semaphore_mem>>
    %dma_wait3A_361 = arith.constant 0 : i32
    %dma_wait3A_362 = tpu.memref_slice %arg4[%add3A_270, %dma_wait3A_361] : memref<8192x2048xf32, #tpu.memory_space<hbm>> -> memref<8x2048xf32, #tpu.memory_space<hbm>>
    %dma_wait3A_363 = arith.constant 0 : i32
    %dma_wait3A_364 = arith.constant 0 : i32
    %dma_wait3A_365 = tpu.memref_slice %arg6[%dma_wait3A_351, %dma_wait3A_363, %dma_wait3A_364] : memref<6x8x2048xf32, #tpu.memory_space<vmem>> -> memref<1x8x2048xf32, #tpu.memory_space<vmem>>
    %dma_wait3A_366 = tpu.memref_squeeze %dma_wait3A_365 : memref<1x8x2048xf32, #tpu.memory_space<vmem>> -> memref<8x2048xf32, #tpu.memory_space<vmem>>
    tpu.wait_dma2 semaphore(%dma_wait3A_360 : memref<!tpu.dma_semaphore, #tpu.memory_space<semaphore_mem>>) src(%dma_wait3A_366 : memref<8x2048xf32, #tpu.memory_space<vmem>>) dst(%dma_wait3A_362 : memref<8x2048xf32, #tpu.memory_space<hbm>>)
    %dma_start3A_367 = arith.constant 9 : i32
    %dma_start3A_368 = arith.constant 3 : i32
    %dma_start3A_369 = arith.constant 3 : i32
    %dma_start3A_370 = arith.constant 0 : i32
    %dma_start3A_371 = arith.constant 0 : i32
    %dma_start3A_372 = tpu.memref_slice %arg6[%dma_start3A_368, %dma_start3A_370, %dma_start3A_371] : memref<6x8x2048xf32, #tpu.memory_space<vmem>> -> memref<1x8x2048xf32, #tpu.memory_space<vmem>>
    %dma_start3A_373 = tpu.memref_squeeze %dma_start3A_372 : memref<1x8x2048xf32, #tpu.memory_space<vmem>> -> memref<8x2048xf32, #tpu.memory_space<vmem>>
    %dma_start3A_374 = arith.constant 0 : i32
    %dma_start3A_375 = tpu.memref_slice %arg5[%dma_start3A_367, %dma_start3A_374] : memref<32x8xi32, #tpu.memory_space<vmem>> -> memref<1x8xi32, #tpu.memory_space<vmem>>
    %dma_start3A_376 = tpu.memref_squeeze %dma_start3A_375 : memref<1x8xi32, #tpu.memory_space<vmem>> -> memref<8xi32, #tpu.memory_space<vmem>>
    %dma_start3A_377 = arith.constant 0 : i32
    %dma_start3A_378 = arith.constant 0 : i32
    %dma_start3A_379 = tpu.memref_slice %arg3[%dma_start3A_377, %dma_start3A_378] : memref<50257x2048xf32, #tpu.memory_space<hbm>> -> memref<50257x2048xf32, #tpu.memory_space<hbm>>
    %dma_start3A_380 = tpu.memref_slice %arg7[%dma_start3A_369] : memref<6x!tpu.dma_semaphore, #tpu.memory_space<semaphore_mem>> -> memref<1x!tpu.dma_semaphore, #tpu.memory_space<semaphore_mem>>
    %dma_start3A_381 = tpu.memref_squeeze %dma_start3A_380 : memref<1x!tpu.dma_semaphore, #tpu.memory_space<semaphore_mem>> -> memref<!tpu.dma_semaphore, #tpu.memory_space<semaphore_mem>>
    tpu.enqueue_indirect_dma source(%dma_start3A_379 : memref<50257x2048xf32, #tpu.memory_space<hbm>>) target(%dma_start3A_373 : memref<8x2048xf32, #tpu.memory_space<vmem>>) offsets(%dma_start3A_376 : memref<8xi32, #tpu.memory_space<vmem>>) semaphore(%dma_start3A_381 : memref<!tpu.dma_semaphore, #tpu.memory_space<semaphore_mem>>)
    %dma_wait3A_382 = arith.constant 5 : i32
    %dma_wait3A_383 = arith.constant 5 : i32
    %dma_wait3A_384 = arith.constant 5 : i32
    %dma_wait3A_385 = arith.constant 0 : i32
    %dma_wait3A_386 = arith.constant 0 : i32
    %dma_wait3A_387 = tpu.memref_slice %arg6[%dma_wait3A_383, %dma_wait3A_385, %dma_wait3A_386] : memref<6x8x2048xf32, #tpu.memory_space<vmem>> -> memref<1x8x2048xf32, #tpu.memory_space<vmem>>
    %dma_wait3A_388 = tpu.memref_squeeze %dma_wait3A_387 : memref<1x8x2048xf32, #tpu.memory_space<vmem>> -> memref<8x2048xf32, #tpu.memory_space<vmem>>
    %dma_wait3A_389 = arith.constant 0 : i32
    %dma_wait3A_390 = tpu.memref_slice %arg5[%dma_wait3A_382, %dma_wait3A_389] : memref<32x8xi32, #tpu.memory_space<vmem>> -> memref<1x8xi32, #tpu.memory_space<vmem>>
    %dma_wait3A_391 = tpu.memref_squeeze %dma_wait3A_390 : memref<1x8xi32, #tpu.memory_space<vmem>> -> memref<8xi32, #tpu.memory_space<vmem>>
    %dma_wait3A_392 = arith.constant 0 : i32
    %dma_wait3A_393 = arith.constant 0 : i32
    %dma_wait3A_394 = tpu.memref_slice %arg3[%dma_wait3A_392, %dma_wait3A_393] : memref<50257x2048xf32, #tpu.memory_space<hbm>> -> memref<50257x2048xf32, #tpu.memory_space<hbm>>
    %dma_wait3A_395 = tpu.memref_slice %arg7[%dma_wait3A_384] : memref<6x!tpu.dma_semaphore, #tpu.memory_space<semaphore_mem>> -> memref<1x!tpu.dma_semaphore, #tpu.memory_space<semaphore_mem>>
    %dma_wait3A_396 = tpu.memref_squeeze %dma_wait3A_395 : memref<1x!tpu.dma_semaphore, #tpu.memory_space<semaphore_mem>> -> memref<!tpu.dma_semaphore, #tpu.memory_space<semaphore_mem>>
    tpu.wait_indirect_dma semaphore(%dma_wait3A_396 : memref<!tpu.dma_semaphore, #tpu.memory_space<semaphore_mem>>) src(%dma_wait3A_394 : memref<50257x2048xf32, #tpu.memory_space<hbm>>) dst(%dma_wait3A_388 : memref<8x2048xf32, #tpu.memory_space<vmem>>)
    %add3A_397 = arith.constant 40 : i32
    %add3A_398 = arith.addi %mul3A_2, %add3A_397 : i32
    %dma_start3A_399 = arith.constant 5 : i32
    %dma_start3A_400 = arith.constant 5 : i32
    %dma_start3A_401 = arith.constant 0 : i32
    %dma_start3A_402 = arith.constant 0 : i32
    %dma_start3A_403 = tpu.memref_slice %arg6[%dma_start3A_399, %dma_start3A_401, %dma_start3A_402] : memref<6x8x2048xf32, #tpu.memory_space<vmem>> -> memref<1x8x2048xf32, #tpu.memory_space<vmem>>
    %dma_start3A_404 = tpu.memref_squeeze %dma_start3A_403 : memref<1x8x2048xf32, #tpu.memory_space<vmem>> -> memref<8x2048xf32, #tpu.memory_space<vmem>>
    %dma_start3A_405 = arith.constant 0 : i32
    %dma_start3A_406 = tpu.memref_slice %arg4[%add3A_398, %dma_start3A_405] : memref<8192x2048xf32, #tpu.memory_space<hbm>> -> memref<8x2048xf32, #tpu.memory_space<hbm>>
    %dma_start3A_407 = tpu.memref_slice %arg8[%dma_start3A_400] : memref<6x!tpu.dma_semaphore, #tpu.memory_space<semaphore_mem>> -> memref<1x!tpu.dma_semaphore, #tpu.memory_space<semaphore_mem>>
    %dma_start3A_408 = tpu.memref_squeeze %dma_start3A_407 : memref<1x!tpu.dma_semaphore, #tpu.memory_space<semaphore_mem>> -> memref<!tpu.dma_semaphore, #tpu.memory_space<semaphore_mem>>
    %dma_start3A_409 = arith.constant 0 : i32
    %dma_start3A_410 = tpu.memref_slice %arg4[%add3A_398, %dma_start3A_409] : memref<8192x2048xf32, #tpu.memory_space<hbm>> -> memref<8x2048xf32, #tpu.memory_space<hbm>>
    %dma_start3A_411 = arith.constant 0 : i32
    %dma_start3A_412 = arith.constant 0 : i32
    %dma_start3A_413 = tpu.memref_slice %arg6[%dma_start3A_399, %dma_start3A_411, %dma_start3A_412] : memref<6x8x2048xf32, #tpu.memory_space<vmem>> -> memref<1x8x2048xf32, #tpu.memory_space<vmem>>
    %dma_start3A_414 = tpu.memref_squeeze %dma_start3A_413 : memref<1x8x2048xf32, #tpu.memory_space<vmem>> -> memref<8x2048xf32, #tpu.memory_space<vmem>>
    tpu.enqueue_dma source(%dma_start3A_414 : memref<8x2048xf32, #tpu.memory_space<vmem>>) target(%dma_start3A_410 : memref<8x2048xf32, #tpu.memory_space<hbm>>) target_semaphore(%dma_start3A_408 : memref<!tpu.dma_semaphore, #tpu.memory_space<semaphore_mem>>)
    %dma_wait3A_415 = arith.constant 4 : i32
    %dma_wait3A_416 = arith.constant 4 : i32
    %dma_wait3A_417 = arith.constant 0 : i32
    %dma_wait3A_418 = arith.constant 0 : i32
    %dma_wait3A_419 = tpu.memref_slice %arg6[%dma_wait3A_415, %dma_wait3A_417, %dma_wait3A_418] : memref<6x8x2048xf32, #tpu.memory_space<vmem>> -> memref<1x8x2048xf32, #tpu.memory_space<vmem>>
    %dma_wait3A_420 = tpu.memref_squeeze %dma_wait3A_419 : memref<1x8x2048xf32, #tpu.memory_space<vmem>> -> memref<8x2048xf32, #tpu.memory_space<vmem>>
    %dma_wait3A_421 = arith.constant 0 : i32
    %dma_wait3A_422 = tpu.memref_slice %arg4[%add3A_334, %dma_wait3A_421] : memref<8192x2048xf32, #tpu.memory_space<hbm>> -> memref<8x2048xf32, #tpu.memory_space<hbm>>
    %dma_wait3A_423 = tpu.memref_slice %arg8[%dma_wait3A_416] : memref<6x!tpu.dma_semaphore, #tpu.memory_space<semaphore_mem>> -> memref<1x!tpu.dma_semaphore, #tpu.memory_space<semaphore_mem>>
    %dma_wait3A_424 = tpu.memref_squeeze %dma_wait3A_423 : memref<1x!tpu.dma_semaphore, #tpu.memory_space<semaphore_mem>> -> memref<!tpu.dma_semaphore, #tpu.memory_space<semaphore_mem>>
    %dma_wait3A_425 = arith.constant 0 : i32
    %dma_wait3A_426 = tpu.memref_slice %arg4[%add3A_334, %dma_wait3A_425] : memref<8192x2048xf32, #tpu.memory_space<hbm>> -> memref<8x2048xf32, #tpu.memory_space<hbm>>
    %dma_wait3A_427 = arith.constant 0 : i32
    %dma_wait3A_428 = arith.constant 0 : i32
    %dma_wait3A_429 = tpu.memref_slice %arg6[%dma_wait3A_415, %dma_wait3A_427, %dma_wait3A_428] : memref<6x8x2048xf32, #tpu.memory_space<vmem>> -> memref<1x8x2048xf32, #tpu.memory_space<vmem>>
    %dma_wait3A_430 = tpu.memref_squeeze %dma_wait3A_429 : memref<1x8x2048xf32, #tpu.memory_space<vmem>> -> memref<8x2048xf32, #tpu.memory_space<vmem>>
    tpu.wait_dma2 semaphore(%dma_wait3A_424 : memref<!tpu.dma_semaphore, #tpu.memory_space<semaphore_mem>>) src(%dma_wait3A_430 : memref<8x2048xf32, #tpu.memory_space<vmem>>) dst(%dma_wait3A_426 : memref<8x2048xf32, #tpu.memory_space<hbm>>)
    %dma_start3A_431 = arith.constant 10 : i32
    %dma_start3A_432 = arith.constant 4 : i32
    %dma_start3A_433 = arith.constant 4 : i32
    %dma_start3A_434 = arith.constant 0 : i32
    %dma_start3A_435 = arith.constant 0 : i32
    %dma_start3A_436 = tpu.memref_slice %arg6[%dma_start3A_432, %dma_start3A_434, %dma_start3A_435] : memref<6x8x2048xf32, #tpu.memory_space<vmem>> -> memref<1x8x2048xf32, #tpu.memory_space<vmem>>
    %dma_start3A_437 = tpu.memref_squeeze %dma_start3A_436 : memref<1x8x2048xf32, #tpu.memory_space<vmem>> -> memref<8x2048xf32, #tpu.memory_space<vmem>>
    %dma_start3A_438 = arith.constant 0 : i32
    %dma_start3A_439 = tpu.memref_slice %arg5[%dma_start3A_431, %dma_start3A_438] : memref<32x8xi32, #tpu.memory_space<vmem>> -> memref<1x8xi32, #tpu.memory_space<vmem>>
    %dma_start3A_440 = tpu.memref_squeeze %dma_start3A_439 : memref<1x8xi32, #tpu.memory_space<vmem>> -> memref<8xi32, #tpu.memory_space<vmem>>
    %dma_start3A_441 = arith.constant 0 : i32
    %dma_start3A_442 = arith.constant 0 : i32
    %dma_start3A_443 = tpu.memref_slice %arg3[%dma_start3A_441, %dma_start3A_442] : memref<50257x2048xf32, #tpu.memory_space<hbm>> -> memref<50257x2048xf32, #tpu.memory_space<hbm>>
    %dma_start3A_444 = tpu.memref_slice %arg7[%dma_start3A_433] : memref<6x!tpu.dma_semaphore, #tpu.memory_space<semaphore_mem>> -> memref<1x!tpu.dma_semaphore, #tpu.memory_space<semaphore_mem>>
    %dma_start3A_445 = tpu.memref_squeeze %dma_start3A_444 : memref<1x!tpu.dma_semaphore, #tpu.memory_space<semaphore_mem>> -> memref<!tpu.dma_semaphore, #tpu.memory_space<semaphore_mem>>
    tpu.enqueue_indirect_dma source(%dma_start3A_443 : memref<50257x2048xf32, #tpu.memory_space<hbm>>) target(%dma_start3A_437 : memref<8x2048xf32, #tpu.memory_space<vmem>>) offsets(%dma_start3A_440 : memref<8xi32, #tpu.memory_space<vmem>>) semaphore(%dma_start3A_445 : memref<!tpu.dma_semaphore, #tpu.memory_space<semaphore_mem>>)
    %dma_wait3A_446 = arith.constant 6 : i32
    %dma_wait3A_447 = arith.constant 0 : i32
    %dma_wait3A_448 = arith.constant 0 : i32
    %dma_wait3A_449 = arith.constant 0 : i32
    %dma_wait3A_450 = arith.constant 0 : i32
    %dma_wait3A_451 = tpu.memref_slice %arg6[%dma_wait3A_447, %dma_wait3A_449, %dma_wait3A_450] : memref<6x8x2048xf32, #tpu.memory_space<vmem>> -> memref<1x8x2048xf32, #tpu.memory_space<vmem>>
    %dma_wait3A_452 = tpu.memref_squeeze %dma_wait3A_451 : memref<1x8x2048xf32, #tpu.memory_space<vmem>> -> memref<8x2048xf32, #tpu.memory_space<vmem>>
    %dma_wait3A_453 = arith.constant 0 : i32
    %dma_wait3A_454 = tpu.memref_slice %arg5[%dma_wait3A_446, %dma_wait3A_453] : memref<32x8xi32, #tpu.memory_space<vmem>> -> memref<1x8xi32, #tpu.memory_space<vmem>>
    %dma_wait3A_455 = tpu.memref_squeeze %dma_wait3A_454 : memref<1x8xi32, #tpu.memory_space<vmem>> -> memref<8xi32, #tpu.memory_space<vmem>>
    %dma_wait3A_456 = arith.constant 0 : i32
    %dma_wait3A_457 = arith.constant 0 : i32
    %dma_wait3A_458 = tpu.memref_slice %arg3[%dma_wait3A_456, %dma_wait3A_457] : memref<50257x2048xf32, #tpu.memory_space<hbm>> -> memref<50257x2048xf32, #tpu.memory_space<hbm>>
    %dma_wait3A_459 = tpu.memref_slice %arg7[%dma_wait3A_448] : memref<6x!tpu.dma_semaphore, #tpu.memory_space<semaphore_mem>> -> memref<1x!tpu.dma_semaphore, #tpu.memory_space<semaphore_mem>>
    %dma_wait3A_460 = tpu.memref_squeeze %dma_wait3A_459 : memref<1x!tpu.dma_semaphore, #tpu.memory_space<semaphore_mem>> -> memref<!tpu.dma_semaphore, #tpu.memory_space<semaphore_mem>>
    tpu.wait_indirect_dma semaphore(%dma_wait3A_460 : memref<!tpu.dma_semaphore, #tpu.memory_space<semaphore_mem>>) src(%dma_wait3A_458 : memref<50257x2048xf32, #tpu.memory_space<hbm>>) dst(%dma_wait3A_452 : memref<8x2048xf32, #tpu.memory_space<vmem>>)
    %add3A_461 = arith.constant 48 : i32
    %add3A_462 = arith.addi %mul3A_2, %add3A_461 : i32
    %dma_start3A_463 = arith.constant 0 : i32
    %dma_start3A_464 = arith.constant 0 : i32
    %dma_start3A_465 = arith.constant 0 : i32
    %dma_start3A_466 = arith.constant 0 : i32
    %dma_start3A_467 = tpu.memref_slice %arg6[%dma_start3A_463, %dma_start3A_465, %dma_start3A_466] : memref<6x8x2048xf32, #tpu.memory_space<vmem>> -> memref<1x8x2048xf32, #tpu.memory_space<vmem>>
    %dma_start3A_468 = tpu.memref_squeeze %dma_start3A_467 : memref<1x8x2048xf32, #tpu.memory_space<vmem>> -> memref<8x2048xf32, #tpu.memory_space<vmem>>
    %dma_start3A_469 = arith.constant 0 : i32
    %dma_start3A_470 = tpu.memref_slice %arg4[%add3A_462, %dma_start3A_469] : memref<8192x2048xf32, #tpu.memory_space<hbm>> -> memref<8x2048xf32, #tpu.memory_space<hbm>>
    %dma_start3A_471 = tpu.memref_slice %arg8[%dma_start3A_464] : memref<6x!tpu.dma_semaphore, #tpu.memory_space<semaphore_mem>> -> memref<1x!tpu.dma_semaphore, #tpu.memory_space<semaphore_mem>>
    %dma_start3A_472 = tpu.memref_squeeze %dma_start3A_471 : memref<1x!tpu.dma_semaphore, #tpu.memory_space<semaphore_mem>> -> memref<!tpu.dma_semaphore, #tpu.memory_space<semaphore_mem>>
    %dma_start3A_473 = arith.constant 0 : i32
    %dma_start3A_474 = tpu.memref_slice %arg4[%add3A_462, %dma_start3A_473] : memref<8192x2048xf32, #tpu.memory_space<hbm>> -> memref<8x2048xf32, #tpu.memory_space<hbm>>
    %dma_start3A_475 = arith.constant 0 : i32
    %dma_start3A_476 = arith.constant 0 : i32
    %dma_start3A_477 = tpu.memref_slice %arg6[%dma_start3A_463, %dma_start3A_475, %dma_start3A_476] : memref<6x8x2048xf32, #tpu.memory_space<vmem>> -> memref<1x8x2048xf32, #tpu.memory_space<vmem>>
    %dma_start3A_478 = tpu.memref_squeeze %dma_start3A_477 : memref<1x8x2048xf32, #tpu.memory_space<vmem>> -> memref<8x2048xf32, #tpu.memory_space<vmem>>
    tpu.enqueue_dma source(%dma_start3A_478 : memref<8x2048xf32, #tpu.memory_space<vmem>>) target(%dma_start3A_474 : memref<8x2048xf32, #tpu.memory_space<hbm>>) target_semaphore(%dma_start3A_472 : memref<!tpu.dma_semaphore, #tpu.memory_space<semaphore_mem>>)
    %dma_wait3A_479 = arith.constant 5 : i32
    %dma_wait3A_480 = arith.constant 5 : i32
    %dma_wait3A_481 = arith.constant 0 : i32
    %dma_wait3A_482 = arith.constant 0 : i32
    %dma_wait3A_483 = tpu.memref_slice %arg6[%dma_wait3A_479, %dma_wait3A_481, %dma_wait3A_482] : memref<6x8x2048xf32, #tpu.memory_space<vmem>> -> memref<1x8x2048xf32, #tpu.memory_space<vmem>>
    %dma_wait3A_484 = tpu.memref_squeeze %dma_wait3A_483 : memref<1x8x2048xf32, #tpu.memory_space<vmem>> -> memref<8x2048xf32, #tpu.memory_space<vmem>>
    %dma_wait3A_485 = arith.constant 0 : i32
    %dma_wait3A_486 = tpu.memref_slice %arg4[%add3A_398, %dma_wait3A_485] : memref<8192x2048xf32, #tpu.memory_space<hbm>> -> memref<8x2048xf32, #tpu.memory_space<hbm>>
    %dma_wait3A_487 = tpu.memref_slice %arg8[%dma_wait3A_480] : memref<6x!tpu.dma_semaphore, #tpu.memory_space<semaphore_mem>> -> memref<1x!tpu.dma_semaphore, #tpu.memory_space<semaphore_mem>>
    %dma_wait3A_488 = tpu.memref_squeeze %dma_wait3A_487 : memref<1x!tpu.dma_semaphore, #tpu.memory_space<semaphore_mem>> -> memref<!tpu.dma_semaphore, #tpu.memory_space<semaphore_mem>>
    %dma_wait3A_489 = arith.constant 0 : i32
    %dma_wait3A_490 = tpu.memref_slice %arg4[%add3A_398, %dma_wait3A_489] : memref<8192x2048xf32, #tpu.memory_space<hbm>> -> memref<8x2048xf32, #tpu.memory_space<hbm>>
    %dma_wait3A_491 = arith.constant 0 : i32
    %dma_wait3A_492 = arith.constant 0 : i32
    %dma_wait3A_493 = tpu.memref_slice %arg6[%dma_wait3A_479, %dma_wait3A_491, %dma_wait3A_492] : memref<6x8x2048xf32, #tpu.memory_space<vmem>> -> memref<1x8x2048xf32, #tpu.memory_space<vmem>>
    %dma_wait3A_494 = tpu.memref_squeeze %dma_wait3A_493 : memref<1x8x2048xf32, #tpu.memory_space<vmem>> -> memref<8x2048xf32, #tpu.memory_space<vmem>>
    tpu.wait_dma2 semaphore(%dma_wait3A_488 : memref<!tpu.dma_semaphore, #tpu.memory_space<semaphore_mem>>) src(%dma_wait3A_494 : memref<8x2048xf32, #tpu.memory_space<vmem>>) dst(%dma_wait3A_490 : memref<8x2048xf32, #tpu.memory_space<hbm>>)
    %dma_start3A_495 = arith.constant 11 : i32
    %dma_start3A_496 = arith.constant 5 : i32
    %dma_start3A_497 = arith.constant 5 : i32
    %dma_start3A_498 = arith.constant 0 : i32
    %dma_start3A_499 = arith.constant 0 : i32
    %dma_start3A_500 = tpu.memref_slice %arg6[%dma_start3A_496, %dma_start3A_498, %dma_start3A_499] : memref<6x8x2048xf32, #tpu.memory_space<vmem>> -> memref<1x8x2048xf32, #tpu.memory_space<vmem>>
    %dma_start3A_501 = tpu.memref_squeeze %dma_start3A_500 : memref<1x8x2048xf32, #tpu.memory_space<vmem>> -> memref<8x2048xf32, #tpu.memory_space<vmem>>
    %dma_start3A_502 = arith.constant 0 : i32
    %dma_start3A_503 = tpu.memref_slice %arg5[%dma_start3A_495, %dma_start3A_502] : memref<32x8xi32, #tpu.memory_space<vmem>> -> memref<1x8xi32, #tpu.memory_space<vmem>>
    %dma_start3A_504 = tpu.memref_squeeze %dma_start3A_503 : memref<1x8xi32, #tpu.memory_space<vmem>> -> memref<8xi32, #tpu.memory_space<vmem>>
    %dma_start3A_505 = arith.constant 0 : i32
    %dma_start3A_506 = arith.constant 0 : i32
    %dma_start3A_507 = tpu.memref_slice %arg3[%dma_start3A_505, %dma_start3A_506] : memref<50257x2048xf32, #tpu.memory_space<hbm>> -> memref<50257x2048xf32, #tpu.memory_space<hbm>>
    %dma_start3A_508 = tpu.memref_slice %arg7[%dma_start3A_497] : memref<6x!tpu.dma_semaphore, #tpu.memory_space<semaphore_mem>> -> memref<1x!tpu.dma_semaphore, #tpu.memory_space<semaphore_mem>>
    %dma_start3A_509 = tpu.memref_squeeze %dma_start3A_508 : memref<1x!tpu.dma_semaphore, #tpu.memory_space<semaphore_mem>> -> memref<!tpu.dma_semaphore, #tpu.memory_space<semaphore_mem>>
    tpu.enqueue_indirect_dma source(%dma_start3A_507 : memref<50257x2048xf32, #tpu.memory_space<hbm>>) target(%dma_start3A_501 : memref<8x2048xf32, #tpu.memory_space<vmem>>) offsets(%dma_start3A_504 : memref<8xi32, #tpu.memory_space<vmem>>) semaphore(%dma_start3A_509 : memref<!tpu.dma_semaphore, #tpu.memory_space<semaphore_mem>>)
    %dma_wait3A_510 = arith.constant 7 : i32
    %dma_wait3A_511 = arith.constant 1 : i32
    %dma_wait3A_512 = arith.constant 1 : i32
    %dma_wait3A_513 = arith.constant 0 : i32
    %dma_wait3A_514 = arith.constant 0 : i32
    %dma_wait3A_515 = tpu.memref_slice %arg6[%dma_wait3A_511, %dma_wait3A_513, %dma_wait3A_514] : memref<6x8x2048xf32, #tpu.memory_space<vmem>> -> memref<1x8x2048xf32, #tpu.memory_space<vmem>>
    %dma_wait3A_516 = tpu.memref_squeeze %dma_wait3A_515 : memref<1x8x2048xf32, #tpu.memory_space<vmem>> -> memref<8x2048xf32, #tpu.memory_space<vmem>>
    %dma_wait3A_517 = arith.constant 0 : i32
    %dma_wait3A_518 = tpu.memref_slice %arg5[%dma_wait3A_510, %dma_wait3A_517] : memref<32x8xi32, #tpu.memory_space<vmem>> -> memref<1x8xi32, #tpu.memory_space<vmem>>
    %dma_wait3A_519 = tpu.memref_squeeze %dma_wait3A_518 : memref<1x8xi32, #tpu.memory_space<vmem>> -> memref<8xi32, #tpu.memory_space<vmem>>
    %dma_wait3A_520 = arith.constant 0 : i32
    %dma_wait3A_521 = arith.constant 0 : i32
    %dma_wait3A_522 = tpu.memref_slice %arg3[%dma_wait3A_520, %dma_wait3A_521] : memref<50257x2048xf32, #tpu.memory_space<hbm>> -> memref<50257x2048xf32, #tpu.memory_space<hbm>>
    %dma_wait3A_523 = tpu.memref_slice %arg7[%dma_wait3A_512] : memref<6x!tpu.dma_semaphore, #tpu.memory_space<semaphore_mem>> -> memref<1x!tpu.dma_semaphore, #tpu.memory_space<semaphore_mem>>
    %dma_wait3A_524 = tpu.memref_squeeze %dma_wait3A_523 : memref<1x!tpu.dma_semaphore, #tpu.memory_space<semaphore_mem>> -> memref<!tpu.dma_semaphore, #tpu.memory_space<semaphore_mem>>
    tpu.wait_indirect_dma semaphore(%dma_wait3A_524 : memref<!tpu.dma_semaphore, #tpu.memory_space<semaphore_mem>>) src(%dma_wait3A_522 : memref<50257x2048xf32, #tpu.memory_space<hbm>>) dst(%dma_wait3A_516 : memref<8x2048xf32, #tpu.memory_space<vmem>>)
    %add3A_525 = arith.constant 56 : i32
    %add3A_526 = arith.addi %mul3A_2, %add3A_525 : i32
    %dma_start3A_527 = arith.constant 1 : i32
    %dma_start3A_528 = arith.constant 1 : i32
    %dma_start3A_529 = arith.constant 0 : i32
    %dma_start3A_530 = arith.constant 0 : i32
    %dma_start3A_531 = tpu.memref_slice %arg6[%dma_start3A_527, %dma_start3A_529, %dma_start3A_530] : memref<6x8x2048xf32, #tpu.memory_space<vmem>> -> memref<1x8x2048xf32, #tpu.memory_space<vmem>>
    %dma_start3A_532 = tpu.memref_squeeze %dma_start3A_531 : memref<1x8x2048xf32, #tpu.memory_space<vmem>> -> memref<8x2048xf32, #tpu.memory_space<vmem>>
    %dma_start3A_533 = arith.constant 0 : i32
    %dma_start3A_534 = tpu.memref_slice %arg4[%add3A_526, %dma_start3A_533] : memref<8192x2048xf32, #tpu.memory_space<hbm>> -> memref<8x2048xf32, #tpu.memory_space<hbm>>
    %dma_start3A_535 = tpu.memref_slice %arg8[%dma_start3A_528] : memref<6x!tpu.dma_semaphore, #tpu.memory_space<semaphore_mem>> -> memref<1x!tpu.dma_semaphore, #tpu.memory_space<semaphore_mem>>
    %dma_start3A_536 = tpu.memref_squeeze %dma_start3A_535 : memref<1x!tpu.dma_semaphore, #tpu.memory_space<semaphore_mem>> -> memref<!tpu.dma_semaphore, #tpu.memory_space<semaphore_mem>>
    %dma_start3A_537 = arith.constant 0 : i32
    %dma_start3A_538 = tpu.memref_slice %arg4[%add3A_526, %dma_start3A_537] : memref<8192x2048xf32, #tpu.memory_space<hbm>> -> memref<8x2048xf32, #tpu.memory_space<hbm>>
    %dma_start3A_539 = arith.constant 0 : i32
    %dma_start3A_540 = arith.constant 0 : i32
    %dma_start3A_541 = tpu.memref_slice %arg6[%dma_start3A_527, %dma_start3A_539, %dma_start3A_540] : memref<6x8x2048xf32, #tpu.memory_space<vmem>> -> memref<1x8x2048xf32, #tpu.memory_space<vmem>>
    %dma_start3A_542 = tpu.memref_squeeze %dma_start3A_541 : memref<1x8x2048xf32, #tpu.memory_space<vmem>> -> memref<8x2048xf32, #tpu.memory_space<vmem>>
    tpu.enqueue_dma source(%dma_start3A_542 : memref<8x2048xf32, #tpu.memory_space<vmem>>) target(%dma_start3A_538 : memref<8x2048xf32, #tpu.memory_space<hbm>>) target_semaphore(%dma_start3A_536 : memref<!tpu.dma_semaphore, #tpu.memory_space<semaphore_mem>>)
    %dma_wait3A_543 = arith.constant 0 : i32
    %dma_wait3A_544 = arith.constant 0 : i32
    %dma_wait3A_545 = arith.constant 0 : i32
    %dma_wait3A_546 = arith.constant 0 : i32
    %dma_wait3A_547 = tpu.memref_slice %arg6[%dma_wait3A_543, %dma_wait3A_545, %dma_wait3A_546] : memref<6x8x2048xf32, #tpu.memory_space<vmem>> -> memref<1x8x2048xf32, #tpu.memory_space<vmem>>
    %dma_wait3A_548 = tpu.memref_squeeze %dma_wait3A_547 : memref<1x8x2048xf32, #tpu.memory_space<vmem>> -> memref<8x2048xf32, #tpu.memory_space<vmem>>
    %dma_wait3A_549 = arith.constant 0 : i32
    %dma_wait3A_550 = tpu.memref_slice %arg4[%add3A_462, %dma_wait3A_549] : memref<8192x2048xf32, #tpu.memory_space<hbm>> -> memref<8x2048xf32, #tpu.memory_space<hbm>>
    %dma_wait3A_551 = tpu.memref_slice %arg8[%dma_wait3A_544] : memref<6x!tpu.dma_semaphore, #tpu.memory_space<semaphore_mem>> -> memref<1x!tpu.dma_semaphore, #tpu.memory_space<semaphore_mem>>
    %dma_wait3A_552 = tpu.memref_squeeze %dma_wait3A_551 : memref<1x!tpu.dma_semaphore, #tpu.memory_space<semaphore_mem>> -> memref<!tpu.dma_semaphore, #tpu.memory_space<semaphore_mem>>
    %dma_wait3A_553 = arith.constant 0 : i32
    %dma_wait3A_554 = tpu.memref_slice %arg4[%add3A_462, %dma_wait3A_553] : memref<8192x2048xf32, #tpu.memory_space<hbm>> -> memref<8x2048xf32, #tpu.memory_space<hbm>>
    %dma_wait3A_555 = arith.constant 0 : i32
    %dma_wait3A_556 = arith.constant 0 : i32
    %dma_wait3A_557 = tpu.memref_slice %arg6[%dma_wait3A_543, %dma_wait3A_555, %dma_wait3A_556] : memref<6x8x2048xf32, #tpu.memory_space<vmem>> -> memref<1x8x2048xf32, #tpu.memory_space<vmem>>
    %dma_wait3A_558 = tpu.memref_squeeze %dma_wait3A_557 : memref<1x8x2048xf32, #tpu.memory_space<vmem>> -> memref<8x2048xf32, #tpu.memory_space<vmem>>
    tpu.wait_dma2 semaphore(%dma_wait3A_552 : memref<!tpu.dma_semaphore, #tpu.memory_space<semaphore_mem>>) src(%dma_wait3A_558 : memref<8x2048xf32, #tpu.memory_space<vmem>>) dst(%dma_wait3A_554 : memref<8x2048xf32, #tpu.memory_space<hbm>>)
    %dma_start3A_559 = arith.constant 12 : i32
    %dma_start3A_560 = arith.constant 0 : i32
    %dma_start3A_561 = arith.constant 0 : i32
    %dma_start3A_562 = arith.constant 0 : i32
    %dma_start3A_563 = arith.constant 0 : i32
    %dma_start3A_564 = tpu.memref_slice %arg6[%dma_start3A_560, %dma_start3A_562, %dma_start3A_563] : memref<6x8x2048xf32, #tpu.memory_space<vmem>> -> memref<1x8x2048xf32, #tpu.memory_space<vmem>>
    %dma_start3A_565 = tpu.memref_squeeze %dma_start3A_564 : memref<1x8x2048xf32, #tpu.memory_space<vmem>> -> memref<8x2048xf32, #tpu.memory_space<vmem>>
    %dma_start3A_566 = arith.constant 0 : i32
    %dma_start3A_567 = tpu.memref_slice %arg5[%dma_start3A_559, %dma_start3A_566] : memref<32x8xi32, #tpu.memory_space<vmem>> -> memref<1x8xi32, #tpu.memory_space<vmem>>
    %dma_start3A_568 = tpu.memref_squeeze %dma_start3A_567 : memref<1x8xi32, #tpu.memory_space<vmem>> -> memref<8xi32, #tpu.memory_space<vmem>>
    %dma_start3A_569 = arith.constant 0 : i32
    %dma_start3A_570 = arith.constant 0 : i32
    %dma_start3A_571 = tpu.memref_slice %arg3[%dma_start3A_569, %dma_start3A_570] : memref<50257x2048xf32, #tpu.memory_space<hbm>> -> memref<50257x2048xf32, #tpu.memory_space<hbm>>
    %dma_start3A_572 = tpu.memref_slice %arg7[%dma_start3A_561] : memref<6x!tpu.dma_semaphore, #tpu.memory_space<semaphore_mem>> -> memref<1x!tpu.dma_semaphore, #tpu.memory_space<semaphore_mem>>
    %dma_start3A_573 = tpu.memref_squeeze %dma_start3A_572 : memref<1x!tpu.dma_semaphore, #tpu.memory_space<semaphore_mem>> -> memref<!tpu.dma_semaphore, #tpu.memory_space<semaphore_mem>>
    tpu.enqueue_indirect_dma source(%dma_start3A_571 : memref<50257x2048xf32, #tpu.memory_space<hbm>>) target(%dma_start3A_565 : memref<8x2048xf32, #tpu.memory_space<vmem>>) offsets(%dma_start3A_568 : memref<8xi32, #tpu.memory_space<vmem>>) semaphore(%dma_start3A_573 : memref<!tpu.dma_semaphore, #tpu.memory_space<semaphore_mem>>)
    %dma_wait3A_574 = arith.constant 8 : i32
    %dma_wait3A_575 = arith.constant 2 : i32
    %dma_wait3A_576 = arith.constant 2 : i32
    %dma_wait3A_577 = arith.constant 0 : i32
    %dma_wait3A_578 = arith.constant 0 : i32
    %dma_wait3A_579 = tpu.memref_slice %arg6[%dma_wait3A_575, %dma_wait3A_577, %dma_wait3A_578] : memref<6x8x2048xf32, #tpu.memory_space<vmem>> -> memref<1x8x2048xf32, #tpu.memory_space<vmem>>
    %dma_wait3A_580 = tpu.memref_squeeze %dma_wait3A_579 : memref<1x8x2048xf32, #tpu.memory_space<vmem>> -> memref<8x2048xf32, #tpu.memory_space<vmem>>
    %dma_wait3A_581 = arith.constant 0 : i32
    %dma_wait3A_582 = tpu.memref_slice %arg5[%dma_wait3A_574, %dma_wait3A_581] : memref<32x8xi32, #tpu.memory_space<vmem>> -> memref<1x8xi32, #tpu.memory_space<vmem>>
    %dma_wait3A_583 = tpu.memref_squeeze %dma_wait3A_582 : memref<1x8xi32, #tpu.memory_space<vmem>> -> memref<8xi32, #tpu.memory_space<vmem>>
    %dma_wait3A_584 = arith.constant 0 : i32
    %dma_wait3A_585 = arith.constant 0 : i32
    %dma_wait3A_586 = tpu.memref_slice %arg3[%dma_wait3A_584, %dma_wait3A_585] : memref<50257x2048xf32, #tpu.memory_space<hbm>> -> memref<50257x2048xf32, #tpu.memory_space<hbm>>
    %dma_wait3A_587 = tpu.memref_slice %arg7[%dma_wait3A_576] : memref<6x!tpu.dma_semaphore, #tpu.memory_space<semaphore_mem>> -> memref<1x!tpu.dma_semaphore, #tpu.memory_space<semaphore_mem>>
    %dma_wait3A_588 = tpu.memref_squeeze %dma_wait3A_587 : memref<1x!tpu.dma_semaphore, #tpu.memory_space<semaphore_mem>> -> memref<!tpu.dma_semaphore, #tpu.memory_space<semaphore_mem>>
    tpu.wait_indirect_dma semaphore(%dma_wait3A_588 : memref<!tpu.dma_semaphore, #tpu.memory_space<semaphore_mem>>) src(%dma_wait3A_586 : memref<50257x2048xf32, #tpu.memory_space<hbm>>) dst(%dma_wait3A_580 : memref<8x2048xf32, #tpu.memory_space<vmem>>)
    %add3A_589 = arith.constant 64 : i32
    %add3A_590 = arith.addi %mul3A_2, %add3A_589 : i32
    %dma_start3A_591 = arith.constant 2 : i32
    %dma_start3A_592 = arith.constant 2 : i32
    %dma_start3A_593 = arith.constant 0 : i32
    %dma_start3A_594 = arith.constant 0 : i32
    %dma_start3A_595 = tpu.memref_slice %arg6[%dma_start3A_591, %dma_start3A_593, %dma_start3A_594] : memref<6x8x2048xf32, #tpu.memory_space<vmem>> -> memref<1x8x2048xf32, #tpu.memory_space<vmem>>
    %dma_start3A_596 = tpu.memref_squeeze %dma_start3A_595 : memref<1x8x2048xf32, #tpu.memory_space<vmem>> -> memref<8x2048xf32, #tpu.memory_space<vmem>>
    %dma_start3A_597 = arith.constant 0 : i32
    %dma_start3A_598 = tpu.memref_slice %arg4[%add3A_590, %dma_start3A_597] : memref<8192x2048xf32, #tpu.memory_space<hbm>> -> memref<8x2048xf32, #tpu.memory_space<hbm>>
    %dma_start3A_599 = tpu.memref_slice %arg8[%dma_start3A_592] : memref<6x!tpu.dma_semaphore, #tpu.memory_space<semaphore_mem>> -> memref<1x!tpu.dma_semaphore, #tpu.memory_space<semaphore_mem>>
    %dma_start3A_600 = tpu.memref_squeeze %dma_start3A_599 : memref<1x!tpu.dma_semaphore, #tpu.memory_space<semaphore_mem>> -> memref<!tpu.dma_semaphore, #tpu.memory_space<semaphore_mem>>
    %dma_start3A_601 = arith.constant 0 : i32
    %dma_start3A_602 = tpu.memref_slice %arg4[%add3A_590, %dma_start3A_601] : memref<8192x2048xf32, #tpu.memory_space<hbm>> -> memref<8x2048xf32, #tpu.memory_space<hbm>>
    %dma_start3A_603 = arith.constant 0 : i32
    %dma_start3A_604 = arith.constant 0 : i32
    %dma_start3A_605 = tpu.memref_slice %arg6[%dma_start3A_591, %dma_start3A_603, %dma_start3A_604] : memref<6x8x2048xf32, #tpu.memory_space<vmem>> -> memref<1x8x2048xf32, #tpu.memory_space<vmem>>
    %dma_start3A_606 = tpu.memref_squeeze %dma_start3A_605 : memref<1x8x2048xf32, #tpu.memory_space<vmem>> -> memref<8x2048xf32, #tpu.memory_space<vmem>>
    tpu.enqueue_dma source(%dma_start3A_606 : memref<8x2048xf32, #tpu.memory_space<vmem>>) target(%dma_start3A_602 : memref<8x2048xf32, #tpu.memory_space<hbm>>) target_semaphore(%dma_start3A_600 : memref<!tpu.dma_semaphore, #tpu.memory_space<semaphore_mem>>)
    %dma_wait3A_607 = arith.constant 1 : i32
    %dma_wait3A_608 = arith.constant 1 : i32
    %dma_wait3A_609 = arith.constant 0 : i32
    %dma_wait3A_610 = arith.constant 0 : i32
    %dma_wait3A_611 = tpu.memref_slice %arg6[%dma_wait3A_607, %dma_wait3A_609, %dma_wait3A_610] : memref<6x8x2048xf32, #tpu.memory_space<vmem>> -> memref<1x8x2048xf32, #tpu.memory_space<vmem>>
    %dma_wait3A_612 = tpu.memref_squeeze %dma_wait3A_611 : memref<1x8x2048xf32, #tpu.memory_space<vmem>> -> memref<8x2048xf32, #tpu.memory_space<vmem>>
    %dma_wait3A_613 = arith.constant 0 : i32
    %dma_wait3A_614 = tpu.memref_slice %arg4[%add3A_526, %dma_wait3A_613] : memref<8192x2048xf32, #tpu.memory_space<hbm>> -> memref<8x2048xf32, #tpu.memory_space<hbm>>
    %dma_wait3A_615 = tpu.memref_slice %arg8[%dma_wait3A_608] : memref<6x!tpu.dma_semaphore, #tpu.memory_space<semaphore_mem>> -> memref<1x!tpu.dma_semaphore, #tpu.memory_space<semaphore_mem>>
    %dma_wait3A_616 = tpu.memref_squeeze %dma_wait3A_615 : memref<1x!tpu.dma_semaphore, #tpu.memory_space<semaphore_mem>> -> memref<!tpu.dma_semaphore, #tpu.memory_space<semaphore_mem>>
    %dma_wait3A_617 = arith.constant 0 : i32
    %dma_wait3A_618 = tpu.memref_slice %arg4[%add3A_526, %dma_wait3A_617] : memref<8192x2048xf32, #tpu.memory_space<hbm>> -> memref<8x2048xf32, #tpu.memory_space<hbm>>
    %dma_wait3A_619 = arith.constant 0 : i32
    %dma_wait3A_620 = arith.constant 0 : i32
    %dma_wait3A_621 = tpu.memref_slice %arg6[%dma_wait3A_607, %dma_wait3A_619, %dma_wait3A_620] : memref<6x8x2048xf32, #tpu.memory_space<vmem>> -> memref<1x8x2048xf32, #tpu.memory_space<vmem>>
    %dma_wait3A_622 = tpu.memref_squeeze %dma_wait3A_621 : memref<1x8x2048xf32, #tpu.memory_space<vmem>> -> memref<8x2048xf32, #tpu.memory_space<vmem>>
    tpu.wait_dma2 semaphore(%dma_wait3A_616 : memref<!tpu.dma_semaphore, #tpu.memory_space<semaphore_mem>>) src(%dma_wait3A_622 : memref<8x2048xf32, #tpu.memory_space<vmem>>) dst(%dma_wait3A_618 : memref<8x2048xf32, #tpu.memory_space<hbm>>)
    %dma_start3A_623 = arith.constant 13 : i32
    %dma_start3A_624 = arith.constant 1 : i32
    %dma_start3A_625 = arith.constant 1 : i32
    %dma_start3A_626 = arith.constant 0 : i32
    %dma_start3A_627 = arith.constant 0 : i32
    %dma_start3A_628 = tpu.memref_slice %arg6[%dma_start3A_624, %dma_start3A_626, %dma_start3A_627] : memref<6x8x2048xf32, #tpu.memory_space<vmem>> -> memref<1x8x2048xf32, #tpu.memory_space<vmem>>
    %dma_start3A_629 = tpu.memref_squeeze %dma_start3A_628 : memref<1x8x2048xf32, #tpu.memory_space<vmem>> -> memref<8x2048xf32, #tpu.memory_space<vmem>>
    %dma_start3A_630 = arith.constant 0 : i32
    %dma_start3A_631 = tpu.memref_slice %arg5[%dma_start3A_623, %dma_start3A_630] : memref<32x8xi32, #tpu.memory_space<vmem>> -> memref<1x8xi32, #tpu.memory_space<vmem>>
    %dma_start3A_632 = tpu.memref_squeeze %dma_start3A_631 : memref<1x8xi32, #tpu.memory_space<vmem>> -> memref<8xi32, #tpu.memory_space<vmem>>
    %dma_start3A_633 = arith.constant 0 : i32
    %dma_start3A_634 = arith.constant 0 : i32
    %dma_start3A_635 = tpu.memref_slice %arg3[%dma_start3A_633, %dma_start3A_634] : memref<50257x2048xf32, #tpu.memory_space<hbm>> -> memref<50257x2048xf32, #tpu.memory_space<hbm>>
    %dma_start3A_636 = tpu.memref_slice %arg7[%dma_start3A_625] : memref<6x!tpu.dma_semaphore, #tpu.memory_space<semaphore_mem>> -> memref<1x!tpu.dma_semaphore, #tpu.memory_space<semaphore_mem>>
    %dma_start3A_637 = tpu.memref_squeeze %dma_start3A_636 : memref<1x!tpu.dma_semaphore, #tpu.memory_space<semaphore_mem>> -> memref<!tpu.dma_semaphore, #tpu.memory_space<semaphore_mem>>
    tpu.enqueue_indirect_dma source(%dma_start3A_635 : memref<50257x2048xf32, #tpu.memory_space<hbm>>) target(%dma_start3A_629 : memref<8x2048xf32, #tpu.memory_space<vmem>>) offsets(%dma_start3A_632 : memref<8xi32, #tpu.memory_space<vmem>>) semaphore(%dma_start3A_637 : memref<!tpu.dma_semaphore, #tpu.memory_space<semaphore_mem>>)
    %dma_wait3A_638 = arith.constant 9 : i32
    %dma_wait3A_639 = arith.constant 3 : i32
    %dma_wait3A_640 = arith.constant 3 : i32
    %dma_wait3A_641 = arith.constant 0 : i32
    %dma_wait3A_642 = arith.constant 0 : i32
    %dma_wait3A_643 = tpu.memref_slice %arg6[%dma_wait3A_639, %dma_wait3A_641, %dma_wait3A_642] : memref<6x8x2048xf32, #tpu.memory_space<vmem>> -> memref<1x8x2048xf32, #tpu.memory_space<vmem>>
    %dma_wait3A_644 = tpu.memref_squeeze %dma_wait3A_643 : memref<1x8x2048xf32, #tpu.memory_space<vmem>> -> memref<8x2048xf32, #tpu.memory_space<vmem>>
    %dma_wait3A_645 = arith.constant 0 : i32
    %dma_wait3A_646 = tpu.memref_slice %arg5[%dma_wait3A_638, %dma_wait3A_645] : memref<32x8xi32, #tpu.memory_space<vmem>> -> memref<1x8xi32, #tpu.memory_space<vmem>>
    %dma_wait3A_647 = tpu.memref_squeeze %dma_wait3A_646 : memref<1x8xi32, #tpu.memory_space<vmem>> -> memref<8xi32, #tpu.memory_space<vmem>>
    %dma_wait3A_648 = arith.constant 0 : i32
    %dma_wait3A_649 = arith.constant 0 : i32
    %dma_wait3A_650 = tpu.memref_slice %arg3[%dma_wait3A_648, %dma_wait3A_649] : memref<50257x2048xf32, #tpu.memory_space<hbm>> -> memref<50257x2048xf32, #tpu.memory_space<hbm>>
    %dma_wait3A_651 = tpu.memref_slice %arg7[%dma_wait3A_640] : memref<6x!tpu.dma_semaphore, #tpu.memory_space<semaphore_mem>> -> memref<1x!tpu.dma_semaphore, #tpu.memory_space<semaphore_mem>>
    %dma_wait3A_652 = tpu.memref_squeeze %dma_wait3A_651 : memref<1x!tpu.dma_semaphore, #tpu.memory_space<semaphore_mem>> -> memref<!tpu.dma_semaphore, #tpu.memory_space<semaphore_mem>>
    tpu.wait_indirect_dma semaphore(%dma_wait3A_652 : memref<!tpu.dma_semaphore, #tpu.memory_space<semaphore_mem>>) src(%dma_wait3A_650 : memref<50257x2048xf32, #tpu.memory_space<hbm>>) dst(%dma_wait3A_644 : memref<8x2048xf32, #tpu.memory_space<vmem>>)
    %add3A_653 = arith.constant 72 : i32
    %add3A_654 = arith.addi %mul3A_2, %add3A_653 : i32
    %dma_start3A_655 = arith.constant 3 : i32
    %dma_start3A_656 = arith.constant 3 : i32
    %dma_start3A_657 = arith.constant 0 : i32
    %dma_start3A_658 = arith.constant 0 : i32
    %dma_start3A_659 = tpu.memref_slice %arg6[%dma_start3A_655, %dma_start3A_657, %dma_start3A_658] : memref<6x8x2048xf32, #tpu.memory_space<vmem>> -> memref<1x8x2048xf32, #tpu.memory_space<vmem>>
    %dma_start3A_660 = tpu.memref_squeeze %dma_start3A_659 : memref<1x8x2048xf32, #tpu.memory_space<vmem>> -> memref<8x2048xf32, #tpu.memory_space<vmem>>
    %dma_start3A_661 = arith.constant 0 : i32
    %dma_start3A_662 = tpu.memref_slice %arg4[%add3A_654, %dma_start3A_661] : memref<8192x2048xf32, #tpu.memory_space<hbm>> -> memref<8x2048xf32, #tpu.memory_space<hbm>>
    %dma_start3A_663 = tpu.memref_slice %arg8[%dma_start3A_656] : memref<6x!tpu.dma_semaphore, #tpu.memory_space<semaphore_mem>> -> memref<1x!tpu.dma_semaphore, #tpu.memory_space<semaphore_mem>>
    %dma_start3A_664 = tpu.memref_squeeze %dma_start3A_663 : memref<1x!tpu.dma_semaphore, #tpu.memory_space<semaphore_mem>> -> memref<!tpu.dma_semaphore, #tpu.memory_space<semaphore_mem>>
    %dma_start3A_665 = arith.constant 0 : i32
    %dma_start3A_666 = tpu.memref_slice %arg4[%add3A_654, %dma_start3A_665] : memref<8192x2048xf32, #tpu.memory_space<hbm>> -> memref<8x2048xf32, #tpu.memory_space<hbm>>
    %dma_start3A_667 = arith.constant 0 : i32
    %dma_start3A_668 = arith.constant 0 : i32
    %dma_start3A_669 = tpu.memref_slice %arg6[%dma_start3A_655, %dma_start3A_667, %dma_start3A_668] : memref<6x8x2048xf32, #tpu.memory_space<vmem>> -> memref<1x8x2048xf32, #tpu.memory_space<vmem>>
    %dma_start3A_670 = tpu.memref_squeeze %dma_start3A_669 : memref<1x8x2048xf32, #tpu.memory_space<vmem>> -> memref<8x2048xf32, #tpu.memory_space<vmem>>
    tpu.enqueue_dma source(%dma_start3A_670 : memref<8x2048xf32, #tpu.memory_space<vmem>>) target(%dma_start3A_666 : memref<8x2048xf32, #tpu.memory_space<hbm>>) target_semaphore(%dma_start3A_664 : memref<!tpu.dma_semaphore, #tpu.memory_space<semaphore_mem>>)
    %dma_wait3A_671 = arith.constant 2 : i32
    %dma_wait3A_672 = arith.constant 2 : i32
    %dma_wait3A_673 = arith.constant 0 : i32
    %dma_wait3A_674 = arith.constant 0 : i32
    %dma_wait3A_675 = tpu.memref_slice %arg6[%dma_wait3A_671, %dma_wait3A_673, %dma_wait3A_674] : memref<6x8x2048xf32, #tpu.memory_space<vmem>> -> memref<1x8x2048xf32, #tpu.memory_space<vmem>>
    %dma_wait3A_676 = tpu.memref_squeeze %dma_wait3A_675 : memref<1x8x2048xf32, #tpu.memory_space<vmem>> -> memref<8x2048xf32, #tpu.memory_space<vmem>>
    %dma_wait3A_677 = arith.constant 0 : i32
    %dma_wait3A_678 = tpu.memref_slice %arg4[%add3A_590, %dma_wait3A_677] : memref<8192x2048xf32, #tpu.memory_space<hbm>> -> memref<8x2048xf32, #tpu.memory_space<hbm>>
    %dma_wait3A_679 = tpu.memref_slice %arg8[%dma_wait3A_672] : memref<6x!tpu.dma_semaphore, #tpu.memory_space<semaphore_mem>> -> memref<1x!tpu.dma_semaphore, #tpu.memory_space<semaphore_mem>>
    %dma_wait3A_680 = tpu.memref_squeeze %dma_wait3A_679 : memref<1x!tpu.dma_semaphore, #tpu.memory_space<semaphore_mem>> -> memref<!tpu.dma_semaphore, #tpu.memory_space<semaphore_mem>>
    %dma_wait3A_681 = arith.constant 0 : i32
    %dma_wait3A_682 = tpu.memref_slice %arg4[%add3A_590, %dma_wait3A_681] : memref<8192x2048xf32, #tpu.memory_space<hbm>> -> memref<8x2048xf32, #tpu.memory_space<hbm>>
    %dma_wait3A_683 = arith.constant 0 : i32
    %dma_wait3A_684 = arith.constant 0 : i32
    %dma_wait3A_685 = tpu.memref_slice %arg6[%dma_wait3A_671, %dma_wait3A_683, %dma_wait3A_684] : memref<6x8x2048xf32, #tpu.memory_space<vmem>> -> memref<1x8x2048xf32, #tpu.memory_space<vmem>>
    %dma_wait3A_686 = tpu.memref_squeeze %dma_wait3A_685 : memref<1x8x2048xf32, #tpu.memory_space<vmem>> -> memref<8x2048xf32, #tpu.memory_space<vmem>>
    tpu.wait_dma2 semaphore(%dma_wait3A_680 : memref<!tpu.dma_semaphore, #tpu.memory_space<semaphore_mem>>) src(%dma_wait3A_686 : memref<8x2048xf32, #tpu.memory_space<vmem>>) dst(%dma_wait3A_682 : memref<8x2048xf32, #tpu.memory_space<hbm>>)
    %dma_start3A_687 = arith.constant 14 : i32
    %dma_start3A_688 = arith.constant 2 : i32
    %dma_start3A_689 = arith.constant 2 : i32
    %dma_start3A_690 = arith.constant 0 : i32
    %dma_start3A_691 = arith.constant 0 : i32
    %dma_start3A_692 = tpu.memref_slice %arg6[%dma_start3A_688, %dma_start3A_690, %dma_start3A_691] : memref<6x8x2048xf32, #tpu.memory_space<vmem>> -> memref<1x8x2048xf32, #tpu.memory_space<vmem>>
    %dma_start3A_693 = tpu.memref_squeeze %dma_start3A_692 : memref<1x8x2048xf32, #tpu.memory_space<vmem>> -> memref<8x2048xf32, #tpu.memory_space<vmem>>
    %dma_start3A_694 = arith.constant 0 : i32
    %dma_start3A_695 = tpu.memref_slice %arg5[%dma_start3A_687, %dma_start3A_694] : memref<32x8xi32, #tpu.memory_space<vmem>> -> memref<1x8xi32, #tpu.memory_space<vmem>>
    %dma_start3A_696 = tpu.memref_squeeze %dma_start3A_695 : memref<1x8xi32, #tpu.memory_space<vmem>> -> memref<8xi32, #tpu.memory_space<vmem>>
    %dma_start3A_697 = arith.constant 0 : i32
    %dma_start3A_698 = arith.constant 0 : i32
    %dma_start3A_699 = tpu.memref_slice %arg3[%dma_start3A_697, %dma_start3A_698] : memref<50257x2048xf32, #tpu.memory_space<hbm>> -> memref<50257x2048xf32, #tpu.memory_space<hbm>>
    %dma_start3A_700 = tpu.memref_slice %arg7[%dma_start3A_689] : memref<6x!tpu.dma_semaphore, #tpu.memory_space<semaphore_mem>> -> memref<1x!tpu.dma_semaphore, #tpu.memory_space<semaphore_mem>>
    %dma_start3A_701 = tpu.memref_squeeze %dma_start3A_700 : memref<1x!tpu.dma_semaphore, #tpu.memory_space<semaphore_mem>> -> memref<!tpu.dma_semaphore, #tpu.memory_space<semaphore_mem>>
    tpu.enqueue_indirect_dma source(%dma_start3A_699 : memref<50257x2048xf32, #tpu.memory_space<hbm>>) target(%dma_start3A_693 : memref<8x2048xf32, #tpu.memory_space<vmem>>) offsets(%dma_start3A_696 : memref<8xi32, #tpu.memory_space<vmem>>) semaphore(%dma_start3A_701 : memref<!tpu.dma_semaphore, #tpu.memory_space<semaphore_mem>>)
    %dma_wait3A_702 = arith.constant 10 : i32
    %dma_wait3A_703 = arith.constant 4 : i32
    %dma_wait3A_704 = arith.constant 4 : i32
    %dma_wait3A_705 = arith.constant 0 : i32
    %dma_wait3A_706 = arith.constant 0 : i32
    %dma_wait3A_707 = tpu.memref_slice %arg6[%dma_wait3A_703, %dma_wait3A_705, %dma_wait3A_706] : memref<6x8x2048xf32, #tpu.memory_space<vmem>> -> memref<1x8x2048xf32, #tpu.memory_space<vmem>>
    %dma_wait3A_708 = tpu.memref_squeeze %dma_wait3A_707 : memref<1x8x2048xf32, #tpu.memory_space<vmem>> -> memref<8x2048xf32, #tpu.memory_space<vmem>>
    %dma_wait3A_709 = arith.constant 0 : i32
    %dma_wait3A_710 = tpu.memref_slice %arg5[%dma_wait3A_702, %dma_wait3A_709] : memref<32x8xi32, #tpu.memory_space<vmem>> -> memref<1x8xi32, #tpu.memory_space<vmem>>
    %dma_wait3A_711 = tpu.memref_squeeze %dma_wait3A_710 : memref<1x8xi32, #tpu.memory_space<vmem>> -> memref<8xi32, #tpu.memory_space<vmem>>
    %dma_wait3A_712 = arith.constant 0 : i32
    %dma_wait3A_713 = arith.constant 0 : i32
    %dma_wait3A_714 = tpu.memref_slice %arg3[%dma_wait3A_712, %dma_wait3A_713] : memref<50257x2048xf32, #tpu.memory_space<hbm>> -> memref<50257x2048xf32, #tpu.memory_space<hbm>>
    %dma_wait3A_715 = tpu.memref_slice %arg7[%dma_wait3A_704] : memref<6x!tpu.dma_semaphore, #tpu.memory_space<semaphore_mem>> -> memref<1x!tpu.dma_semaphore, #tpu.memory_space<semaphore_mem>>
    %dma_wait3A_716 = tpu.memref_squeeze %dma_wait3A_715 : memref<1x!tpu.dma_semaphore, #tpu.memory_space<semaphore_mem>> -> memref<!tpu.dma_semaphore, #tpu.memory_space<semaphore_mem>>
    tpu.wait_indirect_dma semaphore(%dma_wait3A_716 : memref<!tpu.dma_semaphore, #tpu.memory_space<semaphore_mem>>) src(%dma_wait3A_714 : memref<50257x2048xf32, #tpu.memory_space<hbm>>) dst(%dma_wait3A_708 : memref<8x2048xf32, #tpu.memory_space<vmem>>)
    %add3A_717 = arith.constant 80 : i32
    %add3A_718 = arith.addi %mul3A_2, %add3A_717 : i32
    %dma_start3A_719 = arith.constant 4 : i32
    %dma_start3A_720 = arith.constant 4 : i32
    %dma_start3A_721 = arith.constant 0 : i32
    %dma_start3A_722 = arith.constant 0 : i32
    %dma_start3A_723 = tpu.memref_slice %arg6[%dma_start3A_719, %dma_start3A_721, %dma_start3A_722] : memref<6x8x2048xf32, #tpu.memory_space<vmem>> -> memref<1x8x2048xf32, #tpu.memory_space<vmem>>
    %dma_start3A_724 = tpu.memref_squeeze %dma_start3A_723 : memref<1x8x2048xf32, #tpu.memory_space<vmem>> -> memref<8x2048xf32, #tpu.memory_space<vmem>>
    %dma_start3A_725 = arith.constant 0 : i32
    %dma_start3A_726 = tpu.memref_slice %arg4[%add3A_718, %dma_start3A_725] : memref<8192x2048xf32, #tpu.memory_space<hbm>> -> memref<8x2048xf32, #tpu.memory_space<hbm>>
    %dma_start3A_727 = tpu.memref_slice %arg8[%dma_start3A_720] : memref<6x!tpu.dma_semaphore, #tpu.memory_space<semaphore_mem>> -> memref<1x!tpu.dma_semaphore, #tpu.memory_space<semaphore_mem>>
    %dma_start3A_728 = tpu.memref_squeeze %dma_start3A_727 : memref<1x!tpu.dma_semaphore, #tpu.memory_space<semaphore_mem>> -> memref<!tpu.dma_semaphore, #tpu.memory_space<semaphore_mem>>
    %dma_start3A_729 = arith.constant 0 : i32
    %dma_start3A_730 = tpu.memref_slice %arg4[%add3A_718, %dma_start3A_729] : memref<8192x2048xf32, #tpu.memory_space<hbm>> -> memref<8x2048xf32, #tpu.memory_space<hbm>>
    %dma_start3A_731 = arith.constant 0 : i32
    %dma_start3A_732 = arith.constant 0 : i32
    %dma_start3A_733 = tpu.memref_slice %arg6[%dma_start3A_719, %dma_start3A_731, %dma_start3A_732] : memref<6x8x2048xf32, #tpu.memory_space<vmem>> -> memref<1x8x2048xf32, #tpu.memory_space<vmem>>
    %dma_start3A_734 = tpu.memref_squeeze %dma_start3A_733 : memref<1x8x2048xf32, #tpu.memory_space<vmem>> -> memref<8x2048xf32, #tpu.memory_space<vmem>>
    tpu.enqueue_dma source(%dma_start3A_734 : memref<8x2048xf32, #tpu.memory_space<vmem>>) target(%dma_start3A_730 : memref<8x2048xf32, #tpu.memory_space<hbm>>) target_semaphore(%dma_start3A_728 : memref<!tpu.dma_semaphore, #tpu.memory_space<semaphore_mem>>)
    %dma_wait3A_735 = arith.constant 3 : i32
    %dma_wait3A_736 = arith.constant 3 : i32
    %dma_wait3A_737 = arith.constant 0 : i32
    %dma_wait3A_738 = arith.constant 0 : i32
    %dma_wait3A_739 = tpu.memref_slice %arg6[%dma_wait3A_735, %dma_wait3A_737, %dma_wait3A_738] : memref<6x8x2048xf32, #tpu.memory_space<vmem>> -> memref<1x8x2048xf32, #tpu.memory_space<vmem>>
    %dma_wait3A_740 = tpu.memref_squeeze %dma_wait3A_739 : memref<1x8x2048xf32, #tpu.memory_space<vmem>> -> memref<8x2048xf32, #tpu.memory_space<vmem>>
    %dma_wait3A_741 = arith.constant 0 : i32
    %dma_wait3A_742 = tpu.memref_slice %arg4[%add3A_654, %dma_wait3A_741] : memref<8192x2048xf32, #tpu.memory_space<hbm>> -> memref<8x2048xf32, #tpu.memory_space<hbm>>
    %dma_wait3A_743 = tpu.memref_slice %arg8[%dma_wait3A_736] : memref<6x!tpu.dma_semaphore, #tpu.memory_space<semaphore_mem>> -> memref<1x!tpu.dma_semaphore, #tpu.memory_space<semaphore_mem>>
    %dma_wait3A_744 = tpu.memref_squeeze %dma_wait3A_743 : memref<1x!tpu.dma_semaphore, #tpu.memory_space<semaphore_mem>> -> memref<!tpu.dma_semaphore, #tpu.memory_space<semaphore_mem>>
    %dma_wait3A_745 = arith.constant 0 : i32
    %dma_wait3A_746 = tpu.memref_slice %arg4[%add3A_654, %dma_wait3A_745] : memref<8192x2048xf32, #tpu.memory_space<hbm>> -> memref<8x2048xf32, #tpu.memory_space<hbm>>
    %dma_wait3A_747 = arith.constant 0 : i32
    %dma_wait3A_748 = arith.constant 0 : i32
    %dma_wait3A_749 = tpu.memref_slice %arg6[%dma_wait3A_735, %dma_wait3A_747, %dma_wait3A_748] : memref<6x8x2048xf32, #tpu.memory_space<vmem>> -> memref<1x8x2048xf32, #tpu.memory_space<vmem>>
    %dma_wait3A_750 = tpu.memref_squeeze %dma_wait3A_749 : memref<1x8x2048xf32, #tpu.memory_space<vmem>> -> memref<8x2048xf32, #tpu.memory_space<vmem>>
    tpu.wait_dma2 semaphore(%dma_wait3A_744 : memref<!tpu.dma_semaphore, #tpu.memory_space<semaphore_mem>>) src(%dma_wait3A_750 : memref<8x2048xf32, #tpu.memory_space<vmem>>) dst(%dma_wait3A_746 : memref<8x2048xf32, #tpu.memory_space<hbm>>)
    %dma_start3A_751 = arith.constant 15 : i32
    %dma_start3A_752 = arith.constant 3 : i32
    %dma_start3A_753 = arith.constant 3 : i32
    %dma_start3A_754 = arith.constant 0 : i32
    %dma_start3A_755 = arith.constant 0 : i32
    %dma_start3A_756 = tpu.memref_slice %arg6[%dma_start3A_752, %dma_start3A_754, %dma_start3A_755] : memref<6x8x2048xf32, #tpu.memory_space<vmem>> -> memref<1x8x2048xf32, #tpu.memory_space<vmem>>
    %dma_start3A_757 = tpu.memref_squeeze %dma_start3A_756 : memref<1x8x2048xf32, #tpu.memory_space<vmem>> -> memref<8x2048xf32, #tpu.memory_space<vmem>>
    %dma_start3A_758 = arith.constant 0 : i32
    %dma_start3A_759 = tpu.memref_slice %arg5[%dma_start3A_751, %dma_start3A_758] : memref<32x8xi32, #tpu.memory_space<vmem>> -> memref<1x8xi32, #tpu.memory_space<vmem>>
    %dma_start3A_760 = tpu.memref_squeeze %dma_start3A_759 : memref<1x8xi32, #tpu.memory_space<vmem>> -> memref<8xi32, #tpu.memory_space<vmem>>
    %dma_start3A_761 = arith.constant 0 : i32
    %dma_start3A_762 = arith.constant 0 : i32
    %dma_start3A_763 = tpu.memref_slice %arg3[%dma_start3A_761, %dma_start3A_762] : memref<50257x2048xf32, #tpu.memory_space<hbm>> -> memref<50257x2048xf32, #tpu.memory_space<hbm>>
    %dma_start3A_764 = tpu.memref_slice %arg7[%dma_start3A_753] : memref<6x!tpu.dma_semaphore, #tpu.memory_space<semaphore_mem>> -> memref<1x!tpu.dma_semaphore, #tpu.memory_space<semaphore_mem>>
    %dma_start3A_765 = tpu.memref_squeeze %dma_start3A_764 : memref<1x!tpu.dma_semaphore, #tpu.memory_space<semaphore_mem>> -> memref<!tpu.dma_semaphore, #tpu.memory_space<semaphore_mem>>
    tpu.enqueue_indirect_dma source(%dma_start3A_763 : memref<50257x2048xf32, #tpu.memory_space<hbm>>) target(%dma_start3A_757 : memref<8x2048xf32, #tpu.memory_space<vmem>>) offsets(%dma_start3A_760 : memref<8xi32, #tpu.memory_space<vmem>>) semaphore(%dma_start3A_765 : memref<!tpu.dma_semaphore, #tpu.memory_space<semaphore_mem>>)
    %dma_wait3A_766 = arith.constant 11 : i32
    %dma_wait3A_767 = arith.constant 5 : i32
    %dma_wait3A_768 = arith.constant 5 : i32
    %dma_wait3A_769 = arith.constant 0 : i32
    %dma_wait3A_770 = arith.constant 0 : i32
    %dma_wait3A_771 = tpu.memref_slice %arg6[%dma_wait3A_767, %dma_wait3A_769, %dma_wait3A_770] : memref<6x8x2048xf32, #tpu.memory_space<vmem>> -> memref<1x8x2048xf32, #tpu.memory_space<vmem>>
    %dma_wait3A_772 = tpu.memref_squeeze %dma_wait3A_771 : memref<1x8x2048xf32, #tpu.memory_space<vmem>> -> memref<8x2048xf32, #tpu.memory_space<vmem>>
    %dma_wait3A_773 = arith.constant 0 : i32
    %dma_wait3A_774 = tpu.memref_slice %arg5[%dma_wait3A_766, %dma_wait3A_773] : memref<32x8xi32, #tpu.memory_space<vmem>> -> memref<1x8xi32, #tpu.memory_space<vmem>>
    %dma_wait3A_775 = tpu.memref_squeeze %dma_wait3A_774 : memref<1x8xi32, #tpu.memory_space<vmem>> -> memref<8xi32, #tpu.memory_space<vmem>>
    %dma_wait3A_776 = arith.constant 0 : i32
    %dma_wait3A_777 = arith.constant 0 : i32
    %dma_wait3A_778 = tpu.memref_slice %arg3[%dma_wait3A_776, %dma_wait3A_777] : memref<50257x2048xf32, #tpu.memory_space<hbm>> -> memref<50257x2048xf32, #tpu.memory_space<hbm>>
    %dma_wait3A_779 = tpu.memref_slice %arg7[%dma_wait3A_768] : memref<6x!tpu.dma_semaphore, #tpu.memory_space<semaphore_mem>> -> memref<1x!tpu.dma_semaphore, #tpu.memory_space<semaphore_mem>>
    %dma_wait3A_780 = tpu.memref_squeeze %dma_wait3A_779 : memref<1x!tpu.dma_semaphore, #tpu.memory_space<semaphore_mem>> -> memref<!tpu.dma_semaphore, #tpu.memory_space<semaphore_mem>>
    tpu.wait_indirect_dma semaphore(%dma_wait3A_780 : memref<!tpu.dma_semaphore, #tpu.memory_space<semaphore_mem>>) src(%dma_wait3A_778 : memref<50257x2048xf32, #tpu.memory_space<hbm>>) dst(%dma_wait3A_772 : memref<8x2048xf32, #tpu.memory_space<vmem>>)
    %add3A_781 = arith.constant 88 : i32
    %add3A_782 = arith.addi %mul3A_2, %add3A_781 : i32
    %dma_start3A_783 = arith.constant 5 : i32
    %dma_start3A_784 = arith.constant 5 : i32
    %dma_start3A_785 = arith.constant 0 : i32
    %dma_start3A_786 = arith.constant 0 : i32
    %dma_start3A_787 = tpu.memref_slice %arg6[%dma_start3A_783, %dma_start3A_785, %dma_start3A_786] : memref<6x8x2048xf32, #tpu.memory_space<vmem>> -> memref<1x8x2048xf32, #tpu.memory_space<vmem>>
    %dma_start3A_788 = tpu.memref_squeeze %dma_start3A_787 : memref<1x8x2048xf32, #tpu.memory_space<vmem>> -> memref<8x2048xf32, #tpu.memory_space<vmem>>
    %dma_start3A_789 = arith.constant 0 : i32
    %dma_start3A_790 = tpu.memref_slice %arg4[%add3A_782, %dma_start3A_789] : memref<8192x2048xf32, #tpu.memory_space<hbm>> -> memref<8x2048xf32, #tpu.memory_space<hbm>>
    %dma_start3A_791 = tpu.memref_slice %arg8[%dma_start3A_784] : memref<6x!tpu.dma_semaphore, #tpu.memory_space<semaphore_mem>> -> memref<1x!tpu.dma_semaphore, #tpu.memory_space<semaphore_mem>>
    %dma_start3A_792 = tpu.memref_squeeze %dma_start3A_791 : memref<1x!tpu.dma_semaphore, #tpu.memory_space<semaphore_mem>> -> memref<!tpu.dma_semaphore, #tpu.memory_space<semaphore_mem>>
    %dma_start3A_793 = arith.constant 0 : i32
    %dma_start3A_794 = tpu.memref_slice %arg4[%add3A_782, %dma_start3A_793] : memref<8192x2048xf32, #tpu.memory_space<hbm>> -> memref<8x2048xf32, #tpu.memory_space<hbm>>
    %dma_start3A_795 = arith.constant 0 : i32
    %dma_start3A_796 = arith.constant 0 : i32
    %dma_start3A_797 = tpu.memref_slice %arg6[%dma_start3A_783, %dma_start3A_795, %dma_start3A_796] : memref<6x8x2048xf32, #tpu.memory_space<vmem>> -> memref<1x8x2048xf32, #tpu.memory_space<vmem>>
    %dma_start3A_798 = tpu.memref_squeeze %dma_start3A_797 : memref<1x8x2048xf32, #tpu.memory_space<vmem>> -> memref<8x2048xf32, #tpu.memory_space<vmem>>
    tpu.enqueue_dma source(%dma_start3A_798 : memref<8x2048xf32, #tpu.memory_space<vmem>>) target(%dma_start3A_794 : memref<8x2048xf32, #tpu.memory_space<hbm>>) target_semaphore(%dma_start3A_792 : memref<!tpu.dma_semaphore, #tpu.memory_space<semaphore_mem>>)
    %dma_wait3A_799 = arith.constant 4 : i32
    %dma_wait3A_800 = arith.constant 4 : i32
    %dma_wait3A_801 = arith.constant 0 : i32
    %dma_wait3A_802 = arith.constant 0 : i32
    %dma_wait3A_803 = tpu.memref_slice %arg6[%dma_wait3A_799, %dma_wait3A_801, %dma_wait3A_802] : memref<6x8x2048xf32, #tpu.memory_space<vmem>> -> memref<1x8x2048xf32, #tpu.memory_space<vmem>>
    %dma_wait3A_804 = tpu.memref_squeeze %dma_wait3A_803 : memref<1x8x2048xf32, #tpu.memory_space<vmem>> -> memref<8x2048xf32, #tpu.memory_space<vmem>>
    %dma_wait3A_805 = arith.constant 0 : i32
    %dma_wait3A_806 = tpu.memref_slice %arg4[%add3A_718, %dma_wait3A_805] : memref<8192x2048xf32, #tpu.memory_space<hbm>> -> memref<8x2048xf32, #tpu.memory_space<hbm>>
    %dma_wait3A_807 = tpu.memref_slice %arg8[%dma_wait3A_800] : memref<6x!tpu.dma_semaphore, #tpu.memory_space<semaphore_mem>> -> memref<1x!tpu.dma_semaphore, #tpu.memory_space<semaphore_mem>>
    %dma_wait3A_808 = tpu.memref_squeeze %dma_wait3A_807 : memref<1x!tpu.dma_semaphore, #tpu.memory_space<semaphore_mem>> -> memref<!tpu.dma_semaphore, #tpu.memory_space<semaphore_mem>>
    %dma_wait3A_809 = arith.constant 0 : i32
    %dma_wait3A_810 = tpu.memref_slice %arg4[%add3A_718, %dma_wait3A_809] : memref<8192x2048xf32, #tpu.memory_space<hbm>> -> memref<8x2048xf32, #tpu.memory_space<hbm>>
    %dma_wait3A_811 = arith.constant 0 : i32
    %dma_wait3A_812 = arith.constant 0 : i32
    %dma_wait3A_813 = tpu.memref_slice %arg6[%dma_wait3A_799, %dma_wait3A_811, %dma_wait3A_812] : memref<6x8x2048xf32, #tpu.memory_space<vmem>> -> memref<1x8x2048xf32, #tpu.memory_space<vmem>>
    %dma_wait3A_814 = tpu.memref_squeeze %dma_wait3A_813 : memref<1x8x2048xf32, #tpu.memory_space<vmem>> -> memref<8x2048xf32, #tpu.memory_space<vmem>>
    tpu.wait_dma2 semaphore(%dma_wait3A_808 : memref<!tpu.dma_semaphore, #tpu.memory_space<semaphore_mem>>) src(%dma_wait3A_814 : memref<8x2048xf32, #tpu.memory_space<vmem>>) dst(%dma_wait3A_810 : memref<8x2048xf32, #tpu.memory_space<hbm>>)
    %dma_start3A_815 = arith.constant 16 : i32
    %dma_start3A_816 = arith.constant 4 : i32
    %dma_start3A_817 = arith.constant 4 : i32
    %dma_start3A_818 = arith.constant 0 : i32
    %dma_start3A_819 = arith.constant 0 : i32
    %dma_start3A_820 = tpu.memref_slice %arg6[%dma_start3A_816, %dma_start3A_818, %dma_start3A_819] : memref<6x8x2048xf32, #tpu.memory_space<vmem>> -> memref<1x8x2048xf32, #tpu.memory_space<vmem>>
    %dma_start3A_821 = tpu.memref_squeeze %dma_start3A_820 : memref<1x8x2048xf32, #tpu.memory_space<vmem>> -> memref<8x2048xf32, #tpu.memory_space<vmem>>
    %dma_start3A_822 = arith.constant 0 : i32
    %dma_start3A_823 = tpu.memref_slice %arg5[%dma_start3A_815, %dma_start3A_822] : memref<32x8xi32, #tpu.memory_space<vmem>> -> memref<1x8xi32, #tpu.memory_space<vmem>>
    %dma_start3A_824 = tpu.memref_squeeze %dma_start3A_823 : memref<1x8xi32, #tpu.memory_space<vmem>> -> memref<8xi32, #tpu.memory_space<vmem>>
    %dma_start3A_825 = arith.constant 0 : i32
    %dma_start3A_826 = arith.constant 0 : i32
    %dma_start3A_827 = tpu.memref_slice %arg3[%dma_start3A_825, %dma_start3A_826] : memref<50257x2048xf32, #tpu.memory_space<hbm>> -> memref<50257x2048xf32, #tpu.memory_space<hbm>>
    %dma_start3A_828 = tpu.memref_slice %arg7[%dma_start3A_817] : memref<6x!tpu.dma_semaphore, #tpu.memory_space<semaphore_mem>> -> memref<1x!tpu.dma_semaphore, #tpu.memory_space<semaphore_mem>>
    %dma_start3A_829 = tpu.memref_squeeze %dma_start3A_828 : memref<1x!tpu.dma_semaphore, #tpu.memory_space<semaphore_mem>> -> memref<!tpu.dma_semaphore, #tpu.memory_space<semaphore_mem>>
    tpu.enqueue_indirect_dma source(%dma_start3A_827 : memref<50257x2048xf32, #tpu.memory_space<hbm>>) target(%dma_start3A_821 : memref<8x2048xf32, #tpu.memory_space<vmem>>) offsets(%dma_start3A_824 : memref<8xi32, #tpu.memory_space<vmem>>) semaphore(%dma_start3A_829 : memref<!tpu.dma_semaphore, #tpu.memory_space<semaphore_mem>>)
    %dma_wait3A_830 = arith.constant 12 : i32
    %dma_wait3A_831 = arith.constant 0 : i32
    %dma_wait3A_832 = arith.constant 0 : i32
    %dma_wait3A_833 = arith.constant 0 : i32
    %dma_wait3A_834 = arith.constant 0 : i32
    %dma_wait3A_835 = tpu.memref_slice %arg6[%dma_wait3A_831, %dma_wait3A_833, %dma_wait3A_834] : memref<6x8x2048xf32, #tpu.memory_space<vmem>> -> memref<1x8x2048xf32, #tpu.memory_space<vmem>>
    %dma_wait3A_836 = tpu.memref_squeeze %dma_wait3A_835 : memref<1x8x2048xf32, #tpu.memory_space<vmem>> -> memref<8x2048xf32, #tpu.memory_space<vmem>>
    %dma_wait3A_837 = arith.constant 0 : i32
    %dma_wait3A_838 = tpu.memref_slice %arg5[%dma_wait3A_830, %dma_wait3A_837] : memref<32x8xi32, #tpu.memory_space<vmem>> -> memref<1x8xi32, #tpu.memory_space<vmem>>
    %dma_wait3A_839 = tpu.memref_squeeze %dma_wait3A_838 : memref<1x8xi32, #tpu.memory_space<vmem>> -> memref<8xi32, #tpu.memory_space<vmem>>
    %dma_wait3A_840 = arith.constant 0 : i32
    %dma_wait3A_841 = arith.constant 0 : i32
    %dma_wait3A_842 = tpu.memref_slice %arg3[%dma_wait3A_840, %dma_wait3A_841] : memref<50257x2048xf32, #tpu.memory_space<hbm>> -> memref<50257x2048xf32, #tpu.memory_space<hbm>>
    %dma_wait3A_843 = tpu.memref_slice %arg7[%dma_wait3A_832] : memref<6x!tpu.dma_semaphore, #tpu.memory_space<semaphore_mem>> -> memref<1x!tpu.dma_semaphore, #tpu.memory_space<semaphore_mem>>
    %dma_wait3A_844 = tpu.memref_squeeze %dma_wait3A_843 : memref<1x!tpu.dma_semaphore, #tpu.memory_space<semaphore_mem>> -> memref<!tpu.dma_semaphore, #tpu.memory_space<semaphore_mem>>
    tpu.wait_indirect_dma semaphore(%dma_wait3A_844 : memref<!tpu.dma_semaphore, #tpu.memory_space<semaphore_mem>>) src(%dma_wait3A_842 : memref<50257x2048xf32, #tpu.memory_space<hbm>>) dst(%dma_wait3A_836 : memref<8x2048xf32, #tpu.memory_space<vmem>>)
    %add3A_845 = arith.constant 96 : i32
    %add3A_846 = arith.addi %mul3A_2, %add3A_845 : i32
    %dma_start3A_847 = arith.constant 0 : i32
    %dma_start3A_848 = arith.constant 0 : i32
    %dma_start3A_849 = arith.constant 0 : i32
    %dma_start3A_850 = arith.constant 0 : i32
    %dma_start3A_851 = tpu.memref_slice %arg6[%dma_start3A_847, %dma_start3A_849, %dma_start3A_850] : memref<6x8x2048xf32, #tpu.memory_space<vmem>> -> memref<1x8x2048xf32, #tpu.memory_space<vmem>>
    %dma_start3A_852 = tpu.memref_squeeze %dma_start3A_851 : memref<1x8x2048xf32, #tpu.memory_space<vmem>> -> memref<8x2048xf32, #tpu.memory_space<vmem>>
    %dma_start3A_853 = arith.constant 0 : i32
    %dma_start3A_854 = tpu.memref_slice %arg4[%add3A_846, %dma_start3A_853] : memref<8192x2048xf32, #tpu.memory_space<hbm>> -> memref<8x2048xf32, #tpu.memory_space<hbm>>
    %dma_start3A_855 = tpu.memref_slice %arg8[%dma_start3A_848] : memref<6x!tpu.dma_semaphore, #tpu.memory_space<semaphore_mem>> -> memref<1x!tpu.dma_semaphore, #tpu.memory_space<semaphore_mem>>
    %dma_start3A_856 = tpu.memref_squeeze %dma_start3A_855 : memref<1x!tpu.dma_semaphore, #tpu.memory_space<semaphore_mem>> -> memref<!tpu.dma_semaphore, #tpu.memory_space<semaphore_mem>>
    %dma_start3A_857 = arith.constant 0 : i32
    %dma_start3A_858 = tpu.memref_slice %arg4[%add3A_846, %dma_start3A_857] : memref<8192x2048xf32, #tpu.memory_space<hbm>> -> memref<8x2048xf32, #tpu.memory_space<hbm>>
    %dma_start3A_859 = arith.constant 0 : i32
    %dma_start3A_860 = arith.constant 0 : i32
    %dma_start3A_861 = tpu.memref_slice %arg6[%dma_start3A_847, %dma_start3A_859, %dma_start3A_860] : memref<6x8x2048xf32, #tpu.memory_space<vmem>> -> memref<1x8x2048xf32, #tpu.memory_space<vmem>>
    %dma_start3A_862 = tpu.memref_squeeze %dma_start3A_861 : memref<1x8x2048xf32, #tpu.memory_space<vmem>> -> memref<8x2048xf32, #tpu.memory_space<vmem>>
    tpu.enqueue_dma source(%dma_start3A_862 : memref<8x2048xf32, #tpu.memory_space<vmem>>) target(%dma_start3A_858 : memref<8x2048xf32, #tpu.memory_space<hbm>>) target_semaphore(%dma_start3A_856 : memref<!tpu.dma_semaphore, #tpu.memory_space<semaphore_mem>>)
    %dma_wait3A_863 = arith.constant 5 : i32
    %dma_wait3A_864 = arith.constant 5 : i32
    %dma_wait3A_865 = arith.constant 0 : i32
    %dma_wait3A_866 = arith.constant 0 : i32
    %dma_wait3A_867 = tpu.memref_slice %arg6[%dma_wait3A_863, %dma_wait3A_865, %dma_wait3A_866] : memref<6x8x2048xf32, #tpu.memory_space<vmem>> -> memref<1x8x2048xf32, #tpu.memory_space<vmem>>
    %dma_wait3A_868 = tpu.memref_squeeze %dma_wait3A_867 : memref<1x8x2048xf32, #tpu.memory_space<vmem>> -> memref<8x2048xf32, #tpu.memory_space<vmem>>
    %dma_wait3A_869 = arith.constant 0 : i32
    %dma_wait3A_870 = tpu.memref_slice %arg4[%add3A_782, %dma_wait3A_869] : memref<8192x2048xf32, #tpu.memory_space<hbm>> -> memref<8x2048xf32, #tpu.memory_space<hbm>>
    %dma_wait3A_871 = tpu.memref_slice %arg8[%dma_wait3A_864] : memref<6x!tpu.dma_semaphore, #tpu.memory_space<semaphore_mem>> -> memref<1x!tpu.dma_semaphore, #tpu.memory_space<semaphore_mem>>
    %dma_wait3A_872 = tpu.memref_squeeze %dma_wait3A_871 : memref<1x!tpu.dma_semaphore, #tpu.memory_space<semaphore_mem>> -> memref<!tpu.dma_semaphore, #tpu.memory_space<semaphore_mem>>
    %dma_wait3A_873 = arith.constant 0 : i32
    %dma_wait3A_874 = tpu.memref_slice %arg4[%add3A_782, %dma_wait3A_873] : memref<8192x2048xf32, #tpu.memory_space<hbm>> -> memref<8x2048xf32, #tpu.memory_space<hbm>>
    %dma_wait3A_875 = arith.constant 0 : i32
    %dma_wait3A_876 = arith.constant 0 : i32
    %dma_wait3A_877 = tpu.memref_slice %arg6[%dma_wait3A_863, %dma_wait3A_875, %dma_wait3A_876] : memref<6x8x2048xf32, #tpu.memory_space<vmem>> -> memref<1x8x2048xf32, #tpu.memory_space<vmem>>
    %dma_wait3A_878 = tpu.memref_squeeze %dma_wait3A_877 : memref<1x8x2048xf32, #tpu.memory_space<vmem>> -> memref<8x2048xf32, #tpu.memory_space<vmem>>
    tpu.wait_dma2 semaphore(%dma_wait3A_872 : memref<!tpu.dma_semaphore, #tpu.memory_space<semaphore_mem>>) src(%dma_wait3A_878 : memref<8x2048xf32, #tpu.memory_space<vmem>>) dst(%dma_wait3A_874 : memref<8x2048xf32, #tpu.memory_space<hbm>>)
    %dma_start3A_879 = arith.constant 17 : i32
    %dma_start3A_880 = arith.constant 5 : i32
    %dma_start3A_881 = arith.constant 5 : i32
    %dma_start3A_882 = arith.constant 0 : i32
    %dma_start3A_883 = arith.constant 0 : i32
    %dma_start3A_884 = tpu.memref_slice %arg6[%dma_start3A_880, %dma_start3A_882, %dma_start3A_883] : memref<6x8x2048xf32, #tpu.memory_space<vmem>> -> memref<1x8x2048xf32, #tpu.memory_space<vmem>>
    %dma_start3A_885 = tpu.memref_squeeze %dma_start3A_884 : memref<1x8x2048xf32, #tpu.memory_space<vmem>> -> memref<8x2048xf32, #tpu.memory_space<vmem>>
    %dma_start3A_886 = arith.constant 0 : i32
    %dma_start3A_887 = tpu.memref_slice %arg5[%dma_start3A_879, %dma_start3A_886] : memref<32x8xi32, #tpu.memory_space<vmem>> -> memref<1x8xi32, #tpu.memory_space<vmem>>
    %dma_start3A_888 = tpu.memref_squeeze %dma_start3A_887 : memref<1x8xi32, #tpu.memory_space<vmem>> -> memref<8xi32, #tpu.memory_space<vmem>>
    %dma_start3A_889 = arith.constant 0 : i32
    %dma_start3A_890 = arith.constant 0 : i32
    %dma_start3A_891 = tpu.memref_slice %arg3[%dma_start3A_889, %dma_start3A_890] : memref<50257x2048xf32, #tpu.memory_space<hbm>> -> memref<50257x2048xf32, #tpu.memory_space<hbm>>
    %dma_start3A_892 = tpu.memref_slice %arg7[%dma_start3A_881] : memref<6x!tpu.dma_semaphore, #tpu.memory_space<semaphore_mem>> -> memref<1x!tpu.dma_semaphore, #tpu.memory_space<semaphore_mem>>
    %dma_start3A_893 = tpu.memref_squeeze %dma_start3A_892 : memref<1x!tpu.dma_semaphore, #tpu.memory_space<semaphore_mem>> -> memref<!tpu.dma_semaphore, #tpu.memory_space<semaphore_mem>>
    tpu.enqueue_indirect_dma source(%dma_start3A_891 : memref<50257x2048xf32, #tpu.memory_space<hbm>>) target(%dma_start3A_885 : memref<8x2048xf32, #tpu.memory_space<vmem>>) offsets(%dma_start3A_888 : memref<8xi32, #tpu.memory_space<vmem>>) semaphore(%dma_start3A_893 : memref<!tpu.dma_semaphore, #tpu.memory_space<semaphore_mem>>)
    %dma_wait3A_894 = arith.constant 13 : i32
    %dma_wait3A_895 = arith.constant 1 : i32
    %dma_wait3A_896 = arith.constant 1 : i32
    %dma_wait3A_897 = arith.constant 0 : i32
    %dma_wait3A_898 = arith.constant 0 : i32
    %dma_wait3A_899 = tpu.memref_slice %arg6[%dma_wait3A_895, %dma_wait3A_897, %dma_wait3A_898] : memref<6x8x2048xf32, #tpu.memory_space<vmem>> -> memref<1x8x2048xf32, #tpu.memory_space<vmem>>
    %dma_wait3A_900 = tpu.memref_squeeze %dma_wait3A_899 : memref<1x8x2048xf32, #tpu.memory_space<vmem>> -> memref<8x2048xf32, #tpu.memory_space<vmem>>
    %dma_wait3A_901 = arith.constant 0 : i32
    %dma_wait3A_902 = tpu.memref_slice %arg5[%dma_wait3A_894, %dma_wait3A_901] : memref<32x8xi32, #tpu.memory_space<vmem>> -> memref<1x8xi32, #tpu.memory_space<vmem>>
    %dma_wait3A_903 = tpu.memref_squeeze %dma_wait3A_902 : memref<1x8xi32, #tpu.memory_space<vmem>> -> memref<8xi32, #tpu.memory_space<vmem>>
    %dma_wait3A_904 = arith.constant 0 : i32
    %dma_wait3A_905 = arith.constant 0 : i32
    %dma_wait3A_906 = tpu.memref_slice %arg3[%dma_wait3A_904, %dma_wait3A_905] : memref<50257x2048xf32, #tpu.memory_space<hbm>> -> memref<50257x2048xf32, #tpu.memory_space<hbm>>
    %dma_wait3A_907 = tpu.memref_slice %arg7[%dma_wait3A_896] : memref<6x!tpu.dma_semaphore, #tpu.memory_space<semaphore_mem>> -> memref<1x!tpu.dma_semaphore, #tpu.memory_space<semaphore_mem>>
    %dma_wait3A_908 = tpu.memref_squeeze %dma_wait3A_907 : memref<1x!tpu.dma_semaphore, #tpu.memory_space<semaphore_mem>> -> memref<!tpu.dma_semaphore, #tpu.memory_space<semaphore_mem>>
    tpu.wait_indirect_dma semaphore(%dma_wait3A_908 : memref<!tpu.dma_semaphore, #tpu.memory_space<semaphore_mem>>) src(%dma_wait3A_906 : memref<50257x2048xf32, #tpu.memory_space<hbm>>) dst(%dma_wait3A_900 : memref<8x2048xf32, #tpu.memory_space<vmem>>)
    %add3A_909 = arith.constant 104 : i32
    %add3A_910 = arith.addi %mul3A_2, %add3A_909 : i32
    %dma_start3A_911 = arith.constant 1 : i32
    %dma_start3A_912 = arith.constant 1 : i32
    %dma_start3A_913 = arith.constant 0 : i32
    %dma_start3A_914 = arith.constant 0 : i32
    %dma_start3A_915 = tpu.memref_slice %arg6[%dma_start3A_911, %dma_start3A_913, %dma_start3A_914] : memref<6x8x2048xf32, #tpu.memory_space<vmem>> -> memref<1x8x2048xf32, #tpu.memory_space<vmem>>
    %dma_start3A_916 = tpu.memref_squeeze %dma_start3A_915 : memref<1x8x2048xf32, #tpu.memory_space<vmem>> -> memref<8x2048xf32, #tpu.memory_space<vmem>>
    %dma_start3A_917 = arith.constant 0 : i32
    %dma_start3A_918 = tpu.memref_slice %arg4[%add3A_910, %dma_start3A_917] : memref<8192x2048xf32, #tpu.memory_space<hbm>> -> memref<8x2048xf32, #tpu.memory_space<hbm>>
    %dma_start3A_919 = tpu.memref_slice %arg8[%dma_start3A_912] : memref<6x!tpu.dma_semaphore, #tpu.memory_space<semaphore_mem>> -> memref<1x!tpu.dma_semaphore, #tpu.memory_space<semaphore_mem>>
    %dma_start3A_920 = tpu.memref_squeeze %dma_start3A_919 : memref<1x!tpu.dma_semaphore, #tpu.memory_space<semaphore_mem>> -> memref<!tpu.dma_semaphore, #tpu.memory_space<semaphore_mem>>
    %dma_start3A_921 = arith.constant 0 : i32
    %dma_start3A_922 = tpu.memref_slice %arg4[%add3A_910, %dma_start3A_921] : memref<8192x2048xf32, #tpu.memory_space<hbm>> -> memref<8x2048xf32, #tpu.memory_space<hbm>>
    %dma_start3A_923 = arith.constant 0 : i32
    %dma_start3A_924 = arith.constant 0 : i32
    %dma_start3A_925 = tpu.memref_slice %arg6[%dma_start3A_911, %dma_start3A_923, %dma_start3A_924] : memref<6x8x2048xf32, #tpu.memory_space<vmem>> -> memref<1x8x2048xf32, #tpu.memory_space<vmem>>
    %dma_start3A_926 = tpu.memref_squeeze %dma_start3A_925 : memref<1x8x2048xf32, #tpu.memory_space<vmem>> -> memref<8x2048xf32, #tpu.memory_space<vmem>>
    tpu.enqueue_dma source(%dma_start3A_926 : memref<8x2048xf32, #tpu.memory_space<vmem>>) target(%dma_start3A_922 : memref<8x2048xf32, #tpu.memory_space<hbm>>) target_semaphore(%dma_start3A_920 : memref<!tpu.dma_semaphore, #tpu.memory_space<semaphore_mem>>)
    %dma_wait3A_927 = arith.constant 0 : i32
    %dma_wait3A_928 = arith.constant 0 : i32
    %dma_wait3A_929 = arith.constant 0 : i32
    %dma_wait3A_930 = arith.constant 0 : i32
    %dma_wait3A_931 = tpu.memref_slice %arg6[%dma_wait3A_927, %dma_wait3A_929, %dma_wait3A_930] : memref<6x8x2048xf32, #tpu.memory_space<vmem>> -> memref<1x8x2048xf32, #tpu.memory_space<vmem>>
    %dma_wait3A_932 = tpu.memref_squeeze %dma_wait3A_931 : memref<1x8x2048xf32, #tpu.memory_space<vmem>> -> memref<8x2048xf32, #tpu.memory_space<vmem>>
    %dma_wait3A_933 = arith.constant 0 : i32
    %dma_wait3A_934 = tpu.memref_slice %arg4[%add3A_846, %dma_wait3A_933] : memref<8192x2048xf32, #tpu.memory_space<hbm>> -> memref<8x2048xf32, #tpu.memory_space<hbm>>
    %dma_wait3A_935 = tpu.memref_slice %arg8[%dma_wait3A_928] : memref<6x!tpu.dma_semaphore, #tpu.memory_space<semaphore_mem>> -> memref<1x!tpu.dma_semaphore, #tpu.memory_space<semaphore_mem>>
    %dma_wait3A_936 = tpu.memref_squeeze %dma_wait3A_935 : memref<1x!tpu.dma_semaphore, #tpu.memory_space<semaphore_mem>> -> memref<!tpu.dma_semaphore, #tpu.memory_space<semaphore_mem>>
    %dma_wait3A_937 = arith.constant 0 : i32
    %dma_wait3A_938 = tpu.memref_slice %arg4[%add3A_846, %dma_wait3A_937] : memref<8192x2048xf32, #tpu.memory_space<hbm>> -> memref<8x2048xf32, #tpu.memory_space<hbm>>
    %dma_wait3A_939 = arith.constant 0 : i32
    %dma_wait3A_940 = arith.constant 0 : i32
    %dma_wait3A_941 = tpu.memref_slice %arg6[%dma_wait3A_927, %dma_wait3A_939, %dma_wait3A_940] : memref<6x8x2048xf32, #tpu.memory_space<vmem>> -> memref<1x8x2048xf32, #tpu.memory_space<vmem>>
    %dma_wait3A_942 = tpu.memref_squeeze %dma_wait3A_941 : memref<1x8x2048xf32, #tpu.memory_space<vmem>> -> memref<8x2048xf32, #tpu.memory_space<vmem>>
    tpu.wait_dma2 semaphore(%dma_wait3A_936 : memref<!tpu.dma_semaphore, #tpu.memory_space<semaphore_mem>>) src(%dma_wait3A_942 : memref<8x2048xf32, #tpu.memory_space<vmem>>) dst(%dma_wait3A_938 : memref<8x2048xf32, #tpu.memory_space<hbm>>)
    %dma_start3A_943 = arith.constant 18 : i32
    %dma_start3A_944 = arith.constant 0 : i32
    %dma_start3A_945 = arith.constant 0 : i32
    %dma_start3A_946 = arith.constant 0 : i32
    %dma_start3A_947 = arith.constant 0 : i32
    %dma_start3A_948 = tpu.memref_slice %arg6[%dma_start3A_944, %dma_start3A_946, %dma_start3A_947] : memref<6x8x2048xf32, #tpu.memory_space<vmem>> -> memref<1x8x2048xf32, #tpu.memory_space<vmem>>
    %dma_start3A_949 = tpu.memref_squeeze %dma_start3A_948 : memref<1x8x2048xf32, #tpu.memory_space<vmem>> -> memref<8x2048xf32, #tpu.memory_space<vmem>>
    %dma_start3A_950 = arith.constant 0 : i32
    %dma_start3A_951 = tpu.memref_slice %arg5[%dma_start3A_943, %dma_start3A_950] : memref<32x8xi32, #tpu.memory_space<vmem>> -> memref<1x8xi32, #tpu.memory_space<vmem>>
    %dma_start3A_952 = tpu.memref_squeeze %dma_start3A_951 : memref<1x8xi32, #tpu.memory_space<vmem>> -> memref<8xi32, #tpu.memory_space<vmem>>
    %dma_start3A_953 = arith.constant 0 : i32
    %dma_start3A_954 = arith.constant 0 : i32
    %dma_start3A_955 = tpu.memref_slice %arg3[%dma_start3A_953, %dma_start3A_954] : memref<50257x2048xf32, #tpu.memory_space<hbm>> -> memref<50257x2048xf32, #tpu.memory_space<hbm>>
    %dma_start3A_956 = tpu.memref_slice %arg7[%dma_start3A_945] : memref<6x!tpu.dma_semaphore, #tpu.memory_space<semaphore_mem>> -> memref<1x!tpu.dma_semaphore, #tpu.memory_space<semaphore_mem>>
    %dma_start3A_957 = tpu.memref_squeeze %dma_start3A_956 : memref<1x!tpu.dma_semaphore, #tpu.memory_space<semaphore_mem>> -> memref<!tpu.dma_semaphore, #tpu.memory_space<semaphore_mem>>
    tpu.enqueue_indirect_dma source(%dma_start3A_955 : memref<50257x2048xf32, #tpu.memory_space<hbm>>) target(%dma_start3A_949 : memref<8x2048xf32, #tpu.memory_space<vmem>>) offsets(%dma_start3A_952 : memref<8xi32, #tpu.memory_space<vmem>>) semaphore(%dma_start3A_957 : memref<!tpu.dma_semaphore, #tpu.memory_space<semaphore_mem>>)
    %dma_wait3A_958 = arith.constant 14 : i32
    %dma_wait3A_959 = arith.constant 2 : i32
    %dma_wait3A_960 = arith.constant 2 : i32
    %dma_wait3A_961 = arith.constant 0 : i32
    %dma_wait3A_962 = arith.constant 0 : i32
    %dma_wait3A_963 = tpu.memref_slice %arg6[%dma_wait3A_959, %dma_wait3A_961, %dma_wait3A_962] : memref<6x8x2048xf32, #tpu.memory_space<vmem>> -> memref<1x8x2048xf32, #tpu.memory_space<vmem>>
    %dma_wait3A_964 = tpu.memref_squeeze %dma_wait3A_963 : memref<1x8x2048xf32, #tpu.memory_space<vmem>> -> memref<8x2048xf32, #tpu.memory_space<vmem>>
    %dma_wait3A_965 = arith.constant 0 : i32
    %dma_wait3A_966 = tpu.memref_slice %arg5[%dma_wait3A_958, %dma_wait3A_965] : memref<32x8xi32, #tpu.memory_space<vmem>> -> memref<1x8xi32, #tpu.memory_space<vmem>>
    %dma_wait3A_967 = tpu.memref_squeeze %dma_wait3A_966 : memref<1x8xi32, #tpu.memory_space<vmem>> -> memref<8xi32, #tpu.memory_space<vmem>>
    %dma_wait3A_968 = arith.constant 0 : i32
    %dma_wait3A_969 = arith.constant 0 : i32
    %dma_wait3A_970 = tpu.memref_slice %arg3[%dma_wait3A_968, %dma_wait3A_969] : memref<50257x2048xf32, #tpu.memory_space<hbm>> -> memref<50257x2048xf32, #tpu.memory_space<hbm>>
    %dma_wait3A_971 = tpu.memref_slice %arg7[%dma_wait3A_960] : memref<6x!tpu.dma_semaphore, #tpu.memory_space<semaphore_mem>> -> memref<1x!tpu.dma_semaphore, #tpu.memory_space<semaphore_mem>>
    %dma_wait3A_972 = tpu.memref_squeeze %dma_wait3A_971 : memref<1x!tpu.dma_semaphore, #tpu.memory_space<semaphore_mem>> -> memref<!tpu.dma_semaphore, #tpu.memory_space<semaphore_mem>>
    tpu.wait_indirect_dma semaphore(%dma_wait3A_972 : memref<!tpu.dma_semaphore, #tpu.memory_space<semaphore_mem>>) src(%dma_wait3A_970 : memref<50257x2048xf32, #tpu.memory_space<hbm>>) dst(%dma_wait3A_964 : memref<8x2048xf32, #tpu.memory_space<vmem>>)
    %add3A_973 = arith.constant 112 : i32
    %add3A_974 = arith.addi %mul3A_2, %add3A_973 : i32
    %dma_start3A_975 = arith.constant 2 : i32
    %dma_start3A_976 = arith.constant 2 : i32
    %dma_start3A_977 = arith.constant 0 : i32
    %dma_start3A_978 = arith.constant 0 : i32
    %dma_start3A_979 = tpu.memref_slice %arg6[%dma_start3A_975, %dma_start3A_977, %dma_start3A_978] : memref<6x8x2048xf32, #tpu.memory_space<vmem>> -> memref<1x8x2048xf32, #tpu.memory_space<vmem>>
    %dma_start3A_980 = tpu.memref_squeeze %dma_start3A_979 : memref<1x8x2048xf32, #tpu.memory_space<vmem>> -> memref<8x2048xf32, #tpu.memory_space<vmem>>
    %dma_start3A_981 = arith.constant 0 : i32
    %dma_start3A_982 = tpu.memref_slice %arg4[%add3A_974, %dma_start3A_981] : memref<8192x2048xf32, #tpu.memory_space<hbm>> -> memref<8x2048xf32, #tpu.memory_space<hbm>>
    %dma_start3A_983 = tpu.memref_slice %arg8[%dma_start3A_976] : memref<6x!tpu.dma_semaphore, #tpu.memory_space<semaphore_mem>> -> memref<1x!tpu.dma_semaphore, #tpu.memory_space<semaphore_mem>>
    %dma_start3A_984 = tpu.memref_squeeze %dma_start3A_983 : memref<1x!tpu.dma_semaphore, #tpu.memory_space<semaphore_mem>> -> memref<!tpu.dma_semaphore, #tpu.memory_space<semaphore_mem>>
    %dma_start3A_985 = arith.constant 0 : i32
    %dma_start3A_986 = tpu.memref_slice %arg4[%add3A_974, %dma_start3A_985] : memref<8192x2048xf32, #tpu.memory_space<hbm>> -> memref<8x2048xf32, #tpu.memory_space<hbm>>
    %dma_start3A_987 = arith.constant 0 : i32
    %dma_start3A_988 = arith.constant 0 : i32
    %dma_start3A_989 = tpu.memref_slice %arg6[%dma_start3A_975, %dma_start3A_987, %dma_start3A_988] : memref<6x8x2048xf32, #tpu.memory_space<vmem>> -> memref<1x8x2048xf32, #tpu.memory_space<vmem>>
    %dma_start3A_990 = tpu.memref_squeeze %dma_start3A_989 : memref<1x8x2048xf32, #tpu.memory_space<vmem>> -> memref<8x2048xf32, #tpu.memory_space<vmem>>
    tpu.enqueue_dma source(%dma_start3A_990 : memref<8x2048xf32, #tpu.memory_space<vmem>>) target(%dma_start3A_986 : memref<8x2048xf32, #tpu.memory_space<hbm>>) target_semaphore(%dma_start3A_984 : memref<!tpu.dma_semaphore, #tpu.memory_space<semaphore_mem>>)
    %dma_wait3A_991 = arith.constant 1 : i32
    %dma_wait3A_992 = arith.constant 1 : i32
    %dma_wait3A_993 = arith.constant 0 : i32
    %dma_wait3A_994 = arith.constant 0 : i32
    %dma_wait3A_995 = tpu.memref_slice %arg6[%dma_wait3A_991, %dma_wait3A_993, %dma_wait3A_994] : memref<6x8x2048xf32, #tpu.memory_space<vmem>> -> memref<1x8x2048xf32, #tpu.memory_space<vmem>>
    %dma_wait3A_996 = tpu.memref_squeeze %dma_wait3A_995 : memref<1x8x2048xf32, #tpu.memory_space<vmem>> -> memref<8x2048xf32, #tpu.memory_space<vmem>>
    %dma_wait3A_997 = arith.constant 0 : i32
    %dma_wait3A_998 = tpu.memref_slice %arg4[%add3A_910, %dma_wait3A_997] : memref<8192x2048xf32, #tpu.memory_space<hbm>> -> memref<8x2048xf32, #tpu.memory_space<hbm>>
    %dma_wait3A_999 = tpu.memref_slice %arg8[%dma_wait3A_992] : memref<6x!tpu.dma_semaphore, #tpu.memory_space<semaphore_mem>> -> memref<1x!tpu.dma_semaphore, #tpu.memory_space<semaphore_mem>>
    %dma_wait3A_1000 = tpu.memref_squeeze %dma_wait3A_999 : memref<1x!tpu.dma_semaphore, #tpu.memory_space<semaphore_mem>> -> memref<!tpu.dma_semaphore, #tpu.memory_space<semaphore_mem>>
    %dma_wait3A_1001 = arith.constant 0 : i32
    %dma_wait3A_1002 = tpu.memref_slice %arg4[%add3A_910, %dma_wait3A_1001] : memref<8192x2048xf32, #tpu.memory_space<hbm>> -> memref<8x2048xf32, #tpu.memory_space<hbm>>
    %dma_wait3A_1003 = arith.constant 0 : i32
    %dma_wait3A_1004 = arith.constant 0 : i32
    %dma_wait3A_1005 = tpu.memref_slice %arg6[%dma_wait3A_991, %dma_wait3A_1003, %dma_wait3A_1004] : memref<6x8x2048xf32, #tpu.memory_space<vmem>> -> memref<1x8x2048xf32, #tpu.memory_space<vmem>>
    %dma_wait3A_1006 = tpu.memref_squeeze %dma_wait3A_1005 : memref<1x8x2048xf32, #tpu.memory_space<vmem>> -> memref<8x2048xf32, #tpu.memory_space<vmem>>
    tpu.wait_dma2 semaphore(%dma_wait3A_1000 : memref<!tpu.dma_semaphore, #tpu.memory_space<semaphore_mem>>) src(%dma_wait3A_1006 : memref<8x2048xf32, #tpu.memory_space<vmem>>) dst(%dma_wait3A_1002 : memref<8x2048xf32, #tpu.memory_space<hbm>>)
    %dma_start3A_1007 = arith.constant 19 : i32
    %dma_start3A_1008 = arith.constant 1 : i32
    %dma_start3A_1009 = arith.constant 1 : i32
    %dma_start3A_1010 = arith.constant 0 : i32
    %dma_start3A_1011 = arith.constant 0 : i32
    %dma_start3A_1012 = tpu.memref_slice %arg6[%dma_start3A_1008, %dma_start3A_1010, %dma_start3A_1011] : memref<6x8x2048xf32, #tpu.memory_space<vmem>> -> memref<1x8x2048xf32, #tpu.memory_space<vmem>>
    %dma_start3A_1013 = tpu.memref_squeeze %dma_start3A_1012 : memref<1x8x2048xf32, #tpu.memory_space<vmem>> -> memref<8x2048xf32, #tpu.memory_space<vmem>>
    %dma_start3A_1014 = arith.constant 0 : i32
    %dma_start3A_1015 = tpu.memref_slice %arg5[%dma_start3A_1007, %dma_start3A_1014] : memref<32x8xi32, #tpu.memory_space<vmem>> -> memref<1x8xi32, #tpu.memory_space<vmem>>
    %dma_start3A_1016 = tpu.memref_squeeze %dma_start3A_1015 : memref<1x8xi32, #tpu.memory_space<vmem>> -> memref<8xi32, #tpu.memory_space<vmem>>
    %dma_start3A_1017 = arith.constant 0 : i32
    %dma_start3A_1018 = arith.constant 0 : i32
    %dma_start3A_1019 = tpu.memref_slice %arg3[%dma_start3A_1017, %dma_start3A_1018] : memref<50257x2048xf32, #tpu.memory_space<hbm>> -> memref<50257x2048xf32, #tpu.memory_space<hbm>>
    %dma_start3A_1020 = tpu.memref_slice %arg7[%dma_start3A_1009] : memref<6x!tpu.dma_semaphore, #tpu.memory_space<semaphore_mem>> -> memref<1x!tpu.dma_semaphore, #tpu.memory_space<semaphore_mem>>
    %dma_start3A_1021 = tpu.memref_squeeze %dma_start3A_1020 : memref<1x!tpu.dma_semaphore, #tpu.memory_space<semaphore_mem>> -> memref<!tpu.dma_semaphore, #tpu.memory_space<semaphore_mem>>
    tpu.enqueue_indirect_dma source(%dma_start3A_1019 : memref<50257x2048xf32, #tpu.memory_space<hbm>>) target(%dma_start3A_1013 : memref<8x2048xf32, #tpu.memory_space<vmem>>) offsets(%dma_start3A_1016 : memref<8xi32, #tpu.memory_space<vmem>>) semaphore(%dma_start3A_1021 : memref<!tpu.dma_semaphore, #tpu.memory_space<semaphore_mem>>)
    %dma_wait3A_1022 = arith.constant 15 : i32
    %dma_wait3A_1023 = arith.constant 3 : i32
    %dma_wait3A_1024 = arith.constant 3 : i32
    %dma_wait3A_1025 = arith.constant 0 : i32
    %dma_wait3A_1026 = arith.constant 0 : i32
    %dma_wait3A_1027 = tpu.memref_slice %arg6[%dma_wait3A_1023, %dma_wait3A_1025, %dma_wait3A_1026] : memref<6x8x2048xf32, #tpu.memory_space<vmem>> -> memref<1x8x2048xf32, #tpu.memory_space<vmem>>
    %dma_wait3A_1028 = tpu.memref_squeeze %dma_wait3A_1027 : memref<1x8x2048xf32, #tpu.memory_space<vmem>> -> memref<8x2048xf32, #tpu.memory_space<vmem>>
    %dma_wait3A_1029 = arith.constant 0 : i32
    %dma_wait3A_1030 = tpu.memref_slice %arg5[%dma_wait3A_1022, %dma_wait3A_1029] : memref<32x8xi32, #tpu.memory_space<vmem>> -> memref<1x8xi32, #tpu.memory_space<vmem>>
    %dma_wait3A_1031 = tpu.memref_squeeze %dma_wait3A_1030 : memref<1x8xi32, #tpu.memory_space<vmem>> -> memref<8xi32, #tpu.memory_space<vmem>>
    %dma_wait3A_1032 = arith.constant 0 : i32
    %dma_wait3A_1033 = arith.constant 0 : i32
    %dma_wait3A_1034 = tpu.memref_slice %arg3[%dma_wait3A_1032, %dma_wait3A_1033] : memref<50257x2048xf32, #tpu.memory_space<hbm>> -> memref<50257x2048xf32, #tpu.memory_space<hbm>>
    %dma_wait3A_1035 = tpu.memref_slice %arg7[%dma_wait3A_1024] : memref<6x!tpu.dma_semaphore, #tpu.memory_space<semaphore_mem>> -> memref<1x!tpu.dma_semaphore, #tpu.memory_space<semaphore_mem>>
    %dma_wait3A_1036 = tpu.memref_squeeze %dma_wait3A_1035 : memref<1x!tpu.dma_semaphore, #tpu.memory_space<semaphore_mem>> -> memref<!tpu.dma_semaphore, #tpu.memory_space<semaphore_mem>>
    tpu.wait_indirect_dma semaphore(%dma_wait3A_1036 : memref<!tpu.dma_semaphore, #tpu.memory_space<semaphore_mem>>) src(%dma_wait3A_1034 : memref<50257x2048xf32, #tpu.memory_space<hbm>>) dst(%dma_wait3A_1028 : memref<8x2048xf32, #tpu.memory_space<vmem>>)
    %add3A_1037 = arith.constant 120 : i32
    %add3A_1038 = arith.addi %mul3A_2, %add3A_1037 : i32
    %dma_start3A_1039 = arith.constant 3 : i32
    %dma_start3A_1040 = arith.constant 3 : i32
    %dma_start3A_1041 = arith.constant 0 : i32
    %dma_start3A_1042 = arith.constant 0 : i32
    %dma_start3A_1043 = tpu.memref_slice %arg6[%dma_start3A_1039, %dma_start3A_1041, %dma_start3A_1042] : memref<6x8x2048xf32, #tpu.memory_space<vmem>> -> memref<1x8x2048xf32, #tpu.memory_space<vmem>>
    %dma_start3A_1044 = tpu.memref_squeeze %dma_start3A_1043 : memref<1x8x2048xf32, #tpu.memory_space<vmem>> -> memref<8x2048xf32, #tpu.memory_space<vmem>>
    %dma_start3A_1045 = arith.constant 0 : i32
    %dma_start3A_1046 = tpu.memref_slice %arg4[%add3A_1038, %dma_start3A_1045] : memref<8192x2048xf32, #tpu.memory_space<hbm>> -> memref<8x2048xf32, #tpu.memory_space<hbm>>
    %dma_start3A_1047 = tpu.memref_slice %arg8[%dma_start3A_1040] : memref<6x!tpu.dma_semaphore, #tpu.memory_space<semaphore_mem>> -> memref<1x!tpu.dma_semaphore, #tpu.memory_space<semaphore_mem>>
    %dma_start3A_1048 = tpu.memref_squeeze %dma_start3A_1047 : memref<1x!tpu.dma_semaphore, #tpu.memory_space<semaphore_mem>> -> memref<!tpu.dma_semaphore, #tpu.memory_space<semaphore_mem>>
    %dma_start3A_1049 = arith.constant 0 : i32
    %dma_start3A_1050 = tpu.memref_slice %arg4[%add3A_1038, %dma_start3A_1049] : memref<8192x2048xf32, #tpu.memory_space<hbm>> -> memref<8x2048xf32, #tpu.memory_space<hbm>>
    %dma_start3A_1051 = arith.constant 0 : i32
    %dma_start3A_1052 = arith.constant 0 : i32
    %dma_start3A_1053 = tpu.memref_slice %arg6[%dma_start3A_1039, %dma_start3A_1051, %dma_start3A_1052] : memref<6x8x2048xf32, #tpu.memory_space<vmem>> -> memref<1x8x2048xf32, #tpu.memory_space<vmem>>
    %dma_start3A_1054 = tpu.memref_squeeze %dma_start3A_1053 : memref<1x8x2048xf32, #tpu.memory_space<vmem>> -> memref<8x2048xf32, #tpu.memory_space<vmem>>
    tpu.enqueue_dma source(%dma_start3A_1054 : memref<8x2048xf32, #tpu.memory_space<vmem>>) target(%dma_start3A_1050 : memref<8x2048xf32, #tpu.memory_space<hbm>>) target_semaphore(%dma_start3A_1048 : memref<!tpu.dma_semaphore, #tpu.memory_space<semaphore_mem>>)
    %dma_wait3A_1055 = arith.constant 2 : i32
    %dma_wait3A_1056 = arith.constant 2 : i32
    %dma_wait3A_1057 = arith.constant 0 : i32
    %dma_wait3A_1058 = arith.constant 0 : i32
    %dma_wait3A_1059 = tpu.memref_slice %arg6[%dma_wait3A_1055, %dma_wait3A_1057, %dma_wait3A_1058] : memref<6x8x2048xf32, #tpu.memory_space<vmem>> -> memref<1x8x2048xf32, #tpu.memory_space<vmem>>
    %dma_wait3A_1060 = tpu.memref_squeeze %dma_wait3A_1059 : memref<1x8x2048xf32, #tpu.memory_space<vmem>> -> memref<8x2048xf32, #tpu.memory_space<vmem>>
    %dma_wait3A_1061 = arith.constant 0 : i32
    %dma_wait3A_1062 = tpu.memref_slice %arg4[%add3A_974, %dma_wait3A_1061] : memref<8192x2048xf32, #tpu.memory_space<hbm>> -> memref<8x2048xf32, #tpu.memory_space<hbm>>
    %dma_wait3A_1063 = tpu.memref_slice %arg8[%dma_wait3A_1056] : memref<6x!tpu.dma_semaphore, #tpu.memory_space<semaphore_mem>> -> memref<1x!tpu.dma_semaphore, #tpu.memory_space<semaphore_mem>>
    %dma_wait3A_1064 = tpu.memref_squeeze %dma_wait3A_1063 : memref<1x!tpu.dma_semaphore, #tpu.memory_space<semaphore_mem>> -> memref<!tpu.dma_semaphore, #tpu.memory_space<semaphore_mem>>
    %dma_wait3A_1065 = arith.constant 0 : i32
    %dma_wait3A_1066 = tpu.memref_slice %arg4[%add3A_974, %dma_wait3A_1065] : memref<8192x2048xf32, #tpu.memory_space<hbm>> -> memref<8x2048xf32, #tpu.memory_space<hbm>>
    %dma_wait3A_1067 = arith.constant 0 : i32
    %dma_wait3A_1068 = arith.constant 0 : i32
    %dma_wait3A_1069 = tpu.memref_slice %arg6[%dma_wait3A_1055, %dma_wait3A_1067, %dma_wait3A_1068] : memref<6x8x2048xf32, #tpu.memory_space<vmem>> -> memref<1x8x2048xf32, #tpu.memory_space<vmem>>
    %dma_wait3A_1070 = tpu.memref_squeeze %dma_wait3A_1069 : memref<1x8x2048xf32, #tpu.memory_space<vmem>> -> memref<8x2048xf32, #tpu.memory_space<vmem>>
    tpu.wait_dma2 semaphore(%dma_wait3A_1064 : memref<!tpu.dma_semaphore, #tpu.memory_space<semaphore_mem>>) src(%dma_wait3A_1070 : memref<8x2048xf32, #tpu.memory_space<vmem>>) dst(%dma_wait3A_1066 : memref<8x2048xf32, #tpu.memory_space<hbm>>)
    %dma_start3A_1071 = arith.constant 20 : i32
    %dma_start3A_1072 = arith.constant 2 : i32
    %dma_start3A_1073 = arith.constant 2 : i32
    %dma_start3A_1074 = arith.constant 0 : i32
    %dma_start3A_1075 = arith.constant 0 : i32
    %dma_start3A_1076 = tpu.memref_slice %arg6[%dma_start3A_1072, %dma_start3A_1074, %dma_start3A_1075] : memref<6x8x2048xf32, #tpu.memory_space<vmem>> -> memref<1x8x2048xf32, #tpu.memory_space<vmem>>
    %dma_start3A_1077 = tpu.memref_squeeze %dma_start3A_1076 : memref<1x8x2048xf32, #tpu.memory_space<vmem>> -> memref<8x2048xf32, #tpu.memory_space<vmem>>
    %dma_start3A_1078 = arith.constant 0 : i32
    %dma_start3A_1079 = tpu.memref_slice %arg5[%dma_start3A_1071, %dma_start3A_1078] : memref<32x8xi32, #tpu.memory_space<vmem>> -> memref<1x8xi32, #tpu.memory_space<vmem>>
    %dma_start3A_1080 = tpu.memref_squeeze %dma_start3A_1079 : memref<1x8xi32, #tpu.memory_space<vmem>> -> memref<8xi32, #tpu.memory_space<vmem>>
    %dma_start3A_1081 = arith.constant 0 : i32
    %dma_start3A_1082 = arith.constant 0 : i32
    %dma_start3A_1083 = tpu.memref_slice %arg3[%dma_start3A_1081, %dma_start3A_1082] : memref<50257x2048xf32, #tpu.memory_space<hbm>> -> memref<50257x2048xf32, #tpu.memory_space<hbm>>
    %dma_start3A_1084 = tpu.memref_slice %arg7[%dma_start3A_1073] : memref<6x!tpu.dma_semaphore, #tpu.memory_space<semaphore_mem>> -> memref<1x!tpu.dma_semaphore, #tpu.memory_space<semaphore_mem>>
    %dma_start3A_1085 = tpu.memref_squeeze %dma_start3A_1084 : memref<1x!tpu.dma_semaphore, #tpu.memory_space<semaphore_mem>> -> memref<!tpu.dma_semaphore, #tpu.memory_space<semaphore_mem>>
    tpu.enqueue_indirect_dma source(%dma_start3A_1083 : memref<50257x2048xf32, #tpu.memory_space<hbm>>) target(%dma_start3A_1077 : memref<8x2048xf32, #tpu.memory_space<vmem>>) offsets(%dma_start3A_1080 : memref<8xi32, #tpu.memory_space<vmem>>) semaphore(%dma_start3A_1085 : memref<!tpu.dma_semaphore, #tpu.memory_space<semaphore_mem>>)
    %dma_wait3A_1086 = arith.constant 16 : i32
    %dma_wait3A_1087 = arith.constant 4 : i32
    %dma_wait3A_1088 = arith.constant 4 : i32
    %dma_wait3A_1089 = arith.constant 0 : i32
    %dma_wait3A_1090 = arith.constant 0 : i32
    %dma_wait3A_1091 = tpu.memref_slice %arg6[%dma_wait3A_1087, %dma_wait3A_1089, %dma_wait3A_1090] : memref<6x8x2048xf32, #tpu.memory_space<vmem>> -> memref<1x8x2048xf32, #tpu.memory_space<vmem>>
    %dma_wait3A_1092 = tpu.memref_squeeze %dma_wait3A_1091 : memref<1x8x2048xf32, #tpu.memory_space<vmem>> -> memref<8x2048xf32, #tpu.memory_space<vmem>>
    %dma_wait3A_1093 = arith.constant 0 : i32
    %dma_wait3A_1094 = tpu.memref_slice %arg5[%dma_wait3A_1086, %dma_wait3A_1093] : memref<32x8xi32, #tpu.memory_space<vmem>> -> memref<1x8xi32, #tpu.memory_space<vmem>>
    %dma_wait3A_1095 = tpu.memref_squeeze %dma_wait3A_1094 : memref<1x8xi32, #tpu.memory_space<vmem>> -> memref<8xi32, #tpu.memory_space<vmem>>
    %dma_wait3A_1096 = arith.constant 0 : i32
    %dma_wait3A_1097 = arith.constant 0 : i32
    %dma_wait3A_1098 = tpu.memref_slice %arg3[%dma_wait3A_1096, %dma_wait3A_1097] : memref<50257x2048xf32, #tpu.memory_space<hbm>> -> memref<50257x2048xf32, #tpu.memory_space<hbm>>
    %dma_wait3A_1099 = tpu.memref_slice %arg7[%dma_wait3A_1088] : memref<6x!tpu.dma_semaphore, #tpu.memory_space<semaphore_mem>> -> memref<1x!tpu.dma_semaphore, #tpu.memory_space<semaphore_mem>>
    %dma_wait3A_1100 = tpu.memref_squeeze %dma_wait3A_1099 : memref<1x!tpu.dma_semaphore, #tpu.memory_space<semaphore_mem>> -> memref<!tpu.dma_semaphore, #tpu.memory_space<semaphore_mem>>
    tpu.wait_indirect_dma semaphore(%dma_wait3A_1100 : memref<!tpu.dma_semaphore, #tpu.memory_space<semaphore_mem>>) src(%dma_wait3A_1098 : memref<50257x2048xf32, #tpu.memory_space<hbm>>) dst(%dma_wait3A_1092 : memref<8x2048xf32, #tpu.memory_space<vmem>>)
    %add3A_1101 = arith.constant 128 : i32
    %add3A_1102 = arith.addi %mul3A_2, %add3A_1101 : i32
    %dma_start3A_1103 = arith.constant 4 : i32
    %dma_start3A_1104 = arith.constant 4 : i32
    %dma_start3A_1105 = arith.constant 0 : i32
    %dma_start3A_1106 = arith.constant 0 : i32
    %dma_start3A_1107 = tpu.memref_slice %arg6[%dma_start3A_1103, %dma_start3A_1105, %dma_start3A_1106] : memref<6x8x2048xf32, #tpu.memory_space<vmem>> -> memref<1x8x2048xf32, #tpu.memory_space<vmem>>
    %dma_start3A_1108 = tpu.memref_squeeze %dma_start3A_1107 : memref<1x8x2048xf32, #tpu.memory_space<vmem>> -> memref<8x2048xf32, #tpu.memory_space<vmem>>
    %dma_start3A_1109 = arith.constant 0 : i32
    %dma_start3A_1110 = tpu.memref_slice %arg4[%add3A_1102, %dma_start3A_1109] : memref<8192x2048xf32, #tpu.memory_space<hbm>> -> memref<8x2048xf32, #tpu.memory_space<hbm>>
    %dma_start3A_1111 = tpu.memref_slice %arg8[%dma_start3A_1104] : memref<6x!tpu.dma_semaphore, #tpu.memory_space<semaphore_mem>> -> memref<1x!tpu.dma_semaphore, #tpu.memory_space<semaphore_mem>>
    %dma_start3A_1112 = tpu.memref_squeeze %dma_start3A_1111 : memref<1x!tpu.dma_semaphore, #tpu.memory_space<semaphore_mem>> -> memref<!tpu.dma_semaphore, #tpu.memory_space<semaphore_mem>>
    %dma_start3A_1113 = arith.constant 0 : i32
    %dma_start3A_1114 = tpu.memref_slice %arg4[%add3A_1102, %dma_start3A_1113] : memref<8192x2048xf32, #tpu.memory_space<hbm>> -> memref<8x2048xf32, #tpu.memory_space<hbm>>
    %dma_start3A_1115 = arith.constant 0 : i32
    %dma_start3A_1116 = arith.constant 0 : i32
    %dma_start3A_1117 = tpu.memref_slice %arg6[%dma_start3A_1103, %dma_start3A_1115, %dma_start3A_1116] : memref<6x8x2048xf32, #tpu.memory_space<vmem>> -> memref<1x8x2048xf32, #tpu.memory_space<vmem>>
    %dma_start3A_1118 = tpu.memref_squeeze %dma_start3A_1117 : memref<1x8x2048xf32, #tpu.memory_space<vmem>> -> memref<8x2048xf32, #tpu.memory_space<vmem>>
    tpu.enqueue_dma source(%dma_start3A_1118 : memref<8x2048xf32, #tpu.memory_space<vmem>>) target(%dma_start3A_1114 : memref<8x2048xf32, #tpu.memory_space<hbm>>) target_semaphore(%dma_start3A_1112 : memref<!tpu.dma_semaphore, #tpu.memory_space<semaphore_mem>>)
    %dma_wait3A_1119 = arith.constant 3 : i32
    %dma_wait3A_1120 = arith.constant 3 : i32
    %dma_wait3A_1121 = arith.constant 0 : i32
    %dma_wait3A_1122 = arith.constant 0 : i32
    %dma_wait3A_1123 = tpu.memref_slice %arg6[%dma_wait3A_1119, %dma_wait3A_1121, %dma_wait3A_1122] : memref<6x8x2048xf32, #tpu.memory_space<vmem>> -> memref<1x8x2048xf32, #tpu.memory_space<vmem>>
    %dma_wait3A_1124 = tpu.memref_squeeze %dma_wait3A_1123 : memref<1x8x2048xf32, #tpu.memory_space<vmem>> -> memref<8x2048xf32, #tpu.memory_space<vmem>>
    %dma_wait3A_1125 = arith.constant 0 : i32
    %dma_wait3A_1126 = tpu.memref_slice %arg4[%add3A_1038, %dma_wait3A_1125] : memref<8192x2048xf32, #tpu.memory_space<hbm>> -> memref<8x2048xf32, #tpu.memory_space<hbm>>
    %dma_wait3A_1127 = tpu.memref_slice %arg8[%dma_wait3A_1120] : memref<6x!tpu.dma_semaphore, #tpu.memory_space<semaphore_mem>> -> memref<1x!tpu.dma_semaphore, #tpu.memory_space<semaphore_mem>>
    %dma_wait3A_1128 = tpu.memref_squeeze %dma_wait3A_1127 : memref<1x!tpu.dma_semaphore, #tpu.memory_space<semaphore_mem>> -> memref<!tpu.dma_semaphore, #tpu.memory_space<semaphore_mem>>
    %dma_wait3A_1129 = arith.constant 0 : i32
    %dma_wait3A_1130 = tpu.memref_slice %arg4[%add3A_1038, %dma_wait3A_1129] : memref<8192x2048xf32, #tpu.memory_space<hbm>> -> memref<8x2048xf32, #tpu.memory_space<hbm>>
    %dma_wait3A_1131 = arith.constant 0 : i32
    %dma_wait3A_1132 = arith.constant 0 : i32
    %dma_wait3A_1133 = tpu.memref_slice %arg6[%dma_wait3A_1119, %dma_wait3A_1131, %dma_wait3A_1132] : memref<6x8x2048xf32, #tpu.memory_space<vmem>> -> memref<1x8x2048xf32, #tpu.memory_space<vmem>>
    %dma_wait3A_1134 = tpu.memref_squeeze %dma_wait3A_1133 : memref<1x8x2048xf32, #tpu.memory_space<vmem>> -> memref<8x2048xf32, #tpu.memory_space<vmem>>
    tpu.wait_dma2 semaphore(%dma_wait3A_1128 : memref<!tpu.dma_semaphore, #tpu.memory_space<semaphore_mem>>) src(%dma_wait3A_1134 : memref<8x2048xf32, #tpu.memory_space<vmem>>) dst(%dma_wait3A_1130 : memref<8x2048xf32, #tpu.memory_space<hbm>>)
    %dma_start3A_1135 = arith.constant 21 : i32
    %dma_start3A_1136 = arith.constant 3 : i32
    %dma_start3A_1137 = arith.constant 3 : i32
    %dma_start3A_1138 = arith.constant 0 : i32
    %dma_start3A_1139 = arith.constant 0 : i32
    %dma_start3A_1140 = tpu.memref_slice %arg6[%dma_start3A_1136, %dma_start3A_1138, %dma_start3A_1139] : memref<6x8x2048xf32, #tpu.memory_space<vmem>> -> memref<1x8x2048xf32, #tpu.memory_space<vmem>>
    %dma_start3A_1141 = tpu.memref_squeeze %dma_start3A_1140 : memref<1x8x2048xf32, #tpu.memory_space<vmem>> -> memref<8x2048xf32, #tpu.memory_space<vmem>>
    %dma_start3A_1142 = arith.constant 0 : i32
    %dma_start3A_1143 = tpu.memref_slice %arg5[%dma_start3A_1135, %dma_start3A_1142] : memref<32x8xi32, #tpu.memory_space<vmem>> -> memref<1x8xi32, #tpu.memory_space<vmem>>
    %dma_start3A_1144 = tpu.memref_squeeze %dma_start3A_1143 : memref<1x8xi32, #tpu.memory_space<vmem>> -> memref<8xi32, #tpu.memory_space<vmem>>
    %dma_start3A_1145 = arith.constant 0 : i32
    %dma_start3A_1146 = arith.constant 0 : i32
    %dma_start3A_1147 = tpu.memref_slice %arg3[%dma_start3A_1145, %dma_start3A_1146] : memref<50257x2048xf32, #tpu.memory_space<hbm>> -> memref<50257x2048xf32, #tpu.memory_space<hbm>>
    %dma_start3A_1148 = tpu.memref_slice %arg7[%dma_start3A_1137] : memref<6x!tpu.dma_semaphore, #tpu.memory_space<semaphore_mem>> -> memref<1x!tpu.dma_semaphore, #tpu.memory_space<semaphore_mem>>
    %dma_start3A_1149 = tpu.memref_squeeze %dma_start3A_1148 : memref<1x!tpu.dma_semaphore, #tpu.memory_space<semaphore_mem>> -> memref<!tpu.dma_semaphore, #tpu.memory_space<semaphore_mem>>
    tpu.enqueue_indirect_dma source(%dma_start3A_1147 : memref<50257x2048xf32, #tpu.memory_space<hbm>>) target(%dma_start3A_1141 : memref<8x2048xf32, #tpu.memory_space<vmem>>) offsets(%dma_start3A_1144 : memref<8xi32, #tpu.memory_space<vmem>>) semaphore(%dma_start3A_1149 : memref<!tpu.dma_semaphore, #tpu.memory_space<semaphore_mem>>)
    %dma_wait3A_1150 = arith.constant 17 : i32
    %dma_wait3A_1151 = arith.constant 5 : i32
    %dma_wait3A_1152 = arith.constant 5 : i32
    %dma_wait3A_1153 = arith.constant 0 : i32
    %dma_wait3A_1154 = arith.constant 0 : i32
    %dma_wait3A_1155 = tpu.memref_slice %arg6[%dma_wait3A_1151, %dma_wait3A_1153, %dma_wait3A_1154] : memref<6x8x2048xf32, #tpu.memory_space<vmem>> -> memref<1x8x2048xf32, #tpu.memory_space<vmem>>
    %dma_wait3A_1156 = tpu.memref_squeeze %dma_wait3A_1155 : memref<1x8x2048xf32, #tpu.memory_space<vmem>> -> memref<8x2048xf32, #tpu.memory_space<vmem>>
    %dma_wait3A_1157 = arith.constant 0 : i32
    %dma_wait3A_1158 = tpu.memref_slice %arg5[%dma_wait3A_1150, %dma_wait3A_1157] : memref<32x8xi32, #tpu.memory_space<vmem>> -> memref<1x8xi32, #tpu.memory_space<vmem>>
    %dma_wait3A_1159 = tpu.memref_squeeze %dma_wait3A_1158 : memref<1x8xi32, #tpu.memory_space<vmem>> -> memref<8xi32, #tpu.memory_space<vmem>>
    %dma_wait3A_1160 = arith.constant 0 : i32
    %dma_wait3A_1161 = arith.constant 0 : i32
    %dma_wait3A_1162 = tpu.memref_slice %arg3[%dma_wait3A_1160, %dma_wait3A_1161] : memref<50257x2048xf32, #tpu.memory_space<hbm>> -> memref<50257x2048xf32, #tpu.memory_space<hbm>>
    %dma_wait3A_1163 = tpu.memref_slice %arg7[%dma_wait3A_1152] : memref<6x!tpu.dma_semaphore, #tpu.memory_space<semaphore_mem>> -> memref<1x!tpu.dma_semaphore, #tpu.memory_space<semaphore_mem>>
    %dma_wait3A_1164 = tpu.memref_squeeze %dma_wait3A_1163 : memref<1x!tpu.dma_semaphore, #tpu.memory_space<semaphore_mem>> -> memref<!tpu.dma_semaphore, #tpu.memory_space<semaphore_mem>>
    tpu.wait_indirect_dma semaphore(%dma_wait3A_1164 : memref<!tpu.dma_semaphore, #tpu.memory_space<semaphore_mem>>) src(%dma_wait3A_1162 : memref<50257x2048xf32, #tpu.memory_space<hbm>>) dst(%dma_wait3A_1156 : memref<8x2048xf32, #tpu.memory_space<vmem>>)
    %add3A_1165 = arith.constant 136 : i32
    %add3A_1166 = arith.addi %mul3A_2, %add3A_1165 : i32
    %dma_start3A_1167 = arith.constant 5 : i32
    %dma_start3A_1168 = arith.constant 5 : i32
    %dma_start3A_1169 = arith.constant 0 : i32
    %dma_start3A_1170 = arith.constant 0 : i32
    %dma_start3A_1171 = tpu.memref_slice %arg6[%dma_start3A_1167, %dma_start3A_1169, %dma_start3A_1170] : memref<6x8x2048xf32, #tpu.memory_space<vmem>> -> memref<1x8x2048xf32, #tpu.memory_space<vmem>>
    %dma_start3A_1172 = tpu.memref_squeeze %dma_start3A_1171 : memref<1x8x2048xf32, #tpu.memory_space<vmem>> -> memref<8x2048xf32, #tpu.memory_space<vmem>>
    %dma_start3A_1173 = arith.constant 0 : i32
    %dma_start3A_1174 = tpu.memref_slice %arg4[%add3A_1166, %dma_start3A_1173] : memref<8192x2048xf32, #tpu.memory_space<hbm>> -> memref<8x2048xf32, #tpu.memory_space<hbm>>
    %dma_start3A_1175 = tpu.memref_slice %arg8[%dma_start3A_1168] : memref<6x!tpu.dma_semaphore, #tpu.memory_space<semaphore_mem>> -> memref<1x!tpu.dma_semaphore, #tpu.memory_space<semaphore_mem>>
    %dma_start3A_1176 = tpu.memref_squeeze %dma_start3A_1175 : memref<1x!tpu.dma_semaphore, #tpu.memory_space<semaphore_mem>> -> memref<!tpu.dma_semaphore, #tpu.memory_space<semaphore_mem>>
    %dma_start3A_1177 = arith.constant 0 : i32
    %dma_start3A_1178 = tpu.memref_slice %arg4[%add3A_1166, %dma_start3A_1177] : memref<8192x2048xf32, #tpu.memory_space<hbm>> -> memref<8x2048xf32, #tpu.memory_space<hbm>>
    %dma_start3A_1179 = arith.constant 0 : i32
    %dma_start3A_1180 = arith.constant 0 : i32
    %dma_start3A_1181 = tpu.memref_slice %arg6[%dma_start3A_1167, %dma_start3A_1179, %dma_start3A_1180] : memref<6x8x2048xf32, #tpu.memory_space<vmem>> -> memref<1x8x2048xf32, #tpu.memory_space<vmem>>
    %dma_start3A_1182 = tpu.memref_squeeze %dma_start3A_1181 : memref<1x8x2048xf32, #tpu.memory_space<vmem>> -> memref<8x2048xf32, #tpu.memory_space<vmem>>
    tpu.enqueue_dma source(%dma_start3A_1182 : memref<8x2048xf32, #tpu.memory_space<vmem>>) target(%dma_start3A_1178 : memref<8x2048xf32, #tpu.memory_space<hbm>>) target_semaphore(%dma_start3A_1176 : memref<!tpu.dma_semaphore, #tpu.memory_space<semaphore_mem>>)
    %dma_wait3A_1183 = arith.constant 4 : i32
    %dma_wait3A_1184 = arith.constant 4 : i32
    %dma_wait3A_1185 = arith.constant 0 : i32
    %dma_wait3A_1186 = arith.constant 0 : i32
    %dma_wait3A_1187 = tpu.memref_slice %arg6[%dma_wait3A_1183, %dma_wait3A_1185, %dma_wait3A_1186] : memref<6x8x2048xf32, #tpu.memory_space<vmem>> -> memref<1x8x2048xf32, #tpu.memory_space<vmem>>
    %dma_wait3A_1188 = tpu.memref_squeeze %dma_wait3A_1187 : memref<1x8x2048xf32, #tpu.memory_space<vmem>> -> memref<8x2048xf32, #tpu.memory_space<vmem>>
    %dma_wait3A_1189 = arith.constant 0 : i32
    %dma_wait3A_1190 = tpu.memref_slice %arg4[%add3A_1102, %dma_wait3A_1189] : memref<8192x2048xf32, #tpu.memory_space<hbm>> -> memref<8x2048xf32, #tpu.memory_space<hbm>>
    %dma_wait3A_1191 = tpu.memref_slice %arg8[%dma_wait3A_1184] : memref<6x!tpu.dma_semaphore, #tpu.memory_space<semaphore_mem>> -> memref<1x!tpu.dma_semaphore, #tpu.memory_space<semaphore_mem>>
    %dma_wait3A_1192 = tpu.memref_squeeze %dma_wait3A_1191 : memref<1x!tpu.dma_semaphore, #tpu.memory_space<semaphore_mem>> -> memref<!tpu.dma_semaphore, #tpu.memory_space<semaphore_mem>>
    %dma_wait3A_1193 = arith.constant 0 : i32
    %dma_wait3A_1194 = tpu.memref_slice %arg4[%add3A_1102, %dma_wait3A_1193] : memref<8192x2048xf32, #tpu.memory_space<hbm>> -> memref<8x2048xf32, #tpu.memory_space<hbm>>
    %dma_wait3A_1195 = arith.constant 0 : i32
    %dma_wait3A_1196 = arith.constant 0 : i32
    %dma_wait3A_1197 = tpu.memref_slice %arg6[%dma_wait3A_1183, %dma_wait3A_1195, %dma_wait3A_1196] : memref<6x8x2048xf32, #tpu.memory_space<vmem>> -> memref<1x8x2048xf32, #tpu.memory_space<vmem>>
    %dma_wait3A_1198 = tpu.memref_squeeze %dma_wait3A_1197 : memref<1x8x2048xf32, #tpu.memory_space<vmem>> -> memref<8x2048xf32, #tpu.memory_space<vmem>>
    tpu.wait_dma2 semaphore(%dma_wait3A_1192 : memref<!tpu.dma_semaphore, #tpu.memory_space<semaphore_mem>>) src(%dma_wait3A_1198 : memref<8x2048xf32, #tpu.memory_space<vmem>>) dst(%dma_wait3A_1194 : memref<8x2048xf32, #tpu.memory_space<hbm>>)
    %dma_start3A_1199 = arith.constant 22 : i32
    %dma_start3A_1200 = arith.constant 4 : i32
    %dma_start3A_1201 = arith.constant 4 : i32
    %dma_start3A_1202 = arith.constant 0 : i32
    %dma_start3A_1203 = arith.constant 0 : i32
    %dma_start3A_1204 = tpu.memref_slice %arg6[%dma_start3A_1200, %dma_start3A_1202, %dma_start3A_1203] : memref<6x8x2048xf32, #tpu.memory_space<vmem>> -> memref<1x8x2048xf32, #tpu.memory_space<vmem>>
    %dma_start3A_1205 = tpu.memref_squeeze %dma_start3A_1204 : memref<1x8x2048xf32, #tpu.memory_space<vmem>> -> memref<8x2048xf32, #tpu.memory_space<vmem>>
    %dma_start3A_1206 = arith.constant 0 : i32
    %dma_start3A_1207 = tpu.memref_slice %arg5[%dma_start3A_1199, %dma_start3A_1206] : memref<32x8xi32, #tpu.memory_space<vmem>> -> memref<1x8xi32, #tpu.memory_space<vmem>>
    %dma_start3A_1208 = tpu.memref_squeeze %dma_start3A_1207 : memref<1x8xi32, #tpu.memory_space<vmem>> -> memref<8xi32, #tpu.memory_space<vmem>>
    %dma_start3A_1209 = arith.constant 0 : i32
    %dma_start3A_1210 = arith.constant 0 : i32
    %dma_start3A_1211 = tpu.memref_slice %arg3[%dma_start3A_1209, %dma_start3A_1210] : memref<50257x2048xf32, #tpu.memory_space<hbm>> -> memref<50257x2048xf32, #tpu.memory_space<hbm>>
    %dma_start3A_1212 = tpu.memref_slice %arg7[%dma_start3A_1201] : memref<6x!tpu.dma_semaphore, #tpu.memory_space<semaphore_mem>> -> memref<1x!tpu.dma_semaphore, #tpu.memory_space<semaphore_mem>>
    %dma_start3A_1213 = tpu.memref_squeeze %dma_start3A_1212 : memref<1x!tpu.dma_semaphore, #tpu.memory_space<semaphore_mem>> -> memref<!tpu.dma_semaphore, #tpu.memory_space<semaphore_mem>>
    tpu.enqueue_indirect_dma source(%dma_start3A_1211 : memref<50257x2048xf32, #tpu.memory_space<hbm>>) target(%dma_start3A_1205 : memref<8x2048xf32, #tpu.memory_space<vmem>>) offsets(%dma_start3A_1208 : memref<8xi32, #tpu.memory_space<vmem>>) semaphore(%dma_start3A_1213 : memref<!tpu.dma_semaphore, #tpu.memory_space<semaphore_mem>>)
    %dma_wait3A_1214 = arith.constant 18 : i32
    %dma_wait3A_1215 = arith.constant 0 : i32
    %dma_wait3A_1216 = arith.constant 0 : i32
    %dma_wait3A_1217 = arith.constant 0 : i32
    %dma_wait3A_1218 = arith.constant 0 : i32
    %dma_wait3A_1219 = tpu.memref_slice %arg6[%dma_wait3A_1215, %dma_wait3A_1217, %dma_wait3A_1218] : memref<6x8x2048xf32, #tpu.memory_space<vmem>> -> memref<1x8x2048xf32, #tpu.memory_space<vmem>>
    %dma_wait3A_1220 = tpu.memref_squeeze %dma_wait3A_1219 : memref<1x8x2048xf32, #tpu.memory_space<vmem>> -> memref<8x2048xf32, #tpu.memory_space<vmem>>
    %dma_wait3A_1221 = arith.constant 0 : i32
    %dma_wait3A_1222 = tpu.memref_slice %arg5[%dma_wait3A_1214, %dma_wait3A_1221] : memref<32x8xi32, #tpu.memory_space<vmem>> -> memref<1x8xi32, #tpu.memory_space<vmem>>
    %dma_wait3A_1223 = tpu.memref_squeeze %dma_wait3A_1222 : memref<1x8xi32, #tpu.memory_space<vmem>> -> memref<8xi32, #tpu.memory_space<vmem>>
    %dma_wait3A_1224 = arith.constant 0 : i32
    %dma_wait3A_1225 = arith.constant 0 : i32
    %dma_wait3A_1226 = tpu.memref_slice %arg3[%dma_wait3A_1224, %dma_wait3A_1225] : memref<50257x2048xf32, #tpu.memory_space<hbm>> -> memref<50257x2048xf32, #tpu.memory_space<hbm>>
    %dma_wait3A_1227 = tpu.memref_slice %arg7[%dma_wait3A_1216] : memref<6x!tpu.dma_semaphore, #tpu.memory_space<semaphore_mem>> -> memref<1x!tpu.dma_semaphore, #tpu.memory_space<semaphore_mem>>
    %dma_wait3A_1228 = tpu.memref_squeeze %dma_wait3A_1227 : memref<1x!tpu.dma_semaphore, #tpu.memory_space<semaphore_mem>> -> memref<!tpu.dma_semaphore, #tpu.memory_space<semaphore_mem>>
    tpu.wait_indirect_dma semaphore(%dma_wait3A_1228 : memref<!tpu.dma_semaphore, #tpu.memory_space<semaphore_mem>>) src(%dma_wait3A_1226 : memref<50257x2048xf32, #tpu.memory_space<hbm>>) dst(%dma_wait3A_1220 : memref<8x2048xf32, #tpu.memory_space<vmem>>)
    %add3A_1229 = arith.constant 144 : i32
    %add3A_1230 = arith.addi %mul3A_2, %add3A_1229 : i32
    %dma_start3A_1231 = arith.constant 0 : i32
    %dma_start3A_1232 = arith.constant 0 : i32
    %dma_start3A_1233 = arith.constant 0 : i32
    %dma_start3A_1234 = arith.constant 0 : i32
    %dma_start3A_1235 = tpu.memref_slice %arg6[%dma_start3A_1231, %dma_start3A_1233, %dma_start3A_1234] : memref<6x8x2048xf32, #tpu.memory_space<vmem>> -> memref<1x8x2048xf32, #tpu.memory_space<vmem>>
    %dma_start3A_1236 = tpu.memref_squeeze %dma_start3A_1235 : memref<1x8x2048xf32, #tpu.memory_space<vmem>> -> memref<8x2048xf32, #tpu.memory_space<vmem>>
    %dma_start3A_1237 = arith.constant 0 : i32
    %dma_start3A_1238 = tpu.memref_slice %arg4[%add3A_1230, %dma_start3A_1237] : memref<8192x2048xf32, #tpu.memory_space<hbm>> -> memref<8x2048xf32, #tpu.memory_space<hbm>>
    %dma_start3A_1239 = tpu.memref_slice %arg8[%dma_start3A_1232] : memref<6x!tpu.dma_semaphore, #tpu.memory_space<semaphore_mem>> -> memref<1x!tpu.dma_semaphore, #tpu.memory_space<semaphore_mem>>
    %dma_start3A_1240 = tpu.memref_squeeze %dma_start3A_1239 : memref<1x!tpu.dma_semaphore, #tpu.memory_space<semaphore_mem>> -> memref<!tpu.dma_semaphore, #tpu.memory_space<semaphore_mem>>
    %dma_start3A_1241 = arith.constant 0 : i32
    %dma_start3A_1242 = tpu.memref_slice %arg4[%add3A_1230, %dma_start3A_1241] : memref<8192x2048xf32, #tpu.memory_space<hbm>> -> memref<8x2048xf32, #tpu.memory_space<hbm>>
    %dma_start3A_1243 = arith.constant 0 : i32
    %dma_start3A_1244 = arith.constant 0 : i32
    %dma_start3A_1245 = tpu.memref_slice %arg6[%dma_start3A_1231, %dma_start3A_1243, %dma_start3A_1244] : memref<6x8x2048xf32, #tpu.memory_space<vmem>> -> memref<1x8x2048xf32, #tpu.memory_space<vmem>>
    %dma_start3A_1246 = tpu.memref_squeeze %dma_start3A_1245 : memref<1x8x2048xf32, #tpu.memory_space<vmem>> -> memref<8x2048xf32, #tpu.memory_space<vmem>>
    tpu.enqueue_dma source(%dma_start3A_1246 : memref<8x2048xf32, #tpu.memory_space<vmem>>) target(%dma_start3A_1242 : memref<8x2048xf32, #tpu.memory_space<hbm>>) target_semaphore(%dma_start3A_1240 : memref<!tpu.dma_semaphore, #tpu.memory_space<semaphore_mem>>)
    %dma_wait3A_1247 = arith.constant 5 : i32
    %dma_wait3A_1248 = arith.constant 5 : i32
    %dma_wait3A_1249 = arith.constant 0 : i32
    %dma_wait3A_1250 = arith.constant 0 : i32
    %dma_wait3A_1251 = tpu.memref_slice %arg6[%dma_wait3A_1247, %dma_wait3A_1249, %dma_wait3A_1250] : memref<6x8x2048xf32, #tpu.memory_space<vmem>> -> memref<1x8x2048xf32, #tpu.memory_space<vmem>>
    %dma_wait3A_1252 = tpu.memref_squeeze %dma_wait3A_1251 : memref<1x8x2048xf32, #tpu.memory_space<vmem>> -> memref<8x2048xf32, #tpu.memory_space<vmem>>
    %dma_wait3A_1253 = arith.constant 0 : i32
    %dma_wait3A_1254 = tpu.memref_slice %arg4[%add3A_1166, %dma_wait3A_1253] : memref<8192x2048xf32, #tpu.memory_space<hbm>> -> memref<8x2048xf32, #tpu.memory_space<hbm>>
    %dma_wait3A_1255 = tpu.memref_slice %arg8[%dma_wait3A_1248] : memref<6x!tpu.dma_semaphore, #tpu.memory_space<semaphore_mem>> -> memref<1x!tpu.dma_semaphore, #tpu.memory_space<semaphore_mem>>
    %dma_wait3A_1256 = tpu.memref_squeeze %dma_wait3A_1255 : memref<1x!tpu.dma_semaphore, #tpu.memory_space<semaphore_mem>> -> memref<!tpu.dma_semaphore, #tpu.memory_space<semaphore_mem>>
    %dma_wait3A_1257 = arith.constant 0 : i32
    %dma_wait3A_1258 = tpu.memref_slice %arg4[%add3A_1166, %dma_wait3A_1257] : memref<8192x2048xf32, #tpu.memory_space<hbm>> -> memref<8x2048xf32, #tpu.memory_space<hbm>>
    %dma_wait3A_1259 = arith.constant 0 : i32
    %dma_wait3A_1260 = arith.constant 0 : i32
    %dma_wait3A_1261 = tpu.memref_slice %arg6[%dma_wait3A_1247, %dma_wait3A_1259, %dma_wait3A_1260] : memref<6x8x2048xf32, #tpu.memory_space<vmem>> -> memref<1x8x2048xf32, #tpu.memory_space<vmem>>
    %dma_wait3A_1262 = tpu.memref_squeeze %dma_wait3A_1261 : memref<1x8x2048xf32, #tpu.memory_space<vmem>> -> memref<8x2048xf32, #tpu.memory_space<vmem>>
    tpu.wait_dma2 semaphore(%dma_wait3A_1256 : memref<!tpu.dma_semaphore, #tpu.memory_space<semaphore_mem>>) src(%dma_wait3A_1262 : memref<8x2048xf32, #tpu.memory_space<vmem>>) dst(%dma_wait3A_1258 : memref<8x2048xf32, #tpu.memory_space<hbm>>)
    %dma_start3A_1263 = arith.constant 23 : i32
    %dma_start3A_1264 = arith.constant 5 : i32
    %dma_start3A_1265 = arith.constant 5 : i32
    %dma_start3A_1266 = arith.constant 0 : i32
    %dma_start3A_1267 = arith.constant 0 : i32
    %dma_start3A_1268 = tpu.memref_slice %arg6[%dma_start3A_1264, %dma_start3A_1266, %dma_start3A_1267] : memref<6x8x2048xf32, #tpu.memory_space<vmem>> -> memref<1x8x2048xf32, #tpu.memory_space<vmem>>
    %dma_start3A_1269 = tpu.memref_squeeze %dma_start3A_1268 : memref<1x8x2048xf32, #tpu.memory_space<vmem>> -> memref<8x2048xf32, #tpu.memory_space<vmem>>
    %dma_start3A_1270 = arith.constant 0 : i32
    %dma_start3A_1271 = tpu.memref_slice %arg5[%dma_start3A_1263, %dma_start3A_1270] : memref<32x8xi32, #tpu.memory_space<vmem>> -> memref<1x8xi32, #tpu.memory_space<vmem>>
    %dma_start3A_1272 = tpu.memref_squeeze %dma_start3A_1271 : memref<1x8xi32, #tpu.memory_space<vmem>> -> memref<8xi32, #tpu.memory_space<vmem>>
    %dma_start3A_1273 = arith.constant 0 : i32
    %dma_start3A_1274 = arith.constant 0 : i32
    %dma_start3A_1275 = tpu.memref_slice %arg3[%dma_start3A_1273, %dma_start3A_1274] : memref<50257x2048xf32, #tpu.memory_space<hbm>> -> memref<50257x2048xf32, #tpu.memory_space<hbm>>
    %dma_start3A_1276 = tpu.memref_slice %arg7[%dma_start3A_1265] : memref<6x!tpu.dma_semaphore, #tpu.memory_space<semaphore_mem>> -> memref<1x!tpu.dma_semaphore, #tpu.memory_space<semaphore_mem>>
    %dma_start3A_1277 = tpu.memref_squeeze %dma_start3A_1276 : memref<1x!tpu.dma_semaphore, #tpu.memory_space<semaphore_mem>> -> memref<!tpu.dma_semaphore, #tpu.memory_space<semaphore_mem>>
    tpu.enqueue_indirect_dma source(%dma_start3A_1275 : memref<50257x2048xf32, #tpu.memory_space<hbm>>) target(%dma_start3A_1269 : memref<8x2048xf32, #tpu.memory_space<vmem>>) offsets(%dma_start3A_1272 : memref<8xi32, #tpu.memory_space<vmem>>) semaphore(%dma_start3A_1277 : memref<!tpu.dma_semaphore, #tpu.memory_space<semaphore_mem>>)
    %dma_wait3A_1278 = arith.constant 19 : i32
    %dma_wait3A_1279 = arith.constant 1 : i32
    %dma_wait3A_1280 = arith.constant 1 : i32
    %dma_wait3A_1281 = arith.constant 0 : i32
    %dma_wait3A_1282 = arith.constant 0 : i32
    %dma_wait3A_1283 = tpu.memref_slice %arg6[%dma_wait3A_1279, %dma_wait3A_1281, %dma_wait3A_1282] : memref<6x8x2048xf32, #tpu.memory_space<vmem>> -> memref<1x8x2048xf32, #tpu.memory_space<vmem>>
    %dma_wait3A_1284 = tpu.memref_squeeze %dma_wait3A_1283 : memref<1x8x2048xf32, #tpu.memory_space<vmem>> -> memref<8x2048xf32, #tpu.memory_space<vmem>>
    %dma_wait3A_1285 = arith.constant 0 : i32
    %dma_wait3A_1286 = tpu.memref_slice %arg5[%dma_wait3A_1278, %dma_wait3A_1285] : memref<32x8xi32, #tpu.memory_space<vmem>> -> memref<1x8xi32, #tpu.memory_space<vmem>>
    %dma_wait3A_1287 = tpu.memref_squeeze %dma_wait3A_1286 : memref<1x8xi32, #tpu.memory_space<vmem>> -> memref<8xi32, #tpu.memory_space<vmem>>
    %dma_wait3A_1288 = arith.constant 0 : i32
    %dma_wait3A_1289 = arith.constant 0 : i32
    %dma_wait3A_1290 = tpu.memref_slice %arg3[%dma_wait3A_1288, %dma_wait3A_1289] : memref<50257x2048xf32, #tpu.memory_space<hbm>> -> memref<50257x2048xf32, #tpu.memory_space<hbm>>
    %dma_wait3A_1291 = tpu.memref_slice %arg7[%dma_wait3A_1280] : memref<6x!tpu.dma_semaphore, #tpu.memory_space<semaphore_mem>> -> memref<1x!tpu.dma_semaphore, #tpu.memory_space<semaphore_mem>>
    %dma_wait3A_1292 = tpu.memref_squeeze %dma_wait3A_1291 : memref<1x!tpu.dma_semaphore, #tpu.memory_space<semaphore_mem>> -> memref<!tpu.dma_semaphore, #tpu.memory_space<semaphore_mem>>
    tpu.wait_indirect_dma semaphore(%dma_wait3A_1292 : memref<!tpu.dma_semaphore, #tpu.memory_space<semaphore_mem>>) src(%dma_wait3A_1290 : memref<50257x2048xf32, #tpu.memory_space<hbm>>) dst(%dma_wait3A_1284 : memref<8x2048xf32, #tpu.memory_space<vmem>>)
    %add3A_1293 = arith.constant 152 : i32
    %add3A_1294 = arith.addi %mul3A_2, %add3A_1293 : i32
    %dma_start3A_1295 = arith.constant 1 : i32
    %dma_start3A_1296 = arith.constant 1 : i32
    %dma_start3A_1297 = arith.constant 0 : i32
    %dma_start3A_1298 = arith.constant 0 : i32
    %dma_start3A_1299 = tpu.memref_slice %arg6[%dma_start3A_1295, %dma_start3A_1297, %dma_start3A_1298] : memref<6x8x2048xf32, #tpu.memory_space<vmem>> -> memref<1x8x2048xf32, #tpu.memory_space<vmem>>
    %dma_start3A_1300 = tpu.memref_squeeze %dma_start3A_1299 : memref<1x8x2048xf32, #tpu.memory_space<vmem>> -> memref<8x2048xf32, #tpu.memory_space<vmem>>
    %dma_start3A_1301 = arith.constant 0 : i32
    %dma_start3A_1302 = tpu.memref_slice %arg4[%add3A_1294, %dma_start3A_1301] : memref<8192x2048xf32, #tpu.memory_space<hbm>> -> memref<8x2048xf32, #tpu.memory_space<hbm>>
    %dma_start3A_1303 = tpu.memref_slice %arg8[%dma_start3A_1296] : memref<6x!tpu.dma_semaphore, #tpu.memory_space<semaphore_mem>> -> memref<1x!tpu.dma_semaphore, #tpu.memory_space<semaphore_mem>>
    %dma_start3A_1304 = tpu.memref_squeeze %dma_start3A_1303 : memref<1x!tpu.dma_semaphore, #tpu.memory_space<semaphore_mem>> -> memref<!tpu.dma_semaphore, #tpu.memory_space<semaphore_mem>>
    %dma_start3A_1305 = arith.constant 0 : i32
    %dma_start3A_1306 = tpu.memref_slice %arg4[%add3A_1294, %dma_start3A_1305] : memref<8192x2048xf32, #tpu.memory_space<hbm>> -> memref<8x2048xf32, #tpu.memory_space<hbm>>
    %dma_start3A_1307 = arith.constant 0 : i32
    %dma_start3A_1308 = arith.constant 0 : i32
    %dma_start3A_1309 = tpu.memref_slice %arg6[%dma_start3A_1295, %dma_start3A_1307, %dma_start3A_1308] : memref<6x8x2048xf32, #tpu.memory_space<vmem>> -> memref<1x8x2048xf32, #tpu.memory_space<vmem>>
    %dma_start3A_1310 = tpu.memref_squeeze %dma_start3A_1309 : memref<1x8x2048xf32, #tpu.memory_space<vmem>> -> memref<8x2048xf32, #tpu.memory_space<vmem>>
    tpu.enqueue_dma source(%dma_start3A_1310 : memref<8x2048xf32, #tpu.memory_space<vmem>>) target(%dma_start3A_1306 : memref<8x2048xf32, #tpu.memory_space<hbm>>) target_semaphore(%dma_start3A_1304 : memref<!tpu.dma_semaphore, #tpu.memory_space<semaphore_mem>>)
    %dma_wait3A_1311 = arith.constant 0 : i32
    %dma_wait3A_1312 = arith.constant 0 : i32
    %dma_wait3A_1313 = arith.constant 0 : i32
    %dma_wait3A_1314 = arith.constant 0 : i32
    %dma_wait3A_1315 = tpu.memref_slice %arg6[%dma_wait3A_1311, %dma_wait3A_1313, %dma_wait3A_1314] : memref<6x8x2048xf32, #tpu.memory_space<vmem>> -> memref<1x8x2048xf32, #tpu.memory_space<vmem>>
    %dma_wait3A_1316 = tpu.memref_squeeze %dma_wait3A_1315 : memref<1x8x2048xf32, #tpu.memory_space<vmem>> -> memref<8x2048xf32, #tpu.memory_space<vmem>>
    %dma_wait3A_1317 = arith.constant 0 : i32
    %dma_wait3A_1318 = tpu.memref_slice %arg4[%add3A_1230, %dma_wait3A_1317] : memref<8192x2048xf32, #tpu.memory_space<hbm>> -> memref<8x2048xf32, #tpu.memory_space<hbm>>
    %dma_wait3A_1319 = tpu.memref_slice %arg8[%dma_wait3A_1312] : memref<6x!tpu.dma_semaphore, #tpu.memory_space<semaphore_mem>> -> memref<1x!tpu.dma_semaphore, #tpu.memory_space<semaphore_mem>>
    %dma_wait3A_1320 = tpu.memref_squeeze %dma_wait3A_1319 : memref<1x!tpu.dma_semaphore, #tpu.memory_space<semaphore_mem>> -> memref<!tpu.dma_semaphore, #tpu.memory_space<semaphore_mem>>
    %dma_wait3A_1321 = arith.constant 0 : i32
    %dma_wait3A_1322 = tpu.memref_slice %arg4[%add3A_1230, %dma_wait3A_1321] : memref<8192x2048xf32, #tpu.memory_space<hbm>> -> memref<8x2048xf32, #tpu.memory_space<hbm>>
    %dma_wait3A_1323 = arith.constant 0 : i32
    %dma_wait3A_1324 = arith.constant 0 : i32
    %dma_wait3A_1325 = tpu.memref_slice %arg6[%dma_wait3A_1311, %dma_wait3A_1323, %dma_wait3A_1324] : memref<6x8x2048xf32, #tpu.memory_space<vmem>> -> memref<1x8x2048xf32, #tpu.memory_space<vmem>>
    %dma_wait3A_1326 = tpu.memref_squeeze %dma_wait3A_1325 : memref<1x8x2048xf32, #tpu.memory_space<vmem>> -> memref<8x2048xf32, #tpu.memory_space<vmem>>
    tpu.wait_dma2 semaphore(%dma_wait3A_1320 : memref<!tpu.dma_semaphore, #tpu.memory_space<semaphore_mem>>) src(%dma_wait3A_1326 : memref<8x2048xf32, #tpu.memory_space<vmem>>) dst(%dma_wait3A_1322 : memref<8x2048xf32, #tpu.memory_space<hbm>>)
    %dma_start3A_1327 = arith.constant 24 : i32
    %dma_start3A_1328 = arith.constant 0 : i32
    %dma_start3A_1329 = arith.constant 0 : i32
    %dma_start3A_1330 = arith.constant 0 : i32
    %dma_start3A_1331 = arith.constant 0 : i32
    %dma_start3A_1332 = tpu.memref_slice %arg6[%dma_start3A_1328, %dma_start3A_1330, %dma_start3A_1331] : memref<6x8x2048xf32, #tpu.memory_space<vmem>> -> memref<1x8x2048xf32, #tpu.memory_space<vmem>>
    %dma_start3A_1333 = tpu.memref_squeeze %dma_start3A_1332 : memref<1x8x2048xf32, #tpu.memory_space<vmem>> -> memref<8x2048xf32, #tpu.memory_space<vmem>>
    %dma_start3A_1334 = arith.constant 0 : i32
    %dma_start3A_1335 = tpu.memref_slice %arg5[%dma_start3A_1327, %dma_start3A_1334] : memref<32x8xi32, #tpu.memory_space<vmem>> -> memref<1x8xi32, #tpu.memory_space<vmem>>
    %dma_start3A_1336 = tpu.memref_squeeze %dma_start3A_1335 : memref<1x8xi32, #tpu.memory_space<vmem>> -> memref<8xi32, #tpu.memory_space<vmem>>
    %dma_start3A_1337 = arith.constant 0 : i32
    %dma_start3A_1338 = arith.constant 0 : i32
    %dma_start3A_1339 = tpu.memref_slice %arg3[%dma_start3A_1337, %dma_start3A_1338] : memref<50257x2048xf32, #tpu.memory_space<hbm>> -> memref<50257x2048xf32, #tpu.memory_space<hbm>>
    %dma_start3A_1340 = tpu.memref_slice %arg7[%dma_start3A_1329] : memref<6x!tpu.dma_semaphore, #tpu.memory_space<semaphore_mem>> -> memref<1x!tpu.dma_semaphore, #tpu.memory_space<semaphore_mem>>
    %dma_start3A_1341 = tpu.memref_squeeze %dma_start3A_1340 : memref<1x!tpu.dma_semaphore, #tpu.memory_space<semaphore_mem>> -> memref<!tpu.dma_semaphore, #tpu.memory_space<semaphore_mem>>
    tpu.enqueue_indirect_dma source(%dma_start3A_1339 : memref<50257x2048xf32, #tpu.memory_space<hbm>>) target(%dma_start3A_1333 : memref<8x2048xf32, #tpu.memory_space<vmem>>) offsets(%dma_start3A_1336 : memref<8xi32, #tpu.memory_space<vmem>>) semaphore(%dma_start3A_1341 : memref<!tpu.dma_semaphore, #tpu.memory_space<semaphore_mem>>)
    %dma_wait3A_1342 = arith.constant 20 : i32
    %dma_wait3A_1343 = arith.constant 2 : i32
    %dma_wait3A_1344 = arith.constant 2 : i32
    %dma_wait3A_1345 = arith.constant 0 : i32
    %dma_wait3A_1346 = arith.constant 0 : i32
    %dma_wait3A_1347 = tpu.memref_slice %arg6[%dma_wait3A_1343, %dma_wait3A_1345, %dma_wait3A_1346] : memref<6x8x2048xf32, #tpu.memory_space<vmem>> -> memref<1x8x2048xf32, #tpu.memory_space<vmem>>
    %dma_wait3A_1348 = tpu.memref_squeeze %dma_wait3A_1347 : memref<1x8x2048xf32, #tpu.memory_space<vmem>> -> memref<8x2048xf32, #tpu.memory_space<vmem>>
    %dma_wait3A_1349 = arith.constant 0 : i32
    %dma_wait3A_1350 = tpu.memref_slice %arg5[%dma_wait3A_1342, %dma_wait3A_1349] : memref<32x8xi32, #tpu.memory_space<vmem>> -> memref<1x8xi32, #tpu.memory_space<vmem>>
    %dma_wait3A_1351 = tpu.memref_squeeze %dma_wait3A_1350 : memref<1x8xi32, #tpu.memory_space<vmem>> -> memref<8xi32, #tpu.memory_space<vmem>>
    %dma_wait3A_1352 = arith.constant 0 : i32
    %dma_wait3A_1353 = arith.constant 0 : i32
    %dma_wait3A_1354 = tpu.memref_slice %arg3[%dma_wait3A_1352, %dma_wait3A_1353] : memref<50257x2048xf32, #tpu.memory_space<hbm>> -> memref<50257x2048xf32, #tpu.memory_space<hbm>>
    %dma_wait3A_1355 = tpu.memref_slice %arg7[%dma_wait3A_1344] : memref<6x!tpu.dma_semaphore, #tpu.memory_space<semaphore_mem>> -> memref<1x!tpu.dma_semaphore, #tpu.memory_space<semaphore_mem>>
    %dma_wait3A_1356 = tpu.memref_squeeze %dma_wait3A_1355 : memref<1x!tpu.dma_semaphore, #tpu.memory_space<semaphore_mem>> -> memref<!tpu.dma_semaphore, #tpu.memory_space<semaphore_mem>>
    tpu.wait_indirect_dma semaphore(%dma_wait3A_1356 : memref<!tpu.dma_semaphore, #tpu.memory_space<semaphore_mem>>) src(%dma_wait3A_1354 : memref<50257x2048xf32, #tpu.memory_space<hbm>>) dst(%dma_wait3A_1348 : memref<8x2048xf32, #tpu.memory_space<vmem>>)
    %add3A_1357 = arith.constant 160 : i32
    %add3A_1358 = arith.addi %mul3A_2, %add3A_1357 : i32
    %dma_start3A_1359 = arith.constant 2 : i32
    %dma_start3A_1360 = arith.constant 2 : i32
    %dma_start3A_1361 = arith.constant 0 : i32
    %dma_start3A_1362 = arith.constant 0 : i32
    %dma_start3A_1363 = tpu.memref_slice %arg6[%dma_start3A_1359, %dma_start3A_1361, %dma_start3A_1362] : memref<6x8x2048xf32, #tpu.memory_space<vmem>> -> memref<1x8x2048xf32, #tpu.memory_space<vmem>>
    %dma_start3A_1364 = tpu.memref_squeeze %dma_start3A_1363 : memref<1x8x2048xf32, #tpu.memory_space<vmem>> -> memref<8x2048xf32, #tpu.memory_space<vmem>>
    %dma_start3A_1365 = arith.constant 0 : i32
    %dma_start3A_1366 = tpu.memref_slice %arg4[%add3A_1358, %dma_start3A_1365] : memref<8192x2048xf32, #tpu.memory_space<hbm>> -> memref<8x2048xf32, #tpu.memory_space<hbm>>
    %dma_start3A_1367 = tpu.memref_slice %arg8[%dma_start3A_1360] : memref<6x!tpu.dma_semaphore, #tpu.memory_space<semaphore_mem>> -> memref<1x!tpu.dma_semaphore, #tpu.memory_space<semaphore_mem>>
    %dma_start3A_1368 = tpu.memref_squeeze %dma_start3A_1367 : memref<1x!tpu.dma_semaphore, #tpu.memory_space<semaphore_mem>> -> memref<!tpu.dma_semaphore, #tpu.memory_space<semaphore_mem>>
    %dma_start3A_1369 = arith.constant 0 : i32
    %dma_start3A_1370 = tpu.memref_slice %arg4[%add3A_1358, %dma_start3A_1369] : memref<8192x2048xf32, #tpu.memory_space<hbm>> -> memref<8x2048xf32, #tpu.memory_space<hbm>>
    %dma_start3A_1371 = arith.constant 0 : i32
    %dma_start3A_1372 = arith.constant 0 : i32
    %dma_start3A_1373 = tpu.memref_slice %arg6[%dma_start3A_1359, %dma_start3A_1371, %dma_start3A_1372] : memref<6x8x2048xf32, #tpu.memory_space<vmem>> -> memref<1x8x2048xf32, #tpu.memory_space<vmem>>
    %dma_start3A_1374 = tpu.memref_squeeze %dma_start3A_1373 : memref<1x8x2048xf32, #tpu.memory_space<vmem>> -> memref<8x2048xf32, #tpu.memory_space<vmem>>
    tpu.enqueue_dma source(%dma_start3A_1374 : memref<8x2048xf32, #tpu.memory_space<vmem>>) target(%dma_start3A_1370 : memref<8x2048xf32, #tpu.memory_space<hbm>>) target_semaphore(%dma_start3A_1368 : memref<!tpu.dma_semaphore, #tpu.memory_space<semaphore_mem>>)
    %dma_wait3A_1375 = arith.constant 1 : i32
    %dma_wait3A_1376 = arith.constant 1 : i32
    %dma_wait3A_1377 = arith.constant 0 : i32
    %dma_wait3A_1378 = arith.constant 0 : i32
    %dma_wait3A_1379 = tpu.memref_slice %arg6[%dma_wait3A_1375, %dma_wait3A_1377, %dma_wait3A_1378] : memref<6x8x2048xf32, #tpu.memory_space<vmem>> -> memref<1x8x2048xf32, #tpu.memory_space<vmem>>
    %dma_wait3A_1380 = tpu.memref_squeeze %dma_wait3A_1379 : memref<1x8x2048xf32, #tpu.memory_space<vmem>> -> memref<8x2048xf32, #tpu.memory_space<vmem>>
    %dma_wait3A_1381 = arith.constant 0 : i32
    %dma_wait3A_1382 = tpu.memref_slice %arg4[%add3A_1294, %dma_wait3A_1381] : memref<8192x2048xf32, #tpu.memory_space<hbm>> -> memref<8x2048xf32, #tpu.memory_space<hbm>>
    %dma_wait3A_1383 = tpu.memref_slice %arg8[%dma_wait3A_1376] : memref<6x!tpu.dma_semaphore, #tpu.memory_space<semaphore_mem>> -> memref<1x!tpu.dma_semaphore, #tpu.memory_space<semaphore_mem>>
    %dma_wait3A_1384 = tpu.memref_squeeze %dma_wait3A_1383 : memref<1x!tpu.dma_semaphore, #tpu.memory_space<semaphore_mem>> -> memref<!tpu.dma_semaphore, #tpu.memory_space<semaphore_mem>>
    %dma_wait3A_1385 = arith.constant 0 : i32
    %dma_wait3A_1386 = tpu.memref_slice %arg4[%add3A_1294, %dma_wait3A_1385] : memref<8192x2048xf32, #tpu.memory_space<hbm>> -> memref<8x2048xf32, #tpu.memory_space<hbm>>
    %dma_wait3A_1387 = arith.constant 0 : i32
    %dma_wait3A_1388 = arith.constant 0 : i32
    %dma_wait3A_1389 = tpu.memref_slice %arg6[%dma_wait3A_1375, %dma_wait3A_1387, %dma_wait3A_1388] : memref<6x8x2048xf32, #tpu.memory_space<vmem>> -> memref<1x8x2048xf32, #tpu.memory_space<vmem>>
    %dma_wait3A_1390 = tpu.memref_squeeze %dma_wait3A_1389 : memref<1x8x2048xf32, #tpu.memory_space<vmem>> -> memref<8x2048xf32, #tpu.memory_space<vmem>>
    tpu.wait_dma2 semaphore(%dma_wait3A_1384 : memref<!tpu.dma_semaphore, #tpu.memory_space<semaphore_mem>>) src(%dma_wait3A_1390 : memref<8x2048xf32, #tpu.memory_space<vmem>>) dst(%dma_wait3A_1386 : memref<8x2048xf32, #tpu.memory_space<hbm>>)
    %dma_start3A_1391 = arith.constant 25 : i32
    %dma_start3A_1392 = arith.constant 1 : i32
    %dma_start3A_1393 = arith.constant 1 : i32
    %dma_start3A_1394 = arith.constant 0 : i32
    %dma_start3A_1395 = arith.constant 0 : i32
    %dma_start3A_1396 = tpu.memref_slice %arg6[%dma_start3A_1392, %dma_start3A_1394, %dma_start3A_1395] : memref<6x8x2048xf32, #tpu.memory_space<vmem>> -> memref<1x8x2048xf32, #tpu.memory_space<vmem>>
    %dma_start3A_1397 = tpu.memref_squeeze %dma_start3A_1396 : memref<1x8x2048xf32, #tpu.memory_space<vmem>> -> memref<8x2048xf32, #tpu.memory_space<vmem>>
    %dma_start3A_1398 = arith.constant 0 : i32
    %dma_start3A_1399 = tpu.memref_slice %arg5[%dma_start3A_1391, %dma_start3A_1398] : memref<32x8xi32, #tpu.memory_space<vmem>> -> memref<1x8xi32, #tpu.memory_space<vmem>>
    %dma_start3A_1400 = tpu.memref_squeeze %dma_start3A_1399 : memref<1x8xi32, #tpu.memory_space<vmem>> -> memref<8xi32, #tpu.memory_space<vmem>>
    %dma_start3A_1401 = arith.constant 0 : i32
    %dma_start3A_1402 = arith.constant 0 : i32
    %dma_start3A_1403 = tpu.memref_slice %arg3[%dma_start3A_1401, %dma_start3A_1402] : memref<50257x2048xf32, #tpu.memory_space<hbm>> -> memref<50257x2048xf32, #tpu.memory_space<hbm>>
    %dma_start3A_1404 = tpu.memref_slice %arg7[%dma_start3A_1393] : memref<6x!tpu.dma_semaphore, #tpu.memory_space<semaphore_mem>> -> memref<1x!tpu.dma_semaphore, #tpu.memory_space<semaphore_mem>>
    %dma_start3A_1405 = tpu.memref_squeeze %dma_start3A_1404 : memref<1x!tpu.dma_semaphore, #tpu.memory_space<semaphore_mem>> -> memref<!tpu.dma_semaphore, #tpu.memory_space<semaphore_mem>>
    tpu.enqueue_indirect_dma source(%dma_start3A_1403 : memref<50257x2048xf32, #tpu.memory_space<hbm>>) target(%dma_start3A_1397 : memref<8x2048xf32, #tpu.memory_space<vmem>>) offsets(%dma_start3A_1400 : memref<8xi32, #tpu.memory_space<vmem>>) semaphore(%dma_start3A_1405 : memref<!tpu.dma_semaphore, #tpu.memory_space<semaphore_mem>>)
    %dma_wait3A_1406 = arith.constant 21 : i32
    %dma_wait3A_1407 = arith.constant 3 : i32
    %dma_wait3A_1408 = arith.constant 3 : i32
    %dma_wait3A_1409 = arith.constant 0 : i32
    %dma_wait3A_1410 = arith.constant 0 : i32
    %dma_wait3A_1411 = tpu.memref_slice %arg6[%dma_wait3A_1407, %dma_wait3A_1409, %dma_wait3A_1410] : memref<6x8x2048xf32, #tpu.memory_space<vmem>> -> memref<1x8x2048xf32, #tpu.memory_space<vmem>>
    %dma_wait3A_1412 = tpu.memref_squeeze %dma_wait3A_1411 : memref<1x8x2048xf32, #tpu.memory_space<vmem>> -> memref<8x2048xf32, #tpu.memory_space<vmem>>
    %dma_wait3A_1413 = arith.constant 0 : i32
    %dma_wait3A_1414 = tpu.memref_slice %arg5[%dma_wait3A_1406, %dma_wait3A_1413] : memref<32x8xi32, #tpu.memory_space<vmem>> -> memref<1x8xi32, #tpu.memory_space<vmem>>
    %dma_wait3A_1415 = tpu.memref_squeeze %dma_wait3A_1414 : memref<1x8xi32, #tpu.memory_space<vmem>> -> memref<8xi32, #tpu.memory_space<vmem>>
    %dma_wait3A_1416 = arith.constant 0 : i32
    %dma_wait3A_1417 = arith.constant 0 : i32
    %dma_wait3A_1418 = tpu.memref_slice %arg3[%dma_wait3A_1416, %dma_wait3A_1417] : memref<50257x2048xf32, #tpu.memory_space<hbm>> -> memref<50257x2048xf32, #tpu.memory_space<hbm>>
    %dma_wait3A_1419 = tpu.memref_slice %arg7[%dma_wait3A_1408] : memref<6x!tpu.dma_semaphore, #tpu.memory_space<semaphore_mem>> -> memref<1x!tpu.dma_semaphore, #tpu.memory_space<semaphore_mem>>
    %dma_wait3A_1420 = tpu.memref_squeeze %dma_wait3A_1419 : memref<1x!tpu.dma_semaphore, #tpu.memory_space<semaphore_mem>> -> memref<!tpu.dma_semaphore, #tpu.memory_space<semaphore_mem>>
    tpu.wait_indirect_dma semaphore(%dma_wait3A_1420 : memref<!tpu.dma_semaphore, #tpu.memory_space<semaphore_mem>>) src(%dma_wait3A_1418 : memref<50257x2048xf32, #tpu.memory_space<hbm>>) dst(%dma_wait3A_1412 : memref<8x2048xf32, #tpu.memory_space<vmem>>)
    %add3A_1421 = arith.constant 168 : i32
    %add3A_1422 = arith.addi %mul3A_2, %add3A_1421 : i32
    %dma_start3A_1423 = arith.constant 3 : i32
    %dma_start3A_1424 = arith.constant 3 : i32
    %dma_start3A_1425 = arith.constant 0 : i32
    %dma_start3A_1426 = arith.constant 0 : i32
    %dma_start3A_1427 = tpu.memref_slice %arg6[%dma_start3A_1423, %dma_start3A_1425, %dma_start3A_1426] : memref<6x8x2048xf32, #tpu.memory_space<vmem>> -> memref<1x8x2048xf32, #tpu.memory_space<vmem>>
    %dma_start3A_1428 = tpu.memref_squeeze %dma_start3A_1427 : memref<1x8x2048xf32, #tpu.memory_space<vmem>> -> memref<8x2048xf32, #tpu.memory_space<vmem>>
    %dma_start3A_1429 = arith.constant 0 : i32
    %dma_start3A_1430 = tpu.memref_slice %arg4[%add3A_1422, %dma_start3A_1429] : memref<8192x2048xf32, #tpu.memory_space<hbm>> -> memref<8x2048xf32, #tpu.memory_space<hbm>>
    %dma_start3A_1431 = tpu.memref_slice %arg8[%dma_start3A_1424] : memref<6x!tpu.dma_semaphore, #tpu.memory_space<semaphore_mem>> -> memref<1x!tpu.dma_semaphore, #tpu.memory_space<semaphore_mem>>
    %dma_start3A_1432 = tpu.memref_squeeze %dma_start3A_1431 : memref<1x!tpu.dma_semaphore, #tpu.memory_space<semaphore_mem>> -> memref<!tpu.dma_semaphore, #tpu.memory_space<semaphore_mem>>
    %dma_start3A_1433 = arith.constant 0 : i32
    %dma_start3A_1434 = tpu.memref_slice %arg4[%add3A_1422, %dma_start3A_1433] : memref<8192x2048xf32, #tpu.memory_space<hbm>> -> memref<8x2048xf32, #tpu.memory_space<hbm>>
    %dma_start3A_1435 = arith.constant 0 : i32
    %dma_start3A_1436 = arith.constant 0 : i32
    %dma_start3A_1437 = tpu.memref_slice %arg6[%dma_start3A_1423, %dma_start3A_1435, %dma_start3A_1436] : memref<6x8x2048xf32, #tpu.memory_space<vmem>> -> memref<1x8x2048xf32, #tpu.memory_space<vmem>>
    %dma_start3A_1438 = tpu.memref_squeeze %dma_start3A_1437 : memref<1x8x2048xf32, #tpu.memory_space<vmem>> -> memref<8x2048xf32, #tpu.memory_space<vmem>>
    tpu.enqueue_dma source(%dma_start3A_1438 : memref<8x2048xf32, #tpu.memory_space<vmem>>) target(%dma_start3A_1434 : memref<8x2048xf32, #tpu.memory_space<hbm>>) target_semaphore(%dma_start3A_1432 : memref<!tpu.dma_semaphore, #tpu.memory_space<semaphore_mem>>)
    %dma_wait3A_1439 = arith.constant 2 : i32
    %dma_wait3A_1440 = arith.constant 2 : i32
    %dma_wait3A_1441 = arith.constant 0 : i32
    %dma_wait3A_1442 = arith.constant 0 : i32
    %dma_wait3A_1443 = tpu.memref_slice %arg6[%dma_wait3A_1439, %dma_wait3A_1441, %dma_wait3A_1442] : memref<6x8x2048xf32, #tpu.memory_space<vmem>> -> memref<1x8x2048xf32, #tpu.memory_space<vmem>>
    %dma_wait3A_1444 = tpu.memref_squeeze %dma_wait3A_1443 : memref<1x8x2048xf32, #tpu.memory_space<vmem>> -> memref<8x2048xf32, #tpu.memory_space<vmem>>
    %dma_wait3A_1445 = arith.constant 0 : i32
    %dma_wait3A_1446 = tpu.memref_slice %arg4[%add3A_1358, %dma_wait3A_1445] : memref<8192x2048xf32, #tpu.memory_space<hbm>> -> memref<8x2048xf32, #tpu.memory_space<hbm>>
    %dma_wait3A_1447 = tpu.memref_slice %arg8[%dma_wait3A_1440] : memref<6x!tpu.dma_semaphore, #tpu.memory_space<semaphore_mem>> -> memref<1x!tpu.dma_semaphore, #tpu.memory_space<semaphore_mem>>
    %dma_wait3A_1448 = tpu.memref_squeeze %dma_wait3A_1447 : memref<1x!tpu.dma_semaphore, #tpu.memory_space<semaphore_mem>> -> memref<!tpu.dma_semaphore, #tpu.memory_space<semaphore_mem>>
    %dma_wait3A_1449 = arith.constant 0 : i32
    %dma_wait3A_1450 = tpu.memref_slice %arg4[%add3A_1358, %dma_wait3A_1449] : memref<8192x2048xf32, #tpu.memory_space<hbm>> -> memref<8x2048xf32, #tpu.memory_space<hbm>>
    %dma_wait3A_1451 = arith.constant 0 : i32
    %dma_wait3A_1452 = arith.constant 0 : i32
    %dma_wait3A_1453 = tpu.memref_slice %arg6[%dma_wait3A_1439, %dma_wait3A_1451, %dma_wait3A_1452] : memref<6x8x2048xf32, #tpu.memory_space<vmem>> -> memref<1x8x2048xf32, #tpu.memory_space<vmem>>
    %dma_wait3A_1454 = tpu.memref_squeeze %dma_wait3A_1453 : memref<1x8x2048xf32, #tpu.memory_space<vmem>> -> memref<8x2048xf32, #tpu.memory_space<vmem>>
    tpu.wait_dma2 semaphore(%dma_wait3A_1448 : memref<!tpu.dma_semaphore, #tpu.memory_space<semaphore_mem>>) src(%dma_wait3A_1454 : memref<8x2048xf32, #tpu.memory_space<vmem>>) dst(%dma_wait3A_1450 : memref<8x2048xf32, #tpu.memory_space<hbm>>)
    %dma_start3A_1455 = arith.constant 26 : i32
    %dma_start3A_1456 = arith.constant 2 : i32
    %dma_start3A_1457 = arith.constant 2 : i32
    %dma_start3A_1458 = arith.constant 0 : i32
    %dma_start3A_1459 = arith.constant 0 : i32
    %dma_start3A_1460 = tpu.memref_slice %arg6[%dma_start3A_1456, %dma_start3A_1458, %dma_start3A_1459] : memref<6x8x2048xf32, #tpu.memory_space<vmem>> -> memref<1x8x2048xf32, #tpu.memory_space<vmem>>
    %dma_start3A_1461 = tpu.memref_squeeze %dma_start3A_1460 : memref<1x8x2048xf32, #tpu.memory_space<vmem>> -> memref<8x2048xf32, #tpu.memory_space<vmem>>
    %dma_start3A_1462 = arith.constant 0 : i32
    %dma_start3A_1463 = tpu.memref_slice %arg5[%dma_start3A_1455, %dma_start3A_1462] : memref<32x8xi32, #tpu.memory_space<vmem>> -> memref<1x8xi32, #tpu.memory_space<vmem>>
    %dma_start3A_1464 = tpu.memref_squeeze %dma_start3A_1463 : memref<1x8xi32, #tpu.memory_space<vmem>> -> memref<8xi32, #tpu.memory_space<vmem>>
    %dma_start3A_1465 = arith.constant 0 : i32
    %dma_start3A_1466 = arith.constant 0 : i32
    %dma_start3A_1467 = tpu.memref_slice %arg3[%dma_start3A_1465, %dma_start3A_1466] : memref<50257x2048xf32, #tpu.memory_space<hbm>> -> memref<50257x2048xf32, #tpu.memory_space<hbm>>
    %dma_start3A_1468 = tpu.memref_slice %arg7[%dma_start3A_1457] : memref<6x!tpu.dma_semaphore, #tpu.memory_space<semaphore_mem>> -> memref<1x!tpu.dma_semaphore, #tpu.memory_space<semaphore_mem>>
    %dma_start3A_1469 = tpu.memref_squeeze %dma_start3A_1468 : memref<1x!tpu.dma_semaphore, #tpu.memory_space<semaphore_mem>> -> memref<!tpu.dma_semaphore, #tpu.memory_space<semaphore_mem>>
    tpu.enqueue_indirect_dma source(%dma_start3A_1467 : memref<50257x2048xf32, #tpu.memory_space<hbm>>) target(%dma_start3A_1461 : memref<8x2048xf32, #tpu.memory_space<vmem>>) offsets(%dma_start3A_1464 : memref<8xi32, #tpu.memory_space<vmem>>) semaphore(%dma_start3A_1469 : memref<!tpu.dma_semaphore, #tpu.memory_space<semaphore_mem>>)
    %dma_wait3A_1470 = arith.constant 22 : i32
    %dma_wait3A_1471 = arith.constant 4 : i32
    %dma_wait3A_1472 = arith.constant 4 : i32
    %dma_wait3A_1473 = arith.constant 0 : i32
    %dma_wait3A_1474 = arith.constant 0 : i32
    %dma_wait3A_1475 = tpu.memref_slice %arg6[%dma_wait3A_1471, %dma_wait3A_1473, %dma_wait3A_1474] : memref<6x8x2048xf32, #tpu.memory_space<vmem>> -> memref<1x8x2048xf32, #tpu.memory_space<vmem>>
    %dma_wait3A_1476 = tpu.memref_squeeze %dma_wait3A_1475 : memref<1x8x2048xf32, #tpu.memory_space<vmem>> -> memref<8x2048xf32, #tpu.memory_space<vmem>>
    %dma_wait3A_1477 = arith.constant 0 : i32
    %dma_wait3A_1478 = tpu.memref_slice %arg5[%dma_wait3A_1470, %dma_wait3A_1477] : memref<32x8xi32, #tpu.memory_space<vmem>> -> memref<1x8xi32, #tpu.memory_space<vmem>>
    %dma_wait3A_1479 = tpu.memref_squeeze %dma_wait3A_1478 : memref<1x8xi32, #tpu.memory_space<vmem>> -> memref<8xi32, #tpu.memory_space<vmem>>
    %dma_wait3A_1480 = arith.constant 0 : i32
    %dma_wait3A_1481 = arith.constant 0 : i32
    %dma_wait3A_1482 = tpu.memref_slice %arg3[%dma_wait3A_1480, %dma_wait3A_1481] : memref<50257x2048xf32, #tpu.memory_space<hbm>> -> memref<50257x2048xf32, #tpu.memory_space<hbm>>
    %dma_wait3A_1483 = tpu.memref_slice %arg7[%dma_wait3A_1472] : memref<6x!tpu.dma_semaphore, #tpu.memory_space<semaphore_mem>> -> memref<1x!tpu.dma_semaphore, #tpu.memory_space<semaphore_mem>>
    %dma_wait3A_1484 = tpu.memref_squeeze %dma_wait3A_1483 : memref<1x!tpu.dma_semaphore, #tpu.memory_space<semaphore_mem>> -> memref<!tpu.dma_semaphore, #tpu.memory_space<semaphore_mem>>
    tpu.wait_indirect_dma semaphore(%dma_wait3A_1484 : memref<!tpu.dma_semaphore, #tpu.memory_space<semaphore_mem>>) src(%dma_wait3A_1482 : memref<50257x2048xf32, #tpu.memory_space<hbm>>) dst(%dma_wait3A_1476 : memref<8x2048xf32, #tpu.memory_space<vmem>>)
    %add3A_1485 = arith.constant 176 : i32
    %add3A_1486 = arith.addi %mul3A_2, %add3A_1485 : i32
    %dma_start3A_1487 = arith.constant 4 : i32
    %dma_start3A_1488 = arith.constant 4 : i32
    %dma_start3A_1489 = arith.constant 0 : i32
    %dma_start3A_1490 = arith.constant 0 : i32
    %dma_start3A_1491 = tpu.memref_slice %arg6[%dma_start3A_1487, %dma_start3A_1489, %dma_start3A_1490] : memref<6x8x2048xf32, #tpu.memory_space<vmem>> -> memref<1x8x2048xf32, #tpu.memory_space<vmem>>
    %dma_start3A_1492 = tpu.memref_squeeze %dma_start3A_1491 : memref<1x8x2048xf32, #tpu.memory_space<vmem>> -> memref<8x2048xf32, #tpu.memory_space<vmem>>
    %dma_start3A_1493 = arith.constant 0 : i32
    %dma_start3A_1494 = tpu.memref_slice %arg4[%add3A_1486, %dma_start3A_1493] : memref<8192x2048xf32, #tpu.memory_space<hbm>> -> memref<8x2048xf32, #tpu.memory_space<hbm>>
    %dma_start3A_1495 = tpu.memref_slice %arg8[%dma_start3A_1488] : memref<6x!tpu.dma_semaphore, #tpu.memory_space<semaphore_mem>> -> memref<1x!tpu.dma_semaphore, #tpu.memory_space<semaphore_mem>>
    %dma_start3A_1496 = tpu.memref_squeeze %dma_start3A_1495 : memref<1x!tpu.dma_semaphore, #tpu.memory_space<semaphore_mem>> -> memref<!tpu.dma_semaphore, #tpu.memory_space<semaphore_mem>>
    %dma_start3A_1497 = arith.constant 0 : i32
    %dma_start3A_1498 = tpu.memref_slice %arg4[%add3A_1486, %dma_start3A_1497] : memref<8192x2048xf32, #tpu.memory_space<hbm>> -> memref<8x2048xf32, #tpu.memory_space<hbm>>
    %dma_start3A_1499 = arith.constant 0 : i32
    %dma_start3A_1500 = arith.constant 0 : i32
    %dma_start3A_1501 = tpu.memref_slice %arg6[%dma_start3A_1487, %dma_start3A_1499, %dma_start3A_1500] : memref<6x8x2048xf32, #tpu.memory_space<vmem>> -> memref<1x8x2048xf32, #tpu.memory_space<vmem>>
    %dma_start3A_1502 = tpu.memref_squeeze %dma_start3A_1501 : memref<1x8x2048xf32, #tpu.memory_space<vmem>> -> memref<8x2048xf32, #tpu.memory_space<vmem>>
    tpu.enqueue_dma source(%dma_start3A_1502 : memref<8x2048xf32, #tpu.memory_space<vmem>>) target(%dma_start3A_1498 : memref<8x2048xf32, #tpu.memory_space<hbm>>) target_semaphore(%dma_start3A_1496 : memref<!tpu.dma_semaphore, #tpu.memory_space<semaphore_mem>>)
    %dma_wait3A_1503 = arith.constant 3 : i32
    %dma_wait3A_1504 = arith.constant 3 : i32
    %dma_wait3A_1505 = arith.constant 0 : i32
    %dma_wait3A_1506 = arith.constant 0 : i32
    %dma_wait3A_1507 = tpu.memref_slice %arg6[%dma_wait3A_1503, %dma_wait3A_1505, %dma_wait3A_1506] : memref<6x8x2048xf32, #tpu.memory_space<vmem>> -> memref<1x8x2048xf32, #tpu.memory_space<vmem>>
    %dma_wait3A_1508 = tpu.memref_squeeze %dma_wait3A_1507 : memref<1x8x2048xf32, #tpu.memory_space<vmem>> -> memref<8x2048xf32, #tpu.memory_space<vmem>>
    %dma_wait3A_1509 = arith.constant 0 : i32
    %dma_wait3A_1510 = tpu.memref_slice %arg4[%add3A_1422, %dma_wait3A_1509] : memref<8192x2048xf32, #tpu.memory_space<hbm>> -> memref<8x2048xf32, #tpu.memory_space<hbm>>
    %dma_wait3A_1511 = tpu.memref_slice %arg8[%dma_wait3A_1504] : memref<6x!tpu.dma_semaphore, #tpu.memory_space<semaphore_mem>> -> memref<1x!tpu.dma_semaphore, #tpu.memory_space<semaphore_mem>>
    %dma_wait3A_1512 = tpu.memref_squeeze %dma_wait3A_1511 : memref<1x!tpu.dma_semaphore, #tpu.memory_space<semaphore_mem>> -> memref<!tpu.dma_semaphore, #tpu.memory_space<semaphore_mem>>
    %dma_wait3A_1513 = arith.constant 0 : i32
    %dma_wait3A_1514 = tpu.memref_slice %arg4[%add3A_1422, %dma_wait3A_1513] : memref<8192x2048xf32, #tpu.memory_space<hbm>> -> memref<8x2048xf32, #tpu.memory_space<hbm>>
    %dma_wait3A_1515 = arith.constant 0 : i32
    %dma_wait3A_1516 = arith.constant 0 : i32
    %dma_wait3A_1517 = tpu.memref_slice %arg6[%dma_wait3A_1503, %dma_wait3A_1515, %dma_wait3A_1516] : memref<6x8x2048xf32, #tpu.memory_space<vmem>> -> memref<1x8x2048xf32, #tpu.memory_space<vmem>>
    %dma_wait3A_1518 = tpu.memref_squeeze %dma_wait3A_1517 : memref<1x8x2048xf32, #tpu.memory_space<vmem>> -> memref<8x2048xf32, #tpu.memory_space<vmem>>
    tpu.wait_dma2 semaphore(%dma_wait3A_1512 : memref<!tpu.dma_semaphore, #tpu.memory_space<semaphore_mem>>) src(%dma_wait3A_1518 : memref<8x2048xf32, #tpu.memory_space<vmem>>) dst(%dma_wait3A_1514 : memref<8x2048xf32, #tpu.memory_space<hbm>>)
    %dma_start3A_1519 = arith.constant 27 : i32
    %dma_start3A_1520 = arith.constant 3 : i32
    %dma_start3A_1521 = arith.constant 3 : i32
    %dma_start3A_1522 = arith.constant 0 : i32
    %dma_start3A_1523 = arith.constant 0 : i32
    %dma_start3A_1524 = tpu.memref_slice %arg6[%dma_start3A_1520, %dma_start3A_1522, %dma_start3A_1523] : memref<6x8x2048xf32, #tpu.memory_space<vmem>> -> memref<1x8x2048xf32, #tpu.memory_space<vmem>>
    %dma_start3A_1525 = tpu.memref_squeeze %dma_start3A_1524 : memref<1x8x2048xf32, #tpu.memory_space<vmem>> -> memref<8x2048xf32, #tpu.memory_space<vmem>>
    %dma_start3A_1526 = arith.constant 0 : i32
    %dma_start3A_1527 = tpu.memref_slice %arg5[%dma_start3A_1519, %dma_start3A_1526] : memref<32x8xi32, #tpu.memory_space<vmem>> -> memref<1x8xi32, #tpu.memory_space<vmem>>
    %dma_start3A_1528 = tpu.memref_squeeze %dma_start3A_1527 : memref<1x8xi32, #tpu.memory_space<vmem>> -> memref<8xi32, #tpu.memory_space<vmem>>
    %dma_start3A_1529 = arith.constant 0 : i32
    %dma_start3A_1530 = arith.constant 0 : i32
    %dma_start3A_1531 = tpu.memref_slice %arg3[%dma_start3A_1529, %dma_start3A_1530] : memref<50257x2048xf32, #tpu.memory_space<hbm>> -> memref<50257x2048xf32, #tpu.memory_space<hbm>>
    %dma_start3A_1532 = tpu.memref_slice %arg7[%dma_start3A_1521] : memref<6x!tpu.dma_semaphore, #tpu.memory_space<semaphore_mem>> -> memref<1x!tpu.dma_semaphore, #tpu.memory_space<semaphore_mem>>
    %dma_start3A_1533 = tpu.memref_squeeze %dma_start3A_1532 : memref<1x!tpu.dma_semaphore, #tpu.memory_space<semaphore_mem>> -> memref<!tpu.dma_semaphore, #tpu.memory_space<semaphore_mem>>
    tpu.enqueue_indirect_dma source(%dma_start3A_1531 : memref<50257x2048xf32, #tpu.memory_space<hbm>>) target(%dma_start3A_1525 : memref<8x2048xf32, #tpu.memory_space<vmem>>) offsets(%dma_start3A_1528 : memref<8xi32, #tpu.memory_space<vmem>>) semaphore(%dma_start3A_1533 : memref<!tpu.dma_semaphore, #tpu.memory_space<semaphore_mem>>)
    %dma_wait3A_1534 = arith.constant 23 : i32
    %dma_wait3A_1535 = arith.constant 5 : i32
    %dma_wait3A_1536 = arith.constant 5 : i32
    %dma_wait3A_1537 = arith.constant 0 : i32
    %dma_wait3A_1538 = arith.constant 0 : i32
    %dma_wait3A_1539 = tpu.memref_slice %arg6[%dma_wait3A_1535, %dma_wait3A_1537, %dma_wait3A_1538] : memref<6x8x2048xf32, #tpu.memory_space<vmem>> -> memref<1x8x2048xf32, #tpu.memory_space<vmem>>
    %dma_wait3A_1540 = tpu.memref_squeeze %dma_wait3A_1539 : memref<1x8x2048xf32, #tpu.memory_space<vmem>> -> memref<8x2048xf32, #tpu.memory_space<vmem>>
    %dma_wait3A_1541 = arith.constant 0 : i32
    %dma_wait3A_1542 = tpu.memref_slice %arg5[%dma_wait3A_1534, %dma_wait3A_1541] : memref<32x8xi32, #tpu.memory_space<vmem>> -> memref<1x8xi32, #tpu.memory_space<vmem>>
    %dma_wait3A_1543 = tpu.memref_squeeze %dma_wait3A_1542 : memref<1x8xi32, #tpu.memory_space<vmem>> -> memref<8xi32, #tpu.memory_space<vmem>>
    %dma_wait3A_1544 = arith.constant 0 : i32
    %dma_wait3A_1545 = arith.constant 0 : i32
    %dma_wait3A_1546 = tpu.memref_slice %arg3[%dma_wait3A_1544, %dma_wait3A_1545] : memref<50257x2048xf32, #tpu.memory_space<hbm>> -> memref<50257x2048xf32, #tpu.memory_space<hbm>>
    %dma_wait3A_1547 = tpu.memref_slice %arg7[%dma_wait3A_1536] : memref<6x!tpu.dma_semaphore, #tpu.memory_space<semaphore_mem>> -> memref<1x!tpu.dma_semaphore, #tpu.memory_space<semaphore_mem>>
    %dma_wait3A_1548 = tpu.memref_squeeze %dma_wait3A_1547 : memref<1x!tpu.dma_semaphore, #tpu.memory_space<semaphore_mem>> -> memref<!tpu.dma_semaphore, #tpu.memory_space<semaphore_mem>>
    tpu.wait_indirect_dma semaphore(%dma_wait3A_1548 : memref<!tpu.dma_semaphore, #tpu.memory_space<semaphore_mem>>) src(%dma_wait3A_1546 : memref<50257x2048xf32, #tpu.memory_space<hbm>>) dst(%dma_wait3A_1540 : memref<8x2048xf32, #tpu.memory_space<vmem>>)
    %add3A_1549 = arith.constant 184 : i32
    %add3A_1550 = arith.addi %mul3A_2, %add3A_1549 : i32
    %dma_start3A_1551 = arith.constant 5 : i32
    %dma_start3A_1552 = arith.constant 5 : i32
    %dma_start3A_1553 = arith.constant 0 : i32
    %dma_start3A_1554 = arith.constant 0 : i32
    %dma_start3A_1555 = tpu.memref_slice %arg6[%dma_start3A_1551, %dma_start3A_1553, %dma_start3A_1554] : memref<6x8x2048xf32, #tpu.memory_space<vmem>> -> memref<1x8x2048xf32, #tpu.memory_space<vmem>>
    %dma_start3A_1556 = tpu.memref_squeeze %dma_start3A_1555 : memref<1x8x2048xf32, #tpu.memory_space<vmem>> -> memref<8x2048xf32, #tpu.memory_space<vmem>>
    %dma_start3A_1557 = arith.constant 0 : i32
    %dma_start3A_1558 = tpu.memref_slice %arg4[%add3A_1550, %dma_start3A_1557] : memref<8192x2048xf32, #tpu.memory_space<hbm>> -> memref<8x2048xf32, #tpu.memory_space<hbm>>
    %dma_start3A_1559 = tpu.memref_slice %arg8[%dma_start3A_1552] : memref<6x!tpu.dma_semaphore, #tpu.memory_space<semaphore_mem>> -> memref<1x!tpu.dma_semaphore, #tpu.memory_space<semaphore_mem>>
    %dma_start3A_1560 = tpu.memref_squeeze %dma_start3A_1559 : memref<1x!tpu.dma_semaphore, #tpu.memory_space<semaphore_mem>> -> memref<!tpu.dma_semaphore, #tpu.memory_space<semaphore_mem>>
    %dma_start3A_1561 = arith.constant 0 : i32
    %dma_start3A_1562 = tpu.memref_slice %arg4[%add3A_1550, %dma_start3A_1561] : memref<8192x2048xf32, #tpu.memory_space<hbm>> -> memref<8x2048xf32, #tpu.memory_space<hbm>>
    %dma_start3A_1563 = arith.constant 0 : i32
    %dma_start3A_1564 = arith.constant 0 : i32
    %dma_start3A_1565 = tpu.memref_slice %arg6[%dma_start3A_1551, %dma_start3A_1563, %dma_start3A_1564] : memref<6x8x2048xf32, #tpu.memory_space<vmem>> -> memref<1x8x2048xf32, #tpu.memory_space<vmem>>
    %dma_start3A_1566 = tpu.memref_squeeze %dma_start3A_1565 : memref<1x8x2048xf32, #tpu.memory_space<vmem>> -> memref<8x2048xf32, #tpu.memory_space<vmem>>
    tpu.enqueue_dma source(%dma_start3A_1566 : memref<8x2048xf32, #tpu.memory_space<vmem>>) target(%dma_start3A_1562 : memref<8x2048xf32, #tpu.memory_space<hbm>>) target_semaphore(%dma_start3A_1560 : memref<!tpu.dma_semaphore, #tpu.memory_space<semaphore_mem>>)
    %dma_wait3A_1567 = arith.constant 4 : i32
    %dma_wait3A_1568 = arith.constant 4 : i32
    %dma_wait3A_1569 = arith.constant 0 : i32
    %dma_wait3A_1570 = arith.constant 0 : i32
    %dma_wait3A_1571 = tpu.memref_slice %arg6[%dma_wait3A_1567, %dma_wait3A_1569, %dma_wait3A_1570] : memref<6x8x2048xf32, #tpu.memory_space<vmem>> -> memref<1x8x2048xf32, #tpu.memory_space<vmem>>
    %dma_wait3A_1572 = tpu.memref_squeeze %dma_wait3A_1571 : memref<1x8x2048xf32, #tpu.memory_space<vmem>> -> memref<8x2048xf32, #tpu.memory_space<vmem>>
    %dma_wait3A_1573 = arith.constant 0 : i32
    %dma_wait3A_1574 = tpu.memref_slice %arg4[%add3A_1486, %dma_wait3A_1573] : memref<8192x2048xf32, #tpu.memory_space<hbm>> -> memref<8x2048xf32, #tpu.memory_space<hbm>>
    %dma_wait3A_1575 = tpu.memref_slice %arg8[%dma_wait3A_1568] : memref<6x!tpu.dma_semaphore, #tpu.memory_space<semaphore_mem>> -> memref<1x!tpu.dma_semaphore, #tpu.memory_space<semaphore_mem>>
    %dma_wait3A_1576 = tpu.memref_squeeze %dma_wait3A_1575 : memref<1x!tpu.dma_semaphore, #tpu.memory_space<semaphore_mem>> -> memref<!tpu.dma_semaphore, #tpu.memory_space<semaphore_mem>>
    %dma_wait3A_1577 = arith.constant 0 : i32
    %dma_wait3A_1578 = tpu.memref_slice %arg4[%add3A_1486, %dma_wait3A_1577] : memref<8192x2048xf32, #tpu.memory_space<hbm>> -> memref<8x2048xf32, #tpu.memory_space<hbm>>
    %dma_wait3A_1579 = arith.constant 0 : i32
    %dma_wait3A_1580 = arith.constant 0 : i32
    %dma_wait3A_1581 = tpu.memref_slice %arg6[%dma_wait3A_1567, %dma_wait3A_1579, %dma_wait3A_1580] : memref<6x8x2048xf32, #tpu.memory_space<vmem>> -> memref<1x8x2048xf32, #tpu.memory_space<vmem>>
    %dma_wait3A_1582 = tpu.memref_squeeze %dma_wait3A_1581 : memref<1x8x2048xf32, #tpu.memory_space<vmem>> -> memref<8x2048xf32, #tpu.memory_space<vmem>>
    tpu.wait_dma2 semaphore(%dma_wait3A_1576 : memref<!tpu.dma_semaphore, #tpu.memory_space<semaphore_mem>>) src(%dma_wait3A_1582 : memref<8x2048xf32, #tpu.memory_space<vmem>>) dst(%dma_wait3A_1578 : memref<8x2048xf32, #tpu.memory_space<hbm>>)
    %dma_start3A_1583 = arith.constant 28 : i32
    %dma_start3A_1584 = arith.constant 4 : i32
    %dma_start3A_1585 = arith.constant 4 : i32
    %dma_start3A_1586 = arith.constant 0 : i32
    %dma_start3A_1587 = arith.constant 0 : i32
    %dma_start3A_1588 = tpu.memref_slice %arg6[%dma_start3A_1584, %dma_start3A_1586, %dma_start3A_1587] : memref<6x8x2048xf32, #tpu.memory_space<vmem>> -> memref<1x8x2048xf32, #tpu.memory_space<vmem>>
    %dma_start3A_1589 = tpu.memref_squeeze %dma_start3A_1588 : memref<1x8x2048xf32, #tpu.memory_space<vmem>> -> memref<8x2048xf32, #tpu.memory_space<vmem>>
    %dma_start3A_1590 = arith.constant 0 : i32
    %dma_start3A_1591 = tpu.memref_slice %arg5[%dma_start3A_1583, %dma_start3A_1590] : memref<32x8xi32, #tpu.memory_space<vmem>> -> memref<1x8xi32, #tpu.memory_space<vmem>>
    %dma_start3A_1592 = tpu.memref_squeeze %dma_start3A_1591 : memref<1x8xi32, #tpu.memory_space<vmem>> -> memref<8xi32, #tpu.memory_space<vmem>>
    %dma_start3A_1593 = arith.constant 0 : i32
    %dma_start3A_1594 = arith.constant 0 : i32
    %dma_start3A_1595 = tpu.memref_slice %arg3[%dma_start3A_1593, %dma_start3A_1594] : memref<50257x2048xf32, #tpu.memory_space<hbm>> -> memref<50257x2048xf32, #tpu.memory_space<hbm>>
    %dma_start3A_1596 = tpu.memref_slice %arg7[%dma_start3A_1585] : memref<6x!tpu.dma_semaphore, #tpu.memory_space<semaphore_mem>> -> memref<1x!tpu.dma_semaphore, #tpu.memory_space<semaphore_mem>>
    %dma_start3A_1597 = tpu.memref_squeeze %dma_start3A_1596 : memref<1x!tpu.dma_semaphore, #tpu.memory_space<semaphore_mem>> -> memref<!tpu.dma_semaphore, #tpu.memory_space<semaphore_mem>>
    tpu.enqueue_indirect_dma source(%dma_start3A_1595 : memref<50257x2048xf32, #tpu.memory_space<hbm>>) target(%dma_start3A_1589 : memref<8x2048xf32, #tpu.memory_space<vmem>>) offsets(%dma_start3A_1592 : memref<8xi32, #tpu.memory_space<vmem>>) semaphore(%dma_start3A_1597 : memref<!tpu.dma_semaphore, #tpu.memory_space<semaphore_mem>>)
    %dma_wait3A_1598 = arith.constant 24 : i32
    %dma_wait3A_1599 = arith.constant 0 : i32
    %dma_wait3A_1600 = arith.constant 0 : i32
    %dma_wait3A_1601 = arith.constant 0 : i32
    %dma_wait3A_1602 = arith.constant 0 : i32
    %dma_wait3A_1603 = tpu.memref_slice %arg6[%dma_wait3A_1599, %dma_wait3A_1601, %dma_wait3A_1602] : memref<6x8x2048xf32, #tpu.memory_space<vmem>> -> memref<1x8x2048xf32, #tpu.memory_space<vmem>>
    %dma_wait3A_1604 = tpu.memref_squeeze %dma_wait3A_1603 : memref<1x8x2048xf32, #tpu.memory_space<vmem>> -> memref<8x2048xf32, #tpu.memory_space<vmem>>
    %dma_wait3A_1605 = arith.constant 0 : i32
    %dma_wait3A_1606 = tpu.memref_slice %arg5[%dma_wait3A_1598, %dma_wait3A_1605] : memref<32x8xi32, #tpu.memory_space<vmem>> -> memref<1x8xi32, #tpu.memory_space<vmem>>
    %dma_wait3A_1607 = tpu.memref_squeeze %dma_wait3A_1606 : memref<1x8xi32, #tpu.memory_space<vmem>> -> memref<8xi32, #tpu.memory_space<vmem>>
    %dma_wait3A_1608 = arith.constant 0 : i32
    %dma_wait3A_1609 = arith.constant 0 : i32
    %dma_wait3A_1610 = tpu.memref_slice %arg3[%dma_wait3A_1608, %dma_wait3A_1609] : memref<50257x2048xf32, #tpu.memory_space<hbm>> -> memref<50257x2048xf32, #tpu.memory_space<hbm>>
    %dma_wait3A_1611 = tpu.memref_slice %arg7[%dma_wait3A_1600] : memref<6x!tpu.dma_semaphore, #tpu.memory_space<semaphore_mem>> -> memref<1x!tpu.dma_semaphore, #tpu.memory_space<semaphore_mem>>
    %dma_wait3A_1612 = tpu.memref_squeeze %dma_wait3A_1611 : memref<1x!tpu.dma_semaphore, #tpu.memory_space<semaphore_mem>> -> memref<!tpu.dma_semaphore, #tpu.memory_space<semaphore_mem>>
    tpu.wait_indirect_dma semaphore(%dma_wait3A_1612 : memref<!tpu.dma_semaphore, #tpu.memory_space<semaphore_mem>>) src(%dma_wait3A_1610 : memref<50257x2048xf32, #tpu.memory_space<hbm>>) dst(%dma_wait3A_1604 : memref<8x2048xf32, #tpu.memory_space<vmem>>)
    %add3A_1613 = arith.constant 192 : i32
    %add3A_1614 = arith.addi %mul3A_2, %add3A_1613 : i32
    %dma_start3A_1615 = arith.constant 0 : i32
    %dma_start3A_1616 = arith.constant 0 : i32
    %dma_start3A_1617 = arith.constant 0 : i32
    %dma_start3A_1618 = arith.constant 0 : i32
    %dma_start3A_1619 = tpu.memref_slice %arg6[%dma_start3A_1615, %dma_start3A_1617, %dma_start3A_1618] : memref<6x8x2048xf32, #tpu.memory_space<vmem>> -> memref<1x8x2048xf32, #tpu.memory_space<vmem>>
    %dma_start3A_1620 = tpu.memref_squeeze %dma_start3A_1619 : memref<1x8x2048xf32, #tpu.memory_space<vmem>> -> memref<8x2048xf32, #tpu.memory_space<vmem>>
    %dma_start3A_1621 = arith.constant 0 : i32
    %dma_start3A_1622 = tpu.memref_slice %arg4[%add3A_1614, %dma_start3A_1621] : memref<8192x2048xf32, #tpu.memory_space<hbm>> -> memref<8x2048xf32, #tpu.memory_space<hbm>>
    %dma_start3A_1623 = tpu.memref_slice %arg8[%dma_start3A_1616] : memref<6x!tpu.dma_semaphore, #tpu.memory_space<semaphore_mem>> -> memref<1x!tpu.dma_semaphore, #tpu.memory_space<semaphore_mem>>
    %dma_start3A_1624 = tpu.memref_squeeze %dma_start3A_1623 : memref<1x!tpu.dma_semaphore, #tpu.memory_space<semaphore_mem>> -> memref<!tpu.dma_semaphore, #tpu.memory_space<semaphore_mem>>
    %dma_start3A_1625 = arith.constant 0 : i32
    %dma_start3A_1626 = tpu.memref_slice %arg4[%add3A_1614, %dma_start3A_1625] : memref<8192x2048xf32, #tpu.memory_space<hbm>> -> memref<8x2048xf32, #tpu.memory_space<hbm>>
    %dma_start3A_1627 = arith.constant 0 : i32
    %dma_start3A_1628 = arith.constant 0 : i32
    %dma_start3A_1629 = tpu.memref_slice %arg6[%dma_start3A_1615, %dma_start3A_1627, %dma_start3A_1628] : memref<6x8x2048xf32, #tpu.memory_space<vmem>> -> memref<1x8x2048xf32, #tpu.memory_space<vmem>>
    %dma_start3A_1630 = tpu.memref_squeeze %dma_start3A_1629 : memref<1x8x2048xf32, #tpu.memory_space<vmem>> -> memref<8x2048xf32, #tpu.memory_space<vmem>>
    tpu.enqueue_dma source(%dma_start3A_1630 : memref<8x2048xf32, #tpu.memory_space<vmem>>) target(%dma_start3A_1626 : memref<8x2048xf32, #tpu.memory_space<hbm>>) target_semaphore(%dma_start3A_1624 : memref<!tpu.dma_semaphore, #tpu.memory_space<semaphore_mem>>)
    %dma_wait3A_1631 = arith.constant 5 : i32
    %dma_wait3A_1632 = arith.constant 5 : i32
    %dma_wait3A_1633 = arith.constant 0 : i32
    %dma_wait3A_1634 = arith.constant 0 : i32
    %dma_wait3A_1635 = tpu.memref_slice %arg6[%dma_wait3A_1631, %dma_wait3A_1633, %dma_wait3A_1634] : memref<6x8x2048xf32, #tpu.memory_space<vmem>> -> memref<1x8x2048xf32, #tpu.memory_space<vmem>>
    %dma_wait3A_1636 = tpu.memref_squeeze %dma_wait3A_1635 : memref<1x8x2048xf32, #tpu.memory_space<vmem>> -> memref<8x2048xf32, #tpu.memory_space<vmem>>
    %dma_wait3A_1637 = arith.constant 0 : i32
    %dma_wait3A_1638 = tpu.memref_slice %arg4[%add3A_1550, %dma_wait3A_1637] : memref<8192x2048xf32, #tpu.memory_space<hbm>> -> memref<8x2048xf32, #tpu.memory_space<hbm>>
    %dma_wait3A_1639 = tpu.memref_slice %arg8[%dma_wait3A_1632] : memref<6x!tpu.dma_semaphore, #tpu.memory_space<semaphore_mem>> -> memref<1x!tpu.dma_semaphore, #tpu.memory_space<semaphore_mem>>
    %dma_wait3A_1640 = tpu.memref_squeeze %dma_wait3A_1639 : memref<1x!tpu.dma_semaphore, #tpu.memory_space<semaphore_mem>> -> memref<!tpu.dma_semaphore, #tpu.memory_space<semaphore_mem>>
    %dma_wait3A_1641 = arith.constant 0 : i32
    %dma_wait3A_1642 = tpu.memref_slice %arg4[%add3A_1550, %dma_wait3A_1641] : memref<8192x2048xf32, #tpu.memory_space<hbm>> -> memref<8x2048xf32, #tpu.memory_space<hbm>>
    %dma_wait3A_1643 = arith.constant 0 : i32
    %dma_wait3A_1644 = arith.constant 0 : i32
    %dma_wait3A_1645 = tpu.memref_slice %arg6[%dma_wait3A_1631, %dma_wait3A_1643, %dma_wait3A_1644] : memref<6x8x2048xf32, #tpu.memory_space<vmem>> -> memref<1x8x2048xf32, #tpu.memory_space<vmem>>
    %dma_wait3A_1646 = tpu.memref_squeeze %dma_wait3A_1645 : memref<1x8x2048xf32, #tpu.memory_space<vmem>> -> memref<8x2048xf32, #tpu.memory_space<vmem>>
    tpu.wait_dma2 semaphore(%dma_wait3A_1640 : memref<!tpu.dma_semaphore, #tpu.memory_space<semaphore_mem>>) src(%dma_wait3A_1646 : memref<8x2048xf32, #tpu.memory_space<vmem>>) dst(%dma_wait3A_1642 : memref<8x2048xf32, #tpu.memory_space<hbm>>)
    %dma_start3A_1647 = arith.constant 29 : i32
    %dma_start3A_1648 = arith.constant 5 : i32
    %dma_start3A_1649 = arith.constant 5 : i32
    %dma_start3A_1650 = arith.constant 0 : i32
    %dma_start3A_1651 = arith.constant 0 : i32
    %dma_start3A_1652 = tpu.memref_slice %arg6[%dma_start3A_1648, %dma_start3A_1650, %dma_start3A_1651] : memref<6x8x2048xf32, #tpu.memory_space<vmem>> -> memref<1x8x2048xf32, #tpu.memory_space<vmem>>
    %dma_start3A_1653 = tpu.memref_squeeze %dma_start3A_1652 : memref<1x8x2048xf32, #tpu.memory_space<vmem>> -> memref<8x2048xf32, #tpu.memory_space<vmem>>
    %dma_start3A_1654 = arith.constant 0 : i32
    %dma_start3A_1655 = tpu.memref_slice %arg5[%dma_start3A_1647, %dma_start3A_1654] : memref<32x8xi32, #tpu.memory_space<vmem>> -> memref<1x8xi32, #tpu.memory_space<vmem>>
    %dma_start3A_1656 = tpu.memref_squeeze %dma_start3A_1655 : memref<1x8xi32, #tpu.memory_space<vmem>> -> memref<8xi32, #tpu.memory_space<vmem>>
    %dma_start3A_1657 = arith.constant 0 : i32
    %dma_start3A_1658 = arith.constant 0 : i32
    %dma_start3A_1659 = tpu.memref_slice %arg3[%dma_start3A_1657, %dma_start3A_1658] : memref<50257x2048xf32, #tpu.memory_space<hbm>> -> memref<50257x2048xf32, #tpu.memory_space<hbm>>
    %dma_start3A_1660 = tpu.memref_slice %arg7[%dma_start3A_1649] : memref<6x!tpu.dma_semaphore, #tpu.memory_space<semaphore_mem>> -> memref<1x!tpu.dma_semaphore, #tpu.memory_space<semaphore_mem>>
    %dma_start3A_1661 = tpu.memref_squeeze %dma_start3A_1660 : memref<1x!tpu.dma_semaphore, #tpu.memory_space<semaphore_mem>> -> memref<!tpu.dma_semaphore, #tpu.memory_space<semaphore_mem>>
    tpu.enqueue_indirect_dma source(%dma_start3A_1659 : memref<50257x2048xf32, #tpu.memory_space<hbm>>) target(%dma_start3A_1653 : memref<8x2048xf32, #tpu.memory_space<vmem>>) offsets(%dma_start3A_1656 : memref<8xi32, #tpu.memory_space<vmem>>) semaphore(%dma_start3A_1661 : memref<!tpu.dma_semaphore, #tpu.memory_space<semaphore_mem>>)
    %dma_wait3A_1662 = arith.constant 25 : i32
    %dma_wait3A_1663 = arith.constant 1 : i32
    %dma_wait3A_1664 = arith.constant 1 : i32
    %dma_wait3A_1665 = arith.constant 0 : i32
    %dma_wait3A_1666 = arith.constant 0 : i32
    %dma_wait3A_1667 = tpu.memref_slice %arg6[%dma_wait3A_1663, %dma_wait3A_1665, %dma_wait3A_1666] : memref<6x8x2048xf32, #tpu.memory_space<vmem>> -> memref<1x8x2048xf32, #tpu.memory_space<vmem>>
    %dma_wait3A_1668 = tpu.memref_squeeze %dma_wait3A_1667 : memref<1x8x2048xf32, #tpu.memory_space<vmem>> -> memref<8x2048xf32, #tpu.memory_space<vmem>>
    %dma_wait3A_1669 = arith.constant 0 : i32
    %dma_wait3A_1670 = tpu.memref_slice %arg5[%dma_wait3A_1662, %dma_wait3A_1669] : memref<32x8xi32, #tpu.memory_space<vmem>> -> memref<1x8xi32, #tpu.memory_space<vmem>>
    %dma_wait3A_1671 = tpu.memref_squeeze %dma_wait3A_1670 : memref<1x8xi32, #tpu.memory_space<vmem>> -> memref<8xi32, #tpu.memory_space<vmem>>
    %dma_wait3A_1672 = arith.constant 0 : i32
    %dma_wait3A_1673 = arith.constant 0 : i32
    %dma_wait3A_1674 = tpu.memref_slice %arg3[%dma_wait3A_1672, %dma_wait3A_1673] : memref<50257x2048xf32, #tpu.memory_space<hbm>> -> memref<50257x2048xf32, #tpu.memory_space<hbm>>
    %dma_wait3A_1675 = tpu.memref_slice %arg7[%dma_wait3A_1664] : memref<6x!tpu.dma_semaphore, #tpu.memory_space<semaphore_mem>> -> memref<1x!tpu.dma_semaphore, #tpu.memory_space<semaphore_mem>>
    %dma_wait3A_1676 = tpu.memref_squeeze %dma_wait3A_1675 : memref<1x!tpu.dma_semaphore, #tpu.memory_space<semaphore_mem>> -> memref<!tpu.dma_semaphore, #tpu.memory_space<semaphore_mem>>
    tpu.wait_indirect_dma semaphore(%dma_wait3A_1676 : memref<!tpu.dma_semaphore, #tpu.memory_space<semaphore_mem>>) src(%dma_wait3A_1674 : memref<50257x2048xf32, #tpu.memory_space<hbm>>) dst(%dma_wait3A_1668 : memref<8x2048xf32, #tpu.memory_space<vmem>>)
    %add3A_1677 = arith.constant 200 : i32
    %add3A_1678 = arith.addi %mul3A_2, %add3A_1677 : i32
    %dma_start3A_1679 = arith.constant 1 : i32
    %dma_start3A_1680 = arith.constant 1 : i32
    %dma_start3A_1681 = arith.constant 0 : i32
    %dma_start3A_1682 = arith.constant 0 : i32
    %dma_start3A_1683 = tpu.memref_slice %arg6[%dma_start3A_1679, %dma_start3A_1681, %dma_start3A_1682] : memref<6x8x2048xf32, #tpu.memory_space<vmem>> -> memref<1x8x2048xf32, #tpu.memory_space<vmem>>
    %dma_start3A_1684 = tpu.memref_squeeze %dma_start3A_1683 : memref<1x8x2048xf32, #tpu.memory_space<vmem>> -> memref<8x2048xf32, #tpu.memory_space<vmem>>
    %dma_start3A_1685 = arith.constant 0 : i32
    %dma_start3A_1686 = tpu.memref_slice %arg4[%add3A_1678, %dma_start3A_1685] : memref<8192x2048xf32, #tpu.memory_space<hbm>> -> memref<8x2048xf32, #tpu.memory_space<hbm>>
    %dma_start3A_1687 = tpu.memref_slice %arg8[%dma_start3A_1680] : memref<6x!tpu.dma_semaphore, #tpu.memory_space<semaphore_mem>> -> memref<1x!tpu.dma_semaphore, #tpu.memory_space<semaphore_mem>>
    %dma_start3A_1688 = tpu.memref_squeeze %dma_start3A_1687 : memref<1x!tpu.dma_semaphore, #tpu.memory_space<semaphore_mem>> -> memref<!tpu.dma_semaphore, #tpu.memory_space<semaphore_mem>>
    %dma_start3A_1689 = arith.constant 0 : i32
    %dma_start3A_1690 = tpu.memref_slice %arg4[%add3A_1678, %dma_start3A_1689] : memref<8192x2048xf32, #tpu.memory_space<hbm>> -> memref<8x2048xf32, #tpu.memory_space<hbm>>
    %dma_start3A_1691 = arith.constant 0 : i32
    %dma_start3A_1692 = arith.constant 0 : i32
    %dma_start3A_1693 = tpu.memref_slice %arg6[%dma_start3A_1679, %dma_start3A_1691, %dma_start3A_1692] : memref<6x8x2048xf32, #tpu.memory_space<vmem>> -> memref<1x8x2048xf32, #tpu.memory_space<vmem>>
    %dma_start3A_1694 = tpu.memref_squeeze %dma_start3A_1693 : memref<1x8x2048xf32, #tpu.memory_space<vmem>> -> memref<8x2048xf32, #tpu.memory_space<vmem>>
    tpu.enqueue_dma source(%dma_start3A_1694 : memref<8x2048xf32, #tpu.memory_space<vmem>>) target(%dma_start3A_1690 : memref<8x2048xf32, #tpu.memory_space<hbm>>) target_semaphore(%dma_start3A_1688 : memref<!tpu.dma_semaphore, #tpu.memory_space<semaphore_mem>>)
    %dma_wait3A_1695 = arith.constant 0 : i32
    %dma_wait3A_1696 = arith.constant 0 : i32
    %dma_wait3A_1697 = arith.constant 0 : i32
    %dma_wait3A_1698 = arith.constant 0 : i32
    %dma_wait3A_1699 = tpu.memref_slice %arg6[%dma_wait3A_1695, %dma_wait3A_1697, %dma_wait3A_1698] : memref<6x8x2048xf32, #tpu.memory_space<vmem>> -> memref<1x8x2048xf32, #tpu.memory_space<vmem>>
    %dma_wait3A_1700 = tpu.memref_squeeze %dma_wait3A_1699 : memref<1x8x2048xf32, #tpu.memory_space<vmem>> -> memref<8x2048xf32, #tpu.memory_space<vmem>>
    %dma_wait3A_1701 = arith.constant 0 : i32
    %dma_wait3A_1702 = tpu.memref_slice %arg4[%add3A_1614, %dma_wait3A_1701] : memref<8192x2048xf32, #tpu.memory_space<hbm>> -> memref<8x2048xf32, #tpu.memory_space<hbm>>
    %dma_wait3A_1703 = tpu.memref_slice %arg8[%dma_wait3A_1696] : memref<6x!tpu.dma_semaphore, #tpu.memory_space<semaphore_mem>> -> memref<1x!tpu.dma_semaphore, #tpu.memory_space<semaphore_mem>>
    %dma_wait3A_1704 = tpu.memref_squeeze %dma_wait3A_1703 : memref<1x!tpu.dma_semaphore, #tpu.memory_space<semaphore_mem>> -> memref<!tpu.dma_semaphore, #tpu.memory_space<semaphore_mem>>
    %dma_wait3A_1705 = arith.constant 0 : i32
    %dma_wait3A_1706 = tpu.memref_slice %arg4[%add3A_1614, %dma_wait3A_1705] : memref<8192x2048xf32, #tpu.memory_space<hbm>> -> memref<8x2048xf32, #tpu.memory_space<hbm>>
    %dma_wait3A_1707 = arith.constant 0 : i32
    %dma_wait3A_1708 = arith.constant 0 : i32
    %dma_wait3A_1709 = tpu.memref_slice %arg6[%dma_wait3A_1695, %dma_wait3A_1707, %dma_wait3A_1708] : memref<6x8x2048xf32, #tpu.memory_space<vmem>> -> memref<1x8x2048xf32, #tpu.memory_space<vmem>>
    %dma_wait3A_1710 = tpu.memref_squeeze %dma_wait3A_1709 : memref<1x8x2048xf32, #tpu.memory_space<vmem>> -> memref<8x2048xf32, #tpu.memory_space<vmem>>
    tpu.wait_dma2 semaphore(%dma_wait3A_1704 : memref<!tpu.dma_semaphore, #tpu.memory_space<semaphore_mem>>) src(%dma_wait3A_1710 : memref<8x2048xf32, #tpu.memory_space<vmem>>) dst(%dma_wait3A_1706 : memref<8x2048xf32, #tpu.memory_space<hbm>>)
    %dma_start3A_1711 = arith.constant 30 : i32
    %dma_start3A_1712 = arith.constant 0 : i32
    %dma_start3A_1713 = arith.constant 0 : i32
    %dma_start3A_1714 = arith.constant 0 : i32
    %dma_start3A_1715 = arith.constant 0 : i32
    %dma_start3A_1716 = tpu.memref_slice %arg6[%dma_start3A_1712, %dma_start3A_1714, %dma_start3A_1715] : memref<6x8x2048xf32, #tpu.memory_space<vmem>> -> memref<1x8x2048xf32, #tpu.memory_space<vmem>>
    %dma_start3A_1717 = tpu.memref_squeeze %dma_start3A_1716 : memref<1x8x2048xf32, #tpu.memory_space<vmem>> -> memref<8x2048xf32, #tpu.memory_space<vmem>>
    %dma_start3A_1718 = arith.constant 0 : i32
    %dma_start3A_1719 = tpu.memref_slice %arg5[%dma_start3A_1711, %dma_start3A_1718] : memref<32x8xi32, #tpu.memory_space<vmem>> -> memref<1x8xi32, #tpu.memory_space<vmem>>
    %dma_start3A_1720 = tpu.memref_squeeze %dma_start3A_1719 : memref<1x8xi32, #tpu.memory_space<vmem>> -> memref<8xi32, #tpu.memory_space<vmem>>
    %dma_start3A_1721 = arith.constant 0 : i32
    %dma_start3A_1722 = arith.constant 0 : i32
    %dma_start3A_1723 = tpu.memref_slice %arg3[%dma_start3A_1721, %dma_start3A_1722] : memref<50257x2048xf32, #tpu.memory_space<hbm>> -> memref<50257x2048xf32, #tpu.memory_space<hbm>>
    %dma_start3A_1724 = tpu.memref_slice %arg7[%dma_start3A_1713] : memref<6x!tpu.dma_semaphore, #tpu.memory_space<semaphore_mem>> -> memref<1x!tpu.dma_semaphore, #tpu.memory_space<semaphore_mem>>
    %dma_start3A_1725 = tpu.memref_squeeze %dma_start3A_1724 : memref<1x!tpu.dma_semaphore, #tpu.memory_space<semaphore_mem>> -> memref<!tpu.dma_semaphore, #tpu.memory_space<semaphore_mem>>
    tpu.enqueue_indirect_dma source(%dma_start3A_1723 : memref<50257x2048xf32, #tpu.memory_space<hbm>>) target(%dma_start3A_1717 : memref<8x2048xf32, #tpu.memory_space<vmem>>) offsets(%dma_start3A_1720 : memref<8xi32, #tpu.memory_space<vmem>>) semaphore(%dma_start3A_1725 : memref<!tpu.dma_semaphore, #tpu.memory_space<semaphore_mem>>)
    %dma_wait3A_1726 = arith.constant 26 : i32
    %dma_wait3A_1727 = arith.constant 2 : i32
    %dma_wait3A_1728 = arith.constant 2 : i32
    %dma_wait3A_1729 = arith.constant 0 : i32
    %dma_wait3A_1730 = arith.constant 0 : i32
    %dma_wait3A_1731 = tpu.memref_slice %arg6[%dma_wait3A_1727, %dma_wait3A_1729, %dma_wait3A_1730] : memref<6x8x2048xf32, #tpu.memory_space<vmem>> -> memref<1x8x2048xf32, #tpu.memory_space<vmem>>
    %dma_wait3A_1732 = tpu.memref_squeeze %dma_wait3A_1731 : memref<1x8x2048xf32, #tpu.memory_space<vmem>> -> memref<8x2048xf32, #tpu.memory_space<vmem>>
    %dma_wait3A_1733 = arith.constant 0 : i32
    %dma_wait3A_1734 = tpu.memref_slice %arg5[%dma_wait3A_1726, %dma_wait3A_1733] : memref<32x8xi32, #tpu.memory_space<vmem>> -> memref<1x8xi32, #tpu.memory_space<vmem>>
    %dma_wait3A_1735 = tpu.memref_squeeze %dma_wait3A_1734 : memref<1x8xi32, #tpu.memory_space<vmem>> -> memref<8xi32, #tpu.memory_space<vmem>>
    %dma_wait3A_1736 = arith.constant 0 : i32
    %dma_wait3A_1737 = arith.constant 0 : i32
    %dma_wait3A_1738 = tpu.memref_slice %arg3[%dma_wait3A_1736, %dma_wait3A_1737] : memref<50257x2048xf32, #tpu.memory_space<hbm>> -> memref<50257x2048xf32, #tpu.memory_space<hbm>>
    %dma_wait3A_1739 = tpu.memref_slice %arg7[%dma_wait3A_1728] : memref<6x!tpu.dma_semaphore, #tpu.memory_space<semaphore_mem>> -> memref<1x!tpu.dma_semaphore, #tpu.memory_space<semaphore_mem>>
    %dma_wait3A_1740 = tpu.memref_squeeze %dma_wait3A_1739 : memref<1x!tpu.dma_semaphore, #tpu.memory_space<semaphore_mem>> -> memref<!tpu.dma_semaphore, #tpu.memory_space<semaphore_mem>>
    tpu.wait_indirect_dma semaphore(%dma_wait3A_1740 : memref<!tpu.dma_semaphore, #tpu.memory_space<semaphore_mem>>) src(%dma_wait3A_1738 : memref<50257x2048xf32, #tpu.memory_space<hbm>>) dst(%dma_wait3A_1732 : memref<8x2048xf32, #tpu.memory_space<vmem>>)
    %add3A_1741 = arith.constant 208 : i32
    %add3A_1742 = arith.addi %mul3A_2, %add3A_1741 : i32
    %dma_start3A_1743 = arith.constant 2 : i32
    %dma_start3A_1744 = arith.constant 2 : i32
    %dma_start3A_1745 = arith.constant 0 : i32
    %dma_start3A_1746 = arith.constant 0 : i32
    %dma_start3A_1747 = tpu.memref_slice %arg6[%dma_start3A_1743, %dma_start3A_1745, %dma_start3A_1746] : memref<6x8x2048xf32, #tpu.memory_space<vmem>> -> memref<1x8x2048xf32, #tpu.memory_space<vmem>>
    %dma_start3A_1748 = tpu.memref_squeeze %dma_start3A_1747 : memref<1x8x2048xf32, #tpu.memory_space<vmem>> -> memref<8x2048xf32, #tpu.memory_space<vmem>>
    %dma_start3A_1749 = arith.constant 0 : i32
    %dma_start3A_1750 = tpu.memref_slice %arg4[%add3A_1742, %dma_start3A_1749] : memref<8192x2048xf32, #tpu.memory_space<hbm>> -> memref<8x2048xf32, #tpu.memory_space<hbm>>
    %dma_start3A_1751 = tpu.memref_slice %arg8[%dma_start3A_1744] : memref<6x!tpu.dma_semaphore, #tpu.memory_space<semaphore_mem>> -> memref<1x!tpu.dma_semaphore, #tpu.memory_space<semaphore_mem>>
    %dma_start3A_1752 = tpu.memref_squeeze %dma_start3A_1751 : memref<1x!tpu.dma_semaphore, #tpu.memory_space<semaphore_mem>> -> memref<!tpu.dma_semaphore, #tpu.memory_space<semaphore_mem>>
    %dma_start3A_1753 = arith.constant 0 : i32
    %dma_start3A_1754 = tpu.memref_slice %arg4[%add3A_1742, %dma_start3A_1753] : memref<8192x2048xf32, #tpu.memory_space<hbm>> -> memref<8x2048xf32, #tpu.memory_space<hbm>>
    %dma_start3A_1755 = arith.constant 0 : i32
    %dma_start3A_1756 = arith.constant 0 : i32
    %dma_start3A_1757 = tpu.memref_slice %arg6[%dma_start3A_1743, %dma_start3A_1755, %dma_start3A_1756] : memref<6x8x2048xf32, #tpu.memory_space<vmem>> -> memref<1x8x2048xf32, #tpu.memory_space<vmem>>
    %dma_start3A_1758 = tpu.memref_squeeze %dma_start3A_1757 : memref<1x8x2048xf32, #tpu.memory_space<vmem>> -> memref<8x2048xf32, #tpu.memory_space<vmem>>
    tpu.enqueue_dma source(%dma_start3A_1758 : memref<8x2048xf32, #tpu.memory_space<vmem>>) target(%dma_start3A_1754 : memref<8x2048xf32, #tpu.memory_space<hbm>>) target_semaphore(%dma_start3A_1752 : memref<!tpu.dma_semaphore, #tpu.memory_space<semaphore_mem>>)
    %dma_wait3A_1759 = arith.constant 1 : i32
    %dma_wait3A_1760 = arith.constant 1 : i32
    %dma_wait3A_1761 = arith.constant 0 : i32
    %dma_wait3A_1762 = arith.constant 0 : i32
    %dma_wait3A_1763 = tpu.memref_slice %arg6[%dma_wait3A_1759, %dma_wait3A_1761, %dma_wait3A_1762] : memref<6x8x2048xf32, #tpu.memory_space<vmem>> -> memref<1x8x2048xf32, #tpu.memory_space<vmem>>
    %dma_wait3A_1764 = tpu.memref_squeeze %dma_wait3A_1763 : memref<1x8x2048xf32, #tpu.memory_space<vmem>> -> memref<8x2048xf32, #tpu.memory_space<vmem>>
    %dma_wait3A_1765 = arith.constant 0 : i32
    %dma_wait3A_1766 = tpu.memref_slice %arg4[%add3A_1678, %dma_wait3A_1765] : memref<8192x2048xf32, #tpu.memory_space<hbm>> -> memref<8x2048xf32, #tpu.memory_space<hbm>>
    %dma_wait3A_1767 = tpu.memref_slice %arg8[%dma_wait3A_1760] : memref<6x!tpu.dma_semaphore, #tpu.memory_space<semaphore_mem>> -> memref<1x!tpu.dma_semaphore, #tpu.memory_space<semaphore_mem>>
    %dma_wait3A_1768 = tpu.memref_squeeze %dma_wait3A_1767 : memref<1x!tpu.dma_semaphore, #tpu.memory_space<semaphore_mem>> -> memref<!tpu.dma_semaphore, #tpu.memory_space<semaphore_mem>>
    %dma_wait3A_1769 = arith.constant 0 : i32
    %dma_wait3A_1770 = tpu.memref_slice %arg4[%add3A_1678, %dma_wait3A_1769] : memref<8192x2048xf32, #tpu.memory_space<hbm>> -> memref<8x2048xf32, #tpu.memory_space<hbm>>
    %dma_wait3A_1771 = arith.constant 0 : i32
    %dma_wait3A_1772 = arith.constant 0 : i32
    %dma_wait3A_1773 = tpu.memref_slice %arg6[%dma_wait3A_1759, %dma_wait3A_1771, %dma_wait3A_1772] : memref<6x8x2048xf32, #tpu.memory_space<vmem>> -> memref<1x8x2048xf32, #tpu.memory_space<vmem>>
    %dma_wait3A_1774 = tpu.memref_squeeze %dma_wait3A_1773 : memref<1x8x2048xf32, #tpu.memory_space<vmem>> -> memref<8x2048xf32, #tpu.memory_space<vmem>>
    tpu.wait_dma2 semaphore(%dma_wait3A_1768 : memref<!tpu.dma_semaphore, #tpu.memory_space<semaphore_mem>>) src(%dma_wait3A_1774 : memref<8x2048xf32, #tpu.memory_space<vmem>>) dst(%dma_wait3A_1770 : memref<8x2048xf32, #tpu.memory_space<hbm>>)
    %dma_start3A_1775 = arith.constant 31 : i32
    %dma_start3A_1776 = arith.constant 1 : i32
    %dma_start3A_1777 = arith.constant 1 : i32
    %dma_start3A_1778 = arith.constant 0 : i32
    %dma_start3A_1779 = arith.constant 0 : i32
    %dma_start3A_1780 = tpu.memref_slice %arg6[%dma_start3A_1776, %dma_start3A_1778, %dma_start3A_1779] : memref<6x8x2048xf32, #tpu.memory_space<vmem>> -> memref<1x8x2048xf32, #tpu.memory_space<vmem>>
    %dma_start3A_1781 = tpu.memref_squeeze %dma_start3A_1780 : memref<1x8x2048xf32, #tpu.memory_space<vmem>> -> memref<8x2048xf32, #tpu.memory_space<vmem>>
    %dma_start3A_1782 = arith.constant 0 : i32
    %dma_start3A_1783 = tpu.memref_slice %arg5[%dma_start3A_1775, %dma_start3A_1782] : memref<32x8xi32, #tpu.memory_space<vmem>> -> memref<1x8xi32, #tpu.memory_space<vmem>>
    %dma_start3A_1784 = tpu.memref_squeeze %dma_start3A_1783 : memref<1x8xi32, #tpu.memory_space<vmem>> -> memref<8xi32, #tpu.memory_space<vmem>>
    %dma_start3A_1785 = arith.constant 0 : i32
    %dma_start3A_1786 = arith.constant 0 : i32
    %dma_start3A_1787 = tpu.memref_slice %arg3[%dma_start3A_1785, %dma_start3A_1786] : memref<50257x2048xf32, #tpu.memory_space<hbm>> -> memref<50257x2048xf32, #tpu.memory_space<hbm>>
    %dma_start3A_1788 = tpu.memref_slice %arg7[%dma_start3A_1777] : memref<6x!tpu.dma_semaphore, #tpu.memory_space<semaphore_mem>> -> memref<1x!tpu.dma_semaphore, #tpu.memory_space<semaphore_mem>>
    %dma_start3A_1789 = tpu.memref_squeeze %dma_start3A_1788 : memref<1x!tpu.dma_semaphore, #tpu.memory_space<semaphore_mem>> -> memref<!tpu.dma_semaphore, #tpu.memory_space<semaphore_mem>>
    tpu.enqueue_indirect_dma source(%dma_start3A_1787 : memref<50257x2048xf32, #tpu.memory_space<hbm>>) target(%dma_start3A_1781 : memref<8x2048xf32, #tpu.memory_space<vmem>>) offsets(%dma_start3A_1784 : memref<8xi32, #tpu.memory_space<vmem>>) semaphore(%dma_start3A_1789 : memref<!tpu.dma_semaphore, #tpu.memory_space<semaphore_mem>>)
    %dma_wait3A_1790 = arith.constant 27 : i32
    %dma_wait3A_1791 = arith.constant 3 : i32
    %dma_wait3A_1792 = arith.constant 3 : i32
    %dma_wait3A_1793 = arith.constant 0 : i32
    %dma_wait3A_1794 = arith.constant 0 : i32
    %dma_wait3A_1795 = tpu.memref_slice %arg6[%dma_wait3A_1791, %dma_wait3A_1793, %dma_wait3A_1794] : memref<6x8x2048xf32, #tpu.memory_space<vmem>> -> memref<1x8x2048xf32, #tpu.memory_space<vmem>>
    %dma_wait3A_1796 = tpu.memref_squeeze %dma_wait3A_1795 : memref<1x8x2048xf32, #tpu.memory_space<vmem>> -> memref<8x2048xf32, #tpu.memory_space<vmem>>
    %dma_wait3A_1797 = arith.constant 0 : i32
    %dma_wait3A_1798 = tpu.memref_slice %arg5[%dma_wait3A_1790, %dma_wait3A_1797] : memref<32x8xi32, #tpu.memory_space<vmem>> -> memref<1x8xi32, #tpu.memory_space<vmem>>
    %dma_wait3A_1799 = tpu.memref_squeeze %dma_wait3A_1798 : memref<1x8xi32, #tpu.memory_space<vmem>> -> memref<8xi32, #tpu.memory_space<vmem>>
    %dma_wait3A_1800 = arith.constant 0 : i32
    %dma_wait3A_1801 = arith.constant 0 : i32
    %dma_wait3A_1802 = tpu.memref_slice %arg3[%dma_wait3A_1800, %dma_wait3A_1801] : memref<50257x2048xf32, #tpu.memory_space<hbm>> -> memref<50257x2048xf32, #tpu.memory_space<hbm>>
    %dma_wait3A_1803 = tpu.memref_slice %arg7[%dma_wait3A_1792] : memref<6x!tpu.dma_semaphore, #tpu.memory_space<semaphore_mem>> -> memref<1x!tpu.dma_semaphore, #tpu.memory_space<semaphore_mem>>
    %dma_wait3A_1804 = tpu.memref_squeeze %dma_wait3A_1803 : memref<1x!tpu.dma_semaphore, #tpu.memory_space<semaphore_mem>> -> memref<!tpu.dma_semaphore, #tpu.memory_space<semaphore_mem>>
    tpu.wait_indirect_dma semaphore(%dma_wait3A_1804 : memref<!tpu.dma_semaphore, #tpu.memory_space<semaphore_mem>>) src(%dma_wait3A_1802 : memref<50257x2048xf32, #tpu.memory_space<hbm>>) dst(%dma_wait3A_1796 : memref<8x2048xf32, #tpu.memory_space<vmem>>)
    %add3A_1805 = arith.constant 216 : i32
    %add3A_1806 = arith.addi %mul3A_2, %add3A_1805 : i32
    %dma_start3A_1807 = arith.constant 3 : i32
    %dma_start3A_1808 = arith.constant 3 : i32
    %dma_start3A_1809 = arith.constant 0 : i32
    %dma_start3A_1810 = arith.constant 0 : i32
    %dma_start3A_1811 = tpu.memref_slice %arg6[%dma_start3A_1807, %dma_start3A_1809, %dma_start3A_1810] : memref<6x8x2048xf32, #tpu.memory_space<vmem>> -> memref<1x8x2048xf32, #tpu.memory_space<vmem>>
    %dma_start3A_1812 = tpu.memref_squeeze %dma_start3A_1811 : memref<1x8x2048xf32, #tpu.memory_space<vmem>> -> memref<8x2048xf32, #tpu.memory_space<vmem>>
    %dma_start3A_1813 = arith.constant 0 : i32
    %dma_start3A_1814 = tpu.memref_slice %arg4[%add3A_1806, %dma_start3A_1813] : memref<8192x2048xf32, #tpu.memory_space<hbm>> -> memref<8x2048xf32, #tpu.memory_space<hbm>>
    %dma_start3A_1815 = tpu.memref_slice %arg8[%dma_start3A_1808] : memref<6x!tpu.dma_semaphore, #tpu.memory_space<semaphore_mem>> -> memref<1x!tpu.dma_semaphore, #tpu.memory_space<semaphore_mem>>
    %dma_start3A_1816 = tpu.memref_squeeze %dma_start3A_1815 : memref<1x!tpu.dma_semaphore, #tpu.memory_space<semaphore_mem>> -> memref<!tpu.dma_semaphore, #tpu.memory_space<semaphore_mem>>
    %dma_start3A_1817 = arith.constant 0 : i32
    %dma_start3A_1818 = tpu.memref_slice %arg4[%add3A_1806, %dma_start3A_1817] : memref<8192x2048xf32, #tpu.memory_space<hbm>> -> memref<8x2048xf32, #tpu.memory_space<hbm>>
    %dma_start3A_1819 = arith.constant 0 : i32
    %dma_start3A_1820 = arith.constant 0 : i32
    %dma_start3A_1821 = tpu.memref_slice %arg6[%dma_start3A_1807, %dma_start3A_1819, %dma_start3A_1820] : memref<6x8x2048xf32, #tpu.memory_space<vmem>> -> memref<1x8x2048xf32, #tpu.memory_space<vmem>>
    %dma_start3A_1822 = tpu.memref_squeeze %dma_start3A_1821 : memref<1x8x2048xf32, #tpu.memory_space<vmem>> -> memref<8x2048xf32, #tpu.memory_space<vmem>>
    tpu.enqueue_dma source(%dma_start3A_1822 : memref<8x2048xf32, #tpu.memory_space<vmem>>) target(%dma_start3A_1818 : memref<8x2048xf32, #tpu.memory_space<hbm>>) target_semaphore(%dma_start3A_1816 : memref<!tpu.dma_semaphore, #tpu.memory_space<semaphore_mem>>)
    %dma_wait3A_1823 = arith.constant 28 : i32
    %dma_wait3A_1824 = arith.constant 4 : i32
    %dma_wait3A_1825 = arith.constant 4 : i32
    %dma_wait3A_1826 = arith.constant 0 : i32
    %dma_wait3A_1827 = arith.constant 0 : i32
    %dma_wait3A_1828 = tpu.memref_slice %arg6[%dma_wait3A_1824, %dma_wait3A_1826, %dma_wait3A_1827] : memref<6x8x2048xf32, #tpu.memory_space<vmem>> -> memref<1x8x2048xf32, #tpu.memory_space<vmem>>
    %dma_wait3A_1829 = tpu.memref_squeeze %dma_wait3A_1828 : memref<1x8x2048xf32, #tpu.memory_space<vmem>> -> memref<8x2048xf32, #tpu.memory_space<vmem>>
    %dma_wait3A_1830 = arith.constant 0 : i32
    %dma_wait3A_1831 = tpu.memref_slice %arg5[%dma_wait3A_1823, %dma_wait3A_1830] : memref<32x8xi32, #tpu.memory_space<vmem>> -> memref<1x8xi32, #tpu.memory_space<vmem>>
    %dma_wait3A_1832 = tpu.memref_squeeze %dma_wait3A_1831 : memref<1x8xi32, #tpu.memory_space<vmem>> -> memref<8xi32, #tpu.memory_space<vmem>>
    %dma_wait3A_1833 = arith.constant 0 : i32
    %dma_wait3A_1834 = arith.constant 0 : i32
    %dma_wait3A_1835 = tpu.memref_slice %arg3[%dma_wait3A_1833, %dma_wait3A_1834] : memref<50257x2048xf32, #tpu.memory_space<hbm>> -> memref<50257x2048xf32, #tpu.memory_space<hbm>>
    %dma_wait3A_1836 = tpu.memref_slice %arg7[%dma_wait3A_1825] : memref<6x!tpu.dma_semaphore, #tpu.memory_space<semaphore_mem>> -> memref<1x!tpu.dma_semaphore, #tpu.memory_space<semaphore_mem>>
    %dma_wait3A_1837 = tpu.memref_squeeze %dma_wait3A_1836 : memref<1x!tpu.dma_semaphore, #tpu.memory_space<semaphore_mem>> -> memref<!tpu.dma_semaphore, #tpu.memory_space<semaphore_mem>>
    tpu.wait_indirect_dma semaphore(%dma_wait3A_1837 : memref<!tpu.dma_semaphore, #tpu.memory_space<semaphore_mem>>) src(%dma_wait3A_1835 : memref<50257x2048xf32, #tpu.memory_space<hbm>>) dst(%dma_wait3A_1829 : memref<8x2048xf32, #tpu.memory_space<vmem>>)
    %add3A_1838 = arith.constant 224 : i32
    %add3A_1839 = arith.addi %mul3A_2, %add3A_1838 : i32
    %dma_start3A_1840 = arith.constant 4 : i32
    %dma_start3A_1841 = arith.constant 4 : i32
    %dma_start3A_1842 = arith.constant 0 : i32
    %dma_start3A_1843 = arith.constant 0 : i32
    %dma_start3A_1844 = tpu.memref_slice %arg6[%dma_start3A_1840, %dma_start3A_1842, %dma_start3A_1843] : memref<6x8x2048xf32, #tpu.memory_space<vmem>> -> memref<1x8x2048xf32, #tpu.memory_space<vmem>>
    %dma_start3A_1845 = tpu.memref_squeeze %dma_start3A_1844 : memref<1x8x2048xf32, #tpu.memory_space<vmem>> -> memref<8x2048xf32, #tpu.memory_space<vmem>>
    %dma_start3A_1846 = arith.constant 0 : i32
    %dma_start3A_1847 = tpu.memref_slice %arg4[%add3A_1839, %dma_start3A_1846] : memref<8192x2048xf32, #tpu.memory_space<hbm>> -> memref<8x2048xf32, #tpu.memory_space<hbm>>
    %dma_start3A_1848 = tpu.memref_slice %arg8[%dma_start3A_1841] : memref<6x!tpu.dma_semaphore, #tpu.memory_space<semaphore_mem>> -> memref<1x!tpu.dma_semaphore, #tpu.memory_space<semaphore_mem>>
    %dma_start3A_1849 = tpu.memref_squeeze %dma_start3A_1848 : memref<1x!tpu.dma_semaphore, #tpu.memory_space<semaphore_mem>> -> memref<!tpu.dma_semaphore, #tpu.memory_space<semaphore_mem>>
    %dma_start3A_1850 = arith.constant 0 : i32
    %dma_start3A_1851 = tpu.memref_slice %arg4[%add3A_1839, %dma_start3A_1850] : memref<8192x2048xf32, #tpu.memory_space<hbm>> -> memref<8x2048xf32, #tpu.memory_space<hbm>>
    %dma_start3A_1852 = arith.constant 0 : i32
    %dma_start3A_1853 = arith.constant 0 : i32
    %dma_start3A_1854 = tpu.memref_slice %arg6[%dma_start3A_1840, %dma_start3A_1852, %dma_start3A_1853] : memref<6x8x2048xf32, #tpu.memory_space<vmem>> -> memref<1x8x2048xf32, #tpu.memory_space<vmem>>
    %dma_start3A_1855 = tpu.memref_squeeze %dma_start3A_1854 : memref<1x8x2048xf32, #tpu.memory_space<vmem>> -> memref<8x2048xf32, #tpu.memory_space<vmem>>
    tpu.enqueue_dma source(%dma_start3A_1855 : memref<8x2048xf32, #tpu.memory_space<vmem>>) target(%dma_start3A_1851 : memref<8x2048xf32, #tpu.memory_space<hbm>>) target_semaphore(%dma_start3A_1849 : memref<!tpu.dma_semaphore, #tpu.memory_space<semaphore_mem>>)
    %dma_wait3A_1856 = arith.constant 29 : i32
    %dma_wait3A_1857 = arith.constant 5 : i32
    %dma_wait3A_1858 = arith.constant 5 : i32
    %dma_wait3A_1859 = arith.constant 0 : i32
    %dma_wait3A_1860 = arith.constant 0 : i32
    %dma_wait3A_1861 = tpu.memref_slice %arg6[%dma_wait3A_1857, %dma_wait3A_1859, %dma_wait3A_1860] : memref<6x8x2048xf32, #tpu.memory_space<vmem>> -> memref<1x8x2048xf32, #tpu.memory_space<vmem>>
    %dma_wait3A_1862 = tpu.memref_squeeze %dma_wait3A_1861 : memref<1x8x2048xf32, #tpu.memory_space<vmem>> -> memref<8x2048xf32, #tpu.memory_space<vmem>>
    %dma_wait3A_1863 = arith.constant 0 : i32
    %dma_wait3A_1864 = tpu.memref_slice %arg5[%dma_wait3A_1856, %dma_wait3A_1863] : memref<32x8xi32, #tpu.memory_space<vmem>> -> memref<1x8xi32, #tpu.memory_space<vmem>>
    %dma_wait3A_1865 = tpu.memref_squeeze %dma_wait3A_1864 : memref<1x8xi32, #tpu.memory_space<vmem>> -> memref<8xi32, #tpu.memory_space<vmem>>
    %dma_wait3A_1866 = arith.constant 0 : i32
    %dma_wait3A_1867 = arith.constant 0 : i32
    %dma_wait3A_1868 = tpu.memref_slice %arg3[%dma_wait3A_1866, %dma_wait3A_1867] : memref<50257x2048xf32, #tpu.memory_space<hbm>> -> memref<50257x2048xf32, #tpu.memory_space<hbm>>
    %dma_wait3A_1869 = tpu.memref_slice %arg7[%dma_wait3A_1858] : memref<6x!tpu.dma_semaphore, #tpu.memory_space<semaphore_mem>> -> memref<1x!tpu.dma_semaphore, #tpu.memory_space<semaphore_mem>>
    %dma_wait3A_1870 = tpu.memref_squeeze %dma_wait3A_1869 : memref<1x!tpu.dma_semaphore, #tpu.memory_space<semaphore_mem>> -> memref<!tpu.dma_semaphore, #tpu.memory_space<semaphore_mem>>
    tpu.wait_indirect_dma semaphore(%dma_wait3A_1870 : memref<!tpu.dma_semaphore, #tpu.memory_space<semaphore_mem>>) src(%dma_wait3A_1868 : memref<50257x2048xf32, #tpu.memory_space<hbm>>) dst(%dma_wait3A_1862 : memref<8x2048xf32, #tpu.memory_space<vmem>>)
    %add3A_1871 = arith.constant 232 : i32
    %add3A_1872 = arith.addi %mul3A_2, %add3A_1871 : i32
    %dma_start3A_1873 = arith.constant 5 : i32
    %dma_start3A_1874 = arith.constant 5 : i32
    %dma_start3A_1875 = arith.constant 0 : i32
    %dma_start3A_1876 = arith.constant 0 : i32
    %dma_start3A_1877 = tpu.memref_slice %arg6[%dma_start3A_1873, %dma_start3A_1875, %dma_start3A_1876] : memref<6x8x2048xf32, #tpu.memory_space<vmem>> -> memref<1x8x2048xf32, #tpu.memory_space<vmem>>
    %dma_start3A_1878 = tpu.memref_squeeze %dma_start3A_1877 : memref<1x8x2048xf32, #tpu.memory_space<vmem>> -> memref<8x2048xf32, #tpu.memory_space<vmem>>
    %dma_start3A_1879 = arith.constant 0 : i32
    %dma_start3A_1880 = tpu.memref_slice %arg4[%add3A_1872, %dma_start3A_1879] : memref<8192x2048xf32, #tpu.memory_space<hbm>> -> memref<8x2048xf32, #tpu.memory_space<hbm>>
    %dma_start3A_1881 = tpu.memref_slice %arg8[%dma_start3A_1874] : memref<6x!tpu.dma_semaphore, #tpu.memory_space<semaphore_mem>> -> memref<1x!tpu.dma_semaphore, #tpu.memory_space<semaphore_mem>>
    %dma_start3A_1882 = tpu.memref_squeeze %dma_start3A_1881 : memref<1x!tpu.dma_semaphore, #tpu.memory_space<semaphore_mem>> -> memref<!tpu.dma_semaphore, #tpu.memory_space<semaphore_mem>>
    %dma_start3A_1883 = arith.constant 0 : i32
    %dma_start3A_1884 = tpu.memref_slice %arg4[%add3A_1872, %dma_start3A_1883] : memref<8192x2048xf32, #tpu.memory_space<hbm>> -> memref<8x2048xf32, #tpu.memory_space<hbm>>
    %dma_start3A_1885 = arith.constant 0 : i32
    %dma_start3A_1886 = arith.constant 0 : i32
    %dma_start3A_1887 = tpu.memref_slice %arg6[%dma_start3A_1873, %dma_start3A_1885, %dma_start3A_1886] : memref<6x8x2048xf32, #tpu.memory_space<vmem>> -> memref<1x8x2048xf32, #tpu.memory_space<vmem>>
    %dma_start3A_1888 = tpu.memref_squeeze %dma_start3A_1887 : memref<1x8x2048xf32, #tpu.memory_space<vmem>> -> memref<8x2048xf32, #tpu.memory_space<vmem>>
    tpu.enqueue_dma source(%dma_start3A_1888 : memref<8x2048xf32, #tpu.memory_space<vmem>>) target(%dma_start3A_1884 : memref<8x2048xf32, #tpu.memory_space<hbm>>) target_semaphore(%dma_start3A_1882 : memref<!tpu.dma_semaphore, #tpu.memory_space<semaphore_mem>>)
    %dma_wait3A_1889 = arith.constant 30 : i32
    %dma_wait3A_1890 = arith.constant 0 : i32
    %dma_wait3A_1891 = arith.constant 0 : i32
    %dma_wait3A_1892 = arith.constant 0 : i32
    %dma_wait3A_1893 = arith.constant 0 : i32
    %dma_wait3A_1894 = tpu.memref_slice %arg6[%dma_wait3A_1890, %dma_wait3A_1892, %dma_wait3A_1893] : memref<6x8x2048xf32, #tpu.memory_space<vmem>> -> memref<1x8x2048xf32, #tpu.memory_space<vmem>>
    %dma_wait3A_1895 = tpu.memref_squeeze %dma_wait3A_1894 : memref<1x8x2048xf32, #tpu.memory_space<vmem>> -> memref<8x2048xf32, #tpu.memory_space<vmem>>
    %dma_wait3A_1896 = arith.constant 0 : i32
    %dma_wait3A_1897 = tpu.memref_slice %arg5[%dma_wait3A_1889, %dma_wait3A_1896] : memref<32x8xi32, #tpu.memory_space<vmem>> -> memref<1x8xi32, #tpu.memory_space<vmem>>
    %dma_wait3A_1898 = tpu.memref_squeeze %dma_wait3A_1897 : memref<1x8xi32, #tpu.memory_space<vmem>> -> memref<8xi32, #tpu.memory_space<vmem>>
    %dma_wait3A_1899 = arith.constant 0 : i32
    %dma_wait3A_1900 = arith.constant 0 : i32
    %dma_wait3A_1901 = tpu.memref_slice %arg3[%dma_wait3A_1899, %dma_wait3A_1900] : memref<50257x2048xf32, #tpu.memory_space<hbm>> -> memref<50257x2048xf32, #tpu.memory_space<hbm>>
    %dma_wait3A_1902 = tpu.memref_slice %arg7[%dma_wait3A_1891] : memref<6x!tpu.dma_semaphore, #tpu.memory_space<semaphore_mem>> -> memref<1x!tpu.dma_semaphore, #tpu.memory_space<semaphore_mem>>
    %dma_wait3A_1903 = tpu.memref_squeeze %dma_wait3A_1902 : memref<1x!tpu.dma_semaphore, #tpu.memory_space<semaphore_mem>> -> memref<!tpu.dma_semaphore, #tpu.memory_space<semaphore_mem>>
    tpu.wait_indirect_dma semaphore(%dma_wait3A_1903 : memref<!tpu.dma_semaphore, #tpu.memory_space<semaphore_mem>>) src(%dma_wait3A_1901 : memref<50257x2048xf32, #tpu.memory_space<hbm>>) dst(%dma_wait3A_1895 : memref<8x2048xf32, #tpu.memory_space<vmem>>)
    %add3A_1904 = arith.constant 240 : i32
    %add3A_1905 = arith.addi %mul3A_2, %add3A_1904 : i32
    %dma_start3A_1906 = arith.constant 0 : i32
    %dma_start3A_1907 = arith.constant 0 : i32
    %dma_start3A_1908 = arith.constant 0 : i32
    %dma_start3A_1909 = arith.constant 0 : i32
    %dma_start3A_1910 = tpu.memref_slice %arg6[%dma_start3A_1906, %dma_start3A_1908, %dma_start3A_1909] : memref<6x8x2048xf32, #tpu.memory_space<vmem>> -> memref<1x8x2048xf32, #tpu.memory_space<vmem>>
    %dma_start3A_1911 = tpu.memref_squeeze %dma_start3A_1910 : memref<1x8x2048xf32, #tpu.memory_space<vmem>> -> memref<8x2048xf32, #tpu.memory_space<vmem>>
    %dma_start3A_1912 = arith.constant 0 : i32
    %dma_start3A_1913 = tpu.memref_slice %arg4[%add3A_1905, %dma_start3A_1912] : memref<8192x2048xf32, #tpu.memory_space<hbm>> -> memref<8x2048xf32, #tpu.memory_space<hbm>>
    %dma_start3A_1914 = tpu.memref_slice %arg8[%dma_start3A_1907] : memref<6x!tpu.dma_semaphore, #tpu.memory_space<semaphore_mem>> -> memref<1x!tpu.dma_semaphore, #tpu.memory_space<semaphore_mem>>
    %dma_start3A_1915 = tpu.memref_squeeze %dma_start3A_1914 : memref<1x!tpu.dma_semaphore, #tpu.memory_space<semaphore_mem>> -> memref<!tpu.dma_semaphore, #tpu.memory_space<semaphore_mem>>
    %dma_start3A_1916 = arith.constant 0 : i32
    %dma_start3A_1917 = tpu.memref_slice %arg4[%add3A_1905, %dma_start3A_1916] : memref<8192x2048xf32, #tpu.memory_space<hbm>> -> memref<8x2048xf32, #tpu.memory_space<hbm>>
    %dma_start3A_1918 = arith.constant 0 : i32
    %dma_start3A_1919 = arith.constant 0 : i32
    %dma_start3A_1920 = tpu.memref_slice %arg6[%dma_start3A_1906, %dma_start3A_1918, %dma_start3A_1919] : memref<6x8x2048xf32, #tpu.memory_space<vmem>> -> memref<1x8x2048xf32, #tpu.memory_space<vmem>>
    %dma_start3A_1921 = tpu.memref_squeeze %dma_start3A_1920 : memref<1x8x2048xf32, #tpu.memory_space<vmem>> -> memref<8x2048xf32, #tpu.memory_space<vmem>>
    tpu.enqueue_dma source(%dma_start3A_1921 : memref<8x2048xf32, #tpu.memory_space<vmem>>) target(%dma_start3A_1917 : memref<8x2048xf32, #tpu.memory_space<hbm>>) target_semaphore(%dma_start3A_1915 : memref<!tpu.dma_semaphore, #tpu.memory_space<semaphore_mem>>)
    %dma_wait3A_1922 = arith.constant 31 : i32
    %dma_wait3A_1923 = arith.constant 1 : i32
    %dma_wait3A_1924 = arith.constant 1 : i32
    %dma_wait3A_1925 = arith.constant 0 : i32
    %dma_wait3A_1926 = arith.constant 0 : i32
    %dma_wait3A_1927 = tpu.memref_slice %arg6[%dma_wait3A_1923, %dma_wait3A_1925, %dma_wait3A_1926] : memref<6x8x2048xf32, #tpu.memory_space<vmem>> -> memref<1x8x2048xf32, #tpu.memory_space<vmem>>
    %dma_wait3A_1928 = tpu.memref_squeeze %dma_wait3A_1927 : memref<1x8x2048xf32, #tpu.memory_space<vmem>> -> memref<8x2048xf32, #tpu.memory_space<vmem>>
    %dma_wait3A_1929 = arith.constant 0 : i32
    %dma_wait3A_1930 = tpu.memref_slice %arg5[%dma_wait3A_1922, %dma_wait3A_1929] : memref<32x8xi32, #tpu.memory_space<vmem>> -> memref<1x8xi32, #tpu.memory_space<vmem>>
    %dma_wait3A_1931 = tpu.memref_squeeze %dma_wait3A_1930 : memref<1x8xi32, #tpu.memory_space<vmem>> -> memref<8xi32, #tpu.memory_space<vmem>>
    %dma_wait3A_1932 = arith.constant 0 : i32
    %dma_wait3A_1933 = arith.constant 0 : i32
    %dma_wait3A_1934 = tpu.memref_slice %arg3[%dma_wait3A_1932, %dma_wait3A_1933] : memref<50257x2048xf32, #tpu.memory_space<hbm>> -> memref<50257x2048xf32, #tpu.memory_space<hbm>>
    %dma_wait3A_1935 = tpu.memref_slice %arg7[%dma_wait3A_1924] : memref<6x!tpu.dma_semaphore, #tpu.memory_space<semaphore_mem>> -> memref<1x!tpu.dma_semaphore, #tpu.memory_space<semaphore_mem>>
    %dma_wait3A_1936 = tpu.memref_squeeze %dma_wait3A_1935 : memref<1x!tpu.dma_semaphore, #tpu.memory_space<semaphore_mem>> -> memref<!tpu.dma_semaphore, #tpu.memory_space<semaphore_mem>>
    tpu.wait_indirect_dma semaphore(%dma_wait3A_1936 : memref<!tpu.dma_semaphore, #tpu.memory_space<semaphore_mem>>) src(%dma_wait3A_1934 : memref<50257x2048xf32, #tpu.memory_space<hbm>>) dst(%dma_wait3A_1928 : memref<8x2048xf32, #tpu.memory_space<vmem>>)
    %add3A_1937 = arith.constant 248 : i32
    %add3A_1938 = arith.addi %mul3A_2, %add3A_1937 : i32
    %dma_start3A_1939 = arith.constant 1 : i32
    %dma_start3A_1940 = arith.constant 1 : i32
    %dma_start3A_1941 = arith.constant 0 : i32
    %dma_start3A_1942 = arith.constant 0 : i32
    %dma_start3A_1943 = tpu.memref_slice %arg6[%dma_start3A_1939, %dma_start3A_1941, %dma_start3A_1942] : memref<6x8x2048xf32, #tpu.memory_space<vmem>> -> memref<1x8x2048xf32, #tpu.memory_space<vmem>>
    %dma_start3A_1944 = tpu.memref_squeeze %dma_start3A_1943 : memref<1x8x2048xf32, #tpu.memory_space<vmem>> -> memref<8x2048xf32, #tpu.memory_space<vmem>>
    %dma_start3A_1945 = arith.constant 0 : i32
    %dma_start3A_1946 = tpu.memref_slice %arg4[%add3A_1938, %dma_start3A_1945] : memref<8192x2048xf32, #tpu.memory_space<hbm>> -> memref<8x2048xf32, #tpu.memory_space<hbm>>
    %dma_start3A_1947 = tpu.memref_slice %arg8[%dma_start3A_1940] : memref<6x!tpu.dma_semaphore, #tpu.memory_space<semaphore_mem>> -> memref<1x!tpu.dma_semaphore, #tpu.memory_space<semaphore_mem>>
    %dma_start3A_1948 = tpu.memref_squeeze %dma_start3A_1947 : memref<1x!tpu.dma_semaphore, #tpu.memory_space<semaphore_mem>> -> memref<!tpu.dma_semaphore, #tpu.memory_space<semaphore_mem>>
    %dma_start3A_1949 = arith.constant 0 : i32
    %dma_start3A_1950 = tpu.memref_slice %arg4[%add3A_1938, %dma_start3A_1949] : memref<8192x2048xf32, #tpu.memory_space<hbm>> -> memref<8x2048xf32, #tpu.memory_space<hbm>>
    %dma_start3A_1951 = arith.constant 0 : i32
    %dma_start3A_1952 = arith.constant 0 : i32
    %dma_start3A_1953 = tpu.memref_slice %arg6[%dma_start3A_1939, %dma_start3A_1951, %dma_start3A_1952] : memref<6x8x2048xf32, #tpu.memory_space<vmem>> -> memref<1x8x2048xf32, #tpu.memory_space<vmem>>
    %dma_start3A_1954 = tpu.memref_squeeze %dma_start3A_1953 : memref<1x8x2048xf32, #tpu.memory_space<vmem>> -> memref<8x2048xf32, #tpu.memory_space<vmem>>
    tpu.enqueue_dma source(%dma_start3A_1954 : memref<8x2048xf32, #tpu.memory_space<vmem>>) target(%dma_start3A_1950 : memref<8x2048xf32, #tpu.memory_space<hbm>>) target_semaphore(%dma_start3A_1948 : memref<!tpu.dma_semaphore, #tpu.memory_space<semaphore_mem>>)
    %dma_wait3A_1955 = arith.constant 2 : i32
    %dma_wait3A_1956 = arith.constant 2 : i32
    %dma_wait3A_1957 = arith.constant 0 : i32
    %dma_wait3A_1958 = arith.constant 0 : i32
    %dma_wait3A_1959 = tpu.memref_slice %arg6[%dma_wait3A_1955, %dma_wait3A_1957, %dma_wait3A_1958] : memref<6x8x2048xf32, #tpu.memory_space<vmem>> -> memref<1x8x2048xf32, #tpu.memory_space<vmem>>
    %dma_wait3A_1960 = tpu.memref_squeeze %dma_wait3A_1959 : memref<1x8x2048xf32, #tpu.memory_space<vmem>> -> memref<8x2048xf32, #tpu.memory_space<vmem>>
    %dma_wait3A_1961 = arith.constant 0 : i32
    %dma_wait3A_1962 = tpu.memref_slice %arg4[%add3A_1742, %dma_wait3A_1961] : memref<8192x2048xf32, #tpu.memory_space<hbm>> -> memref<8x2048xf32, #tpu.memory_space<hbm>>
    %dma_wait3A_1963 = tpu.memref_slice %arg8[%dma_wait3A_1956] : memref<6x!tpu.dma_semaphore, #tpu.memory_space<semaphore_mem>> -> memref<1x!tpu.dma_semaphore, #tpu.memory_space<semaphore_mem>>
    %dma_wait3A_1964 = tpu.memref_squeeze %dma_wait3A_1963 : memref<1x!tpu.dma_semaphore, #tpu.memory_space<semaphore_mem>> -> memref<!tpu.dma_semaphore, #tpu.memory_space<semaphore_mem>>
    %dma_wait3A_1965 = arith.constant 0 : i32
    %dma_wait3A_1966 = tpu.memref_slice %arg4[%add3A_1742, %dma_wait3A_1965] : memref<8192x2048xf32, #tpu.memory_space<hbm>> -> memref<8x2048xf32, #tpu.memory_space<hbm>>
    %dma_wait3A_1967 = arith.constant 0 : i32
    %dma_wait3A_1968 = arith.constant 0 : i32
    %dma_wait3A_1969 = tpu.memref_slice %arg6[%dma_wait3A_1955, %dma_wait3A_1967, %dma_wait3A_1968] : memref<6x8x2048xf32, #tpu.memory_space<vmem>> -> memref<1x8x2048xf32, #tpu.memory_space<vmem>>
    %dma_wait3A_1970 = tpu.memref_squeeze %dma_wait3A_1969 : memref<1x8x2048xf32, #tpu.memory_space<vmem>> -> memref<8x2048xf32, #tpu.memory_space<vmem>>
    tpu.wait_dma2 semaphore(%dma_wait3A_1964 : memref<!tpu.dma_semaphore, #tpu.memory_space<semaphore_mem>>) src(%dma_wait3A_1970 : memref<8x2048xf32, #tpu.memory_space<vmem>>) dst(%dma_wait3A_1966 : memref<8x2048xf32, #tpu.memory_space<hbm>>)
    %dma_wait3A_1971 = arith.constant 3 : i32
    %dma_wait3A_1972 = arith.constant 3 : i32
    %dma_wait3A_1973 = arith.constant 0 : i32
    %dma_wait3A_1974 = arith.constant 0 : i32
    %dma_wait3A_1975 = tpu.memref_slice %arg6[%dma_wait3A_1971, %dma_wait3A_1973, %dma_wait3A_1974] : memref<6x8x2048xf32, #tpu.memory_space<vmem>> -> memref<1x8x2048xf32, #tpu.memory_space<vmem>>
    %dma_wait3A_1976 = tpu.memref_squeeze %dma_wait3A_1975 : memref<1x8x2048xf32, #tpu.memory_space<vmem>> -> memref<8x2048xf32, #tpu.memory_space<vmem>>
    %dma_wait3A_1977 = arith.constant 0 : i32
    %dma_wait3A_1978 = tpu.memref_slice %arg4[%add3A_1806, %dma_wait3A_1977] : memref<8192x2048xf32, #tpu.memory_space<hbm>> -> memref<8x2048xf32, #tpu.memory_space<hbm>>
    %dma_wait3A_1979 = tpu.memref_slice %arg8[%dma_wait3A_1972] : memref<6x!tpu.dma_semaphore, #tpu.memory_space<semaphore_mem>> -> memref<1x!tpu.dma_semaphore, #tpu.memory_space<semaphore_mem>>
    %dma_wait3A_1980 = tpu.memref_squeeze %dma_wait3A_1979 : memref<1x!tpu.dma_semaphore, #tpu.memory_space<semaphore_mem>> -> memref<!tpu.dma_semaphore, #tpu.memory_space<semaphore_mem>>
    %dma_wait3A_1981 = arith.constant 0 : i32
    %dma_wait3A_1982 = tpu.memref_slice %arg4[%add3A_1806, %dma_wait3A_1981] : memref<8192x2048xf32, #tpu.memory_space<hbm>> -> memref<8x2048xf32, #tpu.memory_space<hbm>>
    %dma_wait3A_1983 = arith.constant 0 : i32
    %dma_wait3A_1984 = arith.constant 0 : i32
    %dma_wait3A_1985 = tpu.memref_slice %arg6[%dma_wait3A_1971, %dma_wait3A_1983, %dma_wait3A_1984] : memref<6x8x2048xf32, #tpu.memory_space<vmem>> -> memref<1x8x2048xf32, #tpu.memory_space<vmem>>
    %dma_wait3A_1986 = tpu.memref_squeeze %dma_wait3A_1985 : memref<1x8x2048xf32, #tpu.memory_space<vmem>> -> memref<8x2048xf32, #tpu.memory_space<vmem>>
    tpu.wait_dma2 semaphore(%dma_wait3A_1980 : memref<!tpu.dma_semaphore, #tpu.memory_space<semaphore_mem>>) src(%dma_wait3A_1986 : memref<8x2048xf32, #tpu.memory_space<vmem>>) dst(%dma_wait3A_1982 : memref<8x2048xf32, #tpu.memory_space<hbm>>)
    %dma_wait3A_1987 = arith.constant 4 : i32
    %dma_wait3A_1988 = arith.constant 4 : i32
    %dma_wait3A_1989 = arith.constant 0 : i32
    %dma_wait3A_1990 = arith.constant 0 : i32
    %dma_wait3A_1991 = tpu.memref_slice %arg6[%dma_wait3A_1987, %dma_wait3A_1989, %dma_wait3A_1990] : memref<6x8x2048xf32, #tpu.memory_space<vmem>> -> memref<1x8x2048xf32, #tpu.memory_space<vmem>>
    %dma_wait3A_1992 = tpu.memref_squeeze %dma_wait3A_1991 : memref<1x8x2048xf32, #tpu.memory_space<vmem>> -> memref<8x2048xf32, #tpu.memory_space<vmem>>
    %dma_wait3A_1993 = arith.constant 0 : i32
    %dma_wait3A_1994 = tpu.memref_slice %arg4[%add3A_1839, %dma_wait3A_1993] : memref<8192x2048xf32, #tpu.memory_space<hbm>> -> memref<8x2048xf32, #tpu.memory_space<hbm>>
    %dma_wait3A_1995 = tpu.memref_slice %arg8[%dma_wait3A_1988] : memref<6x!tpu.dma_semaphore, #tpu.memory_space<semaphore_mem>> -> memref<1x!tpu.dma_semaphore, #tpu.memory_space<semaphore_mem>>
    %dma_wait3A_1996 = tpu.memref_squeeze %dma_wait3A_1995 : memref<1x!tpu.dma_semaphore, #tpu.memory_space<semaphore_mem>> -> memref<!tpu.dma_semaphore, #tpu.memory_space<semaphore_mem>>
    %dma_wait3A_1997 = arith.constant 0 : i32
    %dma_wait3A_1998 = tpu.memref_slice %arg4[%add3A_1839, %dma_wait3A_1997] : memref<8192x2048xf32, #tpu.memory_space<hbm>> -> memref<8x2048xf32, #tpu.memory_space<hbm>>
    %dma_wait3A_1999 = arith.constant 0 : i32
    %dma_wait3A_2000 = arith.constant 0 : i32
    %dma_wait3A_2001 = tpu.memref_slice %arg6[%dma_wait3A_1987, %dma_wait3A_1999, %dma_wait3A_2000] : memref<6x8x2048xf32, #tpu.memory_space<vmem>> -> memref<1x8x2048xf32, #tpu.memory_space<vmem>>
    %dma_wait3A_2002 = tpu.memref_squeeze %dma_wait3A_2001 : memref<1x8x2048xf32, #tpu.memory_space<vmem>> -> memref<8x2048xf32, #tpu.memory_space<vmem>>
    tpu.wait_dma2 semaphore(%dma_wait3A_1996 : memref<!tpu.dma_semaphore, #tpu.memory_space<semaphore_mem>>) src(%dma_wait3A_2002 : memref<8x2048xf32, #tpu.memory_space<vmem>>) dst(%dma_wait3A_1998 : memref<8x2048xf32, #tpu.memory_space<hbm>>)
    %dma_wait3A_2003 = arith.constant 5 : i32
    %dma_wait3A_2004 = arith.constant 5 : i32
    %dma_wait3A_2005 = arith.constant 0 : i32
    %dma_wait3A_2006 = arith.constant 0 : i32
    %dma_wait3A_2007 = tpu.memref_slice %arg6[%dma_wait3A_2003, %dma_wait3A_2005, %dma_wait3A_2006] : memref<6x8x2048xf32, #tpu.memory_space<vmem>> -> memref<1x8x2048xf32, #tpu.memory_space<vmem>>
    %dma_wait3A_2008 = tpu.memref_squeeze %dma_wait3A_2007 : memref<1x8x2048xf32, #tpu.memory_space<vmem>> -> memref<8x2048xf32, #tpu.memory_space<vmem>>
    %dma_wait3A_2009 = arith.constant 0 : i32
    %dma_wait3A_2010 = tpu.memref_slice %arg4[%add3A_1872, %dma_wait3A_2009] : memref<8192x2048xf32, #tpu.memory_space<hbm>> -> memref<8x2048xf32, #tpu.memory_space<hbm>>
    %dma_wait3A_2011 = tpu.memref_slice %arg8[%dma_wait3A_2004] : memref<6x!tpu.dma_semaphore, #tpu.memory_space<semaphore_mem>> -> memref<1x!tpu.dma_semaphore, #tpu.memory_space<semaphore_mem>>
    %dma_wait3A_2012 = tpu.memref_squeeze %dma_wait3A_2011 : memref<1x!tpu.dma_semaphore, #tpu.memory_space<semaphore_mem>> -> memref<!tpu.dma_semaphore, #tpu.memory_space<semaphore_mem>>
    %dma_wait3A_2013 = arith.constant 0 : i32
    %dma_wait3A_2014 = tpu.memref_slice %arg4[%add3A_1872, %dma_wait3A_2013] : memref<8192x2048xf32, #tpu.memory_space<hbm>> -> memref<8x2048xf32, #tpu.memory_space<hbm>>
    %dma_wait3A_2015 = arith.constant 0 : i32
    %dma_wait3A_2016 = arith.constant 0 : i32
    %dma_wait3A_2017 = tpu.memref_slice %arg6[%dma_wait3A_2003, %dma_wait3A_2015, %dma_wait3A_2016] : memref<6x8x2048xf32, #tpu.memory_space<vmem>> -> memref<1x8x2048xf32, #tpu.memory_space<vmem>>
    %dma_wait3A_2018 = tpu.memref_squeeze %dma_wait3A_2017 : memref<1x8x2048xf32, #tpu.memory_space<vmem>> -> memref<8x2048xf32, #tpu.memory_space<vmem>>
    tpu.wait_dma2 semaphore(%dma_wait3A_2012 : memref<!tpu.dma_semaphore, #tpu.memory_space<semaphore_mem>>) src(%dma_wait3A_2018 : memref<8x2048xf32, #tpu.memory_space<vmem>>) dst(%dma_wait3A_2014 : memref<8x2048xf32, #tpu.memory_space<hbm>>)
    %dma_wait3A_2019 = arith.constant 0 : i32
    %dma_wait3A_2020 = arith.constant 0 : i32
    %dma_wait3A_2021 = arith.constant 0 : i32
    %dma_wait3A_2022 = arith.constant 0 : i32
    %dma_wait3A_2023 = tpu.memref_slice %arg6[%dma_wait3A_2019, %dma_wait3A_2021, %dma_wait3A_2022] : memref<6x8x2048xf32, #tpu.memory_space<vmem>> -> memref<1x8x2048xf32, #tpu.memory_space<vmem>>
    %dma_wait3A_2024 = tpu.memref_squeeze %dma_wait3A_2023 : memref<1x8x2048xf32, #tpu.memory_space<vmem>> -> memref<8x2048xf32, #tpu.memory_space<vmem>>
    %dma_wait3A_2025 = arith.constant 0 : i32
    %dma_wait3A_2026 = tpu.memref_slice %arg4[%add3A_1905, %dma_wait3A_2025] : memref<8192x2048xf32, #tpu.memory_space<hbm>> -> memref<8x2048xf32, #tpu.memory_space<hbm>>
    %dma_wait3A_2027 = tpu.memref_slice %arg8[%dma_wait3A_2020] : memref<6x!tpu.dma_semaphore, #tpu.memory_space<semaphore_mem>> -> memref<1x!tpu.dma_semaphore, #tpu.memory_space<semaphore_mem>>
    %dma_wait3A_2028 = tpu.memref_squeeze %dma_wait3A_2027 : memref<1x!tpu.dma_semaphore, #tpu.memory_space<semaphore_mem>> -> memref<!tpu.dma_semaphore, #tpu.memory_space<semaphore_mem>>
    %dma_wait3A_2029 = arith.constant 0 : i32
    %dma_wait3A_2030 = tpu.memref_slice %arg4[%add3A_1905, %dma_wait3A_2029] : memref<8192x2048xf32, #tpu.memory_space<hbm>> -> memref<8x2048xf32, #tpu.memory_space<hbm>>
    %dma_wait3A_2031 = arith.constant 0 : i32
    %dma_wait3A_2032 = arith.constant 0 : i32
    %dma_wait3A_2033 = tpu.memref_slice %arg6[%dma_wait3A_2019, %dma_wait3A_2031, %dma_wait3A_2032] : memref<6x8x2048xf32, #tpu.memory_space<vmem>> -> memref<1x8x2048xf32, #tpu.memory_space<vmem>>
    %dma_wait3A_2034 = tpu.memref_squeeze %dma_wait3A_2033 : memref<1x8x2048xf32, #tpu.memory_space<vmem>> -> memref<8x2048xf32, #tpu.memory_space<vmem>>
    tpu.wait_dma2 semaphore(%dma_wait3A_2028 : memref<!tpu.dma_semaphore, #tpu.memory_space<semaphore_mem>>) src(%dma_wait3A_2034 : memref<8x2048xf32, #tpu.memory_space<vmem>>) dst(%dma_wait3A_2030 : memref<8x2048xf32, #tpu.memory_space<hbm>>)
    %dma_wait3A_2035 = arith.constant 1 : i32
    %dma_wait3A_2036 = arith.constant 1 : i32
    %dma_wait3A_2037 = arith.constant 0 : i32
    %dma_wait3A_2038 = arith.constant 0 : i32
    %dma_wait3A_2039 = tpu.memref_slice %arg6[%dma_wait3A_2035, %dma_wait3A_2037, %dma_wait3A_2038] : memref<6x8x2048xf32, #tpu.memory_space<vmem>> -> memref<1x8x2048xf32, #tpu.memory_space<vmem>>
    %dma_wait3A_2040 = tpu.memref_squeeze %dma_wait3A_2039 : memref<1x8x2048xf32, #tpu.memory_space<vmem>> -> memref<8x2048xf32, #tpu.memory_space<vmem>>
    %dma_wait3A_2041 = arith.constant 0 : i32
    %dma_wait3A_2042 = tpu.memref_slice %arg4[%add3A_1938, %dma_wait3A_2041] : memref<8192x2048xf32, #tpu.memory_space<hbm>> -> memref<8x2048xf32, #tpu.memory_space<hbm>>
    %dma_wait3A_2043 = tpu.memref_slice %arg8[%dma_wait3A_2036] : memref<6x!tpu.dma_semaphore, #tpu.memory_space<semaphore_mem>> -> memref<1x!tpu.dma_semaphore, #tpu.memory_space<semaphore_mem>>
    %dma_wait3A_2044 = tpu.memref_squeeze %dma_wait3A_2043 : memref<1x!tpu.dma_semaphore, #tpu.memory_space<semaphore_mem>> -> memref<!tpu.dma_semaphore, #tpu.memory_space<semaphore_mem>>
    %dma_wait3A_2045 = arith.constant 0 : i32
    %dma_wait3A_2046 = tpu.memref_slice %arg4[%add3A_1938, %dma_wait3A_2045] : memref<8192x2048xf32, #tpu.memory_space<hbm>> -> memref<8x2048xf32, #tpu.memory_space<hbm>>
    %dma_wait3A_2047 = arith.constant 0 : i32
    %dma_wait3A_2048 = arith.constant 0 : i32
    %dma_wait3A_2049 = tpu.memref_slice %arg6[%dma_wait3A_2035, %dma_wait3A_2047, %dma_wait3A_2048] : memref<6x8x2048xf32, #tpu.memory_space<vmem>> -> memref<1x8x2048xf32, #tpu.memory_space<vmem>>
    %dma_wait3A_2050 = tpu.memref_squeeze %dma_wait3A_2049 : memref<1x8x2048xf32, #tpu.memory_space<vmem>> -> memref<8x2048xf32, #tpu.memory_space<vmem>>
    tpu.wait_dma2 semaphore(%dma_wait3A_2044 : memref<!tpu.dma_semaphore, #tpu.memory_space<semaphore_mem>>) src(%dma_wait3A_2050 : memref<8x2048xf32, #tpu.memory_space<vmem>>) dst(%dma_wait3A_2046 : memref<8x2048xf32, #tpu.memory_space<hbm>>)
    return
  }
}

</mosaic_0001>

<sc_bundles>
// kernel: kernel.3.cloned.1.call-start
scs
__scs_entry_jumppad:
0x0: {  	(pc) =	sbr.rel $0x88, $3  }
0x1: {  	(tag) =	ssettag $0x0;
	lr =	simm.s32 $0x1  }
0x2: {  	[smem:$0x3F9F] =	sst lr;
	_ =	strace $0xD0000000  }
0x3: {  	_ = 	snop  }
0x4: {  	_ = 	snop  }
0x5: {  	_ = 	snop  }
0x6: {  	_ = 	snop  }
0x7: {  	_ = 	snop  }
__scs_overlays_trampoline_lowered:
0x8: {  	[smem:$0x3FAE] =	sst s0  }
0x9: {  	[smem:$0x3FAF] =	sst s1  }
0xa: {  	[smem:$0x3FB0] =	sst s2  }
0xb: {  	[smem:$0x3FB1] =	sst s3  }
0xc: {  	[smem:$0x3FB2] =	sst s4  }
0xd: {  	[smem:$0x3FB3] =	sst s5  }
0xe: {  	[smem:$0x3FB4] =	sst s6  }
0xf: {  	[smem:$0x3FB5] =	sst s7  }
0x10: {  	[smem:$0x3FB6] =	sst s8  }
0x11: {  	[smem:$0x3FB7] =	sst s9;
	s0 =	simm.s32 @!p0 $0x0  }
0x12: {  	s1 =	sld [smem:$0x3F9D];
	s0 =	simm.s32 @p0 $0x1  }
0x13: {  	[smem:$0x3FB8] =	sst s0;
	s0 =	simm.s32 @!p1 $0x0  }
0x14: {  	s2 =	sld [smem:$0x3F9C];
	s0 =	simm.s32 @p1 $0x1  }
0x15: {  	[smem:$0x3FB9] =	sst s0;
	s0 =	simm.s32 @!p2 $0x0  }
0x16: {  	s3 =	sld [smem:$0x3FDB];
	s0 =	simm.s32 @p2 $0x1  }
0x17: {  	s4 =	simm.s32 $0x1BF5;
	[smem:$0x3FBB] =	sst s0  }
0x18: {  	s0 =	sld [smem:$0x3F9E];
	_ =	swait.ge [sflag:s4], $0x0  }
0x19: {  	s7 =	sld [smem:$0x3F9F]  }
0x1a: {  	s8 =	sadd.s32 $0xFFFFE003, lr  }
0x1b: {  	s9 =	sadd.s32 $0xFFFFFEF7, lr;
	s5 =	simm.s32 $0xFFFFFFFF;
	p2 =	slt.u32 s8, $0xFFFFF086  }
0x1c: {  	p1 =	slt.u32 s9, $0xF7A;
	s5 =	simm.s32 @!p2 $0x0  }
0x1d: {  	s5 =	simm.s32 @p1 $0x1;
	p0 =	seq.s32 s7, s2  }
0x1e: {  	s7 =	smul.u32 @!p0 $0xF7A, s2;
	p2 =	seq.s32 @!p0 s5, $0x0  }
0x1f: {  	s9 =	smul.u32 $0xF7A, s1;
	s8 =	simm.s32 @!p0 $0x1BF5;
	p2 =	por !p2, p0  }
0x20: {  	[sflag:s8] =	ssyncset.s32 @!p0 $0xFFFFF086;
	s6 =	sadd.s32 @!p0 s3, s7;
	s7 =	simm.s32 @!p0 $0x108  }
0x21: {  	s3 =	sadd.s32 s3, s9;
	s6 =	sadd.s32 @!p0 $0x88, s6;
	s7 =	simm.s32 @p2 $0x1082  }
0x22: {  	[simem:s7], [sflag:s8] =	dma.local @!p0 [hbm:s6], $0xF7A  }
0x23: {  	s9 =	sor.u32 $0xD0000000, s2;
	s6 =	simm.s32 $0x108;
	_ =	swait.ge @!p0 [sflag:s8], $0x0  }
0x24: {  	s3 =	sadd.s32 $0x88, s3;
	s6 =	simm.s32 @!p1 $0x1082;
	[sflag:s4] =	ssyncset.s32 $0xFFFFF086  }
0x25: {  	[simem:s6], [sflag:s4] =	dma.local [hbm:s3], $0xF7A  }
0x26: {  	[smem:$0x3F9F] =	sst s1;
	(tag) =	ssettag s2;
	_ =	strace s9  }
0x27: {  	s1 =	sld [smem:$0x3FAF]  }
0x28: {  	s2 =	sld [smem:$0x3FB0]  }
0x29: {  	s4 =	sld [smem:$0x3FB2]  }
0x2a: {  	p0 =	seq.s32 s5, $0x0;
	s5 =	sld [smem:$0x3FB3]  }
0x2b: {  	s6 =	sld [smem:$0x3FB4]  }
0x2c: {  	s7 =	sld [smem:$0x3FB5]  }
0x2d: {  	s3 =	simm.s32 $0x108;
	s8 =	sld [smem:$0x3FB6]  }
0x2e: {  	s3 =	simm.s32 @!p0 $0x1082;
	s9 =	sld [smem:$0x3FB7]  }
0x2f: {  	lr =	sadd.s32 s0, s3;
	s0 =	sld [smem:$0x3FAE]  }
0x30: {  	s3 =	sld [smem:$0x3FB1]  }
0x31: {  	[smem:$0x3FBA] =	sst s10  }
0x32: {  	s10 =	sld [smem:$0x3FB8];
	_ =	sdelay $0x3  }
0x33: {  	p0 =	seq.s32 s10, $0x1;
	s10 =	sld [smem:$0x3FBA];
	_ =	sdelay $0x3  }
0x34: {  	[smem:$0x3FBA] =	sst s10  }
0x35: {  	s10 =	sld [smem:$0x3FB9];
	_ =	sdelay $0x3  }
0x36: {  	p1 =	seq.s32 s10, $0x1;
	s10 =	sld [smem:$0x3FBA];
	_ =	sdelay $0x3  }
0x37: {  	[smem:$0x3FBA] =	sst s10  }
0x38: {  	s10 =	sld [smem:$0x3FBB]  }
0x39: {  	_ = 	snop;
	(pc) =	sbr.ind lr, $3  }
0x3a: {  	_ = 	snop  }
0x3b: {  	_ = 	snop  }
0x3c: {  	p2 =	seq.s32 s10, $0x1;
	s10 =	sld [smem:$0x3FBA]  }
0x3d: {  	_ =	shalt  }
0x3e: {  	_ =	shalt  }
0x3f: {  	_ =	shalt  }
0x40: {  	_ =	shalt  }
0x41: {  	_ =	shalt  }
0x42: {  	_ =	shalt  }
0x43: {  	_ =	shalt  }
0x44: {  	_ =	shalt  }
0x45: {  	_ =	shalt  }
0x46: {  	_ =	shalt  }
0x47: {  	_ =	shalt  }
0x48: {  	_ =	shalt  }
0x49: {  	_ =	shalt  }
0x4a: {  	_ =	shalt  }
0x4b: {  	_ =	shalt  }
0x4c: {  	_ =	shalt  }
0x4d: {  	_ =	shalt  }
0x4e: {  	_ =	shalt  }
0x4f: {  	_ =	shalt  }
0x50: {  	_ =	shalt  }
0x51: {  	_ =	shalt  }
0x52: {  	_ =	shalt  }
0x53: {  	_ =	shalt  }
0x54: {  	_ =	shalt  }
0x55: {  	_ =	shalt  }
0x56: {  	_ =	shalt  }
0x57: {  	_ =	shalt  }
0x58: {  	_ =	shalt  }
0x59: {  	_ =	shalt  }
0x5a: {  	_ =	shalt  }
0x5b: {  	_ =	shalt  }
0x5c: {  	_ =	shalt  }
0x5d: {  	_ =	shalt  }
0x5e: {  	_ =	shalt  }
0x5f: {  	_ =	shalt  }
0x60: {  	_ =	shalt  }
0x61: {  	_ =	shalt  }
0x62: {  	_ =	shalt  }
0x63: {  	_ =	shalt  }
0x64: {  	_ =	shalt  }
0x65: {  	_ =	shalt  }
0x66: {  	_ =	shalt  }
0x67: {  	_ =	shalt  }
0x68: {  	_ =	shalt  }
0x69: {  	_ =	shalt  }
0x6a: {  	_ =	shalt  }
0x6b: {  	_ =	shalt  }
0x6c: {  	_ =	shalt  }
0x6d: {  	_ =	shalt  }
0x6e: {  	_ =	shalt  }
0x6f: {  	_ =	shalt  }
0x70: {  	_ =	shalt  }
0x71: {  	_ =	shalt  }
0x72: {  	_ =	shalt  }
0x73: {  	_ =	shalt  }
0x74: {  	_ =	shalt  }
0x75: {  	_ =	shalt  }
0x76: {  	_ =	shalt  }
0x77: {  	_ =	shalt  }
0x78: {  	_ =	shalt  }
0x79: {  	_ =	shalt  }
0x7a: {  	_ =	shalt  }
0x7b: {  	_ =	shalt  }
0x7c: {  	_ =	shalt  }
0x7d: {  	_ =	shalt  }
0x7e: {  	_ =	shalt  }
0x7f: {  	_ =	shalt  }
0x80: {  	_ =	shalt  }
0x81: {  	_ =	shalt  }
0x82: {  	_ =	shalt  }
0x83: {  	_ =	shalt  }
0x84: {  	_ =	shalt  }
0x85: {  	_ =	shalt  }
0x86: {  	_ =	shalt  }
0x87: {  	_ =	shalt  }
.Lfunc_end0:
.L_simem_size_0:
called_computation_lowered:
.L_overlay_start_0:
0x88: {  	s2 =	sld [smem:$0x3FD9]  }
0x89: {  	s3 =	sld [smem:$0x3FFE];
	_ =	sdelay $0x1  }
0x8a: {  	s1 =	srdreg.scid  }
0x8b: {  	s0 =	sand.u32 $0x1, s1  }
0x8c: {  	s17 =	sshll.u32 s0, $0xA;
	s2 =	sadd.s32 s3, s2  }
0x8d: {  	s2 =	sadd.s32 s2, s17  }
0x8e: {  	[smem:$0x3FC6] =	sst s2  }
0x8f: {  	_ = 	snop  }
0x90: {  	s2 =	sld [smem:$0x3FC8]  }
0x91: {  	s18 =	sld [smem:$0x3FD0];
	(tm) =	ssettm $0x1  }
0x92: {  	s4 =	sld [smem:$0x3FFB];
	_ =	sdelay $0x3  }
0x93: {  	_ =	strace s4  }
0x94: {  	s4 =	sld [smem:$0x3FFC];
	_ =	sdelay $0x3  }
0x95: {  	_ =	strace s4  }
0x96: {  	s4 =	sld [smem:$0x3FFD];
	_ =	sdelay $0x3  }
0x97: {  	_ =	strace s4  }
0x98: {  	_ =	strace $0x8FFFFFFF  }
0x99: {  	s19 =	sld [smem:$0x3FDB];
	_ =	sdelay $0x1  }
0x9a: {  	s5 =	simm.s32 $_scs_section_size  }
0x9b: {  	s6 =	simm.s32 $_size__tile_overlayer_lowered;
	s7 =	simm.s32 $_tile_overlayer_lowered  }
0x9c: {  	s22 =	simm.s32 $0x1BFF;
	s21 =	sshll.u32 s7, $0x1;
	s4 =	sadd.s32 s5, s19  }
0x9d: {  	s8 =	simm.s32 $0x0;
	s20 =	sshll.u32 s6, $0x1;
	s6 =	sadd.s32 s21, s4  }
0x9e: {  	[timem:s8], [sflag:s22] =	dma.local [hbm:s6], s20  }
0x9f: {  	_ =	swait.ge [sflag:s22], s20  }
0xa0: {  	s5 =	ssub.s32 $0x0, s20;
	[sflag:s22] =	ssyncset.done $0x0  }
0xa1: {  	[sflag:s22] =	ssyncadd.s32 s5;
	_ =	sdelay $0x1  }
0xa2: {  	s23 =	simm.s32 $0x1B8B  }
0xa3: {  	_ =	swait.ge [sflag:s23], $0x1  }
0xa4: {  	[sflag:s23] =	ssyncset.done $0x0  }
0xa5: {  	s25 =	simm.s32 $0x1B8E;
	s24 =	sld [smem:$0x3FFE];
	[sflag:s23] =	ssyncadd.s32 $0xFFFFFFFF  }
0xa6: {  	s26 =	simm.s32 $execute0_lowered;
	[smem:$0x3FD2] =	sst s25  }
0xa7: {  	s6 =	sshll.u32 s26, $0x1;
	_ =	strace $0x80000046;
	[dreg:$0x1] =	wrdreg $0xFFFFFFFF  }
0xa8: {  	s28 =	simm.s32 $_size_execute0_lowered;
	s4 =	sadd.s32 s4, s6;
	[dreg:$0x0] =	wrdreg $0x0  }
0xa9: {  	s6 =	sshll.u32 s28, $0x1;
	[dreg:$0x2] =	wrdreg s4  }
0xaa: {  	[dreg:$0x3] =	wrdreg s6  }
0xab: {  	[dreg:$0x4] =	wrdreg $0xC0  }
0xac: {  	_ =	task [dreg:s8], $0x5FFFF  }
0xad: {  	[dreg:$0x1] =	wrdreg $0xFFFFFFFF  }
0xae: {  	[dreg:$0x0] =	wrdreg $0x60  }
0xaf: {  	[dreg:$0x2] =	wrdreg s24  }
0xb0: {  	[dreg:$0x3] =	wrdreg s2  }
0xb1: {  	[dreg:$0x4] =	wrdreg s18  }
0xb2: {  	[dreg:$0x5] =	wrdreg $0x9  }
0xb3: {  	_ =	task.clear_ibuf [dreg:s8], $0x6FFFF;
	_ =	strace $0x90000046  }
0xb4: {  	s29 =	simm.s32 $0x9;
	_ =	strace $0x80000048  }
0xb5: {  	_ =	swait.ge [sflag:s29], $0x1  }
0xb6: {  	[sflag:s29] =	ssyncadd.s32 $0xFFFFFFFF  }
0xb7: {  	_ =	strace $0x90000048  }
0xb8: {  	_ =	sfence  }
0xb9: {  	s30 =	sld [smem:$0x0];
	_ =	sdelay $0x2  }
0xba: {  	s31 =	sshll.u32 s1, $0xD;
	s1 =	sshrl.u32 s1, $0x2  }
0xbb: {  	s3 =	sand.u32 $0x4000, s31;
	s1 =	sadd.s32 s1, s30  }
0xbc: {  	s0 =	sor.u32 s3, s0;
	s1 =	sshll.u32 s1, $0x11  }
0xbd: {  	s0 =	sor.u32 s1, s0  }
0xbe: {  	s0 =	sadd.s32 $0x8F2B, s0  }
0xbf: {  	[sflag:s0] =	ssyncadd.remote.s32 $0x1  }
0xc0: {  	_ =	sfence.sel $0xFFFF  }
0xc1: {  	[dreg:$0x0] =	wrdreg $0xFFFFFFFF;
	(pc) =	sbr.abs _section_cstart, $3  }
0xc2: {  	[dreg:$0x1] =	wrdreg $0xFFFFFFFF  }
0xc3: {  	_ =	task.clear_ibuf [dreg:s8], $0x2FFFF;
	_ =	strace $0x9FFFFFFF  }
0xc4: {  	(tm) =	ssettm $0x7FFFFFFF  }
0xc5: {  	_ =	shalt  }
tec
execute0_lowered:
.L_overlay_start_1:
0x0: {  	(tag) =	ssettag $0x1  }
0x1: {  	s0 =	rddreg [dreg:$0x0]  }
0x2: {  	s1 =	srdreg.scid;
	s3 =	stileid.u32  }
0x3: {  	s2 =	rddreg [dreg:$0x1];
	s1 =	sand.u32 $0x1, s1;
	s3 =	sshll.u32 s3, $0x1  }
0x4: {  	s4 =	rddreg [dreg:$0x2];
	s5 =	sor.u32 s1, s3  }
0x5: {  	s3 =	simm.s32 $0x0;
	s6 =	sshll.u32 s5, $0x9;
	s5 =	sshll.u32 s5, $0x10  }
0x6: {  	[smem:$0x7FF] =	sst s3;
	s0 =	sadd.s32 s6, s0;
	s12 =	sadd.s32 s4, s5  }
0x7: {  	_ =	strace $0x80000047;
	s0 =	sadd.s32 $0x400, s0;
	[smem:$0x7FC] =	sst s12  }
0x8: {  	s23 =	sadd.s32 $0x800, s12;
	[dreg:$0x4] =	wrdreg s0  }
0x9: {  	s24 =	sadd.s32 $0x1000, s12;
	[dreg:$0x5] =	wrdreg s23  }
0xa: {  	s25 =	sadd.s32 $0x1800, s12;
	[dreg:$0x6] =	wrdreg s24  }
0xb: {  	s26 =	sadd.s32 $0x2000, s12;
	[dreg:$0x7] =	wrdreg s25  }
0xc: {  	s28 =	sadd.s32 $0x2800, s12;
	[dreg:$0x8] =	wrdreg s26  }
0xd: {  	s29 =	sadd.s32 $0x3000, s12;
	[dreg:$0x9] =	wrdreg s28  }
0xe: {  	s30 =	sadd.s32 $0x3800, s12;
	[dreg:$0xa] =	wrdreg s29  }
0xf: {  	s4 =	sadd.s32 $0x4000, s12;
	[dreg:$0xb] =	wrdreg s30  }
0x10: {  	s5 =	sadd.s32 $0x4800, s12;
	[dreg:$0xc] =	wrdreg s4  }
0x11: {  	s6 =	sadd.s32 $0x5000, s12;
	[dreg:$0xd] =	wrdreg s5  }
0x12: {  	s7 =	sadd.s32 $0x5800, s12;
	[dreg:$0xe] =	wrdreg s6  }
0x13: {  	s8 =	sadd.s32 $0x6000, s12;
	[dreg:$0xf] =	wrdreg s7  }
0x14: {  	s9 =	sadd.s32 $0x6800, s12;
	[dreg:$0x10] =	wrdreg s8  }
0x15: {  	s10 =	sadd.s32 $0x7000, s12;
	[dreg:$0x11] =	wrdreg s9  }
0x16: {  	s11 =	sadd.s32 $0x7800, s12;
	[dreg:$0x12] =	wrdreg s10  }
0x17: {  	s13 =	sadd.s32 $0x8000, s12;
	[dreg:$0x13] =	wrdreg s11  }
0x18: {  	s14 =	sadd.s32 $0x8800, s12;
	[dreg:$0x14] =	wrdreg s13  }
0x19: {  	s15 =	sadd.s32 $0x9000, s12;
	[dreg:$0x15] =	wrdreg s14  }
0x1a: {  	s16 =	sadd.s32 $0x9800, s12;
	[dreg:$0x16] =	wrdreg s15  }
0x1b: {  	s31 =	simm.s32 $0x3;
	s17 =	sadd.s32 $0xA000, s12;
	[dreg:$0x17] =	wrdreg s16  }
0x1c: {  	s1 =	ssub.s32 $0x2, s1;
	s18 =	sadd.s32 $0xA800, s12;
	[dreg:$0x18] =	wrdreg s17  }
0x1d: {  	s20 =	sshrl.u32 s1, $0x1;
	s19 =	sadd.s32 $0xB000, s12;
	[dreg:$0x19] =	wrdreg s18  }
0x1e: {  	s1 =	ssub.s32 s1, s20;
	s21 =	sadd.s32 $0xB800, s12;
	[dreg:$0x1a] =	wrdreg s19  }
0x1f: {  	s20 =	simm.s32 $0x9;
	s22 =	sadd.s32 $0xC000, s12;
	[dreg:$0x1b] =	wrdreg s21  }
0x20: {  	s5 =	sadd.s32 $0x100, s2;
	[dreg:$0x1c] =	wrdreg s22;
	s23 =	sadd.s32 $0xC800, s12  }
0x21: {  	s6 =	sadd.s32 $0x200, s2;
	s24 =	sadd.s32 $0xD000, s12;
	s7 =	sadd.s32 $0x300, s2  }
0x22: {  	s25 =	sadd.s32 $0xD800, s12;
	s8 =	sadd.s32 $0x400, s2;
	s26 =	sadd.s32 $0xE000, s12  }
0x23: {  	s9 =	sadd.s32 $0x500, s2;
	s28 =	sadd.s32 $0xE800, s12;
	[dreg:$0x1d] =	wrdreg s23  }
0x24: {  	s10 =	sadd.s32 $0x600, s2;
	s29 =	sadd.s32 $0xF000, s12;
	[dreg:$0x1e] =	wrdreg s24  }
0x25: {  	s11 =	sadd.s32 $0x700, s2;
	s30 =	sadd.s32 $0xF800, s12;
	[dreg:$0x1f] =	wrdreg s25  }
0x26: {  	s0 =	smax.u32 s1, $0x1;
	s1 =	simm.s32 $0x1;
	[smem:$0x7F9] =	sst s26  }
0x27: {  	s15 =	simm.s32 $0x2;
	s16 =	simm.s32 $0x7;
	[smem:$0x7FA] =	sst s28  }
0x28: {  	v0 =	vlaneseq.u32;
	s18 =	simm.s32 $0x8;
	s19 =	simm.s32 $0x4;
	[smem:$0x7FB] =	sst s29  }
0x29: {  	v1 =	vshrl.u32 v0, $0x3;
	s21 =	simm.s32 $0x5;
	[smem:$0x7FD] =	sst s30;
	s23 =	simm.s32 $0xA  }
0x2a: {  	vm0 =	vmmov $0xffff;
	v0 =	vand.u32 $0x7, v0;
	v1 =	vmul.u32 $0x8, v1;
	s24 =	simm.s32 $0x6;
	s25 =	simm.s32 $0xB;
	s26 =	simm.s32 $0xC  }
.LBB2_1:
0x2b: {  	[smem:$0x7F8] =	sst s0  }
0x2c: {  	s28 =	rddreg [dreg:$0x4];
	s14 =	simm.s32 $0xD  }
0x2d: {  	[tilespmem:s3], [sflag:$0xD] =	stream.linear.gather [hbm4b:s28+s3], $0x1000, $0x38;
	[tilespmem:$0x19000] =	vst v63  }
0x2e: {  	_ =	swait.ge [sflag:s14], $0x1000  }
0x2f: {  	[sflag:s14] =	ssyncset.done $0x0  }
0x30: {  	[sflag:s14] =	ssyncadd.s32 $0xFFFFF000  }
0x31: {  	v2 =	vld.msk [tilespmem:$0x0], $0xff;
	_ =	sdelay $0x4  }
0x32: {  	v3 =	vshll.u32 v2, $0x4  }
0x33: {  	v2 =	vand.u32 $0x7, v2;
	v3 =	vand.u32 $0xFFFFFF80, v3  }
0x34: {  	v2 =	vor.u32 v2, v3  }
0x35: {  	v2 =	vperm.xlane v2, v0;
	_ =	sdelay $0x1  }
0x36: {  	v2 =	vadd.s32 v1, v2;
	_ =	sdelay $0x3  }
0x37: {  	s17 =	simm.s32 $0x1000  }
0x38: {  	[tilespmem:s17], [sflag:$0x1] =	stream.indirect_vreg.gather [hbm4b:s2+s3], $0x80, v2, vm0, $0xb8;
	[tilespmem:$0x19000] =	vst v63  }
0x39: {  	s22 =	simm.s32 $0x1800  }
0x3a: {  	[tilespmem:s22], [sflag:$0x1] =	stream.indirect_vreg.gather [hbm4b:s5+s3], $0x80, v2, vm0, $0xb8;
	[tilespmem:$0x19000] =	vst v63  }
0x3b: {  	s28 =	simm.s32 $0x2000  }
0x3c: {  	[tilespmem:s28], [sflag:$0x1] =	stream.indirect_vreg.gather [hbm4b:s6+s3], $0x80, v2, vm0, $0xb8;
	[tilespmem:$0x19000] =	vst v63  }
0x3d: {  	s29 =	simm.s32 $0x2800  }
0x3e: {  	[tilespmem:s29], [sflag:$0x1] =	stream.indirect_vreg.gather [hbm4b:s7+s3], $0x80, v2, vm0, $0xb8;
	[tilespmem:$0x19000] =	vst v63  }
0x3f: {  	s30 =	simm.s32 $0x3000  }
0x40: {  	[tilespmem:s30], [sflag:$0x1] =	stream.indirect_vreg.gather [hbm4b:s8+s3], $0x80, v2, vm0, $0xb8;
	[tilespmem:$0x19000] =	vst v63  }
0x41: {  	s4 =	simm.s32 $0x3800  }
0x42: {  	[tilespmem:s4], [sflag:$0x1] =	stream.indirect_vreg.gather [hbm4b:s9+s3], $0x80, v2, vm0, $0xb8;
	[tilespmem:$0x19000] =	vst v63  }
0x43: {  	s13 =	simm.s32 $0x4000  }
0x44: {  	[tilespmem:s13], [sflag:$0x1] =	stream.indirect_vreg.gather [hbm4b:s10+s3], $0x80, v2, vm0, $0xb8;
	[tilespmem:$0x19000] =	vst v63  }
0x45: {  	s14 =	simm.s32 $0x4800  }
0x46: {  	[tilespmem:s14], [sflag:$0x1] =	stream.indirect_vreg.gather [hbm4b:s11+s3], $0x80, v2, vm0, $0xb8;
	[tilespmem:$0x19000] =	vst v63  }
0x47: {  	v2 =	vld.msk [tilespmem:$0x80], $0xff;
	_ =	sdelay $0x4  }
0x48: {  	v3 =	vshll.u32 v2, $0x4  }
0x49: {  	v2 =	vand.u32 $0x7, v2;
	v3 =	vand.u32 $0xFFFFFF80, v3  }
0x4a: {  	v2 =	vor.u32 v2, v3  }
0x4b: {  	v2 =	vperm.xlane v2, v0;
	_ =	sdelay $0x1  }
0x4c: {  	v2 =	vadd.s32 v1, v2;
	_ =	sdelay $0x3  }
0x4d: {  	s17 =	simm.s32 $0x5000  }
0x4e: {  	[tilespmem:s17], [sflag:$0x2] =	stream.indirect_vreg.gather [hbm4b:s2+s3], $0x80, v2, vm0, $0xb8;
	[tilespmem:$0x19000] =	vst v63  }
0x4f: {  	s22 =	simm.s32 $0x5800  }
0x50: {  	[tilespmem:s22], [sflag:$0x2] =	stream.indirect_vreg.gather [hbm4b:s5+s3], $0x80, v2, vm0, $0xb8;
	[tilespmem:$0x19000] =	vst v63  }
0x51: {  	s30 =	simm.s32 $0x6000  }
0x52: {  	[tilespmem:s30], [sflag:$0x2] =	stream.indirect_vreg.gather [hbm4b:s6+s3], $0x80, v2, vm0, $0xb8;
	[tilespmem:$0x19000] =	vst v63  }
0x53: {  	s0 =	simm.s32 $0x6800  }
0x54: {  	[tilespmem:s0], [sflag:$0x2] =	stream.indirect_vreg.gather [hbm4b:s7+s3], $0x80, v2, vm0, $0xb8;
	[tilespmem:$0x19000] =	vst v63  }
0x55: {  	s4 =	simm.s32 $0x7000  }
0x56: {  	[tilespmem:s4], [sflag:$0x2] =	stream.indirect_vreg.gather [hbm4b:s8+s3], $0x80, v2, vm0, $0xb8;
	[tilespmem:$0x19000] =	vst v63  }
0x57: {  	s13 =	simm.s32 $0x7800  }
0x58: {  	[tilespmem:s13], [sflag:$0x2] =	stream.indirect_vreg.gather [hbm4b:s9+s3], $0x80, v2, vm0, $0xb8;
	[tilespmem:$0x19000] =	vst v63  }
0x59: {  	s14 =	simm.s32 $0x8000  }
0x5a: {  	[tilespmem:s14], [sflag:$0x2] =	stream.indirect_vreg.gather [hbm4b:s10+s3], $0x80, v2, vm0, $0xb8;
	[tilespmem:$0x19000] =	vst v63  }
0x5b: {  	s17 =	simm.s32 $0x8800  }
0x5c: {  	[tilespmem:s17], [sflag:$0x2] =	stream.indirect_vreg.gather [hbm4b:s11+s3], $0x80, v2, vm0, $0xb8;
	[tilespmem:$0x19000] =	vst v63  }
0x5d: {  	v2 =	vld.msk [tilespmem:$0x100], $0xff;
	_ =	sdelay $0x4  }
0x5e: {  	v3 =	vshll.u32 v2, $0x4  }
0x5f: {  	v2 =	vand.u32 $0x7, v2;
	v3 =	vand.u32 $0xFFFFFF80, v3  }
0x60: {  	v2 =	vor.u32 v2, v3  }
0x61: {  	v2 =	vperm.xlane v2, v0;
	_ =	sdelay $0x1  }
0x62: {  	v2 =	vadd.s32 v1, v2;
	_ =	sdelay $0x3  }
0x63: {  	s13 =	simm.s32 $0x9000  }
0x64: {  	[tilespmem:s13], [sflag:$0x3] =	stream.indirect_vreg.gather [hbm4b:s2+s3], $0x80, v2, vm0, $0xb8;
	[tilespmem:$0x19000] =	vst v63  }
0x65: {  	s22 =	simm.s32 $0x9800  }
0x66: {  	[tilespmem:s22], [sflag:$0x3] =	stream.indirect_vreg.gather [hbm4b:s5+s3], $0x80, v2, vm0, $0xb8;
	[tilespmem:$0x19000] =	vst v63  }
0x67: {  	s28 =	simm.s32 $0xA000  }
0x68: {  	[tilespmem:s28], [sflag:$0x3] =	stream.indirect_vreg.gather [hbm4b:s6+s3], $0x80, v2, vm0, $0xb8;
	[tilespmem:$0x19000] =	vst v63  }
0x69: {  	s30 =	simm.s32 $0xA800  }
0x6a: {  	[tilespmem:s30], [sflag:$0x3] =	stream.indirect_vreg.gather [hbm4b:s7+s3], $0x80, v2, vm0, $0xb8;
	[tilespmem:$0x19000] =	vst v63  }
0x6b: {  	s4 =	simm.s32 $0xB000  }
0x6c: {  	[tilespmem:s4], [sflag:$0x3] =	stream.indirect_vreg.gather [hbm4b:s8+s3], $0x80, v2, vm0, $0xb8;
	[tilespmem:$0x19000] =	vst v63  }
0x6d: {  	s13 =	simm.s32 $0xB800  }
0x6e: {  	[tilespmem:s13], [sflag:$0x3] =	stream.indirect_vreg.gather [hbm4b:s9+s3], $0x80, v2, vm0, $0xb8;
	[tilespmem:$0x19000] =	vst v63  }
0x6f: {  	s14 =	simm.s32 $0xC000  }
0x70: {  	[tilespmem:s14], [sflag:$0x3] =	stream.indirect_vreg.gather [hbm4b:s10+s3], $0x80, v2, vm0, $0xb8;
	[tilespmem:$0x19000] =	vst v63  }
0x71: {  	s17 =	simm.s32 $0xC800  }
0x72: {  	[tilespmem:s17], [sflag:$0x3] =	stream.indirect_vreg.gather [hbm4b:s11+s3], $0x80, v2, vm0, $0xb8;
	[tilespmem:$0x19000] =	vst v63  }
0x73: {  	v2 =	vld.msk [tilespmem:$0x180], $0xff;
	_ =	sdelay $0x4  }
0x74: {  	v3 =	vshll.u32 v2, $0x4  }
0x75: {  	v2 =	vand.u32 $0x7, v2;
	v3 =	vand.u32 $0xFFFFFF80, v3  }
0x76: {  	v2 =	vor.u32 v2, v3  }
0x77: {  	v2 =	vperm.xlane v2, v0;
	_ =	sdelay $0x1  }
0x78: {  	v2 =	vadd.s32 v1, v2;
	_ =	sdelay $0x3  }
0x79: {  	s22 =	simm.s32 $0xD000  }
0x7a: {  	[tilespmem:s22], [sflag:$0x4] =	stream.indirect_vreg.gather [hbm4b:s2+s3], $0x80, v2, vm0, $0xb8;
	[tilespmem:$0x19000] =	vst v63  }
0x7b: {  	s28 =	simm.s32 $0xD800  }
0x7c: {  	[tilespmem:s28], [sflag:$0x4] =	stream.indirect_vreg.gather [hbm4b:s5+s3], $0x80, v2, vm0, $0xb8;
	[tilespmem:$0x19000] =	vst v63  }
0x7d: {  	s30 =	simm.s32 $0xE000  }
0x7e: {  	[tilespmem:s30], [sflag:$0x4] =	stream.indirect_vreg.gather [hbm4b:s6+s3], $0x80, v2, vm0, $0xb8;
	[tilespmem:$0x19000] =	vst v63  }
0x7f: {  	s13 =	simm.s32 $0xE800  }
0x80: {  	[tilespmem:s13], [sflag:$0x4] =	stream.indirect_vreg.gather [hbm4b:s7+s3], $0x80, v2, vm0, $0xb8;
	[tilespmem:$0x19000] =	vst v63  }
0x81: {  	s14 =	simm.s32 $0xF000  }
0x82: {  	[tilespmem:s14], [sflag:$0x4] =	stream.indirect_vreg.gather [hbm4b:s8+s3], $0x80, v2, vm0, $0xb8;
	[tilespmem:$0x19000] =	vst v63  }
0x83: {  	s17 =	simm.s32 $0xF800  }
0x84: {  	[tilespmem:s17], [sflag:$0x4] =	stream.indirect_vreg.gather [hbm4b:s9+s3], $0x80, v2, vm0, $0xb8;
	[tilespmem:$0x19000] =	vst v63  }
0x85: {  	s28 =	simm.s32 $0x10000  }
0x86: {  	[tilespmem:s28], [sflag:$0x4] =	stream.indirect_vreg.gather [hbm4b:s10+s3], $0x80, v2, vm0, $0xb8;
	[tilespmem:$0x19000] =	vst v63  }
0x87: {  	s13 =	simm.s32 $0x10800  }
0x88: {  	[tilespmem:s13], [sflag:$0x4] =	stream.indirect_vreg.gather [hbm4b:s11+s3], $0x80, v2, vm0, $0xb8;
	[tilespmem:$0x19000] =	vst v63  }
0x89: {  	v2 =	vld.msk [tilespmem:$0x200], $0xff;
	_ =	sdelay $0x4  }
0x8a: {  	v3 =	vshll.u32 v2, $0x4  }
0x8b: {  	v2 =	vand.u32 $0x7, v2;
	v3 =	vand.u32 $0xFFFFFF80, v3  }
0x8c: {  	v2 =	vor.u32 v2, v3  }
0x8d: {  	v2 =	vperm.xlane v2, v0;
	_ =	sdelay $0x1  }
0x8e: {  	v2 =	vadd.s32 v1, v2;
	_ =	sdelay $0x3  }
0x8f: {  	s14 =	simm.s32 $0x11000  }
0x90: {  	[tilespmem:s14], [sflag:$0x5] =	stream.indirect_vreg.gather [hbm4b:s2+s3], $0x80, v2, vm0, $0xb8;
	[tilespmem:$0x19000] =	vst v63  }
0x91: {  	s14 =	simm.s32 $0x11800  }
0x92: {  	[tilespmem:s14], [sflag:$0x5] =	stream.indirect_vreg.gather [hbm4b:s5+s3], $0x80, v2, vm0, $0xb8;
	[tilespmem:$0x19000] =	vst v63  }
0x93: {  	s28 =	simm.s32 $0x12000  }
0x94: {  	[tilespmem:s28], [sflag:$0x5] =	stream.indirect_vreg.gather [hbm4b:s6+s3], $0x80, v2, vm0, $0xb8;
	[tilespmem:$0x19000] =	vst v63  }
0x95: {  	s0 =	simm.s32 $0x12800  }
0x96: {  	[tilespmem:s0], [sflag:$0x5] =	stream.indirect_vreg.gather [hbm4b:s7+s3], $0x80, v2, vm0, $0xb8;
	[tilespmem:$0x19000] =	vst v63  }
0x97: {  	s13 =	simm.s32 $0x13000  }
0x98: {  	[tilespmem:s13], [sflag:$0x5] =	stream.indirect_vreg.gather [hbm4b:s8+s3], $0x80, v2, vm0, $0xb8;
	[tilespmem:$0x19000] =	vst v63  }
0x99: {  	s28 =	simm.s32 $0x13800  }
0x9a: {  	[tilespmem:s28], [sflag:$0x5] =	stream.indirect_vreg.gather [hbm4b:s9+s3], $0x80, v2, vm0, $0xb8;
	[tilespmem:$0x19000] =	vst v63  }
0x9b: {  	s0 =	simm.s32 $0x14000  }
0x9c: {  	[tilespmem:s0], [sflag:$0x5] =	stream.indirect_vreg.gather [hbm4b:s10+s3], $0x80, v2, vm0, $0xb8;
	[tilespmem:$0x19000] =	vst v63  }
0x9d: {  	s13 =	simm.s32 $0x14800  }
0x9e: {  	[tilespmem:s13], [sflag:$0x5] =	stream.indirect_vreg.gather [hbm4b:s11+s3], $0x80, v2, vm0, $0xb8;
	[tilespmem:$0x19000] =	vst v63  }
0x9f: {  	_ =	swait.ge [sflag:s1], $0x4000  }
0xa0: {  	s14 =	sld [smem:$0x7FC]  }
0xa1: {  	[sflag:s1] =	ssyncset.done $0x0  }
0xa2: {  	s0 =	simm.s32 $0x1000;
	[sflag:s1] =	ssyncadd.s32 $0xFFFFC000  }
0xa3: {  	[hbm4b:s14+s3] =	stream.linear.scatter [tilespmem:s0], [sflag:$0x7], $0x4000, $0x38;
	[tilespmem:$0x19000] =	vst v63  }
0xa4: {  	v2 =	vld.msk [tilespmem:$0x280], $0xff;
	_ =	sdelay $0x4  }
0xa5: {  	v3 =	vshll.u32 v2, $0x4  }
0xa6: {  	v2 =	vand.u32 $0x7, v2;
	v3 =	vand.u32 $0xFFFFFF80, v3  }
0xa7: {  	v2 =	vor.u32 v2, v3  }
0xa8: {  	v2 =	vperm.xlane v2, v0;
	_ =	sdelay $0x1  }
0xa9: {  	v2 =	vadd.s32 v1, v2;
	_ =	sdelay $0x3  }
0xaa: {  	s13 =	simm.s32 $0x15000  }
0xab: {  	[tilespmem:s13], [sflag:$0x6] =	stream.indirect_vreg.gather [hbm4b:s2+s3], $0x80, v2, vm0, $0xb8;
	[tilespmem:$0x19000] =	vst v63  }
0xac: {  	s14 =	simm.s32 $0x15800  }
0xad: {  	[tilespmem:s14], [sflag:$0x6] =	stream.indirect_vreg.gather [hbm4b:s5+s3], $0x80, v2, vm0, $0xb8;
	[tilespmem:$0x19000] =	vst v63  }
0xae: {  	s13 =	simm.s32 $0x16000  }
0xaf: {  	[tilespmem:s13], [sflag:$0x6] =	stream.indirect_vreg.gather [hbm4b:s6+s3], $0x80, v2, vm0, $0xb8;
	[tilespmem:$0x19000] =	vst v63  }
0xb0: {  	s14 =	simm.s32 $0x16800  }
0xb1: {  	[tilespmem:s14], [sflag:$0x6] =	stream.indirect_vreg.gather [hbm4b:s7+s3], $0x80, v2, vm0, $0xb8;
	[tilespmem:$0x19000] =	vst v63  }
0xb2: {  	s13 =	simm.s32 $0x17000  }
0xb3: {  	[tilespmem:s13], [sflag:$0x6] =	stream.indirect_vreg.gather [hbm4b:s8+s3], $0x80, v2, vm0, $0xb8;
	[tilespmem:$0x19000] =	vst v63  }
0xb4: {  	s14 =	simm.s32 $0x17800  }
0xb5: {  	[tilespmem:s14], [sflag:$0x6] =	stream.indirect_vreg.gather [hbm4b:s9+s3], $0x80, v2, vm0, $0xb8;
	[tilespmem:$0x19000] =	vst v63  }
0xb6: {  	s13 =	simm.s32 $0x18000  }
0xb7: {  	[tilespmem:s13], [sflag:$0x6] =	stream.indirect_vreg.gather [hbm4b:s10+s3], $0x80, v2, vm0, $0xb8;
	[tilespmem:$0x19000] =	vst v63  }
0xb8: {  	s14 =	simm.s32 $0x18800  }
0xb9: {  	[tilespmem:s14], [sflag:$0x6] =	stream.indirect_vreg.gather [hbm4b:s11+s3], $0x80, v2, vm0, $0xb8;
	[tilespmem:$0x19000] =	vst v63  }
0xba: {  	_ =	swait.ge [sflag:s15], $0x4000  }
0xbb: {  	[sflag:s15] =	ssyncset.done $0x0  }
0xbc: {  	s14 =	simm.s32 $0x5000;
	s13 =	rddreg [dreg:$0x5];
	[sflag:s15] =	ssyncadd.s32 $0xFFFFC000  }
0xbd: {  	[hbm4b:s13+s3] =	stream.linear.scatter [tilespmem:s14], [sflag:$0x8], $0x4000, $0x38;
	[tilespmem:$0x19000] =	vst v63  }
0xbe: {  	_ =	swait.ge [sflag:s16], $0x4000  }
0xbf: {  	[sflag:s16] =	ssyncset.done $0x0  }
0xc0: {  	[sflag:s16] =	ssyncadd.s32 $0xFFFFC000  }
0xc1: {  	v2 =	vld.msk [tilespmem:$0x300], $0xff;
	_ =	sdelay $0x4  }
0xc2: {  	v3 =	vshll.u32 v2, $0x4  }
0xc3: {  	v2 =	vand.u32 $0x7, v2;
	v3 =	vand.u32 $0xFFFFFF80, v3  }
0xc4: {  	v2 =	vor.u32 v2, v3  }
0xc5: {  	v2 =	vperm.xlane v2, v0;
	_ =	sdelay $0x1  }
0xc6: {  	v2 =	vadd.s32 v1, v2;
	_ =	sdelay $0x4  }
0xc7: {  	[tilespmem:s0], [sflag:$0x1] =	stream.indirect_vreg.gather [hbm4b:s2+s3], $0x80, v2, vm0, $0xb8;
	[tilespmem:$0x19000] =	vst v63  }
0xc8: {  	s28 =	simm.s32 $0x1800  }
0xc9: {  	[tilespmem:s28], [sflag:$0x1] =	stream.indirect_vreg.gather [hbm4b:s5+s3], $0x80, v2, vm0, $0xb8;
	[tilespmem:$0x19000] =	vst v63  }
0xca: {  	s12 =	simm.s32 $0x2000  }
0xcb: {  	[tilespmem:s12], [sflag:$0x1] =	stream.indirect_vreg.gather [hbm4b:s6+s3], $0x80, v2, vm0, $0xb8;
	[tilespmem:$0x19000] =	vst v63  }
0xcc: {  	s12 =	simm.s32 $0x2800  }
0xcd: {  	[tilespmem:s12], [sflag:$0x1] =	stream.indirect_vreg.gather [hbm4b:s7+s3], $0x80, v2, vm0, $0xb8;
	[tilespmem:$0x19000] =	vst v63  }
0xce: {  	s13 =	simm.s32 $0x3000  }
0xcf: {  	[tilespmem:s13], [sflag:$0x1] =	stream.indirect_vreg.gather [hbm4b:s8+s3], $0x80, v2, vm0, $0xb8;
	[tilespmem:$0x19000] =	vst v63  }
0xd0: {  	s28 =	simm.s32 $0x3800  }
0xd1: {  	[tilespmem:s28], [sflag:$0x1] =	stream.indirect_vreg.gather [hbm4b:s9+s3], $0x80, v2, vm0, $0xb8;
	[tilespmem:$0x19000] =	vst v63  }
0xd2: {  	s12 =	simm.s32 $0x4000  }
0xd3: {  	[tilespmem:s12], [sflag:$0x1] =	stream.indirect_vreg.gather [hbm4b:s10+s3], $0x80, v2, vm0, $0xb8;
	[tilespmem:$0x19000] =	vst v63  }
0xd4: {  	s29 =	simm.s32 $0x4800  }
0xd5: {  	[tilespmem:s29], [sflag:$0x1] =	stream.indirect_vreg.gather [hbm4b:s11+s3], $0x80, v2, vm0, $0xb8;
	[tilespmem:$0x19000] =	vst v63  }
0xd6: {  	_ =	swait.ge [sflag:s31], $0x4000  }
0xd7: {  	[sflag:s31] =	ssyncset.done $0x0  }
0xd8: {  	s29 =	simm.s32 $0x9000;
	s13 =	rddreg [dreg:$0x6];
	[sflag:s31] =	ssyncadd.s32 $0xFFFFC000  }
0xd9: {  	[hbm4b:s13+s3] =	stream.linear.scatter [tilespmem:s29], [sflag:$0x9], $0x4000, $0x38;
	[tilespmem:$0x19000] =	vst v63  }
0xda: {  	_ =	swait.ge [sflag:s18], $0x4000  }
0xdb: {  	[sflag:s18] =	ssyncset.done $0x0  }
0xdc: {  	[sflag:s18] =	ssyncadd.s32 $0xFFFFC000  }
0xdd: {  	v2 =	vld.msk [tilespmem:$0x380], $0xff;
	_ =	sdelay $0x4  }
0xde: {  	v3 =	vshll.u32 v2, $0x4  }
0xdf: {  	v2 =	vand.u32 $0x7, v2;
	v3 =	vand.u32 $0xFFFFFF80, v3  }
0xe0: {  	v2 =	vor.u32 v2, v3  }
0xe1: {  	v2 =	vperm.xlane v2, v0;
	_ =	sdelay $0x1  }
0xe2: {  	v2 =	vadd.s32 v1, v2;
	_ =	sdelay $0x4  }
0xe3: {  	[tilespmem:s14], [sflag:$0x2] =	stream.indirect_vreg.gather [hbm4b:s2+s3], $0x80, v2, vm0, $0xb8;
	[tilespmem:$0x19000] =	vst v63  }
0xe4: {  	s14 =	simm.s32 $0x5800  }
0xe5: {  	[tilespmem:s14], [sflag:$0x2] =	stream.indirect_vreg.gather [hbm4b:s5+s3], $0x80, v2, vm0, $0xb8;
	[tilespmem:$0x19000] =	vst v63  }
0xe6: {  	s28 =	simm.s32 $0x6000  }
0xe7: {  	[tilespmem:s28], [sflag:$0x2] =	stream.indirect_vreg.gather [hbm4b:s6+s3], $0x80, v2, vm0, $0xb8;
	[tilespmem:$0x19000] =	vst v63  }
0xe8: {  	s12 =	simm.s32 $0x6800  }
0xe9: {  	[tilespmem:s12], [sflag:$0x2] =	stream.indirect_vreg.gather [hbm4b:s7+s3], $0x80, v2, vm0, $0xb8;
	[tilespmem:$0x19000] =	vst v63  }
0xea: {  	s13 =	simm.s32 $0x7000  }
0xeb: {  	[tilespmem:s13], [sflag:$0x2] =	stream.indirect_vreg.gather [hbm4b:s8+s3], $0x80, v2, vm0, $0xb8;
	[tilespmem:$0x19000] =	vst v63  }
0xec: {  	s14 =	simm.s32 $0x7800  }
0xed: {  	[tilespmem:s14], [sflag:$0x2] =	stream.indirect_vreg.gather [hbm4b:s9+s3], $0x80, v2, vm0, $0xb8;
	[tilespmem:$0x19000] =	vst v63  }
0xee: {  	s28 =	simm.s32 $0x8000  }
0xef: {  	[tilespmem:s28], [sflag:$0x2] =	stream.indirect_vreg.gather [hbm4b:s10+s3], $0x80, v2, vm0, $0xb8;
	[tilespmem:$0x19000] =	vst v63  }
0xf0: {  	s12 =	simm.s32 $0x8800  }
0xf1: {  	[tilespmem:s12], [sflag:$0x2] =	stream.indirect_vreg.gather [hbm4b:s11+s3], $0x80, v2, vm0, $0xb8;
	[tilespmem:$0x19000] =	vst v63  }
0xf2: {  	_ =	swait.ge [sflag:s19], $0x4000  }
0xf3: {  	[sflag:s19] =	ssyncset.done $0x0  }
0xf4: {  	s12 =	simm.s32 $0xD000;
	s13 =	rddreg [dreg:$0x7];
	[sflag:s19] =	ssyncadd.s32 $0xFFFFC000  }
0xf5: {  	[hbm4b:s13+s3] =	stream.linear.scatter [tilespmem:s12], [sflag:$0xA], $0x4000, $0x38;
	[tilespmem:$0x19000] =	vst v63  }
0xf6: {  	_ =	swait.ge [sflag:s20], $0x4000  }
0xf7: {  	[sflag:s20] =	ssyncset.done $0x0  }
0xf8: {  	[sflag:s20] =	ssyncadd.s32 $0xFFFFC000  }
0xf9: {  	v2 =	vld.msk [tilespmem:$0x400], $0xff;
	_ =	sdelay $0x4  }
0xfa: {  	v3 =	vshll.u32 v2, $0x4  }
0xfb: {  	v2 =	vand.u32 $0x7, v2;
	v3 =	vand.u32 $0xFFFFFF80, v3  }
0xfc: {  	v2 =	vor.u32 v2, v3  }
0xfd: {  	v2 =	vperm.xlane v2, v0;
	_ =	sdelay $0x1  }
0xfe: {  	v2 =	vadd.s32 v1, v2;
	_ =	sdelay $0x4  }
0xff: {  	[tilespmem:s29], [sflag:$0x3] =	stream.indirect_vreg.gather [hbm4b:s2+s3], $0x80, v2, vm0, $0xb8;
	[tilespmem:$0x19000] =	vst v63  }
0x100: {  	s13 =	simm.s32 $0x9800  }
0x101: {  	[tilespmem:s13], [sflag:$0x3] =	stream.indirect_vreg.gather [hbm4b:s5+s3], $0x80, v2, vm0, $0xb8;
	[tilespmem:$0x19000] =	vst v63  }
0x102: {  	s14 =	simm.s32 $0xA000  }
0x103: {  	[tilespmem:s14], [sflag:$0x3] =	stream.indirect_vreg.gather [hbm4b:s6+s3], $0x80, v2, vm0, $0xb8;
	[tilespmem:$0x19000] =	vst v63  }
0x104: {  	s28 =	simm.s32 $0xA800  }
0x105: {  	[tilespmem:s28], [sflag:$0x3] =	stream.indirect_vreg.gather [hbm4b:s7+s3], $0x80, v2, vm0, $0xb8;
	[tilespmem:$0x19000] =	vst v63  }
0x106: {  	s29 =	simm.s32 $0xB000  }
0x107: {  	[tilespmem:s29], [sflag:$0x3] =	stream.indirect_vreg.gather [hbm4b:s8+s3], $0x80, v2, vm0, $0xb8;
	[tilespmem:$0x19000] =	vst v63  }
0x108: {  	s14 =	simm.s32 $0xB800  }
0x109: {  	[tilespmem:s14], [sflag:$0x3] =	stream.indirect_vreg.gather [hbm4b:s9+s3], $0x80, v2, vm0, $0xb8;
	[tilespmem:$0x19000] =	vst v63  }
0x10a: {  	s28 =	simm.s32 $0xC000  }
0x10b: {  	[tilespmem:s28], [sflag:$0x3] =	stream.indirect_vreg.gather [hbm4b:s10+s3], $0x80, v2, vm0, $0xb8;
	[tilespmem:$0x19000] =	vst v63  }
0x10c: {  	s29 =	simm.s32 $0xC800  }
0x10d: {  	[tilespmem:s29], [sflag:$0x3] =	stream.indirect_vreg.gather [hbm4b:s11+s3], $0x80, v2, vm0, $0xb8;
	[tilespmem:$0x19000] =	vst v63  }
0x10e: {  	_ =	swait.ge [sflag:s21], $0x4000  }
0x10f: {  	[sflag:s21] =	ssyncset.done $0x0  }
0x110: {  	s0 =	simm.s32 $0x11000;
	s14 =	rddreg [dreg:$0x8];
	[sflag:s21] =	ssyncadd.s32 $0xFFFFC000  }
0x111: {  	[hbm4b:s14+s3] =	stream.linear.scatter [tilespmem:s0], [sflag:$0xB], $0x4000, $0x38;
	[tilespmem:$0x19000] =	vst v63  }
0x112: {  	_ =	swait.ge [sflag:s23], $0x4000  }
0x113: {  	[sflag:s23] =	ssyncset.done $0x0  }
0x114: {  	[sflag:s23] =	ssyncadd.s32 $0xFFFFC000  }
0x115: {  	v2 =	vld.msk [tilespmem:$0x480], $0xff;
	_ =	sdelay $0x4  }
0x116: {  	v3 =	vshll.u32 v2, $0x4  }
0x117: {  	v2 =	vand.u32 $0x7, v2;
	v3 =	vand.u32 $0xFFFFFF80, v3  }
0x118: {  	v2 =	vor.u32 v2, v3  }
0x119: {  	v2 =	vperm.xlane v2, v0;
	_ =	sdelay $0x1  }
0x11a: {  	v2 =	vadd.s32 v1, v2;
	_ =	sdelay $0x4  }
0x11b: {  	[tilespmem:s12], [sflag:$0x4] =	stream.indirect_vreg.gather [hbm4b:s2+s3], $0x80, v2, vm0, $0xb8;
	[tilespmem:$0x19000] =	vst v63  }
0x11c: {  	s4 =	simm.s32 $0xD800  }
0x11d: {  	[tilespmem:s4], [sflag:$0x4] =	stream.indirect_vreg.gather [hbm4b:s5+s3], $0x80, v2, vm0, $0xb8;
	[tilespmem:$0x19000] =	vst v63  }
0x11e: {  	s30 =	simm.s32 $0xE000  }
0x11f: {  	[tilespmem:s30], [sflag:$0x4] =	stream.indirect_vreg.gather [hbm4b:s6+s3], $0x80, v2, vm0, $0xb8;
	[tilespmem:$0x19000] =	vst v63  }
0x120: {  	s22 =	simm.s32 $0xE800  }
0x121: {  	[tilespmem:s22], [sflag:$0x4] =	stream.indirect_vreg.gather [hbm4b:s7+s3], $0x80, v2, vm0, $0xb8;
	[tilespmem:$0x19000] =	vst v63  }
0x122: {  	s14 =	simm.s32 $0xF000  }
0x123: {  	[tilespmem:s14], [sflag:$0x4] =	stream.indirect_vreg.gather [hbm4b:s8+s3], $0x80, v2, vm0, $0xb8;
	[tilespmem:$0x19000] =	vst v63  }
0x124: {  	s28 =	simm.s32 $0xF800  }
0x125: {  	[tilespmem:s28], [sflag:$0x4] =	stream.indirect_vreg.gather [hbm4b:s9+s3], $0x80, v2, vm0, $0xb8;
	[tilespmem:$0x19000] =	vst v63  }
0x126: {  	s29 =	simm.s32 $0x10000  }
0x127: {  	[tilespmem:s29], [sflag:$0x4] =	stream.indirect_vreg.gather [hbm4b:s10+s3], $0x80, v2, vm0, $0xb8;
	[tilespmem:$0x19000] =	vst v63  }
0x128: {  	s17 =	simm.s32 $0x10800  }
0x129: {  	[tilespmem:s17], [sflag:$0x4] =	stream.indirect_vreg.gather [hbm4b:s11+s3], $0x80, v2, vm0, $0xb8;
	[tilespmem:$0x19000] =	vst v63  }
0x12a: {  	_ =	swait.ge [sflag:s24], $0x4000  }
0x12b: {  	[sflag:s24] =	ssyncset.done $0x0  }
0x12c: {  	s17 =	simm.s32 $0x15000;
	s30 =	rddreg [dreg:$0x9];
	[sflag:s24] =	ssyncadd.s32 $0xFFFFC000  }
0x12d: {  	[hbm4b:s30+s3] =	stream.linear.scatter [tilespmem:s17], [sflag:$0xC], $0x4000, $0x38;
	[tilespmem:$0x19000] =	vst v63  }
0x12e: {  	_ =	swait.ge [sflag:s25], $0x4000  }
0x12f: {  	[sflag:s25] =	ssyncset.done $0x0  }
0x130: {  	[sflag:s25] =	ssyncadd.s32 $0xFFFFC000  }
0x131: {  	v2 =	vld.msk [tilespmem:$0x500], $0xff;
	_ =	sdelay $0x4  }
0x132: {  	v3 =	vshll.u32 v2, $0x4  }
0x133: {  	v2 =	vand.u32 $0x7, v2;
	v3 =	vand.u32 $0xFFFFFF80, v3  }
0x134: {  	v2 =	vor.u32 v2, v3  }
0x135: {  	v2 =	vperm.xlane v2, v0;
	_ =	sdelay $0x1  }
0x136: {  	v2 =	vadd.s32 v1, v2;
	_ =	sdelay $0x4  }
0x137: {  	[tilespmem:s0], [sflag:$0x5] =	stream.indirect_vreg.gather [hbm4b:s2+s3], $0x80, v2, vm0, $0xb8;
	[tilespmem:$0x19000] =	vst v63  }
0x138: {  	s4 =	simm.s32 $0x11800  }
0x139: {  	[tilespmem:s4], [sflag:$0x5] =	stream.indirect_vreg.gather [hbm4b:s5+s3], $0x80, v2, vm0, $0xb8;
	[tilespmem:$0x19000] =	vst v63  }
0x13a: {  	s30 =	simm.s32 $0x12000  }
0x13b: {  	[tilespmem:s30], [sflag:$0x5] =	stream.indirect_vreg.gather [hbm4b:s6+s3], $0x80, v2, vm0, $0xb8;
	[tilespmem:$0x19000] =	vst v63  }
0x13c: {  	s12 =	simm.s32 $0x12800  }
0x13d: {  	[tilespmem:s12], [sflag:$0x5] =	stream.indirect_vreg.gather [hbm4b:s7+s3], $0x80, v2, vm0, $0xb8;
	[tilespmem:$0x19000] =	vst v63  }
0x13e: {  	s29 =	simm.s32 $0x13000  }
0x13f: {  	[tilespmem:s29], [sflag:$0x5] =	stream.indirect_vreg.gather [hbm4b:s8+s3], $0x80, v2, vm0, $0xb8;
	[tilespmem:$0x19000] =	vst v63  }
0x140: {  	s22 =	simm.s32 $0x13800  }
0x141: {  	[tilespmem:s22], [sflag:$0x5] =	stream.indirect_vreg.gather [hbm4b:s9+s3], $0x80, v2, vm0, $0xb8;
	[tilespmem:$0x19000] =	vst v63  }
0x142: {  	s28 =	simm.s32 $0x14000  }
0x143: {  	[tilespmem:s28], [sflag:$0x5] =	stream.indirect_vreg.gather [hbm4b:s10+s3], $0x80, v2, vm0, $0xb8;
	[tilespmem:$0x19000] =	vst v63  }
0x144: {  	s4 =	simm.s32 $0x14800  }
0x145: {  	[tilespmem:s4], [sflag:$0x5] =	stream.indirect_vreg.gather [hbm4b:s11+s3], $0x80, v2, vm0, $0xb8;
	[tilespmem:$0x19000] =	vst v63  }
0x146: {  	_ =	swait.ge [sflag:s1], $0x4000  }
0x147: {  	[sflag:s1] =	ssyncset.done $0x0  }
0x148: {  	s0 =	simm.s32 $0x1000;
	s12 =	rddreg [dreg:$0xa];
	[sflag:s1] =	ssyncadd.s32 $0xFFFFC000  }
0x149: {  	[hbm4b:s12+s3] =	stream.linear.scatter [tilespmem:s0], [sflag:$0x7], $0x4000, $0x38;
	[tilespmem:$0x19000] =	vst v63  }
0x14a: {  	_ =	swait.ge [sflag:s26], $0x4000  }
0x14b: {  	[sflag:s26] =	ssyncset.done $0x0  }
0x14c: {  	[sflag:s26] =	ssyncadd.s32 $0xFFFFC000  }
0x14d: {  	v2 =	vld.msk [tilespmem:$0x580], $0xff;
	_ =	sdelay $0x4  }
0x14e: {  	v3 =	vshll.u32 v2, $0x4  }
0x14f: {  	v2 =	vand.u32 $0x7, v2;
	v3 =	vand.u32 $0xFFFFFF80, v3  }
0x150: {  	v2 =	vor.u32 v2, v3  }
0x151: {  	v2 =	vperm.xlane v2, v0;
	_ =	sdelay $0x1  }
0x152: {  	v2 =	vadd.s32 v1, v2;
	_ =	sdelay $0x4  }
0x153: {  	[tilespmem:s17], [sflag:$0x6] =	stream.indirect_vreg.gather [hbm4b:s2+s3], $0x80, v2, vm0, $0xb8;
	[tilespmem:$0x19000] =	vst v63  }
0x154: {  	s17 =	simm.s32 $0x15800  }
0x155: {  	[tilespmem:s17], [sflag:$0x6] =	stream.indirect_vreg.gather [hbm4b:s5+s3], $0x80, v2, vm0, $0xb8;
	[tilespmem:$0x19000] =	vst v63  }
0x156: {  	s22 =	simm.s32 $0x16000  }
0x157: {  	[tilespmem:s22], [sflag:$0x6] =	stream.indirect_vreg.gather [hbm4b:s6+s3], $0x80, v2, vm0, $0xb8;
	[tilespmem:$0x19000] =	vst v63  }
0x158: {  	s28 =	simm.s32 $0x16800  }
0x159: {  	[tilespmem:s28], [sflag:$0x6] =	stream.indirect_vreg.gather [hbm4b:s7+s3], $0x80, v2, vm0, $0xb8;
	[tilespmem:$0x19000] =	vst v63  }
0x15a: {  	s12 =	simm.s32 $0x17000  }
0x15b: {  	[tilespmem:s12], [sflag:$0x6] =	stream.indirect_vreg.gather [hbm4b:s8+s3], $0x80, v2, vm0, $0xb8;
	[tilespmem:$0x19000] =	vst v63  }
0x15c: {  	s17 =	simm.s32 $0x17800  }
0x15d: {  	[tilespmem:s17], [sflag:$0x6] =	stream.indirect_vreg.gather [hbm4b:s9+s3], $0x80, v2, vm0, $0xb8;
	[tilespmem:$0x19000] =	vst v63  }
0x15e: {  	s22 =	simm.s32 $0x18000  }
0x15f: {  	[tilespmem:s22], [sflag:$0x6] =	stream.indirect_vreg.gather [hbm4b:s10+s3], $0x80, v2, vm0, $0xb8;
	[tilespmem:$0x19000] =	vst v63  }
0x160: {  	s28 =	simm.s32 $0x18800  }
0x161: {  	[tilespmem:s28], [sflag:$0x6] =	stream.indirect_vreg.gather [hbm4b:s11+s3], $0x80, v2, vm0, $0xb8;
	[tilespmem:$0x19000] =	vst v63  }
0x162: {  	_ =	swait.ge [sflag:s15], $0x4000  }
0x163: {  	[sflag:s15] =	ssyncset.done $0x0  }
0x164: {  	s17 =	simm.s32 $0x5000;
	s12 =	rddreg [dreg:$0xb];
	[sflag:s15] =	ssyncadd.s32 $0xFFFFC000  }
0x165: {  	[hbm4b:s12+s3] =	stream.linear.scatter [tilespmem:s17], [sflag:$0x8], $0x4000, $0x38;
	[tilespmem:$0x19000] =	vst v63  }
0x166: {  	_ =	swait.ge [sflag:s16], $0x4000  }
0x167: {  	[sflag:s16] =	ssyncset.done $0x0  }
0x168: {  	[sflag:s16] =	ssyncadd.s32 $0xFFFFC000  }
0x169: {  	v2 =	vld.msk [tilespmem:$0x600], $0xff;
	_ =	sdelay $0x4  }
0x16a: {  	v3 =	vshll.u32 v2, $0x4  }
0x16b: {  	v2 =	vand.u32 $0x7, v2;
	v3 =	vand.u32 $0xFFFFFF80, v3  }
0x16c: {  	v2 =	vor.u32 v2, v3  }
0x16d: {  	v2 =	vperm.xlane v2, v0;
	_ =	sdelay $0x1  }
0x16e: {  	v2 =	vadd.s32 v1, v2;
	_ =	sdelay $0x4  }
0x16f: {  	[tilespmem:s0], [sflag:$0x1] =	stream.indirect_vreg.gather [hbm4b:s2+s3], $0x80, v2, vm0, $0xb8;
	[tilespmem:$0x19000] =	vst v63  }
0x170: {  	s22 =	simm.s32 $0x1800  }
0x171: {  	[tilespmem:s22], [sflag:$0x1] =	stream.indirect_vreg.gather [hbm4b:s5+s3], $0x80, v2, vm0, $0xb8;
	[tilespmem:$0x19000] =	vst v63  }
0x172: {  	s28 =	simm.s32 $0x2000  }
0x173: {  	[tilespmem:s28], [sflag:$0x1] =	stream.indirect_vreg.gather [hbm4b:s6+s3], $0x80, v2, vm0, $0xb8;
	[tilespmem:$0x19000] =	vst v63  }
0x174: {  	s4 =	simm.s32 $0x2800  }
0x175: {  	[tilespmem:s4], [sflag:$0x1] =	stream.indirect_vreg.gather [hbm4b:s7+s3], $0x80, v2, vm0, $0xb8;
	[tilespmem:$0x19000] =	vst v63  }
0x176: {  	s12 =	simm.s32 $0x3000  }
0x177: {  	[tilespmem:s12], [sflag:$0x1] =	stream.indirect_vreg.gather [hbm4b:s8+s3], $0x80, v2, vm0, $0xb8;
	[tilespmem:$0x19000] =	vst v63  }
0x178: {  	s22 =	simm.s32 $0x3800  }
0x179: {  	[tilespmem:s22], [sflag:$0x1] =	stream.indirect_vreg.gather [hbm4b:s9+s3], $0x80, v2, vm0, $0xb8;
	[tilespmem:$0x19000] =	vst v63  }
0x17a: {  	s28 =	simm.s32 $0x4000  }
0x17b: {  	[tilespmem:s28], [sflag:$0x1] =	stream.indirect_vreg.gather [hbm4b:s10+s3], $0x80, v2, vm0, $0xb8;
	[tilespmem:$0x19000] =	vst v63  }
0x17c: {  	s4 =	simm.s32 $0x4800  }
0x17d: {  	[tilespmem:s4], [sflag:$0x1] =	stream.indirect_vreg.gather [hbm4b:s11+s3], $0x80, v2, vm0, $0xb8;
	[tilespmem:$0x19000] =	vst v63  }
0x17e: {  	_ =	swait.ge [sflag:s31], $0x4000  }
0x17f: {  	[sflag:s31] =	ssyncset.done $0x0  }
0x180: {  	s22 =	simm.s32 $0x9000;
	s12 =	rddreg [dreg:$0xc];
	[sflag:s31] =	ssyncadd.s32 $0xFFFFC000  }
0x181: {  	[hbm4b:s12+s3] =	stream.linear.scatter [tilespmem:s22], [sflag:$0x9], $0x4000, $0x38;
	[tilespmem:$0x19000] =	vst v63  }
0x182: {  	_ =	swait.ge [sflag:s18], $0x4000  }
0x183: {  	[sflag:s18] =	ssyncset.done $0x0  }
0x184: {  	[sflag:s18] =	ssyncadd.s32 $0xFFFFC000  }
0x185: {  	v2 =	vld.msk [tilespmem:$0x680], $0xff;
	_ =	sdelay $0x4  }
0x186: {  	v3 =	vshll.u32 v2, $0x4  }
0x187: {  	v2 =	vand.u32 $0x7, v2;
	v3 =	vand.u32 $0xFFFFFF80, v3  }
0x188: {  	v2 =	vor.u32 v2, v3  }
0x189: {  	v2 =	vperm.xlane v2, v0;
	_ =	sdelay $0x1  }
0x18a: {  	v2 =	vadd.s32 v1, v2;
	_ =	sdelay $0x4  }
0x18b: {  	[tilespmem:s17], [sflag:$0x2] =	stream.indirect_vreg.gather [hbm4b:s2+s3], $0x80, v2, vm0, $0xb8;
	[tilespmem:$0x19000] =	vst v63  }
0x18c: {  	s28 =	simm.s32 $0x5800  }
0x18d: {  	[tilespmem:s28], [sflag:$0x2] =	stream.indirect_vreg.gather [hbm4b:s5+s3], $0x80, v2, vm0, $0xb8;
	[tilespmem:$0x19000] =	vst v63  }
0x18e: {  	s4 =	simm.s32 $0x6000  }
0x18f: {  	[tilespmem:s4], [sflag:$0x2] =	stream.indirect_vreg.gather [hbm4b:s6+s3], $0x80, v2, vm0, $0xb8;
	[tilespmem:$0x19000] =	vst v63  }
0x190: {  	s12 =	simm.s32 $0x6800  }
0x191: {  	[tilespmem:s12], [sflag:$0x2] =	stream.indirect_vreg.gather [hbm4b:s7+s3], $0x80, v2, vm0, $0xb8;
	[tilespmem:$0x19000] =	vst v63  }
0x192: {  	s17 =	simm.s32 $0x7000  }
0x193: {  	[tilespmem:s17], [sflag:$0x2] =	stream.indirect_vreg.gather [hbm4b:s8+s3], $0x80, v2, vm0, $0xb8;
	[tilespmem:$0x19000] =	vst v63  }
0x194: {  	s28 =	simm.s32 $0x7800  }
0x195: {  	[tilespmem:s28], [sflag:$0x2] =	stream.indirect_vreg.gather [hbm4b:s9+s3], $0x80, v2, vm0, $0xb8;
	[tilespmem:$0x19000] =	vst v63  }
0x196: {  	s4 =	simm.s32 $0x8000  }
0x197: {  	[tilespmem:s4], [sflag:$0x2] =	stream.indirect_vreg.gather [hbm4b:s10+s3], $0x80, v2, vm0, $0xb8;
	[tilespmem:$0x19000] =	vst v63  }
0x198: {  	s12 =	simm.s32 $0x8800  }
0x199: {  	[tilespmem:s12], [sflag:$0x2] =	stream.indirect_vreg.gather [hbm4b:s11+s3], $0x80, v2, vm0, $0xb8;
	[tilespmem:$0x19000] =	vst v63  }
0x19a: {  	_ =	swait.ge [sflag:s19], $0x4000  }
0x19b: {  	[sflag:s19] =	ssyncset.done $0x0  }
0x19c: {  	s0 =	simm.s32 $0xD000;
	s17 =	rddreg [dreg:$0xd];
	[sflag:s19] =	ssyncadd.s32 $0xFFFFC000  }
0x19d: {  	[hbm4b:s17+s3] =	stream.linear.scatter [tilespmem:s0], [sflag:$0xA], $0x4000, $0x38;
	[tilespmem:$0x19000] =	vst v63  }
0x19e: {  	_ =	swait.ge [sflag:s20], $0x4000  }
0x19f: {  	[sflag:s20] =	ssyncset.done $0x0  }
0x1a0: {  	[sflag:s20] =	ssyncadd.s32 $0xFFFFC000  }
0x1a1: {  	v2 =	vld.msk [tilespmem:$0x700], $0xff;
	_ =	sdelay $0x4  }
0x1a2: {  	v3 =	vshll.u32 v2, $0x4  }
0x1a3: {  	v2 =	vand.u32 $0x7, v2;
	v3 =	vand.u32 $0xFFFFFF80, v3  }
0x1a4: {  	v2 =	vor.u32 v2, v3  }
0x1a5: {  	v2 =	vperm.xlane v2, v0;
	_ =	sdelay $0x1  }
0x1a6: {  	v2 =	vadd.s32 v1, v2;
	_ =	sdelay $0x4  }
0x1a7: {  	[tilespmem:s22], [sflag:$0x3] =	stream.indirect_vreg.gather [hbm4b:s2+s3], $0x80, v2, vm0, $0xb8;
	[tilespmem:$0x19000] =	vst v63  }
0x1a8: {  	_ = 	snop  }
0x1a9: {  	[tilespmem:s13], [sflag:$0x3] =	stream.indirect_vreg.gather [hbm4b:s5+s3], $0x80, v2, vm0, $0xb8;
	[tilespmem:$0x19000] =	vst v63  }
0x1aa: {  	s22 =	simm.s32 $0xA000  }
0x1ab: {  	[tilespmem:s22], [sflag:$0x3] =	stream.indirect_vreg.gather [hbm4b:s6+s3], $0x80, v2, vm0, $0xb8;
	[tilespmem:$0x19000] =	vst v63  }
0x1ac: {  	s28 =	simm.s32 $0xA800  }
0x1ad: {  	[tilespmem:s28], [sflag:$0x3] =	stream.indirect_vreg.gather [hbm4b:s7+s3], $0x80, v2, vm0, $0xb8;
	[tilespmem:$0x19000] =	vst v63  }
0x1ae: {  	s13 =	simm.s32 $0xB000  }
0x1af: {  	[tilespmem:s13], [sflag:$0x3] =	stream.indirect_vreg.gather [hbm4b:s8+s3], $0x80, v2, vm0, $0xb8;
	[tilespmem:$0x19000] =	vst v63  }
0x1b0: {  	s17 =	simm.s32 $0xB800  }
0x1b1: {  	[tilespmem:s17], [sflag:$0x3] =	stream.indirect_vreg.gather [hbm4b:s9+s3], $0x80, v2, vm0, $0xb8;
	[tilespmem:$0x19000] =	vst v63  }
0x1b2: {  	s22 =	simm.s32 $0xC000  }
0x1b3: {  	[tilespmem:s22], [sflag:$0x3] =	stream.indirect_vreg.gather [hbm4b:s10+s3], $0x80, v2, vm0, $0xb8;
	[tilespmem:$0x19000] =	vst v63  }
0x1b4: {  	s28 =	simm.s32 $0xC800  }
0x1b5: {  	[tilespmem:s28], [sflag:$0x3] =	stream.indirect_vreg.gather [hbm4b:s11+s3], $0x80, v2, vm0, $0xb8;
	[tilespmem:$0x19000] =	vst v63  }
0x1b6: {  	_ =	swait.ge [sflag:s21], $0x4000  }
0x1b7: {  	[sflag:s21] =	ssyncset.done $0x0  }
0x1b8: {  	s13 =	simm.s32 $0x11000;
	s4 =	rddreg [dreg:$0xe];
	[sflag:s21] =	ssyncadd.s32 $0xFFFFC000  }
0x1b9: {  	[hbm4b:s4+s3] =	stream.linear.scatter [tilespmem:s13], [sflag:$0xB], $0x4000, $0x38;
	[tilespmem:$0x19000] =	vst v63  }
0x1ba: {  	_ =	swait.ge [sflag:s23], $0x4000  }
0x1bb: {  	[sflag:s23] =	ssyncset.done $0x0  }
0x1bc: {  	[sflag:s23] =	ssyncadd.s32 $0xFFFFC000  }
0x1bd: {  	v2 =	vld.msk [tilespmem:$0x780], $0xff;
	_ =	sdelay $0x4  }
0x1be: {  	v3 =	vshll.u32 v2, $0x4  }
0x1bf: {  	v2 =	vand.u32 $0x7, v2;
	v3 =	vand.u32 $0xFFFFFF80, v3  }
0x1c0: {  	v2 =	vor.u32 v2, v3  }
0x1c1: {  	v2 =	vperm.xlane v2, v0;
	_ =	sdelay $0x1  }
0x1c2: {  	v2 =	vadd.s32 v1, v2;
	_ =	sdelay $0x4  }
0x1c3: {  	[tilespmem:s0], [sflag:$0x4] =	stream.indirect_vreg.gather [hbm4b:s2+s3], $0x80, v2, vm0, $0xb8;
	[tilespmem:$0x19000] =	vst v63  }
0x1c4: {  	s22 =	simm.s32 $0xD800  }
0x1c5: {  	[tilespmem:s22], [sflag:$0x4] =	stream.indirect_vreg.gather [hbm4b:s5+s3], $0x80, v2, vm0, $0xb8;
	[tilespmem:$0x19000] =	vst v63  }
0x1c6: {  	s17 =	simm.s32 $0xE000  }
0x1c7: {  	[tilespmem:s17], [sflag:$0x4] =	stream.indirect_vreg.gather [hbm4b:s6+s3], $0x80, v2, vm0, $0xb8;
	[tilespmem:$0x19000] =	vst v63  }
0x1c8: {  	s28 =	simm.s32 $0xE800  }
0x1c9: {  	[tilespmem:s28], [sflag:$0x4] =	stream.indirect_vreg.gather [hbm4b:s7+s3], $0x80, v2, vm0, $0xb8;
	[tilespmem:$0x19000] =	vst v63  }
0x1ca: {  	_ = 	snop  }
0x1cb: {  	[tilespmem:s14], [sflag:$0x4] =	stream.indirect_vreg.gather [hbm4b:s8+s3], $0x80, v2, vm0, $0xb8;
	[tilespmem:$0x19000] =	vst v63  }
0x1cc: {  	s17 =	simm.s32 $0xF800  }
0x1cd: {  	[tilespmem:s17], [sflag:$0x4] =	stream.indirect_vreg.gather [hbm4b:s9+s3], $0x80, v2, vm0, $0xb8;
	[tilespmem:$0x19000] =	vst v63  }
0x1ce: {  	s14 =	simm.s32 $0x10000  }
0x1cf: {  	[tilespmem:s14], [sflag:$0x4] =	stream.indirect_vreg.gather [hbm4b:s10+s3], $0x80, v2, vm0, $0xb8;
	[tilespmem:$0x19000] =	vst v63  }
0x1d0: {  	s28 =	simm.s32 $0x10800  }
0x1d1: {  	[tilespmem:s28], [sflag:$0x4] =	stream.indirect_vreg.gather [hbm4b:s11+s3], $0x80, v2, vm0, $0xb8;
	[tilespmem:$0x19000] =	vst v63  }
0x1d2: {  	_ =	swait.ge [sflag:s24], $0x4000  }
0x1d3: {  	[sflag:s24] =	ssyncset.done $0x0  }
0x1d4: {  	s0 =	simm.s32 $0x15000;
	s14 =	rddreg [dreg:$0xf];
	[sflag:s24] =	ssyncadd.s32 $0xFFFFC000  }
0x1d5: {  	[hbm4b:s14+s3] =	stream.linear.scatter [tilespmem:s0], [sflag:$0xC], $0x4000, $0x38;
	[tilespmem:$0x19000] =	vst v63  }
0x1d6: {  	_ =	swait.ge [sflag:s25], $0x4000  }
0x1d7: {  	[sflag:s25] =	ssyncset.done $0x0  }
0x1d8: {  	[sflag:s25] =	ssyncadd.s32 $0xFFFFC000  }
0x1d9: {  	v2 =	vld.msk [tilespmem:$0x800], $0xff;
	_ =	sdelay $0x4  }
0x1da: {  	v3 =	vshll.u32 v2, $0x4  }
0x1db: {  	v2 =	vand.u32 $0x7, v2;
	v3 =	vand.u32 $0xFFFFFF80, v3  }
0x1dc: {  	v2 =	vor.u32 v2, v3  }
0x1dd: {  	v2 =	vperm.xlane v2, v0;
	_ =	sdelay $0x1  }
0x1de: {  	v2 =	vadd.s32 v1, v2;
	_ =	sdelay $0x4  }
0x1df: {  	[tilespmem:s13], [sflag:$0x5] =	stream.indirect_vreg.gather [hbm4b:s2+s3], $0x80, v2, vm0, $0xb8;
	[tilespmem:$0x19000] =	vst v63  }
0x1e0: {  	s14 =	simm.s32 $0x11800  }
0x1e1: {  	[tilespmem:s14], [sflag:$0x5] =	stream.indirect_vreg.gather [hbm4b:s5+s3], $0x80, v2, vm0, $0xb8;
	[tilespmem:$0x19000] =	vst v63  }
0x1e2: {  	_ = 	snop  }
0x1e3: {  	[tilespmem:s30], [sflag:$0x5] =	stream.indirect_vreg.gather [hbm4b:s6+s3], $0x80, v2, vm0, $0xb8;
	[tilespmem:$0x19000] =	vst v63  }
0x1e4: {  	s28 =	simm.s32 $0x12800  }
0x1e5: {  	[tilespmem:s28], [sflag:$0x5] =	stream.indirect_vreg.gather [hbm4b:s7+s3], $0x80, v2, vm0, $0xb8;
	[tilespmem:$0x19000] =	vst v63  }
0x1e6: {  	_ = 	snop  }
0x1e7: {  	[tilespmem:s29], [sflag:$0x5] =	stream.indirect_vreg.gather [hbm4b:s8+s3], $0x80, v2, vm0, $0xb8;
	[tilespmem:$0x19000] =	vst v63  }
0x1e8: {  	s29 =	simm.s32 $0x13800  }
0x1e9: {  	[tilespmem:s29], [sflag:$0x5] =	stream.indirect_vreg.gather [hbm4b:s9+s3], $0x80, v2, vm0, $0xb8;
	[tilespmem:$0x19000] =	vst v63  }
0x1ea: {  	s30 =	simm.s32 $0x14000  }
0x1eb: {  	[tilespmem:s30], [sflag:$0x5] =	stream.indirect_vreg.gather [hbm4b:s10+s3], $0x80, v2, vm0, $0xb8;
	[tilespmem:$0x19000] =	vst v63  }
0x1ec: {  	s14 =	simm.s32 $0x14800  }
0x1ed: {  	[tilespmem:s14], [sflag:$0x5] =	stream.indirect_vreg.gather [hbm4b:s11+s3], $0x80, v2, vm0, $0xb8;
	[tilespmem:$0x19000] =	vst v63  }
0x1ee: {  	_ =	swait.ge [sflag:s1], $0x4000  }
0x1ef: {  	[sflag:s1] =	ssyncset.done $0x0  }
0x1f0: {  	s30 =	simm.s32 $0x1000;
	s13 =	rddreg [dreg:$0x10];
	[sflag:s1] =	ssyncadd.s32 $0xFFFFC000  }
0x1f1: {  	[hbm4b:s13+s3] =	stream.linear.scatter [tilespmem:s30], [sflag:$0x7], $0x4000, $0x38;
	[tilespmem:$0x19000] =	vst v63  }
0x1f2: {  	_ =	swait.ge [sflag:s26], $0x4000  }
0x1f3: {  	[sflag:s26] =	ssyncset.done $0x0  }
0x1f4: {  	[sflag:s26] =	ssyncadd.s32 $0xFFFFC000  }
0x1f5: {  	v2 =	vld.msk [tilespmem:$0x880], $0xff;
	_ =	sdelay $0x4  }
0x1f6: {  	v3 =	vshll.u32 v2, $0x4  }
0x1f7: {  	v2 =	vand.u32 $0x7, v2;
	v3 =	vand.u32 $0xFFFFFF80, v3  }
0x1f8: {  	v2 =	vor.u32 v2, v3  }
0x1f9: {  	v2 =	vperm.xlane v2, v0;
	_ =	sdelay $0x1  }
0x1fa: {  	v2 =	vadd.s32 v1, v2;
	_ =	sdelay $0x4  }
0x1fb: {  	[tilespmem:s0], [sflag:$0x6] =	stream.indirect_vreg.gather [hbm4b:s2+s3], $0x80, v2, vm0, $0xb8;
	[tilespmem:$0x19000] =	vst v63  }
0x1fc: {  	s29 =	simm.s32 $0x15800  }
0x1fd: {  	[tilespmem:s29], [sflag:$0x6] =	stream.indirect_vreg.gather [hbm4b:s5+s3], $0x80, v2, vm0, $0xb8;
	[tilespmem:$0x19000] =	vst v63  }
0x1fe: {  	s13 =	simm.s32 $0x16000  }
0x1ff: {  	[tilespmem:s13], [sflag:$0x6] =	stream.indirect_vreg.gather [hbm4b:s6+s3], $0x80, v2, vm0, $0xb8;
	[tilespmem:$0x19000] =	vst v63  }
0x200: {  	s28 =	simm.s32 $0x16800  }
0x201: {  	[tilespmem:s28], [sflag:$0x6] =	stream.indirect_vreg.gather [hbm4b:s7+s3], $0x80, v2, vm0, $0xb8;
	[tilespmem:$0x19000] =	vst v63  }
0x202: {  	s29 =	simm.s32 $0x17000  }
0x203: {  	[tilespmem:s29], [sflag:$0x6] =	stream.indirect_vreg.gather [hbm4b:s8+s3], $0x80, v2, vm0, $0xb8;
	[tilespmem:$0x19000] =	vst v63  }
0x204: {  	s13 =	simm.s32 $0x17800  }
0x205: {  	[tilespmem:s13], [sflag:$0x6] =	stream.indirect_vreg.gather [hbm4b:s9+s3], $0x80, v2, vm0, $0xb8;
	[tilespmem:$0x19000] =	vst v63  }
0x206: {  	s28 =	simm.s32 $0x18000  }
0x207: {  	[tilespmem:s28], [sflag:$0x6] =	stream.indirect_vreg.gather [hbm4b:s10+s3], $0x80, v2, vm0, $0xb8;
	[tilespmem:$0x19000] =	vst v63  }
0x208: {  	s29 =	simm.s32 $0x18800  }
0x209: {  	[tilespmem:s29], [sflag:$0x6] =	stream.indirect_vreg.gather [hbm4b:s11+s3], $0x80, v2, vm0, $0xb8;
	[tilespmem:$0x19000] =	vst v63  }
0x20a: {  	_ =	swait.ge [sflag:s15], $0x4000  }
0x20b: {  	[sflag:s15] =	ssyncset.done $0x0  }
0x20c: {  	s0 =	simm.s32 $0x5000;
	s13 =	rddreg [dreg:$0x11];
	[sflag:s15] =	ssyncadd.s32 $0xFFFFC000  }
0x20d: {  	[hbm4b:s13+s3] =	stream.linear.scatter [tilespmem:s0], [sflag:$0x8], $0x4000, $0x38;
	[tilespmem:$0x19000] =	vst v63  }
0x20e: {  	_ =	swait.ge [sflag:s16], $0x4000  }
0x20f: {  	[sflag:s16] =	ssyncset.done $0x0  }
0x210: {  	[sflag:s16] =	ssyncadd.s32 $0xFFFFC000  }
0x211: {  	v2 =	vld.msk [tilespmem:$0x900], $0xff;
	_ =	sdelay $0x4  }
0x212: {  	v3 =	vshll.u32 v2, $0x4  }
0x213: {  	v2 =	vand.u32 $0x7, v2;
	v3 =	vand.u32 $0xFFFFFF80, v3  }
0x214: {  	v2 =	vor.u32 v2, v3  }
0x215: {  	v2 =	vperm.xlane v2, v0;
	_ =	sdelay $0x1  }
0x216: {  	v2 =	vadd.s32 v1, v2;
	_ =	sdelay $0x4  }
0x217: {  	[tilespmem:s30], [sflag:$0x1] =	stream.indirect_vreg.gather [hbm4b:s2+s3], $0x80, v2, vm0, $0xb8;
	[tilespmem:$0x19000] =	vst v63  }
0x218: {  	s30 =	simm.s32 $0x1800  }
0x219: {  	[tilespmem:s30], [sflag:$0x1] =	stream.indirect_vreg.gather [hbm4b:s5+s3], $0x80, v2, vm0, $0xb8;
	[tilespmem:$0x19000] =	vst v63  }
0x21a: {  	s29 =	simm.s32 $0x2000  }
0x21b: {  	[tilespmem:s29], [sflag:$0x1] =	stream.indirect_vreg.gather [hbm4b:s6+s3], $0x80, v2, vm0, $0xb8;
	[tilespmem:$0x19000] =	vst v63  }
0x21c: {  	s29 =	simm.s32 $0x2800  }
0x21d: {  	[tilespmem:s29], [sflag:$0x1] =	stream.indirect_vreg.gather [hbm4b:s7+s3], $0x80, v2, vm0, $0xb8;
	[tilespmem:$0x19000] =	vst v63  }
0x21e: {  	s29 =	simm.s32 $0x3000  }
0x21f: {  	[tilespmem:s29], [sflag:$0x1] =	stream.indirect_vreg.gather [hbm4b:s8+s3], $0x80, v2, vm0, $0xb8;
	[tilespmem:$0x19000] =	vst v63  }
0x220: {  	s29 =	simm.s32 $0x3800  }
0x221: {  	[tilespmem:s29], [sflag:$0x1] =	stream.indirect_vreg.gather [hbm4b:s9+s3], $0x80, v2, vm0, $0xb8;
	[tilespmem:$0x19000] =	vst v63  }
0x222: {  	s29 =	simm.s32 $0x4000  }
0x223: {  	[tilespmem:s29], [sflag:$0x1] =	stream.indirect_vreg.gather [hbm4b:s10+s3], $0x80, v2, vm0, $0xb8;
	[tilespmem:$0x19000] =	vst v63  }
0x224: {  	s29 =	simm.s32 $0x4800  }
0x225: {  	[tilespmem:s29], [sflag:$0x1] =	stream.indirect_vreg.gather [hbm4b:s11+s3], $0x80, v2, vm0, $0xb8;
	[tilespmem:$0x19000] =	vst v63  }
0x226: {  	_ =	swait.ge [sflag:s31], $0x4000  }
0x227: {  	[sflag:s31] =	ssyncset.done $0x0  }
0x228: {  	s12 =	simm.s32 $0x9000;
	s29 =	rddreg [dreg:$0x12];
	[sflag:s31] =	ssyncadd.s32 $0xFFFFC000  }
0x229: {  	[hbm4b:s29+s3] =	stream.linear.scatter [tilespmem:s12], [sflag:$0x9], $0x4000, $0x38;
	[tilespmem:$0x19000] =	vst v63  }
0x22a: {  	_ =	swait.ge [sflag:s18], $0x4000  }
0x22b: {  	[sflag:s18] =	ssyncset.done $0x0  }
0x22c: {  	[sflag:s18] =	ssyncadd.s32 $0xFFFFC000  }
0x22d: {  	v2 =	vld.msk [tilespmem:$0x980], $0xff;
	_ =	sdelay $0x4  }
0x22e: {  	v3 =	vshll.u32 v2, $0x4  }
0x22f: {  	v2 =	vand.u32 $0x7, v2;
	v3 =	vand.u32 $0xFFFFFF80, v3  }
0x230: {  	v2 =	vor.u32 v2, v3  }
0x231: {  	v2 =	vperm.xlane v2, v0;
	_ =	sdelay $0x1  }
0x232: {  	v2 =	vadd.s32 v1, v2;
	_ =	sdelay $0x4  }
0x233: {  	[tilespmem:s0], [sflag:$0x2] =	stream.indirect_vreg.gather [hbm4b:s2+s3], $0x80, v2, vm0, $0xb8;
	[tilespmem:$0x19000] =	vst v63  }
0x234: {  	s29 =	simm.s32 $0x5800  }
0x235: {  	[tilespmem:s29], [sflag:$0x2] =	stream.indirect_vreg.gather [hbm4b:s5+s3], $0x80, v2, vm0, $0xb8;
	[tilespmem:$0x19000] =	vst v63  }
0x236: {  	s28 =	simm.s32 $0x6000  }
0x237: {  	[tilespmem:s28], [sflag:$0x2] =	stream.indirect_vreg.gather [hbm4b:s6+s3], $0x80, v2, vm0, $0xb8;
	[tilespmem:$0x19000] =	vst v63  }
0x238: {  	s0 =	simm.s32 $0x6800  }
0x239: {  	[tilespmem:s0], [sflag:$0x2] =	stream.indirect_vreg.gather [hbm4b:s7+s3], $0x80, v2, vm0, $0xb8;
	[tilespmem:$0x19000] =	vst v63  }
0x23a: {  	s0 =	simm.s32 $0x7000  }
0x23b: {  	[tilespmem:s0], [sflag:$0x2] =	stream.indirect_vreg.gather [hbm4b:s8+s3], $0x80, v2, vm0, $0xb8;
	[tilespmem:$0x19000] =	vst v63  }
0x23c: {  	s0 =	simm.s32 $0x7800  }
0x23d: {  	[tilespmem:s0], [sflag:$0x2] =	stream.indirect_vreg.gather [hbm4b:s9+s3], $0x80, v2, vm0, $0xb8;
	[tilespmem:$0x19000] =	vst v63  }
0x23e: {  	s0 =	simm.s32 $0x8000  }
0x23f: {  	[tilespmem:s0], [sflag:$0x2] =	stream.indirect_vreg.gather [hbm4b:s10+s3], $0x80, v2, vm0, $0xb8;
	[tilespmem:$0x19000] =	vst v63  }
0x240: {  	s0 =	simm.s32 $0x8800  }
0x241: {  	[tilespmem:s0], [sflag:$0x2] =	stream.indirect_vreg.gather [hbm4b:s11+s3], $0x80, v2, vm0, $0xb8;
	[tilespmem:$0x19000] =	vst v63  }
0x242: {  	_ =	swait.ge [sflag:s19], $0x4000  }
0x243: {  	[sflag:s19] =	ssyncset.done $0x0  }
0x244: {  	s4 =	simm.s32 $0xD000;
	s0 =	rddreg [dreg:$0x13];
	[sflag:s19] =	ssyncadd.s32 $0xFFFFC000  }
0x245: {  	[hbm4b:s0+s3] =	stream.linear.scatter [tilespmem:s4], [sflag:$0xA], $0x4000, $0x38;
	[tilespmem:$0x19000] =	vst v63  }
0x246: {  	_ =	swait.ge [sflag:s20], $0x4000  }
0x247: {  	[sflag:s20] =	ssyncset.done $0x0  }
0x248: {  	[sflag:s20] =	ssyncadd.s32 $0xFFFFC000  }
0x249: {  	v2 =	vld.msk [tilespmem:$0xA00], $0xff;
	_ =	sdelay $0x4  }
0x24a: {  	v3 =	vshll.u32 v2, $0x4  }
0x24b: {  	v2 =	vand.u32 $0x7, v2;
	v3 =	vand.u32 $0xFFFFFF80, v3  }
0x24c: {  	v2 =	vor.u32 v2, v3  }
0x24d: {  	v2 =	vperm.xlane v2, v0;
	_ =	sdelay $0x1  }
0x24e: {  	v2 =	vadd.s32 v1, v2;
	_ =	sdelay $0x4  }
0x24f: {  	[tilespmem:s12], [sflag:$0x3] =	stream.indirect_vreg.gather [hbm4b:s2+s3], $0x80, v2, vm0, $0xb8;
	[tilespmem:$0x19000] =	vst v63  }
0x250: {  	s28 =	simm.s32 $0x9800  }
0x251: {  	[tilespmem:s28], [sflag:$0x3] =	stream.indirect_vreg.gather [hbm4b:s5+s3], $0x80, v2, vm0, $0xb8;
	[tilespmem:$0x19000] =	vst v63  }
0x252: {  	s12 =	simm.s32 $0xA000  }
0x253: {  	[tilespmem:s12], [sflag:$0x3] =	stream.indirect_vreg.gather [hbm4b:s6+s3], $0x80, v2, vm0, $0xb8;
	[tilespmem:$0x19000] =	vst v63  }
0x254: {  	s28 =	simm.s32 $0xA800  }
0x255: {  	[tilespmem:s28], [sflag:$0x3] =	stream.indirect_vreg.gather [hbm4b:s7+s3], $0x80, v2, vm0, $0xb8;
	[tilespmem:$0x19000] =	vst v63  }
0x256: {  	s12 =	simm.s32 $0xB000  }
0x257: {  	[tilespmem:s12], [sflag:$0x3] =	stream.indirect_vreg.gather [hbm4b:s8+s3], $0x80, v2, vm0, $0xb8;
	[tilespmem:$0x19000] =	vst v63  }
0x258: {  	s28 =	simm.s32 $0xB800  }
0x259: {  	[tilespmem:s28], [sflag:$0x3] =	stream.indirect_vreg.gather [hbm4b:s9+s3], $0x80, v2, vm0, $0xb8;
	[tilespmem:$0x19000] =	vst v63  }
0x25a: {  	s12 =	simm.s32 $0xC000  }
0x25b: {  	[tilespmem:s12], [sflag:$0x3] =	stream.indirect_vreg.gather [hbm4b:s10+s3], $0x80, v2, vm0, $0xb8;
	[tilespmem:$0x19000] =	vst v63  }
0x25c: {  	s28 =	simm.s32 $0xC800  }
0x25d: {  	[tilespmem:s28], [sflag:$0x3] =	stream.indirect_vreg.gather [hbm4b:s11+s3], $0x80, v2, vm0, $0xb8;
	[tilespmem:$0x19000] =	vst v63  }
0x25e: {  	_ =	swait.ge [sflag:s21], $0x4000  }
0x25f: {  	[sflag:s21] =	ssyncset.done $0x0  }
0x260: {  	s0 =	simm.s32 $0x11000;
	s12 =	rddreg [dreg:$0x14];
	[sflag:s21] =	ssyncadd.s32 $0xFFFFC000  }
0x261: {  	[hbm4b:s12+s3] =	stream.linear.scatter [tilespmem:s0], [sflag:$0xB], $0x4000, $0x38;
	[tilespmem:$0x19000] =	vst v63  }
0x262: {  	_ =	swait.ge [sflag:s23], $0x4000  }
0x263: {  	[sflag:s23] =	ssyncset.done $0x0  }
0x264: {  	[sflag:s23] =	ssyncadd.s32 $0xFFFFC000  }
0x265: {  	v2 =	vld.msk [tilespmem:$0xA80], $0xff;
	_ =	sdelay $0x4  }
0x266: {  	v3 =	vshll.u32 v2, $0x4  }
0x267: {  	v2 =	vand.u32 $0x7, v2;
	v3 =	vand.u32 $0xFFFFFF80, v3  }
0x268: {  	v2 =	vor.u32 v2, v3  }
0x269: {  	v2 =	vperm.xlane v2, v0;
	_ =	sdelay $0x1  }
0x26a: {  	v2 =	vadd.s32 v1, v2;
	_ =	sdelay $0x4  }
0x26b: {  	[tilespmem:s4], [sflag:$0x4] =	stream.indirect_vreg.gather [hbm4b:s2+s3], $0x80, v2, vm0, $0xb8;
	[tilespmem:$0x19000] =	vst v63  }
0x26c: {  	_ = 	snop  }
0x26d: {  	[tilespmem:s22], [sflag:$0x4] =	stream.indirect_vreg.gather [hbm4b:s5+s3], $0x80, v2, vm0, $0xb8;
	[tilespmem:$0x19000] =	vst v63  }
0x26e: {  	s4 =	simm.s32 $0xE000  }
0x26f: {  	[tilespmem:s4], [sflag:$0x4] =	stream.indirect_vreg.gather [hbm4b:s6+s3], $0x80, v2, vm0, $0xb8;
	[tilespmem:$0x19000] =	vst v63  }
0x270: {  	s22 =	simm.s32 $0xE800  }
0x271: {  	[tilespmem:s22], [sflag:$0x4] =	stream.indirect_vreg.gather [hbm4b:s7+s3], $0x80, v2, vm0, $0xb8;
	[tilespmem:$0x19000] =	vst v63  }
0x272: {  	s22 =	simm.s32 $0xF000  }
0x273: {  	[tilespmem:s22], [sflag:$0x4] =	stream.indirect_vreg.gather [hbm4b:s8+s3], $0x80, v2, vm0, $0xb8;
	[tilespmem:$0x19000] =	vst v63  }
0x274: {  	_ = 	snop  }
0x275: {  	[tilespmem:s17], [sflag:$0x4] =	stream.indirect_vreg.gather [hbm4b:s9+s3], $0x80, v2, vm0, $0xb8;
	[tilespmem:$0x19000] =	vst v63  }
0x276: {  	s28 =	simm.s32 $0x10000  }
0x277: {  	[tilespmem:s28], [sflag:$0x4] =	stream.indirect_vreg.gather [hbm4b:s10+s3], $0x80, v2, vm0, $0xb8;
	[tilespmem:$0x19000] =	vst v63  }
0x278: {  	s12 =	simm.s32 $0x10800  }
0x279: {  	[tilespmem:s12], [sflag:$0x4] =	stream.indirect_vreg.gather [hbm4b:s11+s3], $0x80, v2, vm0, $0xb8;
	[tilespmem:$0x19000] =	vst v63  }
0x27a: {  	_ =	swait.ge [sflag:s24], $0x4000  }
0x27b: {  	[sflag:s24] =	ssyncset.done $0x0  }
0x27c: {  	s4 =	simm.s32 $0x15000;
	s17 =	rddreg [dreg:$0x15];
	[sflag:s24] =	ssyncadd.s32 $0xFFFFC000  }
0x27d: {  	[hbm4b:s17+s3] =	stream.linear.scatter [tilespmem:s4], [sflag:$0xC], $0x4000, $0x38;
	[tilespmem:$0x19000] =	vst v63  }
0x27e: {  	_ =	swait.ge [sflag:s25], $0x4000  }
0x27f: {  	[sflag:s25] =	ssyncset.done $0x0  }
0x280: {  	[sflag:s25] =	ssyncadd.s32 $0xFFFFC000  }
0x281: {  	v2 =	vld.msk [tilespmem:$0xB00], $0xff;
	_ =	sdelay $0x4  }
0x282: {  	v3 =	vshll.u32 v2, $0x4  }
0x283: {  	v2 =	vand.u32 $0x7, v2;
	v3 =	vand.u32 $0xFFFFFF80, v3  }
0x284: {  	v2 =	vor.u32 v2, v3  }
0x285: {  	v2 =	vperm.xlane v2, v0;
	_ =	sdelay $0x1  }
0x286: {  	v2 =	vadd.s32 v1, v2;
	_ =	sdelay $0x4  }
0x287: {  	[tilespmem:s0], [sflag:$0x5] =	stream.indirect_vreg.gather [hbm4b:s2+s3], $0x80, v2, vm0, $0xb8;
	[tilespmem:$0x19000] =	vst v63  }
0x288: {  	s17 =	simm.s32 $0x11800  }
0x289: {  	[tilespmem:s17], [sflag:$0x5] =	stream.indirect_vreg.gather [hbm4b:s5+s3], $0x80, v2, vm0, $0xb8;
	[tilespmem:$0x19000] =	vst v63  }
0x28a: {  	s12 =	simm.s32 $0x12000  }
0x28b: {  	[tilespmem:s12], [sflag:$0x5] =	stream.indirect_vreg.gather [hbm4b:s6+s3], $0x80, v2, vm0, $0xb8;
	[tilespmem:$0x19000] =	vst v63  }
0x28c: {  	s28 =	simm.s32 $0x12800  }
0x28d: {  	[tilespmem:s28], [sflag:$0x5] =	stream.indirect_vreg.gather [hbm4b:s7+s3], $0x80, v2, vm0, $0xb8;
	[tilespmem:$0x19000] =	vst v63  }
0x28e: {  	s12 =	simm.s32 $0x13000  }
0x28f: {  	[tilespmem:s12], [sflag:$0x5] =	stream.indirect_vreg.gather [hbm4b:s8+s3], $0x80, v2, vm0, $0xb8;
	[tilespmem:$0x19000] =	vst v63  }
0x290: {  	s28 =	simm.s32 $0x13800  }
0x291: {  	[tilespmem:s28], [sflag:$0x5] =	stream.indirect_vreg.gather [hbm4b:s9+s3], $0x80, v2, vm0, $0xb8;
	[tilespmem:$0x19000] =	vst v63  }
0x292: {  	s12 =	simm.s32 $0x14000  }
0x293: {  	[tilespmem:s12], [sflag:$0x5] =	stream.indirect_vreg.gather [hbm4b:s10+s3], $0x80, v2, vm0, $0xb8;
	[tilespmem:$0x19000] =	vst v63  }
0x294: {  	_ = 	snop  }
0x295: {  	[tilespmem:s14], [sflag:$0x5] =	stream.indirect_vreg.gather [hbm4b:s11+s3], $0x80, v2, vm0, $0xb8;
	[tilespmem:$0x19000] =	vst v63  }
0x296: {  	_ =	swait.ge [sflag:s1], $0x4000  }
0x297: {  	[sflag:s1] =	ssyncset.done $0x0  }
0x298: {  	s13 =	simm.s32 $0x1000;
	s14 =	rddreg [dreg:$0x16];
	[sflag:s1] =	ssyncadd.s32 $0xFFFFC000  }
0x299: {  	[hbm4b:s14+s3] =	stream.linear.scatter [tilespmem:s13], [sflag:$0x7], $0x4000, $0x38;
	[tilespmem:$0x19000] =	vst v63  }
0x29a: {  	_ =	swait.ge [sflag:s26], $0x4000  }
0x29b: {  	[sflag:s26] =	ssyncset.done $0x0  }
0x29c: {  	[sflag:s26] =	ssyncadd.s32 $0xFFFFC000  }
0x29d: {  	v2 =	vld.msk [tilespmem:$0xB80], $0xff;
	_ =	sdelay $0x4  }
0x29e: {  	v3 =	vshll.u32 v2, $0x4  }
0x29f: {  	v2 =	vand.u32 $0x7, v2;
	v3 =	vand.u32 $0xFFFFFF80, v3  }
0x2a0: {  	v2 =	vor.u32 v2, v3  }
0x2a1: {  	v2 =	vperm.xlane v2, v0;
	_ =	sdelay $0x1  }
0x2a2: {  	v2 =	vadd.s32 v1, v2;
	_ =	sdelay $0x4  }
0x2a3: {  	[tilespmem:s4], [sflag:$0x6] =	stream.indirect_vreg.gather [hbm4b:s2+s3], $0x80, v2, vm0, $0xb8;
	[tilespmem:$0x19000] =	vst v63  }
0x2a4: {  	s14 =	simm.s32 $0x15800  }
0x2a5: {  	[tilespmem:s14], [sflag:$0x6] =	stream.indirect_vreg.gather [hbm4b:s5+s3], $0x80, v2, vm0, $0xb8;
	[tilespmem:$0x19000] =	vst v63  }
0x2a6: {  	s28 =	simm.s32 $0x16000  }
0x2a7: {  	[tilespmem:s28], [sflag:$0x6] =	stream.indirect_vreg.gather [hbm4b:s6+s3], $0x80, v2, vm0, $0xb8;
	[tilespmem:$0x19000] =	vst v63  }
0x2a8: {  	s0 =	simm.s32 $0x16800  }
0x2a9: {  	[tilespmem:s0], [sflag:$0x6] =	stream.indirect_vreg.gather [hbm4b:s7+s3], $0x80, v2, vm0, $0xb8;
	[tilespmem:$0x19000] =	vst v63  }
0x2aa: {  	s12 =	simm.s32 $0x17000  }
0x2ab: {  	[tilespmem:s12], [sflag:$0x6] =	stream.indirect_vreg.gather [hbm4b:s8+s3], $0x80, v2, vm0, $0xb8;
	[tilespmem:$0x19000] =	vst v63  }
0x2ac: {  	s28 =	simm.s32 $0x17800  }
0x2ad: {  	[tilespmem:s28], [sflag:$0x6] =	stream.indirect_vreg.gather [hbm4b:s9+s3], $0x80, v2, vm0, $0xb8;
	[tilespmem:$0x19000] =	vst v63  }
0x2ae: {  	s4 =	simm.s32 $0x18000  }
0x2af: {  	[tilespmem:s4], [sflag:$0x6] =	stream.indirect_vreg.gather [hbm4b:s10+s3], $0x80, v2, vm0, $0xb8;
	[tilespmem:$0x19000] =	vst v63  }
0x2b0: {  	s12 =	simm.s32 $0x18800  }
0x2b1: {  	[tilespmem:s12], [sflag:$0x6] =	stream.indirect_vreg.gather [hbm4b:s11+s3], $0x80, v2, vm0, $0xb8;
	[tilespmem:$0x19000] =	vst v63  }
0x2b2: {  	_ =	swait.ge [sflag:s15], $0x4000  }
0x2b3: {  	[sflag:s15] =	ssyncset.done $0x0  }
0x2b4: {  	s4 =	simm.s32 $0x5000;
	s0 =	rddreg [dreg:$0x17];
	[sflag:s15] =	ssyncadd.s32 $0xFFFFC000  }
0x2b5: {  	[hbm4b:s0+s3] =	stream.linear.scatter [tilespmem:s4], [sflag:$0x8], $0x4000, $0x38;
	[tilespmem:$0x19000] =	vst v63  }
0x2b6: {  	_ =	swait.ge [sflag:s16], $0x4000  }
0x2b7: {  	[sflag:s16] =	ssyncset.done $0x0  }
0x2b8: {  	[sflag:s16] =	ssyncadd.s32 $0xFFFFC000  }
0x2b9: {  	v2 =	vld.msk [tilespmem:$0xC00], $0xff;
	_ =	sdelay $0x4  }
0x2ba: {  	v3 =	vshll.u32 v2, $0x4  }
0x2bb: {  	v2 =	vand.u32 $0x7, v2;
	v3 =	vand.u32 $0xFFFFFF80, v3  }
0x2bc: {  	v2 =	vor.u32 v2, v3  }
0x2bd: {  	v2 =	vperm.xlane v2, v0;
	_ =	sdelay $0x1  }
0x2be: {  	v2 =	vadd.s32 v1, v2;
	_ =	sdelay $0x4  }
0x2bf: {  	[tilespmem:s13], [sflag:$0x1] =	stream.indirect_vreg.gather [hbm4b:s2+s3], $0x80, v2, vm0, $0xb8;
	[tilespmem:$0x19000] =	vst v63  }
0x2c0: {  	_ = 	snop  }
0x2c1: {  	[tilespmem:s30], [sflag:$0x1] =	stream.indirect_vreg.gather [hbm4b:s5+s3], $0x80, v2, vm0, $0xb8;
	[tilespmem:$0x19000] =	vst v63  }
0x2c2: {  	s12 =	simm.s32 $0x2000  }
0x2c3: {  	[tilespmem:s12], [sflag:$0x1] =	stream.indirect_vreg.gather [hbm4b:s6+s3], $0x80, v2, vm0, $0xb8;
	[tilespmem:$0x19000] =	vst v63  }
0x2c4: {  	s13 =	simm.s32 $0x2800  }
0x2c5: {  	[tilespmem:s13], [sflag:$0x1] =	stream.indirect_vreg.gather [hbm4b:s7+s3], $0x80, v2, vm0, $0xb8;
	[tilespmem:$0x19000] =	vst v63  }
0x2c6: {  	s30 =	simm.s32 $0x3000  }
0x2c7: {  	[tilespmem:s30], [sflag:$0x1] =	stream.indirect_vreg.gather [hbm4b:s8+s3], $0x80, v2, vm0, $0xb8;
	[tilespmem:$0x19000] =	vst v63  }
0x2c8: {  	s0 =	simm.s32 $0x3800  }
0x2c9: {  	[tilespmem:s0], [sflag:$0x1] =	stream.indirect_vreg.gather [hbm4b:s9+s3], $0x80, v2, vm0, $0xb8;
	[tilespmem:$0x19000] =	vst v63  }
0x2ca: {  	s12 =	simm.s32 $0x4000  }
0x2cb: {  	[tilespmem:s12], [sflag:$0x1] =	stream.indirect_vreg.gather [hbm4b:s10+s3], $0x80, v2, vm0, $0xb8;
	[tilespmem:$0x19000] =	vst v63  }
0x2cc: {  	s13 =	simm.s32 $0x4800  }
0x2cd: {  	[tilespmem:s13], [sflag:$0x1] =	stream.indirect_vreg.gather [hbm4b:s11+s3], $0x80, v2, vm0, $0xb8;
	[tilespmem:$0x19000] =	vst v63  }
0x2ce: {  	_ =	swait.ge [sflag:s31], $0x4000  }
0x2cf: {  	[sflag:s31] =	ssyncset.done $0x0  }
0x2d0: {  	s0 =	simm.s32 $0x9000;
	s30 =	rddreg [dreg:$0x18];
	[sflag:s31] =	ssyncadd.s32 $0xFFFFC000  }
0x2d1: {  	[hbm4b:s30+s3] =	stream.linear.scatter [tilespmem:s0], [sflag:$0x9], $0x4000, $0x38;
	[tilespmem:$0x19000] =	vst v63  }
0x2d2: {  	_ =	swait.ge [sflag:s18], $0x4000  }
0x2d3: {  	[sflag:s18] =	ssyncset.done $0x0  }
0x2d4: {  	[sflag:s18] =	ssyncadd.s32 $0xFFFFC000  }
0x2d5: {  	v2 =	vld.msk [tilespmem:$0xC80], $0xff;
	_ =	sdelay $0x4  }
0x2d6: {  	v3 =	vshll.u32 v2, $0x4  }
0x2d7: {  	v2 =	vand.u32 $0x7, v2;
	v3 =	vand.u32 $0xFFFFFF80, v3  }
0x2d8: {  	v2 =	vor.u32 v2, v3  }
0x2d9: {  	v2 =	vperm.xlane v2, v0;
	_ =	sdelay $0x1  }
0x2da: {  	v2 =	vadd.s32 v1, v2;
	_ =	sdelay $0x4  }
0x2db: {  	[tilespmem:s4], [sflag:$0x2] =	stream.indirect_vreg.gather [hbm4b:s2+s3], $0x80, v2, vm0, $0xb8;
	[tilespmem:$0x19000] =	vst v63  }
0x2dc: {  	_ = 	snop  }
0x2dd: {  	[tilespmem:s29], [sflag:$0x2] =	stream.indirect_vreg.gather [hbm4b:s5+s3], $0x80, v2, vm0, $0xb8;
	[tilespmem:$0x19000] =	vst v63  }
0x2de: {  	s12 =	simm.s32 $0x6000  }
0x2df: {  	[tilespmem:s12], [sflag:$0x2] =	stream.indirect_vreg.gather [hbm4b:s6+s3], $0x80, v2, vm0, $0xb8;
	[tilespmem:$0x19000] =	vst v63  }
0x2e0: {  	s13 =	simm.s32 $0x6800  }
0x2e1: {  	[tilespmem:s13], [sflag:$0x2] =	stream.indirect_vreg.gather [hbm4b:s7+s3], $0x80, v2, vm0, $0xb8;
	[tilespmem:$0x19000] =	vst v63  }
0x2e2: {  	s29 =	simm.s32 $0x7000  }
0x2e3: {  	[tilespmem:s29], [sflag:$0x2] =	stream.indirect_vreg.gather [hbm4b:s8+s3], $0x80, v2, vm0, $0xb8;
	[tilespmem:$0x19000] =	vst v63  }
0x2e4: {  	s12 =	simm.s32 $0x7800  }
0x2e5: {  	[tilespmem:s12], [sflag:$0x2] =	stream.indirect_vreg.gather [hbm4b:s9+s3], $0x80, v2, vm0, $0xb8;
	[tilespmem:$0x19000] =	vst v63  }
0x2e6: {  	s13 =	simm.s32 $0x8000  }
0x2e7: {  	[tilespmem:s13], [sflag:$0x2] =	stream.indirect_vreg.gather [hbm4b:s10+s3], $0x80, v2, vm0, $0xb8;
	[tilespmem:$0x19000] =	vst v63  }
0x2e8: {  	s29 =	simm.s32 $0x8800  }
0x2e9: {  	[tilespmem:s29], [sflag:$0x2] =	stream.indirect_vreg.gather [hbm4b:s11+s3], $0x80, v2, vm0, $0xb8;
	[tilespmem:$0x19000] =	vst v63  }
0x2ea: {  	_ =	swait.ge [sflag:s19], $0x4000  }
0x2eb: {  	[sflag:s19] =	ssyncset.done $0x0  }
0x2ec: {  	s13 =	simm.s32 $0xD000;
	s12 =	rddreg [dreg:$0x19];
	[sflag:s19] =	ssyncadd.s32 $0xFFFFC000  }
0x2ed: {  	[hbm4b:s12+s3] =	stream.linear.scatter [tilespmem:s13], [sflag:$0xA], $0x4000, $0x38;
	[tilespmem:$0x19000] =	vst v63  }
0x2ee: {  	_ =	swait.ge [sflag:s20], $0x4000  }
0x2ef: {  	[sflag:s20] =	ssyncset.done $0x0  }
0x2f0: {  	[sflag:s20] =	ssyncadd.s32 $0xFFFFC000  }
0x2f1: {  	v2 =	vld.msk [tilespmem:$0xD00], $0xff;
	_ =	sdelay $0x4  }
0x2f2: {  	v3 =	vshll.u32 v2, $0x4  }
0x2f3: {  	v2 =	vand.u32 $0x7, v2;
	v3 =	vand.u32 $0xFFFFFF80, v3  }
0x2f4: {  	v2 =	vor.u32 v2, v3  }
0x2f5: {  	v2 =	vperm.xlane v2, v0;
	_ =	sdelay $0x1  }
0x2f6: {  	v2 =	vadd.s32 v1, v2;
	_ =	sdelay $0x4  }
0x2f7: {  	[tilespmem:s0], [sflag:$0x3] =	stream.indirect_vreg.gather [hbm4b:s2+s3], $0x80, v2, vm0, $0xb8;
	[tilespmem:$0x19000] =	vst v63  }
0x2f8: {  	s29 =	simm.s32 $0x9800  }
0x2f9: {  	[tilespmem:s29], [sflag:$0x3] =	stream.indirect_vreg.gather [hbm4b:s5+s3], $0x80, v2, vm0, $0xb8;
	[tilespmem:$0x19000] =	vst v63  }
0x2fa: {  	s0 =	simm.s32 $0xA000  }
0x2fb: {  	[tilespmem:s0], [sflag:$0x3] =	stream.indirect_vreg.gather [hbm4b:s6+s3], $0x80, v2, vm0, $0xb8;
	[tilespmem:$0x19000] =	vst v63  }
0x2fc: {  	s29 =	simm.s32 $0xA800  }
0x2fd: {  	[tilespmem:s29], [sflag:$0x3] =	stream.indirect_vreg.gather [hbm4b:s7+s3], $0x80, v2, vm0, $0xb8;
	[tilespmem:$0x19000] =	vst v63  }
0x2fe: {  	s0 =	simm.s32 $0xB000  }
0x2ff: {  	[tilespmem:s0], [sflag:$0x3] =	stream.indirect_vreg.gather [hbm4b:s8+s3], $0x80, v2, vm0, $0xb8;
	[tilespmem:$0x19000] =	vst v63  }
0x300: {  	s29 =	simm.s32 $0xB800  }
0x301: {  	[tilespmem:s29], [sflag:$0x3] =	stream.indirect_vreg.gather [hbm4b:s9+s3], $0x80, v2, vm0, $0xb8;
	[tilespmem:$0x19000] =	vst v63  }
0x302: {  	s0 =	simm.s32 $0xC000  }
0x303: {  	[tilespmem:s0], [sflag:$0x3] =	stream.indirect_vreg.gather [hbm4b:s10+s3], $0x80, v2, vm0, $0xb8;
	[tilespmem:$0x19000] =	vst v63  }
0x304: {  	s29 =	simm.s32 $0xC800  }
0x305: {  	[tilespmem:s29], [sflag:$0x3] =	stream.indirect_vreg.gather [hbm4b:s11+s3], $0x80, v2, vm0, $0xb8;
	[tilespmem:$0x19000] =	vst v63  }
0x306: {  	_ =	swait.ge [sflag:s21], $0x4000  }
0x307: {  	[sflag:s21] =	ssyncset.done $0x0  }
0x308: {  	s29 =	simm.s32 $0x11000;
	s0 =	rddreg [dreg:$0x1a];
	[sflag:s21] =	ssyncadd.s32 $0xFFFFC000  }
0x309: {  	[hbm4b:s0+s3] =	stream.linear.scatter [tilespmem:s29], [sflag:$0xB], $0x4000, $0x38;
	[tilespmem:$0x19000] =	vst v63  }
0x30a: {  	_ =	swait.ge [sflag:s23], $0x4000  }
0x30b: {  	[sflag:s23] =	ssyncset.done $0x0  }
0x30c: {  	[sflag:s23] =	ssyncadd.s32 $0xFFFFC000  }
0x30d: {  	v2 =	vld.msk [tilespmem:$0xD80], $0xff;
	_ =	sdelay $0x4  }
0x30e: {  	v3 =	vshll.u32 v2, $0x4  }
0x30f: {  	v2 =	vand.u32 $0x7, v2;
	v3 =	vand.u32 $0xFFFFFF80, v3  }
0x310: {  	v2 =	vor.u32 v2, v3  }
0x311: {  	v2 =	vperm.xlane v2, v0;
	_ =	sdelay $0x1  }
0x312: {  	v2 =	vadd.s32 v1, v2;
	_ =	sdelay $0x4  }
0x313: {  	[tilespmem:s13], [sflag:$0x4] =	stream.indirect_vreg.gather [hbm4b:s2+s3], $0x80, v2, vm0, $0xb8;
	[tilespmem:$0x19000] =	vst v63  }
0x314: {  	s28 =	simm.s32 $0xD800  }
0x315: {  	[tilespmem:s28], [sflag:$0x4] =	stream.indirect_vreg.gather [hbm4b:s5+s3], $0x80, v2, vm0, $0xb8;
	[tilespmem:$0x19000] =	vst v63  }
0x316: {  	s28 =	simm.s32 $0xE000  }
0x317: {  	[tilespmem:s28], [sflag:$0x4] =	stream.indirect_vreg.gather [hbm4b:s6+s3], $0x80, v2, vm0, $0xb8;
	[tilespmem:$0x19000] =	vst v63  }
0x318: {  	s28 =	simm.s32 $0xE800  }
0x319: {  	[tilespmem:s28], [sflag:$0x4] =	stream.indirect_vreg.gather [hbm4b:s7+s3], $0x80, v2, vm0, $0xb8;
	[tilespmem:$0x19000] =	vst v63  }
0x31a: {  	_ = 	snop  }
0x31b: {  	[tilespmem:s22], [sflag:$0x4] =	stream.indirect_vreg.gather [hbm4b:s8+s3], $0x80, v2, vm0, $0xb8;
	[tilespmem:$0x19000] =	vst v63  }
0x31c: {  	s28 =	simm.s32 $0xF800  }
0x31d: {  	[tilespmem:s28], [sflag:$0x4] =	stream.indirect_vreg.gather [hbm4b:s9+s3], $0x80, v2, vm0, $0xb8;
	[tilespmem:$0x19000] =	vst v63  }
0x31e: {  	s22 =	simm.s32 $0x10000  }
0x31f: {  	[tilespmem:s22], [sflag:$0x4] =	stream.indirect_vreg.gather [hbm4b:s10+s3], $0x80, v2, vm0, $0xb8;
	[tilespmem:$0x19000] =	vst v63  }
0x320: {  	s28 =	simm.s32 $0x10800  }
0x321: {  	[tilespmem:s28], [sflag:$0x4] =	stream.indirect_vreg.gather [hbm4b:s11+s3], $0x80, v2, vm0, $0xb8;
	[tilespmem:$0x19000] =	vst v63  }
0x322: {  	_ =	swait.ge [sflag:s24], $0x4000  }
0x323: {  	[sflag:s24] =	ssyncset.done $0x0  }
0x324: {  	s0 =	simm.s32 $0x15000;
	s22 =	rddreg [dreg:$0x1b];
	[sflag:s24] =	ssyncadd.s32 $0xFFFFC000  }
0x325: {  	[hbm4b:s22+s3] =	stream.linear.scatter [tilespmem:s0], [sflag:$0xC], $0x4000, $0x38;
	[tilespmem:$0x19000] =	vst v63  }
0x326: {  	_ =	swait.ge [sflag:s25], $0x4000  }
0x327: {  	[sflag:s25] =	ssyncset.done $0x0  }
0x328: {  	[sflag:s25] =	ssyncadd.s32 $0xFFFFC000  }
0x329: {  	v2 =	vld.msk [tilespmem:$0xE00], $0xff;
	_ =	sdelay $0x4  }
0x32a: {  	v3 =	vshll.u32 v2, $0x4  }
0x32b: {  	v2 =	vand.u32 $0x7, v2;
	v3 =	vand.u32 $0xFFFFFF80, v3  }
0x32c: {  	v2 =	vor.u32 v2, v3  }
0x32d: {  	v2 =	vperm.xlane v2, v0;
	_ =	sdelay $0x1  }
0x32e: {  	v2 =	vadd.s32 v1, v2;
	_ =	sdelay $0x4  }
0x32f: {  	[tilespmem:s29], [sflag:$0x5] =	stream.indirect_vreg.gather [hbm4b:s2+s3], $0x80, v2, vm0, $0xb8;
	[tilespmem:$0x19000] =	vst v63  }
0x330: {  	_ = 	snop  }
0x331: {  	[tilespmem:s17], [sflag:$0x5] =	stream.indirect_vreg.gather [hbm4b:s5+s3], $0x80, v2, vm0, $0xb8;
	[tilespmem:$0x19000] =	vst v63  }
0x332: {  	s28 =	simm.s32 $0x12000  }
0x333: {  	[tilespmem:s28], [sflag:$0x5] =	stream.indirect_vreg.gather [hbm4b:s6+s3], $0x80, v2, vm0, $0xb8;
	[tilespmem:$0x19000] =	vst v63  }
0x334: {  	s29 =	simm.s32 $0x12800  }
0x335: {  	[tilespmem:s29], [sflag:$0x5] =	stream.indirect_vreg.gather [hbm4b:s7+s3], $0x80, v2, vm0, $0xb8;
	[tilespmem:$0x19000] =	vst v63  }
0x336: {  	s28 =	simm.s32 $0x13000  }
0x337: {  	[tilespmem:s28], [sflag:$0x5] =	stream.indirect_vreg.gather [hbm4b:s8+s3], $0x80, v2, vm0, $0xb8;
	[tilespmem:$0x19000] =	vst v63  }
0x338: {  	s29 =	simm.s32 $0x13800  }
0x339: {  	[tilespmem:s29], [sflag:$0x5] =	stream.indirect_vreg.gather [hbm4b:s9+s3], $0x80, v2, vm0, $0xb8;
	[tilespmem:$0x19000] =	vst v63  }
0x33a: {  	s28 =	simm.s32 $0x14000  }
0x33b: {  	[tilespmem:s28], [sflag:$0x5] =	stream.indirect_vreg.gather [hbm4b:s10+s3], $0x80, v2, vm0, $0xb8;
	[tilespmem:$0x19000] =	vst v63  }
0x33c: {  	s29 =	simm.s32 $0x14800  }
0x33d: {  	[tilespmem:s29], [sflag:$0x5] =	stream.indirect_vreg.gather [hbm4b:s11+s3], $0x80, v2, vm0, $0xb8;
	[tilespmem:$0x19000] =	vst v63  }
0x33e: {  	_ =	swait.ge [sflag:s1], $0x4000  }
0x33f: {  	[sflag:s1] =	ssyncset.done $0x0  }
0x340: {  	s29 =	simm.s32 $0x1000;
	s17 =	rddreg [dreg:$0x1c];
	[sflag:s1] =	ssyncadd.s32 $0xFFFFC000  }
0x341: {  	[hbm4b:s17+s3] =	stream.linear.scatter [tilespmem:s29], [sflag:$0x7], $0x4000, $0x38;
	[tilespmem:$0x19000] =	vst v63  }
0x342: {  	_ =	swait.ge [sflag:s26], $0x4000  }
0x343: {  	[sflag:s26] =	ssyncset.done $0x0  }
0x344: {  	[sflag:s26] =	ssyncadd.s32 $0xFFFFC000  }
0x345: {  	v2 =	vld.msk [tilespmem:$0xE80], $0xff;
	_ =	sdelay $0x4  }
0x346: {  	v3 =	vshll.u32 v2, $0x4  }
0x347: {  	v2 =	vand.u32 $0x7, v2;
	v3 =	vand.u32 $0xFFFFFF80, v3  }
0x348: {  	v2 =	vor.u32 v2, v3  }
0x349: {  	v2 =	vperm.xlane v2, v0;
	_ =	sdelay $0x1  }
0x34a: {  	v2 =	vadd.s32 v1, v2;
	_ =	sdelay $0x4  }
0x34b: {  	[tilespmem:s0], [sflag:$0x6] =	stream.indirect_vreg.gather [hbm4b:s2+s3], $0x80, v2, vm0, $0xb8;
	[tilespmem:$0x19000] =	vst v63  }
0x34c: {  	_ = 	snop  }
0x34d: {  	[tilespmem:s14], [sflag:$0x6] =	stream.indirect_vreg.gather [hbm4b:s5+s3], $0x80, v2, vm0, $0xb8;
	[tilespmem:$0x19000] =	vst v63  }
0x34e: {  	s14 =	simm.s32 $0x16000  }
0x34f: {  	[tilespmem:s14], [sflag:$0x6] =	stream.indirect_vreg.gather [hbm4b:s6+s3], $0x80, v2, vm0, $0xb8;
	[tilespmem:$0x19000] =	vst v63  }
0x350: {  	s28 =	simm.s32 $0x16800  }
0x351: {  	[tilespmem:s28], [sflag:$0x6] =	stream.indirect_vreg.gather [hbm4b:s7+s3], $0x80, v2, vm0, $0xb8;
	[tilespmem:$0x19000] =	vst v63  }
0x352: {  	s14 =	simm.s32 $0x17000  }
0x353: {  	[tilespmem:s14], [sflag:$0x6] =	stream.indirect_vreg.gather [hbm4b:s8+s3], $0x80, v2, vm0, $0xb8;
	[tilespmem:$0x19000] =	vst v63  }
0x354: {  	s28 =	simm.s32 $0x17800  }
0x355: {  	[tilespmem:s28], [sflag:$0x6] =	stream.indirect_vreg.gather [hbm4b:s9+s3], $0x80, v2, vm0, $0xb8;
	[tilespmem:$0x19000] =	vst v63  }
0x356: {  	s14 =	simm.s32 $0x18000  }
0x357: {  	[tilespmem:s14], [sflag:$0x6] =	stream.indirect_vreg.gather [hbm4b:s10+s3], $0x80, v2, vm0, $0xb8;
	[tilespmem:$0x19000] =	vst v63  }
0x358: {  	s28 =	simm.s32 $0x18800  }
0x359: {  	[tilespmem:s28], [sflag:$0x6] =	stream.indirect_vreg.gather [hbm4b:s11+s3], $0x80, v2, vm0, $0xb8;
	[tilespmem:$0x19000] =	vst v63  }
0x35a: {  	_ =	swait.ge [sflag:s15], $0x4000  }
0x35b: {  	[sflag:s15] =	ssyncset.done $0x0  }
0x35c: {  	s4 =	simm.s32 $0x5000;
	s14 =	rddreg [dreg:$0x1d];
	[sflag:s15] =	ssyncadd.s32 $0xFFFFC000  }
0x35d: {  	[hbm4b:s14+s3] =	stream.linear.scatter [tilespmem:s4], [sflag:$0x8], $0x4000, $0x38;
	[tilespmem:$0x19000] =	vst v63  }
0x35e: {  	_ =	swait.ge [sflag:s16], $0x4000  }
0x35f: {  	[sflag:s16] =	ssyncset.done $0x0  }
0x360: {  	[sflag:s16] =	ssyncadd.s32 $0xFFFFC000  }
0x361: {  	v2 =	vld.msk [tilespmem:$0xF00], $0xff;
	_ =	sdelay $0x4  }
0x362: {  	v3 =	vshll.u32 v2, $0x4  }
0x363: {  	v2 =	vand.u32 $0x7, v2;
	v3 =	vand.u32 $0xFFFFFF80, v3  }
0x364: {  	v2 =	vor.u32 v2, v3  }
0x365: {  	v2 =	vperm.xlane v2, v0;
	_ =	sdelay $0x1  }
0x366: {  	v2 =	vadd.s32 v1, v2;
	_ =	sdelay $0x4  }
0x367: {  	[tilespmem:s29], [sflag:$0x1] =	stream.indirect_vreg.gather [hbm4b:s2+s3], $0x80, v2, vm0, $0xb8;
	[tilespmem:$0x19000] =	vst v63  }
0x368: {  	s28 =	simm.s32 $0x1800  }
0x369: {  	[tilespmem:s28], [sflag:$0x1] =	stream.indirect_vreg.gather [hbm4b:s5+s3], $0x80, v2, vm0, $0xb8;
	[tilespmem:$0x19000] =	vst v63  }
0x36a: {  	s14 =	simm.s32 $0x2000  }
0x36b: {  	[tilespmem:s14], [sflag:$0x1] =	stream.indirect_vreg.gather [hbm4b:s6+s3], $0x80, v2, vm0, $0xb8;
	[tilespmem:$0x19000] =	vst v63  }
0x36c: {  	s28 =	simm.s32 $0x2800  }
0x36d: {  	[tilespmem:s28], [sflag:$0x1] =	stream.indirect_vreg.gather [hbm4b:s7+s3], $0x80, v2, vm0, $0xb8;
	[tilespmem:$0x19000] =	vst v63  }
0x36e: {  	s14 =	simm.s32 $0x3000  }
0x36f: {  	[tilespmem:s14], [sflag:$0x1] =	stream.indirect_vreg.gather [hbm4b:s8+s3], $0x80, v2, vm0, $0xb8;
	[tilespmem:$0x19000] =	vst v63  }
0x370: {  	s28 =	simm.s32 $0x3800  }
0x371: {  	[tilespmem:s28], [sflag:$0x1] =	stream.indirect_vreg.gather [hbm4b:s9+s3], $0x80, v2, vm0, $0xb8;
	[tilespmem:$0x19000] =	vst v63  }
0x372: {  	s14 =	simm.s32 $0x4000  }
0x373: {  	[tilespmem:s14], [sflag:$0x1] =	stream.indirect_vreg.gather [hbm4b:s10+s3], $0x80, v2, vm0, $0xb8;
	[tilespmem:$0x19000] =	vst v63  }
0x374: {  	s28 =	simm.s32 $0x4800  }
0x375: {  	[tilespmem:s28], [sflag:$0x1] =	stream.indirect_vreg.gather [hbm4b:s11+s3], $0x80, v2, vm0, $0xb8;
	[tilespmem:$0x19000] =	vst v63  }
0x376: {  	_ =	swait.ge [sflag:s31], $0x4000  }
0x377: {  	[sflag:s31] =	ssyncset.done $0x0  }
0x378: {  	s12 =	simm.s32 $0x9000;
	s14 =	rddreg [dreg:$0x1e];
	[sflag:s31] =	ssyncadd.s32 $0xFFFFC000  }
0x379: {  	[hbm4b:s14+s3] =	stream.linear.scatter [tilespmem:s12], [sflag:$0x9], $0x4000, $0x38;
	[tilespmem:$0x19000] =	vst v63  }
0x37a: {  	_ =	swait.ge [sflag:s18], $0x4000  }
0x37b: {  	[sflag:s18] =	ssyncset.done $0x0  }
0x37c: {  	[sflag:s18] =	ssyncadd.s32 $0xFFFFC000  }
0x37d: {  	v2 =	vld.msk [tilespmem:$0xF80], $0xff;
	_ =	sdelay $0x4  }
0x37e: {  	v3 =	vshll.u32 v2, $0x4  }
0x37f: {  	v2 =	vand.u32 $0x7, v2;
	v3 =	vand.u32 $0xFFFFFF80, v3  }
0x380: {  	v2 =	vor.u32 v2, v3  }
0x381: {  	v2 =	vperm.xlane v2, v0;
	_ =	sdelay $0x1  }
0x382: {  	v2 =	vadd.s32 v1, v2;
	_ =	sdelay $0x4  }
0x383: {  	[tilespmem:s4], [sflag:$0x2] =	stream.indirect_vreg.gather [hbm4b:s2+s3], $0x80, v2, vm0, $0xb8;
	[tilespmem:$0x19000] =	vst v63  }
0x384: {  	s28 =	simm.s32 $0x5800  }
0x385: {  	[tilespmem:s28], [sflag:$0x2] =	stream.indirect_vreg.gather [hbm4b:s5+s3], $0x80, v2, vm0, $0xb8;
	[tilespmem:$0x19000] =	vst v63  }
0x386: {  	s30 =	simm.s32 $0x6000  }
0x387: {  	[tilespmem:s30], [sflag:$0x2] =	stream.indirect_vreg.gather [hbm4b:s6+s3], $0x80, v2, vm0, $0xb8;
	[tilespmem:$0x19000] =	vst v63  }
0x388: {  	s30 =	simm.s32 $0x6800  }
0x389: {  	[tilespmem:s30], [sflag:$0x2] =	stream.indirect_vreg.gather [hbm4b:s7+s3], $0x80, v2, vm0, $0xb8;
	[tilespmem:$0x19000] =	vst v63  }
0x38a: {  	s12 =	simm.s32 $0x7000  }
0x38b: {  	[tilespmem:s12], [sflag:$0x2] =	stream.indirect_vreg.gather [hbm4b:s8+s3], $0x80, v2, vm0, $0xb8;
	[tilespmem:$0x19000] =	vst v63  }
0x38c: {  	s14 =	simm.s32 $0x7800  }
0x38d: {  	[tilespmem:s14], [sflag:$0x2] =	stream.indirect_vreg.gather [hbm4b:s9+s3], $0x80, v2, vm0, $0xb8;
	[tilespmem:$0x19000] =	vst v63  }
0x38e: {  	s28 =	simm.s32 $0x8000  }
0x38f: {  	[tilespmem:s28], [sflag:$0x2] =	stream.indirect_vreg.gather [hbm4b:s10+s3], $0x80, v2, vm0, $0xb8;
	[tilespmem:$0x19000] =	vst v63  }
0x390: {  	s30 =	simm.s32 $0x8800  }
0x391: {  	[tilespmem:s30], [sflag:$0x2] =	stream.indirect_vreg.gather [hbm4b:s11+s3], $0x80, v2, vm0, $0xb8;
	[tilespmem:$0x19000] =	vst v63  }
0x392: {  	_ =	swait.ge [sflag:s19], $0x4000  }
0x393: {  	[sflag:s19] =	ssyncset.done $0x0  }
0x394: {  	s13 =	simm.s32 $0xD000;
	s12 =	rddreg [dreg:$0x1f];
	[sflag:s19] =	ssyncadd.s32 $0xFFFFC000  }
0x395: {  	[hbm4b:s12+s3] =	stream.linear.scatter [tilespmem:s13], [sflag:$0xA], $0x4000, $0x38;
	[tilespmem:$0x19000] =	vst v63  }
0x396: {  	_ =	swait.ge [sflag:s21], $0x4000  }
0x397: {  	s13 =	sld [smem:$0x7F9]  }
0x398: {  	[sflag:s21] =	ssyncset.done $0x0  }
0x399: {  	s22 =	simm.s32 $0x11000;
	[sflag:s21] =	ssyncadd.s32 $0xFFFFC000  }
0x39a: {  	[hbm4b:s13+s3] =	stream.linear.scatter [tilespmem:s22], [sflag:$0xB], $0x4000, $0x38;
	[tilespmem:$0x19000] =	vst v63  }
0x39b: {  	_ =	swait.ge [sflag:s24], $0x4000  }
0x39c: {  	s14 =	sld [smem:$0x7FA]  }
0x39d: {  	[sflag:s24] =	ssyncset.done $0x0  }
0x39e: {  	s17 =	simm.s32 $0x15000;
	[sflag:s24] =	ssyncadd.s32 $0xFFFFC000  }
0x39f: {  	[hbm4b:s14+s3] =	stream.linear.scatter [tilespmem:s17], [sflag:$0xC], $0x4000, $0x38;
	[tilespmem:$0x19000] =	vst v63  }
0x3a0: {  	_ =	swait.ge [sflag:s1], $0x4000  }
0x3a1: {  	s22 =	sld [smem:$0x7FB]  }
0x3a2: {  	[sflag:s1] =	ssyncset.done $0x0  }
0x3a3: {  	[sflag:s1] =	ssyncadd.s32 $0xFFFFC000  }
0x3a4: {  	[hbm4b:s22+s3] =	stream.linear.scatter [tilespmem:s29], [sflag:$0x7], $0x4000, $0x38;
	[tilespmem:$0x19000] =	vst v63  }
0x3a5: {  	_ =	swait.ge [sflag:s15], $0x4000  }
0x3a6: {  	s29 =	sld [smem:$0x7FD]  }
0x3a7: {  	[sflag:s15] =	ssyncset.done $0x0  }
0x3a8: {  	[sflag:s15] =	ssyncadd.s32 $0xFFFFC000  }
0x3a9: {  	[hbm4b:s29+s3] =	stream.linear.scatter [tilespmem:s4], [sflag:$0x8], $0x4000, $0x38;
	[tilespmem:$0x19000] =	vst v63  }
0x3aa: {  	s30 =	sld [smem:$0x7F8];
	_ =	swait.ge [sflag:s20], $0x4000  }
0x3ab: {  	[sflag:s20] =	ssyncset.done $0x0  }
0x3ac: {  	[sflag:s20] =	ssyncadd.s32 $0xFFFFC000  }
0x3ad: {  	_ =	swait.ge [sflag:s23], $0x4000  }
0x3ae: {  	[sflag:s23] =	ssyncset.done $0x0  }
0x3af: {  	[sflag:s23] =	ssyncadd.s32 $0xFFFFC000  }
0x3b0: {  	_ =	swait.ge [sflag:s25], $0x4000  }
0x3b1: {  	[sflag:s25] =	ssyncset.done $0x0  }
0x3b2: {  	[sflag:s25] =	ssyncadd.s32 $0xFFFFC000  }
0x3b3: {  	_ =	swait.ge [sflag:s26], $0x4000  }
0x3b4: {  	[sflag:s26] =	ssyncset.done $0x0  }
0x3b5: {  	[sflag:s26] =	ssyncadd.s32 $0xFFFFC000  }
0x3b6: {  	p0 =	sne.s32 s30, $0x1;
	_ =	swait.ge [sflag:s16], $0x4000  }
.Ltmp0:
0x3b7: {  	[sflag:s16] =	ssyncset.done $0x0;
	(pc) =	sbr.rel @p0 .LBB2_1-.Ltmp0, $4  }
0x3b8: {  	[sflag:s16] =	ssyncadd.s32 $0xFFFFC000  }
0x3b9: {  	_ =	swait.ge [sflag:s18], $0x4000  }
0x3ba: {  	[sflag:s18] =	ssyncset.done $0x0  }
0x3bb: {  	s0 =	sadd.s32 $0xFFFFFFFF, s30;
	[sflag:s18] =	ssyncadd.s32 $0xFFFFC000  }
0x3bc: {  	_ =	sfence.sel $0x180000  }
0x3bd: {  	[bflag:$0x0] =	sbarrier.arrive $0xFFFF  }
0x3be: {  	_ =	strace $0x90000047  }
0x3bf: {  	s0 =	stileid.u32;
	[bflag:$0x2] =	sbarrier.arrive $0xFFFF  }
0x3c0: {  	p0 =	sne.s32 s0, $0x0;
	s0 =	rddreg [dreg:$0x3]  }
0x3c1: {  	s0 =	sadd.s32 @!p0 $0x100000, s0  }
0x3c2: {  	[sflag:s0] =	ssyncadd.tile.s32 @!p0 $0x1;
	_ =	shalt  }
.Lfunc_end2:
_tile_overlayer_lowered:
.L_overlay_start_2:
0x3c3: {  	(tag) =	ssettag $0x2  }
0x3c4: {  	s0 =	rddreg [dreg:$0x0];
	s2 =	stileid.u32  }
0x3c5: {  	s1 =	rddreg [dreg:$0x1];
	p0 =	sne.s32 s2, $0x0  }
0x3c6: {  	s3 =	rddreg [dreg:$0x2];
	[bflag:$0x3] =	sbarrier.arrive $0xFFFF;
	s2 =	simm.s32 @!p0 $0x1C0D  }
0x3c7: {  	[timem:s3], [sflag:s2] =	dma.local @!p0 [hbm:s0], s1  }
0x3c8: {  	s0 =	simm.s32 @!p0 $0xD  }
0x3c9: {  	_ =	swait.ge @!p0 [sflag:s0], s1  }
0x3ca: {  	s1 =	ssub.s32 @!p0 $0x0, s1;
	[sflag:s0] =	ssyncset.done @!p0 $0x0  }
0x3cb: {  	[sflag:s0] =	ssyncadd.s32 @!p0 s1  }
0x3cc: {  	[bflag:$0x3] =	sbarrier.arrive $0xFFFF  }
0x3cd: {  	_ =	shalt  }

</sc_bundles>
